<compile_context>
chip_gen: v7x
topology: tpu7x:2x2x1
jax: 0.10.2.dev20260603
libtpu: 0.0.44.dev20260713+nightly
codegen_flags: <defaults>
</compile_context>

<pallas_src>
import jax
import jax.numpy as jnp
from jax import lax
from jax.experimental import pallas as pl
from jax.experimental.pallas import tpu as pltpu
from jax.experimental.pallas import tpu_sc as plsc

DIM = 64
LANES = 16
NJ = DIM // LANES
NC = 2
NS = 16
NW = NC * NS
CHUNK = 200
RUNROLL = 8
EPS = 1e-12


def _rsqrt16(x):
    i = plsc.bitcast(x, jnp.int32)
    i = jnp.int32(0x5F3759DF) - lax.shift_right_logical(i, 1)
    y = plsc.bitcast(i, jnp.float32)
    for _ in range(2):
        y = y * (1.5 - 0.5 * x * y * y)
    return y


def _allsum16(x):
    for st in (8, 4, 2, 1):
        p = lax.iota(jnp.int32, LANES) ^ st
        x = x + x.at[p].get(mode='promise_in_bounds')
    return x


def _body(nbr_idx, wl_idx, hop_idx, pos_idx,
          nbr_tab, wl_tab, hop_tab, pos_tab, gamma, beta,
          out,
          hop_v, pos_v, gamma_s, beta_s,
          nbr_a, wl_a, nbr_b, wl_b, y_a, y_b,
          idx_na, idx_wa, idx_ha, idx_pa,
          idx_nb, idx_wb, idx_hb, idx_pb,
          sem_na, sem_wa, sem_nb, sem_wb, sem_oa, sem_ob, sem_ix):
    n_total = out.shape[0] // DIM
    per_w = n_total // NW
    n_chunks = per_w // CHUNK
    n_pairs = n_chunks // 2
    wid = lax.axis_index("s") * NC + lax.axis_index("c")
    w_base = wid * per_w

    pltpu.sync_copy(hop_tab, hop_v)
    pltpu.sync_copy(pos_tab, pos_v)
    pltpu.sync_copy(gamma, gamma_s)
    pltpu.sync_copy(beta, beta_s)

    iotas = [lax.iota(jnp.int32, LANES) + j * LANES for j in range(NJ)]
    gv = [gamma_s[pl.ds(j * LANES, LANES)] for j in range(NJ)]
    bv = [beta_s[pl.ds(j * LANES, LANES)] for j in range(NJ)]

    def stage_idx(ci, ixn, ixw, ixh, ixp, sem):
        base = w_base + ci * CHUNK
        cs = [pltpu.async_copy(src.at[pl.ds(base, CHUNK)],
                               dst.at[pl.ds(0, CHUNK)], sem)
              for src, dst in ((nbr_idx, ixn), (wl_idx, ixw),
                               (hop_idx, ixh), (pos_idx, ixp))]
        for c in cs:
            c.wait()

    def gathers(ixn, ixw, rn, rw, sn, sw):
        a = pltpu.make_async_copy(nbr_tab.at[ixn.at[pl.ds(0, CHUNK)]], rn, sn)
        b = pltpu.make_async_copy(wl_tab.at[ixw.at[pl.ds(0, CHUNK)]], rw, sw)
        return a, b

    def out_copy(ci, yv, so):
        base = (w_base + ci * CHUNK) * DIM
        return pltpu.make_async_copy(yv, out.at[pl.ds(base, CHUNK * DIM)], so)

    def fire_gathers(ixn, ixw, rn, rw, sn, sw):
        a, b = gathers(ixn, ixw, rn, rw, sn, sw)
        a.start()
        b.start()

    def wait_gathers(ixn, ixw, rn, rw, sn, sw):
        a, b = gathers(ixn, ixw, rn, rw, sn, sw)
        a.wait()
        b.wait()

    def compute(rn, rw, ixh, ixp, yv):
        def row_body(i, _):
            r0 = i * RUNROLL
            hv = ixh[pl.ds(r0, LANES)] * DIM
            pv = ixp[pl.ds(r0, LANES)] * DIM
            vs = []
            for k in range(RUNROLL):
                r = r0 + k
                hb = hv[k]
                pb = pv[k]
                v = []
                for j in range(NJ):
                    vj = (rn[r, pl.ds(j * LANES, LANES)]
                          + rw[r, pl.ds(j * LANES, LANES)]
                          + hop_v[pl.ds(hb + j * LANES, LANES)]
                          + pos_v[pl.ds(pb + j * LANES, LANES)])
                    v.append(vj)
                vs.append(v)
            for k in range(RUNROLL):
                r = r0 + k
                v = vs[k]
                s = (v[0] + v[1]) + (v[2] + v[3])
                q = (v[0] * v[0] + v[1] * v[1]) + (v[2] * v[2] + v[3] * v[3])
                mean = _allsum16(s) * (1.0 / DIM)
                msq = _allsum16(q) * (1.0 / DIM)
                rstd = _rsqrt16(msq - mean * mean + EPS)
                for j in range(NJ):
                    y = (v[j] - mean) * (rstd * gv[j]) + bv[j]
                    yv[pl.ds(r * DIM + j * LANES, LANES)] = y
            return 0

        lax.fori_loop(0, CHUNK // RUNROLL, row_body, 0)

    stage_idx(0, idx_na, idx_wa, idx_ha, idx_pa, sem_ix)
    fire_gathers(idx_na, idx_wa, nbr_a, wl_a, sem_na, sem_wa)

    def pair_body(i, _):
        a = 2 * i
        b = a + 1
        stage_idx(b, idx_nb, idx_wb, idx_hb, idx_pb, sem_ix)
        fire_gathers(idx_nb, idx_wb, nbr_b, wl_b, sem_nb, sem_wb)
        wait_gathers(idx_na, idx_wa, nbr_a, wl_a, sem_na, sem_wa)

        @pl.when(i > 0)
        def _():
            out_copy(a - 2, y_a, sem_oa).wait()

        compute(nbr_a, wl_a, idx_ha, idx_pa, y_a)
        out_copy(a, y_a, sem_oa).start()

        @pl.when(i < n_pairs - 1)
        def _():
            stage_idx(a + 2, idx_na, idx_wa, idx_ha, idx_pa, sem_ix)
            fire_gathers(idx_na, idx_wa, nbr_a, wl_a, sem_na, sem_wa)

        wait_gathers(idx_nb, idx_wb, nbr_b, wl_b, sem_nb, sem_wb)

        @pl.when(i > 0)
        def _():
            out_copy(b - 2, y_b, sem_ob).wait()

        compute(nbr_b, wl_b, idx_hb, idx_pb, y_b)
        out_copy(b, y_b, sem_ob).start()
        return 0

    lax.fori_loop(0, n_pairs, pair_body, 0)
    out_copy(n_chunks - 2, y_a, sem_oa).wait()
    out_copy(n_chunks - 1, y_b, sem_ob).wait()


def kernel(neighbors, wl, hops, pos_ids, neighbors_table, wl_table,
           hop_table, pos_table, ln_gamma, ln_beta):
    b, s = neighbors.shape
    n = b * s
    mesh = plsc.VectorSubcoreMesh(core_axis_name="c", subcore_axis_name="s",
                                  num_cores=NC, num_subcores=NS)
    run = pl.kernel(
        _body,
        out_type=jax.ShapeDtypeStruct((n * DIM,), jnp.float32),
        mesh=mesh,
        scratch_types=[
            pltpu.VMEM((hop_table.size,), jnp.float32),
            pltpu.VMEM((pos_table.size,), jnp.float32),
            pltpu.VMEM((DIM,), jnp.float32),
            pltpu.VMEM((DIM,), jnp.float32),
            pltpu.VMEM((CHUNK, DIM), jnp.float32),
            pltpu.VMEM((CHUNK, DIM), jnp.float32),
            pltpu.VMEM((CHUNK, DIM), jnp.float32),
            pltpu.VMEM((CHUNK, DIM), jnp.float32),
            pltpu.VMEM((CHUNK * DIM,), jnp.float32),
            pltpu.VMEM((CHUNK * DIM,), jnp.float32),
            pltpu.VMEM((CHUNK + LANES,), jnp.int32),
            pltpu.VMEM((CHUNK + LANES,), jnp.int32),
            pltpu.VMEM((CHUNK + LANES,), jnp.int32),
            pltpu.VMEM((CHUNK + LANES,), jnp.int32),
            pltpu.VMEM((CHUNK + LANES,), jnp.int32),
            pltpu.VMEM((CHUNK + LANES,), jnp.int32),
            pltpu.VMEM((CHUNK + LANES,), jnp.int32),
            pltpu.VMEM((CHUNK + LANES,), jnp.int32),
            pltpu.SemaphoreType.DMA,
            pltpu.SemaphoreType.DMA,
            pltpu.SemaphoreType.DMA,
            pltpu.SemaphoreType.DMA,
            pltpu.SemaphoreType.DMA,
            pltpu.SemaphoreType.DMA,
            pltpu.SemaphoreType.DMA,
        ],
        compiler_params=pltpu.CompilerParams(needs_layout_passes=False,
                                             use_tc_tiling_on_sc=False),
    )
    out = run(neighbors.reshape(n).astype(jnp.int32),
              wl.reshape(n).astype(jnp.int32),
              hops.reshape(n).astype(jnp.int32),
              pos_ids.reshape(n).astype(jnp.int32),
              neighbors_table, wl_table,
              hop_table.reshape(-1), pos_table.reshape(-1),
              ln_gamma, ln_beta)
    return out.reshape(b, s, DIM)

# --- scband reference (transcript-rebuilt; emitter-appended) ---
"""Pipeline reference for scband-bert-embeddings-10170482557023 (READ-ONLY COPY).

The authoritative reference and input builder live on the scoring server;
editing this copy changes nothing except your own understanding.
"""

import jax, jax.numpy as jnp
import numpy as np

BATCH = 4096
SEQ = 200
NODE_NUM = 1000000
WL_NUM = 100000
HOP_NUM = 100
POS_NUM = 512
DIM = 64
EPS = 1e-12


def setup_inputs(seed: int = 0) -> dict:
    key = jax.random.key(seed)
    ks = jax.random.split(key, 10)
    neighbors = jax.random.randint(ks[0], (BATCH, SEQ), 0, NODE_NUM, dtype=jnp.int64 if jax.config.jax_enable_x64 else jnp.int32)
    wl = jax.random.randint(ks[1], (BATCH, SEQ), 0, WL_NUM, dtype=neighbors.dtype)
    hops = jax.random.randint(ks[2], (BATCH, SEQ), 0, HOP_NUM, dtype=neighbors.dtype)
    pos_ids = jax.random.randint(ks[3], (BATCH, SEQ), 0, POS_NUM, dtype=neighbors.dtype)
    neighbors_table = jax.random.normal(ks[4], (NODE_NUM, DIM), dtype=jnp.float32) * 0.02
    wl_table = jax.random.normal(ks[5], (WL_NUM, DIM), dtype=jnp.float32) * 0.02
    hop_table = jax.random.normal(ks[6], (HOP_NUM, DIM), dtype=jnp.float32) * 0.02
    pos_table = jax.random.normal(ks[7], (POS_NUM, DIM), dtype=jnp.float32) * 0.02
    ln_gamma = jnp.ones((DIM,), dtype=jnp.float32)
    ln_beta = jnp.zeros((DIM,), dtype=jnp.float32)
    return {
        "neighbors": neighbors,
        "wl": wl,
        "hops": hops,
        "pos_ids": pos_ids,
        "neighbors_table": neighbors_table,
        "wl_table": wl_table,
        "hop_table": hop_table,
        "pos_table": pos_table,
        "ln_gamma": ln_gamma,
        "ln_beta": ln_beta,
    }


def _layer_norm(x, gamma, beta, eps):
    mean = jnp.mean(x, axis=-1, keepdims=True)
    var = jnp.mean(jnp.square(x - mean), axis=-1, keepdims=True)
    xhat = (x - mean) / jnp.sqrt(var + eps)
    return xhat * gamma + beta


def reference(neighbors, wl, hops, pos_ids, neighbors_table, wl_table, hop_table, pos_table, ln_gamma, ln_beta):
    neighbors_embedding = jnp.take(neighbors_table, neighbors, axis=0)
    wl_embedding = jnp.take(wl_table, wl, axis=0)
    hop_embedding = jnp.take(hop_table, hops, axis=0)
    pos_embedding = jnp.take(pos_table, pos_ids, axis=0)
    embeddings = neighbors_embedding + wl_embedding + hop_embedding + pos_embedding
    embeddings = _layer_norm(embeddings, ln_gamma, ln_beta, EPS)
    # dropout is identity in eval mode
    return embeddings

if __name__ == "__main__":
    import jax
    _d = setup_inputs()
    print(jax.jit(kernel)(*tuple(_d.values())))

</pallas_src>

<mosaic_0001>
#map = affine_map<(d0, d1) -> (0)>
#map1 = affine_map<(d0, d1) -> (0, 0)>
module attributes {stable_mosaic.version = 14 : i64} {
  func.func @_body(%arg0: i32, %arg1: i32, %arg2: memref<819200xi32, #tpu.memory_space<hbm>>, %arg3: memref<819200xi32, #tpu.memory_space<hbm>>, %arg4: memref<819200xi32, #tpu.memory_space<hbm>>, %arg5: memref<819200xi32, #tpu.memory_space<hbm>>, %arg6: memref<1000000x64xf32, #tpu.memory_space<hbm>>, %arg7: memref<100000x64xf32, #tpu.memory_space<hbm>>, %arg8: memref<6400xf32, #tpu.memory_space<hbm>>, %arg9: memref<32768xf32, #tpu.memory_space<hbm>>, %arg10: memref<64xf32, #tpu.memory_space<hbm>>, %arg11: memref<64xf32, #tpu.memory_space<hbm>>, %arg12: memref<52428800xf32, #tpu.memory_space<hbm>>, %arg13: memref<6400xf32, #tpu.memory_space<vmem>>, %arg14: memref<32768xf32, #tpu.memory_space<vmem>>, %arg15: memref<64xf32, #tpu.memory_space<vmem>>, %arg16: memref<64xf32, #tpu.memory_space<vmem>>, %arg17: memref<200x64xf32, #tpu.memory_space<vmem>>, %arg18: memref<200x64xf32, #tpu.memory_space<vmem>>, %arg19: memref<200x64xf32, #tpu.memory_space<vmem>>, %arg20: memref<200x64xf32, #tpu.memory_space<vmem>>, %arg21: memref<12800xf32, #tpu.memory_space<vmem>>, %arg22: memref<12800xf32, #tpu.memory_space<vmem>>, %arg23: memref<216xi32, #tpu.memory_space<vmem>>, %arg24: memref<216xi32, #tpu.memory_space<vmem>>, %arg25: memref<216xi32, #tpu.memory_space<vmem>>, %arg26: memref<216xi32, #tpu.memory_space<vmem>>, %arg27: memref<216xi32, #tpu.memory_space<vmem>>, %arg28: memref<216xi32, #tpu.memory_space<vmem>>, %arg29: memref<216xi32, #tpu.memory_space<vmem>>, %arg30: memref<216xi32, #tpu.memory_space<vmem>>, %arg31: memref<!tpu.dma_semaphore, #tpu.memory_space<semaphore_mem>>, %arg32: memref<!tpu.dma_semaphore, #tpu.memory_space<semaphore_mem>>, %arg33: memref<!tpu.dma_semaphore, #tpu.memory_space<semaphore_mem>>, %arg34: memref<!tpu.dma_semaphore, #tpu.memory_space<semaphore_mem>>, %arg35: memref<!tpu.dma_semaphore, #tpu.memory_space<semaphore_mem>>, %arg36: memref<!tpu.dma_semaphore, #tpu.memory_space<semaphore_mem>>, %arg37: memref<!tpu.dma_semaphore, #tpu.memory_space<semaphore_mem>>) attributes {dimension_semantics = [#tpu.dimension_semantics<core_parallel>, #tpu.dimension_semantics<subcore_parallel>], iteration_bounds = array<i64: 2, 16>, scalar_prefetch = 0 : i64, scratch_operands = 25 : i64, tpu.core_type = #tpu.core_type<sc_vector_subcore>, window_params = [{transform_indices = #map}, {transform_indices = #map}, {transform_indices = #map}, {transform_indices = #map}, {transform_indices = #map1}, {transform_indices = #map1}, {transform_indices = #map}, {transform_indices = #map}, {transform_indices = #map}, {transform_indices = #map}, {transform_indices = #map}]} {
    %mul3A = arith.constant 2 : i32
    %mul3A_0 = arith.muli %arg1, %mul3A : i32
    %add3A = arith.addi %mul3A_0, %arg0 : i32
    %mul3A_1 = arith.constant 25600 : i32
    %mul3A_2 = arith.muli %add3A, %mul3A_1 : i32
    "tpu.region"() ({
      %run_scoped3A = tpu.sem_alloc : memref<!tpu.dma_semaphore, #tpu.memory_space<semaphore_mem>>
      tpu.enqueue_dma source(%arg8 : memref<6400xf32, #tpu.memory_space<hbm>>) target(%arg13 : memref<6400xf32, #tpu.memory_space<vmem>>) target_semaphore(%run_scoped3A : memref<!tpu.dma_semaphore, #tpu.memory_space<semaphore_mem>>)
      tpu.wait_dma2 semaphore(%run_scoped3A : memref<!tpu.dma_semaphore, #tpu.memory_space<semaphore_mem>>) src(%arg8 : memref<6400xf32, #tpu.memory_space<hbm>>) dst(%arg13 : memref<6400xf32, #tpu.memory_space<vmem>>)
      tpu.yield
    }) : () -> ()
    "tpu.region"() ({
      %run_scoped3A = tpu.sem_alloc : memref<!tpu.dma_semaphore, #tpu.memory_space<semaphore_mem>>
      tpu.enqueue_dma source(%arg9 : memref<32768xf32, #tpu.memory_space<hbm>>) target(%arg14 : memref<32768xf32, #tpu.memory_space<vmem>>) target_semaphore(%run_scoped3A : memref<!tpu.dma_semaphore, #tpu.memory_space<semaphore_mem>>)
      tpu.wait_dma2 semaphore(%run_scoped3A : memref<!tpu.dma_semaphore, #tpu.memory_space<semaphore_mem>>) src(%arg9 : memref<32768xf32, #tpu.memory_space<hbm>>) dst(%arg14 : memref<32768xf32, #tpu.memory_space<vmem>>)
      tpu.yield
    }) : () -> ()
    "tpu.region"() ({
      %run_scoped3A = tpu.sem_alloc : memref<!tpu.dma_semaphore, #tpu.memory_space<semaphore_mem>>
      tpu.enqueue_dma source(%arg10 : memref<64xf32, #tpu.memory_space<hbm>>) target(%arg15 : memref<64xf32, #tpu.memory_space<vmem>>) target_semaphore(%run_scoped3A : memref<!tpu.dma_semaphore, #tpu.memory_space<semaphore_mem>>)
      tpu.wait_dma2 semaphore(%run_scoped3A : memref<!tpu.dma_semaphore, #tpu.memory_space<semaphore_mem>>) src(%arg10 : memref<64xf32, #tpu.memory_space<hbm>>) dst(%arg15 : memref<64xf32, #tpu.memory_space<vmem>>)
      tpu.yield
    }) : () -> ()
    "tpu.region"() ({
      %run_scoped3A = tpu.sem_alloc : memref<!tpu.dma_semaphore, #tpu.memory_space<semaphore_mem>>
      tpu.enqueue_dma source(%arg11 : memref<64xf32, #tpu.memory_space<hbm>>) target(%arg16 : memref<64xf32, #tpu.memory_space<vmem>>) target_semaphore(%run_scoped3A : memref<!tpu.dma_semaphore, #tpu.memory_space<semaphore_mem>>)
      tpu.wait_dma2 semaphore(%run_scoped3A : memref<!tpu.dma_semaphore, #tpu.memory_space<semaphore_mem>>) src(%arg11 : memref<64xf32, #tpu.memory_space<hbm>>) dst(%arg16 : memref<64xf32, #tpu.memory_space<vmem>>)
      tpu.yield
    }) : () -> ()
    %iota3A = tpu.iota {dimensions = array<i32: 0>} : vector<16xi32>
    %add3A_3 = arith.constant 0 : i32
    %add3A_4 = vector.broadcast %add3A_3 : i32 to vector<16xi32>
    %add3A_5 = arith.addi %iota3A, %add3A_4 : vector<16xi32>
    %iota3A_6 = tpu.iota {dimensions = array<i32: 0>} : vector<16xi32>
    %add3A_7 = arith.constant 16 : i32
    %add3A_8 = vector.broadcast %add3A_7 : i32 to vector<16xi32>
    %add3A_9 = arith.addi %iota3A_6, %add3A_8 : vector<16xi32>
    %iota3A_10 = tpu.iota {dimensions = array<i32: 0>} : vector<16xi32>
    %add3A_11 = arith.constant 32 : i32
    %add3A_12 = vector.broadcast %add3A_11 : i32 to vector<16xi32>
    %add3A_13 = arith.addi %iota3A_10, %add3A_12 : vector<16xi32>
    %iota3A_14 = tpu.iota {dimensions = array<i32: 0>} : vector<16xi32>
    %add3A_15 = arith.constant 48 : i32
    %add3A_16 = vector.broadcast %add3A_15 : i32 to vector<16xi32>
    %add3A_17 = arith.addi %iota3A_14, %add3A_16 : vector<16xi32>
    %get3A = arith.constant 0 : index
    %get3A_18 = tpu.vector_load %arg15[%get3A] {strides = array<i32>} : memref<64xf32, #tpu.memory_space<vmem>>, vector<16xf32>,
    %get3A_19 = arith.constant 16 : index
    %get3A_20 = tpu.vector_load %arg15[%get3A_19] {strides = array<i32>} : memref<64xf32, #tpu.memory_space<vmem>>, vector<16xf32>,
    %get3A_21 = arith.constant 32 : index
    %get3A_22 = tpu.vector_load %arg15[%get3A_21] {strides = array<i32>} : memref<64xf32, #tpu.memory_space<vmem>>, vector<16xf32>,
    %get3A_23 = arith.constant 48 : index
    %get3A_24 = tpu.vector_load %arg15[%get3A_23] {strides = array<i32>} : memref<64xf32, #tpu.memory_space<vmem>>, vector<16xf32>,
    %get3A_25 = arith.constant 0 : index
    %get3A_26 = tpu.vector_load %arg16[%get3A_25] {strides = array<i32>} : memref<64xf32, #tpu.memory_space<vmem>>, vector<16xf32>,
    %get3A_27 = arith.constant 16 : index
    %get3A_28 = tpu.vector_load %arg16[%get3A_27] {strides = array<i32>} : memref<64xf32, #tpu.memory_space<vmem>>, vector<16xf32>,
    %get3A_29 = arith.constant 32 : index
    %get3A_30 = tpu.vector_load %arg16[%get3A_29] {strides = array<i32>} : memref<64xf32, #tpu.memory_space<vmem>>, vector<16xf32>,
    %get3A_31 = arith.constant 48 : index
    %get3A_32 = tpu.vector_load %arg16[%get3A_31] {strides = array<i32>} : memref<64xf32, #tpu.memory_space<vmem>>, vector<16xf32>,
    %add3A_33 = arith.constant 0 : i32
    %add3A_34 = arith.addi %mul3A_2, %add3A_33 : i32
    %dma_start3A = arith.constant 0 : i32
    %dma_start3A_35 = tpu.memref_slice %arg23[%dma_start3A] : memref<216xi32, #tpu.memory_space<vmem>> -> memref<200xi32, #tpu.memory_space<vmem>>
    %dma_start3A_36 = tpu.memref_slice %arg2[%add3A_34] : memref<819200xi32, #tpu.memory_space<hbm>> -> memref<200xi32, #tpu.memory_space<hbm>>
    %dma_start3A_37 = arith.constant 0 : i32
    %dma_start3A_38 = tpu.memref_slice %arg23[%dma_start3A_37] : memref<216xi32, #tpu.memory_space<vmem>> -> memref<200xi32, #tpu.memory_space<vmem>>
    %dma_start3A_39 = tpu.memref_slice %arg2[%add3A_34] : memref<819200xi32, #tpu.memory_space<hbm>> -> memref<200xi32, #tpu.memory_space<hbm>>
    tpu.enqueue_dma source(%dma_start3A_39 : memref<200xi32, #tpu.memory_space<hbm>>) target(%dma_start3A_38 : memref<200xi32, #tpu.memory_space<vmem>>) target_semaphore(%arg37 : memref<!tpu.dma_semaphore, #tpu.memory_space<semaphore_mem>>)
    %dma_start3A_40 = arith.constant 0 : i32
    %dma_start3A_41 = tpu.memref_slice %arg24[%dma_start3A_40] : memref<216xi32, #tpu.memory_space<vmem>> -> memref<200xi32, #tpu.memory_space<vmem>>
    %dma_start3A_42 = tpu.memref_slice %arg3[%add3A_34] : memref<819200xi32, #tpu.memory_space<hbm>> -> memref<200xi32, #tpu.memory_space<hbm>>
    %dma_start3A_43 = arith.constant 0 : i32
    %dma_start3A_44 = tpu.memref_slice %arg24[%dma_start3A_43] : memref<216xi32, #tpu.memory_space<vmem>> -> memref<200xi32, #tpu.memory_space<vmem>>
    %dma_start3A_45 = tpu.memref_slice %arg3[%add3A_34] : memref<819200xi32, #tpu.memory_space<hbm>> -> memref<200xi32, #tpu.memory_space<hbm>>
    tpu.enqueue_dma source(%dma_start3A_45 : memref<200xi32, #tpu.memory_space<hbm>>) target(%dma_start3A_44 : memref<200xi32, #tpu.memory_space<vmem>>) target_semaphore(%arg37 : memref<!tpu.dma_semaphore, #tpu.memory_space<semaphore_mem>>)
    %dma_start3A_46 = arith.constant 0 : i32
    %dma_start3A_47 = tpu.memref_slice %arg25[%dma_start3A_46] : memref<216xi32, #tpu.memory_space<vmem>> -> memref<200xi32, #tpu.memory_space<vmem>>
    %dma_start3A_48 = tpu.memref_slice %arg4[%add3A_34] : memref<819200xi32, #tpu.memory_space<hbm>> -> memref<200xi32, #tpu.memory_space<hbm>>
    %dma_start3A_49 = arith.constant 0 : i32
    %dma_start3A_50 = tpu.memref_slice %arg25[%dma_start3A_49] : memref<216xi32, #tpu.memory_space<vmem>> -> memref<200xi32, #tpu.memory_space<vmem>>
    %dma_start3A_51 = tpu.memref_slice %arg4[%add3A_34] : memref<819200xi32, #tpu.memory_space<hbm>> -> memref<200xi32, #tpu.memory_space<hbm>>
    tpu.enqueue_dma source(%dma_start3A_51 : memref<200xi32, #tpu.memory_space<hbm>>) target(%dma_start3A_50 : memref<200xi32, #tpu.memory_space<vmem>>) target_semaphore(%arg37 : memref<!tpu.dma_semaphore, #tpu.memory_space<semaphore_mem>>)
    %dma_start3A_52 = arith.constant 0 : i32
    %dma_start3A_53 = tpu.memref_slice %arg26[%dma_start3A_52] : memref<216xi32, #tpu.memory_space<vmem>> -> memref<200xi32, #tpu.memory_space<vmem>>
    %dma_start3A_54 = tpu.memref_slice %arg5[%add3A_34] : memref<819200xi32, #tpu.memory_space<hbm>> -> memref<200xi32, #tpu.memory_space<hbm>>
    %dma_start3A_55 = arith.constant 0 : i32
    %dma_start3A_56 = tpu.memref_slice %arg26[%dma_start3A_55] : memref<216xi32, #tpu.memory_space<vmem>> -> memref<200xi32, #tpu.memory_space<vmem>>
    %dma_start3A_57 = tpu.memref_slice %arg5[%add3A_34] : memref<819200xi32, #tpu.memory_space<hbm>> -> memref<200xi32, #tpu.memory_space<hbm>>
    tpu.enqueue_dma source(%dma_start3A_57 : memref<200xi32, #tpu.memory_space<hbm>>) target(%dma_start3A_56 : memref<200xi32, #tpu.memory_space<vmem>>) target_semaphore(%arg37 : memref<!tpu.dma_semaphore, #tpu.memory_space<semaphore_mem>>)
    %dma_wait3A = arith.constant 0 : i32
    %dma_wait3A_58 = tpu.memref_slice %arg23[%dma_wait3A] : memref<216xi32, #tpu.memory_space<vmem>> -> memref<200xi32, #tpu.memory_space<vmem>>
    %dma_wait3A_59 = tpu.memref_slice %arg2[%add3A_34] : memref<819200xi32, #tpu.memory_space<hbm>> -> memref<200xi32, #tpu.memory_space<hbm>>
    %dma_wait3A_60 = arith.constant 0 : i32
    %dma_wait3A_61 = tpu.memref_slice %arg23[%dma_wait3A_60] : memref<216xi32, #tpu.memory_space<vmem>> -> memref<200xi32, #tpu.memory_space<vmem>>
    %dma_wait3A_62 = tpu.memref_slice %arg2[%add3A_34] : memref<819200xi32, #tpu.memory_space<hbm>> -> memref<200xi32, #tpu.memory_space<hbm>>
    tpu.wait_dma2 semaphore(%arg37 : memref<!tpu.dma_semaphore, #tpu.memory_space<semaphore_mem>>) src(%dma_wait3A_62 : memref<200xi32, #tpu.memory_space<hbm>>) dst(%dma_wait3A_61 : memref<200xi32, #tpu.memory_space<vmem>>)
    %dma_wait3A_63 = arith.constant 0 : i32
    %dma_wait3A_64 = tpu.memref_slice %arg24[%dma_wait3A_63] : memref<216xi32, #tpu.memory_space<vmem>> -> memref<200xi32, #tpu.memory_space<vmem>>
    %dma_wait3A_65 = tpu.memref_slice %arg3[%add3A_34] : memref<819200xi32, #tpu.memory_space<hbm>> -> memref<200xi32, #tpu.memory_space<hbm>>
    %dma_wait3A_66 = arith.constant 0 : i32
    %dma_wait3A_67 = tpu.memref_slice %arg24[%dma_wait3A_66] : memref<216xi32, #tpu.memory_space<vmem>> -> memref<200xi32, #tpu.memory_space<vmem>>
    %dma_wait3A_68 = tpu.memref_slice %arg3[%add3A_34] : memref<819200xi32, #tpu.memory_space<hbm>> -> memref<200xi32, #tpu.memory_space<hbm>>
    tpu.wait_dma2 semaphore(%arg37 : memref<!tpu.dma_semaphore, #tpu.memory_space<semaphore_mem>>) src(%dma_wait3A_68 : memref<200xi32, #tpu.memory_space<hbm>>) dst(%dma_wait3A_67 : memref<200xi32, #tpu.memory_space<vmem>>)
    %dma_wait3A_69 = arith.constant 0 : i32
    %dma_wait3A_70 = tpu.memref_slice %arg25[%dma_wait3A_69] : memref<216xi32, #tpu.memory_space<vmem>> -> memref<200xi32, #tpu.memory_space<vmem>>
    %dma_wait3A_71 = tpu.memref_slice %arg4[%add3A_34] : memref<819200xi32, #tpu.memory_space<hbm>> -> memref<200xi32, #tpu.memory_space<hbm>>
    %dma_wait3A_72 = arith.constant 0 : i32
    %dma_wait3A_73 = tpu.memref_slice %arg25[%dma_wait3A_72] : memref<216xi32, #tpu.memory_space<vmem>> -> memref<200xi32, #tpu.memory_space<vmem>>
    %dma_wait3A_74 = tpu.memref_slice %arg4[%add3A_34] : memref<819200xi32, #tpu.memory_space<hbm>> -> memref<200xi32, #tpu.memory_space<hbm>>
    tpu.wait_dma2 semaphore(%arg37 : memref<!tpu.dma_semaphore, #tpu.memory_space<semaphore_mem>>) src(%dma_wait3A_74 : memref<200xi32, #tpu.memory_space<hbm>>) dst(%dma_wait3A_73 : memref<200xi32, #tpu.memory_space<vmem>>)
    %dma_wait3A_75 = arith.constant 0 : i32
    %dma_wait3A_76 = tpu.memref_slice %arg26[%dma_wait3A_75] : memref<216xi32, #tpu.memory_space<vmem>> -> memref<200xi32, #tpu.memory_space<vmem>>
    %dma_wait3A_77 = tpu.memref_slice %arg5[%add3A_34] : memref<819200xi32, #tpu.memory_space<hbm>> -> memref<200xi32, #tpu.memory_space<hbm>>
    %dma_wait3A_78 = arith.constant 0 : i32
    %dma_wait3A_79 = tpu.memref_slice %arg26[%dma_wait3A_78] : memref<216xi32, #tpu.memory_space<vmem>> -> memref<200xi32, #tpu.memory_space<vmem>>
    %dma_wait3A_80 = tpu.memref_slice %arg5[%add3A_34] : memref<819200xi32, #tpu.memory_space<hbm>> -> memref<200xi32, #tpu.memory_space<hbm>>
    tpu.wait_dma2 semaphore(%arg37 : memref<!tpu.dma_semaphore, #tpu.memory_space<semaphore_mem>>) src(%dma_wait3A_80 : memref<200xi32, #tpu.memory_space<hbm>>) dst(%dma_wait3A_79 : memref<200xi32, #tpu.memory_space<vmem>>)
    %dma_start3A_81 = arith.constant 0 : i32
    %dma_start3A_82 = tpu.memref_slice %arg23[%dma_start3A_81] : memref<216xi32, #tpu.memory_space<vmem>> -> memref<200xi32, #tpu.memory_space<vmem>>
    %dma_start3A_83 = arith.constant 0 : i32
    %dma_start3A_84 = arith.constant 0 : i32
    %dma_start3A_85 = tpu.memref_slice %arg6[%dma_start3A_83, %dma_start3A_84] : memref<1000000x64xf32, #tpu.memory_space<hbm>> -> memref<1000000x64xf32, #tpu.memory_space<hbm>>
    tpu.enqueue_indirect_dma source(%dma_start3A_85 : memref<1000000x64xf32, #tpu.memory_space<hbm>>) target(%arg17 : memref<200x64xf32, #tpu.memory_space<vmem>>) offsets(%dma_start3A_82 : memref<200xi32, #tpu.memory_space<vmem>>) semaphore(%arg31 : memref<!tpu.dma_semaphore, #tpu.memory_space<semaphore_mem>>)
    %dma_start3A_86 = arith.constant 0 : i32
    %dma_start3A_87 = tpu.memref_slice %arg24[%dma_start3A_86] : memref<216xi32, #tpu.memory_space<vmem>> -> memref<200xi32, #tpu.memory_space<vmem>>
    %dma_start3A_88 = arith.constant 0 : i32
    %dma_start3A_89 = arith.constant 0 : i32
    %dma_start3A_90 = tpu.memref_slice %arg7[%dma_start3A_88, %dma_start3A_89] : memref<100000x64xf32, #tpu.memory_space<hbm>> -> memref<100000x64xf32, #tpu.memory_space<hbm>>
    tpu.enqueue_indirect_dma source(%dma_start3A_90 : memref<100000x64xf32, #tpu.memory_space<hbm>>) target(%arg18 : memref<200x64xf32, #tpu.memory_space<vmem>>) offsets(%dma_start3A_87 : memref<200xi32, #tpu.memory_space<vmem>>) semaphore(%arg32 : memref<!tpu.dma_semaphore, #tpu.memory_space<semaphore_mem>>)
    %scan3A = arith.constant 0 : i32
    %scan3A_91 = arith.constant 0 : i32
    %scan3A_92 = arith.constant 64 : i32
    %scan3A_93 = arith.addi %scan3A_91, %scan3A_92 : i32
    %scan3A_94 = arith.constant 1 : i32
    %scan3A_95 = scf.for %scan3A_109 = %scan3A_91 to %scan3A_93 step %scan3A_94 iter_args(%scan3A_110 = %scan3A) -> (i32)  : i32 {
      %mul3A_111 = arith.constant 2 : i32
      %mul3A_112 = arith.muli %mul3A_111, %scan3A_109 : i32
      %add3A_113 = arith.constant 1 : i32
      %add3A_114 = arith.addi %mul3A_112, %add3A_113 : i32
      %mul3A_115 = arith.constant 200 : i32
      %mul3A_116 = arith.muli %add3A_114, %mul3A_115 : i32
      %add3A_117 = arith.addi %mul3A_2, %mul3A_116 : i32
      %dma_start3A_118 = arith.constant 0 : i32
      %dma_start3A_119 = tpu.memref_slice %arg27[%dma_start3A_118] : memref<216xi32, #tpu.memory_space<vmem>> -> memref<200xi32, #tpu.memory_space<vmem>>
      %dma_start3A_120 = tpu.memref_slice %arg2[%add3A_117] : memref<819200xi32, #tpu.memory_space<hbm>> -> memref<200xi32, #tpu.memory_space<hbm>>
      %dma_start3A_121 = arith.constant 0 : i32
      %dma_start3A_122 = tpu.memref_slice %arg27[%dma_start3A_121] : memref<216xi32, #tpu.memory_space<vmem>> -> memref<200xi32, #tpu.memory_space<vmem>>
      %dma_start3A_123 = tpu.memref_slice %arg2[%add3A_117] : memref<819200xi32, #tpu.memory_space<hbm>> -> memref<200xi32, #tpu.memory_space<hbm>>
      tpu.enqueue_dma source(%dma_start3A_123 : memref<200xi32, #tpu.memory_space<hbm>>) target(%dma_start3A_122 : memref<200xi32, #tpu.memory_space<vmem>>) target_semaphore(%arg37 : memref<!tpu.dma_semaphore, #tpu.memory_space<semaphore_mem>>)
      %dma_start3A_124 = arith.constant 0 : i32
      %dma_start3A_125 = tpu.memref_slice %arg28[%dma_start3A_124] : memref<216xi32, #tpu.memory_space<vmem>> -> memref<200xi32, #tpu.memory_space<vmem>>
      %dma_start3A_126 = tpu.memref_slice %arg3[%add3A_117] : memref<819200xi32, #tpu.memory_space<hbm>> -> memref<200xi32, #tpu.memory_space<hbm>>
      %dma_start3A_127 = arith.constant 0 : i32
      %dma_start3A_128 = tpu.memref_slice %arg28[%dma_start3A_127] : memref<216xi32, #tpu.memory_space<vmem>> -> memref<200xi32, #tpu.memory_space<vmem>>
      %dma_start3A_129 = tpu.memref_slice %arg3[%add3A_117] : memref<819200xi32, #tpu.memory_space<hbm>> -> memref<200xi32, #tpu.memory_space<hbm>>
      tpu.enqueue_dma source(%dma_start3A_129 : memref<200xi32, #tpu.memory_space<hbm>>) target(%dma_start3A_128 : memref<200xi32, #tpu.memory_space<vmem>>) target_semaphore(%arg37 : memref<!tpu.dma_semaphore, #tpu.memory_space<semaphore_mem>>)
      %dma_start3A_130 = arith.constant 0 : i32
      %dma_start3A_131 = tpu.memref_slice %arg29[%dma_start3A_130] : memref<216xi32, #tpu.memory_space<vmem>> -> memref<200xi32, #tpu.memory_space<vmem>>
      %dma_start3A_132 = tpu.memref_slice %arg4[%add3A_117] : memref<819200xi32, #tpu.memory_space<hbm>> -> memref<200xi32, #tpu.memory_space<hbm>>
      %dma_start3A_133 = arith.constant 0 : i32
      %dma_start3A_134 = tpu.memref_slice %arg29[%dma_start3A_133] : memref<216xi32, #tpu.memory_space<vmem>> -> memref<200xi32, #tpu.memory_space<vmem>>
      %dma_start3A_135 = tpu.memref_slice %arg4[%add3A_117] : memref<819200xi32, #tpu.memory_space<hbm>> -> memref<200xi32, #tpu.memory_space<hbm>>
      tpu.enqueue_dma source(%dma_start3A_135 : memref<200xi32, #tpu.memory_space<hbm>>) target(%dma_start3A_134 : memref<200xi32, #tpu.memory_space<vmem>>) target_semaphore(%arg37 : memref<!tpu.dma_semaphore, #tpu.memory_space<semaphore_mem>>)
      %dma_start3A_136 = arith.constant 0 : i32
      %dma_start3A_137 = tpu.memref_slice %arg30[%dma_start3A_136] : memref<216xi32, #tpu.memory_space<vmem>> -> memref<200xi32, #tpu.memory_space<vmem>>
      %dma_start3A_138 = tpu.memref_slice %arg5[%add3A_117] : memref<819200xi32, #tpu.memory_space<hbm>> -> memref<200xi32, #tpu.memory_space<hbm>>
      %dma_start3A_139 = arith.constant 0 : i32
      %dma_start3A_140 = tpu.memref_slice %arg30[%dma_start3A_139] : memref<216xi32, #tpu.memory_space<vmem>> -> memref<200xi32, #tpu.memory_space<vmem>>
      %dma_start3A_141 = tpu.memref_slice %arg5[%add3A_117] : memref<819200xi32, #tpu.memory_space<hbm>> -> memref<200xi32, #tpu.memory_space<hbm>>
      tpu.enqueue_dma source(%dma_start3A_141 : memref<200xi32, #tpu.memory_space<hbm>>) target(%dma_start3A_140 : memref<200xi32, #tpu.memory_space<vmem>>) target_semaphore(%arg37 : memref<!tpu.dma_semaphore, #tpu.memory_space<semaphore_mem>>)
      %dma_wait3A_142 = arith.constant 0 : i32
      %dma_wait3A_143 = tpu.memref_slice %arg27[%dma_wait3A_142] : memref<216xi32, #tpu.memory_space<vmem>> -> memref<200xi32, #tpu.memory_space<vmem>>
      %dma_wait3A_144 = tpu.memref_slice %arg2[%add3A_117] : memref<819200xi32, #tpu.memory_space<hbm>> -> memref<200xi32, #tpu.memory_space<hbm>>
      %dma_wait3A_145 = arith.constant 0 : i32
      %dma_wait3A_146 = tpu.memref_slice %arg27[%dma_wait3A_145] : memref<216xi32, #tpu.memory_space<vmem>> -> memref<200xi32, #tpu.memory_space<vmem>>
      %dma_wait3A_147 = tpu.memref_slice %arg2[%add3A_117] : memref<819200xi32, #tpu.memory_space<hbm>> -> memref<200xi32, #tpu.memory_space<hbm>>
      tpu.wait_dma2 semaphore(%arg37 : memref<!tpu.dma_semaphore, #tpu.memory_space<semaphore_mem>>) src(%dma_wait3A_147 : memref<200xi32, #tpu.memory_space<hbm>>) dst(%dma_wait3A_146 : memref<200xi32, #tpu.memory_space<vmem>>)
      %dma_wait3A_148 = arith.constant 0 : i32
      %dma_wait3A_149 = tpu.memref_slice %arg28[%dma_wait3A_148] : memref<216xi32, #tpu.memory_space<vmem>> -> memref<200xi32, #tpu.memory_space<vmem>>
      %dma_wait3A_150 = tpu.memref_slice %arg3[%add3A_117] : memref<819200xi32, #tpu.memory_space<hbm>> -> memref<200xi32, #tpu.memory_space<hbm>>
      %dma_wait3A_151 = arith.constant 0 : i32
      %dma_wait3A_152 = tpu.memref_slice %arg28[%dma_wait3A_151] : memref<216xi32, #tpu.memory_space<vmem>> -> memref<200xi32, #tpu.memory_space<vmem>>
      %dma_wait3A_153 = tpu.memref_slice %arg3[%add3A_117] : memref<819200xi32, #tpu.memory_space<hbm>> -> memref<200xi32, #tpu.memory_space<hbm>>
      tpu.wait_dma2 semaphore(%arg37 : memref<!tpu.dma_semaphore, #tpu.memory_space<semaphore_mem>>) src(%dma_wait3A_153 : memref<200xi32, #tpu.memory_space<hbm>>) dst(%dma_wait3A_152 : memref<200xi32, #tpu.memory_space<vmem>>)
      %dma_wait3A_154 = arith.constant 0 : i32
      %dma_wait3A_155 = tpu.memref_slice %arg29[%dma_wait3A_154] : memref<216xi32, #tpu.memory_space<vmem>> -> memref<200xi32, #tpu.memory_space<vmem>>
      %dma_wait3A_156 = tpu.memref_slice %arg4[%add3A_117] : memref<819200xi32, #tpu.memory_space<hbm>> -> memref<200xi32, #tpu.memory_space<hbm>>
      %dma_wait3A_157 = arith.constant 0 : i32
      %dma_wait3A_158 = tpu.memref_slice %arg29[%dma_wait3A_157] : memref<216xi32, #tpu.memory_space<vmem>> -> memref<200xi32, #tpu.memory_space<vmem>>
      %dma_wait3A_159 = tpu.memref_slice %arg4[%add3A_117] : memref<819200xi32, #tpu.memory_space<hbm>> -> memref<200xi32, #tpu.memory_space<hbm>>
      tpu.wait_dma2 semaphore(%arg37 : memref<!tpu.dma_semaphore, #tpu.memory_space<semaphore_mem>>) src(%dma_wait3A_159 : memref<200xi32, #tpu.memory_space<hbm>>) dst(%dma_wait3A_158 : memref<200xi32, #tpu.memory_space<vmem>>)
      %dma_wait3A_160 = arith.constant 0 : i32
      %dma_wait3A_161 = tpu.memref_slice %arg30[%dma_wait3A_160] : memref<216xi32, #tpu.memory_space<vmem>> -> memref<200xi32, #tpu.memory_space<vmem>>
      %dma_wait3A_162 = tpu.memref_slice %arg5[%add3A_117] : memref<819200xi32, #tpu.memory_space<hbm>> -> memref<200xi32, #tpu.memory_space<hbm>>
      %dma_wait3A_163 = arith.constant 0 : i32
      %dma_wait3A_164 = tpu.memref_slice %arg30[%dma_wait3A_163] : memref<216xi32, #tpu.memory_space<vmem>> -> memref<200xi32, #tpu.memory_space<vmem>>
      %dma_wait3A_165 = tpu.memref_slice %arg5[%add3A_117] : memref<819200xi32, #tpu.memory_space<hbm>> -> memref<200xi32, #tpu.memory_space<hbm>>
      tpu.wait_dma2 semaphore(%arg37 : memref<!tpu.dma_semaphore, #tpu.memory_space<semaphore_mem>>) src(%dma_wait3A_165 : memref<200xi32, #tpu.memory_space<hbm>>) dst(%dma_wait3A_164 : memref<200xi32, #tpu.memory_space<vmem>>)
      %dma_start3A_166 = arith.constant 0 : i32
      %dma_start3A_167 = tpu.memref_slice %arg27[%dma_start3A_166] : memref<216xi32, #tpu.memory_space<vmem>> -> memref<200xi32, #tpu.memory_space<vmem>>
      %dma_start3A_168 = arith.constant 0 : i32
      %dma_start3A_169 = arith.constant 0 : i32
      %dma_start3A_170 = tpu.memref_slice %arg6[%dma_start3A_168, %dma_start3A_169] : memref<1000000x64xf32, #tpu.memory_space<hbm>> -> memref<1000000x64xf32, #tpu.memory_space<hbm>>
      tpu.enqueue_indirect_dma source(%dma_start3A_170 : memref<1000000x64xf32, #tpu.memory_space<hbm>>) target(%arg19 : memref<200x64xf32, #tpu.memory_space<vmem>>) offsets(%dma_start3A_167 : memref<200xi32, #tpu.memory_space<vmem>>) semaphore(%arg33 : memref<!tpu.dma_semaphore, #tpu.memory_space<semaphore_mem>>)
      %dma_start3A_171 = arith.constant 0 : i32
      %dma_start3A_172 = tpu.memref_slice %arg28[%dma_start3A_171] : memref<216xi32, #tpu.memory_space<vmem>> -> memref<200xi32, #tpu.memory_space<vmem>>
      %dma_start3A_173 = arith.constant 0 : i32
      %dma_start3A_174 = arith.constant 0 : i32
      %dma_start3A_175 = tpu.memref_slice %arg7[%dma_start3A_173, %dma_start3A_174] : memref<100000x64xf32, #tpu.memory_space<hbm>> -> memref<100000x64xf32, #tpu.memory_space<hbm>>
      tpu.enqueue_indirect_dma source(%dma_start3A_175 : memref<100000x64xf32, #tpu.memory_space<hbm>>) target(%arg20 : memref<200x64xf32, #tpu.memory_space<vmem>>) offsets(%dma_start3A_172 : memref<200xi32, #tpu.memory_space<vmem>>) semaphore(%arg34 : memref<!tpu.dma_semaphore, #tpu.memory_space<semaphore_mem>>)
      %dma_wait3A_176 = arith.constant 0 : i32
      %dma_wait3A_177 = tpu.memref_slice %arg23[%dma_wait3A_176] : memref<216xi32, #tpu.memory_space<vmem>> -> memref<200xi32, #tpu.memory_space<vmem>>
      %dma_wait3A_178 = arith.constant 0 : i32
      %dma_wait3A_179 = arith.constant 0 : i32
      %dma_wait3A_180 = tpu.memref_slice %arg6[%dma_wait3A_178, %dma_wait3A_179] : memref<1000000x64xf32, #tpu.memory_space<hbm>> -> memref<1000000x64xf32, #tpu.memory_space<hbm>>
      tpu.wait_indirect_dma semaphore(%arg31 : memref<!tpu.dma_semaphore, #tpu.memory_space<semaphore_mem>>) src(%dma_wait3A_180 : memref<1000000x64xf32, #tpu.memory_space<hbm>>) dst(%arg17 : memref<200x64xf32, #tpu.memory_space<vmem>>)
      %dma_wait3A_181 = arith.constant 0 : i32
      %dma_wait3A_182 = tpu.memref_slice %arg24[%dma_wait3A_181] : memref<216xi32, #tpu.memory_space<vmem>> -> memref<200xi32, #tpu.memory_space<vmem>>
      %dma_wait3A_183 = arith.constant 0 : i32
      %dma_wait3A_184 = arith.constant 0 : i32
      %dma_wait3A_185 = tpu.memref_slice %arg7[%dma_wait3A_183, %dma_wait3A_184] : memref<100000x64xf32, #tpu.memory_space<hbm>> -> memref<100000x64xf32, #tpu.memory_space<hbm>>
      tpu.wait_indirect_dma semaphore(%arg32 : memref<!tpu.dma_semaphore, #tpu.memory_space<semaphore_mem>>) src(%dma_wait3A_185 : memref<100000x64xf32, #tpu.memory_space<hbm>>) dst(%arg18 : memref<200x64xf32, #tpu.memory_space<vmem>>)
      %gt3A = arith.constant 0 : i32
      %gt3A_186 = arith.cmpi sgt, %scan3A_109, %gt3A : i32
      %convert_element_type3A = arith.extui %gt3A_186 : i1 to i32
      %cond3A = arith.constant 0 : i32
      %cond3A_187 = arith.cmpi ne, %convert_element_type3A, %cond3A : i32
      scf.if %cond3A_187 {
        %sub3A = arith.constant 2 : i32
        %sub3A_236 = arith.subi %mul3A_112, %sub3A : i32
        %mul3A_237 = arith.constant 200 : i32
        %mul3A_238 = arith.muli %sub3A_236, %mul3A_237 : i32
        %add3A_239 = arith.addi %mul3A_2, %mul3A_238 : i32
        %mul3A_240 = arith.constant 64 : i32
        %mul3A_241 = arith.muli %add3A_239, %mul3A_240 : i32
        %dma_wait3A_242 = tpu.memref_slice %arg12[%mul3A_241] : memref<52428800xf32, #tpu.memory_space<hbm>> -> memref<12800xf32, #tpu.memory_space<hbm>>
        %dma_wait3A_243 = tpu.memref_slice %arg12[%mul3A_241] : memref<52428800xf32, #tpu.memory_space<hbm>> -> memref<12800xf32, #tpu.memory_space<hbm>>
        tpu.wait_dma2 semaphore(%arg35 : memref<!tpu.dma_semaphore, #tpu.memory_space<semaphore_mem>>) src(%arg21 : memref<12800xf32, #tpu.memory_space<vmem>>) dst(%dma_wait3A_243 : memref<12800xf32, #tpu.memory_space<hbm>>)
      } else {
      }
      %scan3A_188 = arith.constant 0 : i32
      %scan3A_189 = arith.constant 0 : i32
      %scan3A_190 = arith.constant 25 : i32
      %scan3A_191 = arith.addi %scan3A_189, %scan3A_190 : i32
      %scan3A_192 = arith.constant 1 : i32
      %scan3A_193 = scf.for %scan3A_236 = %scan3A_189 to %scan3A_191 step %scan3A_192 iter_args(%scan3A_237 = %scan3A_188) -> (i32)  : i32 {
        %mul3A_238 = arith.constant 8 : i32
        %mul3A_239 = arith.muli %scan3A_236, %mul3A_238 : i32
        %get3A_240 = arith.index_cast %mul3A_239 : i32 to index
        %get3A_241 = tpu.vector_load %arg25[%get3A_240] {strides = array<i32>} : memref<216xi32, #tpu.memory_space<vmem>>, vector<16xi32>,
        %mul3A_242 = arith.constant 64 : i32
        %mul3A_243 = vector.broadcast %mul3A_242 : i32 to vector<16xi32>
        %mul3A_244 = arith.muli %get3A_241, %mul3A_243 : vector<16xi32>
        %get3A_245 = arith.index_cast %mul3A_239 : i32 to index
        %get3A_246 = tpu.vector_load %arg26[%get3A_245] {strides = array<i32>} : memref<216xi32, #tpu.memory_space<vmem>>, vector<16xi32>,
        %mul3A_247 = arith.constant 64 : i32
        %mul3A_248 = vector.broadcast %mul3A_247 : i32 to vector<16xi32>
        %mul3A_249 = arith.muli %get3A_246, %mul3A_248 : vector<16xi32>
        %add3A_250 = arith.constant 0 : i32
        %add3A_251 = arith.addi %mul3A_239, %add3A_250 : i32
        %slice3A = vector.extract_strided_slice %mul3A_244 {offsets = [0], sizes = [1], strides = [1]} : vector<16xi32> to vector<1xi32>
        %squeeze3A = vector.extract %slice3A[0] : i32 from vector<1xi32>
        %slice3A_252 = vector.extract_strided_slice %mul3A_249 {offsets = [0], sizes = [1], strides = [1]} : vector<16xi32> to vector<1xi32>
        %squeeze3A_253 = vector.extract %slice3A_252[0] : i32 from vector<1xi32>
        %get3A_254 = arith.index_cast %add3A_251 : i32 to index
        %get3A_255 = arith.constant 0 : index
        %get3A_256 = tpu.vector_load %arg17[%get3A_254, %get3A_255] {strides = array<i32>} : memref<200x64xf32, #tpu.memory_space<vmem>>, vector<16xf32>,
        %get3A_257 = arith.index_cast %add3A_251 : i32 to index
        %get3A_258 = arith.constant 0 : index
        %get3A_259 = tpu.vector_load %arg18[%get3A_257, %get3A_258] {strides = array<i32>} : memref<200x64xf32, #tpu.memory_space<vmem>>, vector<16xf32>,
        %add3A_260 = arith.addf %get3A_256, %get3A_259 : vector<16xf32>
        %add3A_261 = arith.constant 0 : i32
        %add3A_262 = arith.addi %squeeze3A, %add3A_261 : i32
        %get3A_263 = arith.index_cast %add3A_262 : i32 to index
        %get3A_264 = tpu.vector_load %arg13[%get3A_263] {strides = array<i32>} : memref<6400xf32, #tpu.memory_space<vmem>>, vector<16xf32>,
        %add3A_265 = arith.addf %add3A_260, %get3A_264 : vector<16xf32>
        %add3A_266 = arith.constant 0 : i32
        %add3A_267 = arith.addi %squeeze3A_253, %add3A_266 : i32
        %get3A_268 = arith.index_cast %add3A_267 : i32 to index
        %get3A_269 = tpu.vector_load %arg14[%get3A_268] {strides = array<i32>} : memref<32768xf32, #tpu.memory_space<vmem>>, vector<16xf32>,
        %add3A_270 = arith.addf %add3A_265, %get3A_269 : vector<16xf32>
        %get3A_271 = arith.index_cast %add3A_251 : i32 to index
        %get3A_272 = arith.constant 16 : index
        %get3A_273 = tpu.vector_load %arg17[%get3A_271, %get3A_272] {strides = array<i32>} : memref<200x64xf32, #tpu.memory_space<vmem>>, vector<16xf32>,
        %get3A_274 = arith.index_cast %add3A_251 : i32 to index
        %get3A_275 = arith.constant 16 : index
        %get3A_276 = tpu.vector_load %arg18[%get3A_274, %get3A_275] {strides = array<i32>} : memref<200x64xf32, #tpu.memory_space<vmem>>, vector<16xf32>,
        %add3A_277 = arith.addf %get3A_273, %get3A_276 : vector<16xf32>
        %add3A_278 = arith.constant 16 : i32
        %add3A_279 = arith.addi %squeeze3A, %add3A_278 : i32
        %get3A_280 = arith.index_cast %add3A_279 : i32 to index
        %get3A_281 = tpu.vector_load %arg13[%get3A_280] {strides = array<i32>} : memref<6400xf32, #tpu.memory_space<vmem>>, vector<16xf32>,
        %add3A_282 = arith.addf %add3A_277, %get3A_281 : vector<16xf32>
        %add3A_283 = arith.constant 16 : i32
        %add3A_284 = arith.addi %squeeze3A_253, %add3A_283 : i32
        %get3A_285 = arith.index_cast %add3A_284 : i32 to index
        %get3A_286 = tpu.vector_load %arg14[%get3A_285] {strides = array<i32>} : memref<32768xf32, #tpu.memory_space<vmem>>, vector<16xf32>,
        %add3A_287 = arith.addf %add3A_282, %get3A_286 : vector<16xf32>
        %get3A_288 = arith.index_cast %add3A_251 : i32 to index
        %get3A_289 = arith.constant 32 : index
        %get3A_290 = tpu.vector_load %arg17[%get3A_288, %get3A_289] {strides = array<i32>} : memref<200x64xf32, #tpu.memory_space<vmem>>, vector<16xf32>,
        %get3A_291 = arith.index_cast %add3A_251 : i32 to index
        %get3A_292 = arith.constant 32 : index
        %get3A_293 = tpu.vector_load %arg18[%get3A_291, %get3A_292] {strides = array<i32>} : memref<200x64xf32, #tpu.memory_space<vmem>>, vector<16xf32>,
        %add3A_294 = arith.addf %get3A_290, %get3A_293 : vector<16xf32>
        %add3A_295 = arith.constant 32 : i32
        %add3A_296 = arith.addi %squeeze3A, %add3A_295 : i32
        %get3A_297 = arith.index_cast %add3A_296 : i32 to index
        %get3A_298 = tpu.vector_load %arg13[%get3A_297] {strides = array<i32>} : memref<6400xf32, #tpu.memory_space<vmem>>, vector<16xf32>,
        %add3A_299 = arith.addf %add3A_294, %get3A_298 : vector<16xf32>
        %add3A_300 = arith.constant 32 : i32
        %add3A_301 = arith.addi %squeeze3A_253, %add3A_300 : i32
        %get3A_302 = arith.index_cast %add3A_301 : i32 to index
        %get3A_303 = tpu.vector_load %arg14[%get3A_302] {strides = array<i32>} : memref<32768xf32, #tpu.memory_space<vmem>>, vector<16xf32>,
        %add3A_304 = arith.addf %add3A_299, %get3A_303 : vector<16xf32>
        %get3A_305 = arith.index_cast %add3A_251 : i32 to index
        %get3A_306 = arith.constant 48 : index
        %get3A_307 = tpu.vector_load %arg17[%get3A_305, %get3A_306] {strides = array<i32>} : memref<200x64xf32, #tpu.memory_space<vmem>>, vector<16xf32>,
        %get3A_308 = arith.index_cast %add3A_251 : i32 to index
        %get3A_309 = arith.constant 48 : index
        %get3A_310 = tpu.vector_load %arg18[%get3A_308, %get3A_309] {strides = array<i32>} : memref<200x64xf32, #tpu.memory_space<vmem>>, vector<16xf32>,
        %add3A_311 = arith.addf %get3A_307, %get3A_310 : vector<16xf32>
        %add3A_312 = arith.constant 48 : i32
        %add3A_313 = arith.addi %squeeze3A, %add3A_312 : i32
        %get3A_314 = arith.index_cast %add3A_313 : i32 to index
        %get3A_315 = tpu.vector_load %arg13[%get3A_314] {strides = array<i32>} : memref<6400xf32, #tpu.memory_space<vmem>>, vector<16xf32>,
        %add3A_316 = arith.addf %add3A_311, %get3A_315 : vector<16xf32>
        %add3A_317 = arith.constant 48 : i32
        %add3A_318 = arith.addi %squeeze3A_253, %add3A_317 : i32
        %get3A_319 = arith.index_cast %add3A_318 : i32 to index
        %get3A_320 = tpu.vector_load %arg14[%get3A_319] {strides = array<i32>} : memref<32768xf32, #tpu.memory_space<vmem>>, vector<16xf32>,
        %add3A_321 = arith.addf %add3A_316, %get3A_320 : vector<16xf32>
        %add3A_322 = arith.constant 1 : i32
        %add3A_323 = arith.addi %mul3A_239, %add3A_322 : i32
        %slice3A_324 = vector.extract_strided_slice %mul3A_244 {offsets = [1], sizes = [1], strides = [1]} : vector<16xi32> to vector<1xi32>
        %squeeze3A_325 = vector.extract %slice3A_324[0] : i32 from vector<1xi32>
        %slice3A_326 = vector.extract_strided_slice %mul3A_249 {offsets = [1], sizes = [1], strides = [1]} : vector<16xi32> to vector<1xi32>
        %squeeze3A_327 = vector.extract %slice3A_326[0] : i32 from vector<1xi32>
        %get3A_328 = arith.index_cast %add3A_323 : i32 to index
        %get3A_329 = arith.constant 0 : index
        %get3A_330 = tpu.vector_load %arg17[%get3A_328, %get3A_329] {strides = array<i32>} : memref<200x64xf32, #tpu.memory_space<vmem>>, vector<16xf32>,
        %get3A_331 = arith.index_cast %add3A_323 : i32 to index
        %get3A_332 = arith.constant 0 : index
        %get3A_333 = tpu.vector_load %arg18[%get3A_331, %get3A_332] {strides = array<i32>} : memref<200x64xf32, #tpu.memory_space<vmem>>, vector<16xf32>,
        %add3A_334 = arith.addf %get3A_330, %get3A_333 : vector<16xf32>
        %add3A_335 = arith.constant 0 : i32
        %add3A_336 = arith.addi %squeeze3A_325, %add3A_335 : i32
        %get3A_337 = arith.index_cast %add3A_336 : i32 to index
        %get3A_338 = tpu.vector_load %arg13[%get3A_337] {strides = array<i32>} : memref<6400xf32, #tpu.memory_space<vmem>>, vector<16xf32>,
        %add3A_339 = arith.addf %add3A_334, %get3A_338 : vector<16xf32>
        %add3A_340 = arith.constant 0 : i32
        %add3A_341 = arith.addi %squeeze3A_327, %add3A_340 : i32
        %get3A_342 = arith.index_cast %add3A_341 : i32 to index
        %get3A_343 = tpu.vector_load %arg14[%get3A_342] {strides = array<i32>} : memref<32768xf32, #tpu.memory_space<vmem>>, vector<16xf32>,
        %add3A_344 = arith.addf %add3A_339, %get3A_343 : vector<16xf32>
        %get3A_345 = arith.index_cast %add3A_323 : i32 to index
        %get3A_346 = arith.constant 16 : index
        %get3A_347 = tpu.vector_load %arg17[%get3A_345, %get3A_346] {strides = array<i32>} : memref<200x64xf32, #tpu.memory_space<vmem>>, vector<16xf32>,
        %get3A_348 = arith.index_cast %add3A_323 : i32 to index
        %get3A_349 = arith.constant 16 : index
        %get3A_350 = tpu.vector_load %arg18[%get3A_348, %get3A_349] {strides = array<i32>} : memref<200x64xf32, #tpu.memory_space<vmem>>, vector<16xf32>,
        %add3A_351 = arith.addf %get3A_347, %get3A_350 : vector<16xf32>
        %add3A_352 = arith.constant 16 : i32
        %add3A_353 = arith.addi %squeeze3A_325, %add3A_352 : i32
        %get3A_354 = arith.index_cast %add3A_353 : i32 to index
        %get3A_355 = tpu.vector_load %arg13[%get3A_354] {strides = array<i32>} : memref<6400xf32, #tpu.memory_space<vmem>>, vector<16xf32>,
        %add3A_356 = arith.addf %add3A_351, %get3A_355 : vector<16xf32>
        %add3A_357 = arith.constant 16 : i32
        %add3A_358 = arith.addi %squeeze3A_327, %add3A_357 : i32
        %get3A_359 = arith.index_cast %add3A_358 : i32 to index
        %get3A_360 = tpu.vector_load %arg14[%get3A_359] {strides = array<i32>} : memref<32768xf32, #tpu.memory_space<vmem>>, vector<16xf32>,
        %add3A_361 = arith.addf %add3A_356, %get3A_360 : vector<16xf32>
        %get3A_362 = arith.index_cast %add3A_323 : i32 to index
        %get3A_363 = arith.constant 32 : index
        %get3A_364 = tpu.vector_load %arg17[%get3A_362, %get3A_363] {strides = array<i32>} : memref<200x64xf32, #tpu.memory_space<vmem>>, vector<16xf32>,
        %get3A_365 = arith.index_cast %add3A_323 : i32 to index
        %get3A_366 = arith.constant 32 : index
        %get3A_367 = tpu.vector_load %arg18[%get3A_365, %get3A_366] {strides = array<i32>} : memref<200x64xf32, #tpu.memory_space<vmem>>, vector<16xf32>,
        %add3A_368 = arith.addf %get3A_364, %get3A_367 : vector<16xf32>
        %add3A_369 = arith.constant 32 : i32
        %add3A_370 = arith.addi %squeeze3A_325, %add3A_369 : i32
        %get3A_371 = arith.index_cast %add3A_370 : i32 to index
        %get3A_372 = tpu.vector_load %arg13[%get3A_371] {strides = array<i32>} : memref<6400xf32, #tpu.memory_space<vmem>>, vector<16xf32>,
        %add3A_373 = arith.addf %add3A_368, %get3A_372 : vector<16xf32>
        %add3A_374 = arith.constant 32 : i32
        %add3A_375 = arith.addi %squeeze3A_327, %add3A_374 : i32
        %get3A_376 = arith.index_cast %add3A_375 : i32 to index
        %get3A_377 = tpu.vector_load %arg14[%get3A_376] {strides = array<i32>} : memref<32768xf32, #tpu.memory_space<vmem>>, vector<16xf32>,
        %add3A_378 = arith.addf %add3A_373, %get3A_377 : vector<16xf32>
        %get3A_379 = arith.index_cast %add3A_323 : i32 to index
        %get3A_380 = arith.constant 48 : index
        %get3A_381 = tpu.vector_load %arg17[%get3A_379, %get3A_380] {strides = array<i32>} : memref<200x64xf32, #tpu.memory_space<vmem>>, vector<16xf32>,
        %get3A_382 = arith.index_cast %add3A_323 : i32 to index
        %get3A_383 = arith.constant 48 : index
        %get3A_384 = tpu.vector_load %arg18[%get3A_382, %get3A_383] {strides = array<i32>} : memref<200x64xf32, #tpu.memory_space<vmem>>, vector<16xf32>,
        %add3A_385 = arith.addf %get3A_381, %get3A_384 : vector<16xf32>
        %add3A_386 = arith.constant 48 : i32
        %add3A_387 = arith.addi %squeeze3A_325, %add3A_386 : i32
        %get3A_388 = arith.index_cast %add3A_387 : i32 to index
        %get3A_389 = tpu.vector_load %arg13[%get3A_388] {strides = array<i32>} : memref<6400xf32, #tpu.memory_space<vmem>>, vector<16xf32>,
        %add3A_390 = arith.addf %add3A_385, %get3A_389 : vector<16xf32>
        %add3A_391 = arith.constant 48 : i32
        %add3A_392 = arith.addi %squeeze3A_327, %add3A_391 : i32
        %get3A_393 = arith.index_cast %add3A_392 : i32 to index
        %get3A_394 = tpu.vector_load %arg14[%get3A_393] {strides = array<i32>} : memref<32768xf32, #tpu.memory_space<vmem>>, vector<16xf32>,
        %add3A_395 = arith.addf %add3A_390, %get3A_394 : vector<16xf32>
        %add3A_396 = arith.constant 2 : i32
        %add3A_397 = arith.addi %mul3A_239, %add3A_396 : i32
        %slice3A_398 = vector.extract_strided_slice %mul3A_244 {offsets = [2], sizes = [1], strides = [1]} : vector<16xi32> to vector<1xi32>
        %squeeze3A_399 = vector.extract %slice3A_398[0] : i32 from vector<1xi32>
        %slice3A_400 = vector.extract_strided_slice %mul3A_249 {offsets = [2], sizes = [1], strides = [1]} : vector<16xi32> to vector<1xi32>
        %squeeze3A_401 = vector.extract %slice3A_400[0] : i32 from vector<1xi32>
        %get3A_402 = arith.index_cast %add3A_397 : i32 to index
        %get3A_403 = arith.constant 0 : index
        %get3A_404 = tpu.vector_load %arg17[%get3A_402, %get3A_403] {strides = array<i32>} : memref<200x64xf32, #tpu.memory_space<vmem>>, vector<16xf32>,
        %get3A_405 = arith.index_cast %add3A_397 : i32 to index
        %get3A_406 = arith.constant 0 : index
        %get3A_407 = tpu.vector_load %arg18[%get3A_405, %get3A_406] {strides = array<i32>} : memref<200x64xf32, #tpu.memory_space<vmem>>, vector<16xf32>,
        %add3A_408 = arith.addf %get3A_404, %get3A_407 : vector<16xf32>
        %add3A_409 = arith.constant 0 : i32
        %add3A_410 = arith.addi %squeeze3A_399, %add3A_409 : i32
        %get3A_411 = arith.index_cast %add3A_410 : i32 to index
        %get3A_412 = tpu.vector_load %arg13[%get3A_411] {strides = array<i32>} : memref<6400xf32, #tpu.memory_space<vmem>>, vector<16xf32>,
        %add3A_413 = arith.addf %add3A_408, %get3A_412 : vector<16xf32>
        %add3A_414 = arith.constant 0 : i32
        %add3A_415 = arith.addi %squeeze3A_401, %add3A_414 : i32
        %get3A_416 = arith.index_cast %add3A_415 : i32 to index
        %get3A_417 = tpu.vector_load %arg14[%get3A_416] {strides = array<i32>} : memref<32768xf32, #tpu.memory_space<vmem>>, vector<16xf32>,
        %add3A_418 = arith.addf %add3A_413, %get3A_417 : vector<16xf32>
        %get3A_419 = arith.index_cast %add3A_397 : i32 to index
        %get3A_420 = arith.constant 16 : index
        %get3A_421 = tpu.vector_load %arg17[%get3A_419, %get3A_420] {strides = array<i32>} : memref<200x64xf32, #tpu.memory_space<vmem>>, vector<16xf32>,
        %get3A_422 = arith.index_cast %add3A_397 : i32 to index
        %get3A_423 = arith.constant 16 : index
        %get3A_424 = tpu.vector_load %arg18[%get3A_422, %get3A_423] {strides = array<i32>} : memref<200x64xf32, #tpu.memory_space<vmem>>, vector<16xf32>,
        %add3A_425 = arith.addf %get3A_421, %get3A_424 : vector<16xf32>
        %add3A_426 = arith.constant 16 : i32
        %add3A_427 = arith.addi %squeeze3A_399, %add3A_426 : i32
        %get3A_428 = arith.index_cast %add3A_427 : i32 to index
        %get3A_429 = tpu.vector_load %arg13[%get3A_428] {strides = array<i32>} : memref<6400xf32, #tpu.memory_space<vmem>>, vector<16xf32>,
        %add3A_430 = arith.addf %add3A_425, %get3A_429 : vector<16xf32>
        %add3A_431 = arith.constant 16 : i32
        %add3A_432 = arith.addi %squeeze3A_401, %add3A_431 : i32
        %get3A_433 = arith.index_cast %add3A_432 : i32 to index
        %get3A_434 = tpu.vector_load %arg14[%get3A_433] {strides = array<i32>} : memref<32768xf32, #tpu.memory_space<vmem>>, vector<16xf32>,
        %add3A_435 = arith.addf %add3A_430, %get3A_434 : vector<16xf32>
        %get3A_436 = arith.index_cast %add3A_397 : i32 to index
        %get3A_437 = arith.constant 32 : index
        %get3A_438 = tpu.vector_load %arg17[%get3A_436, %get3A_437] {strides = array<i32>} : memref<200x64xf32, #tpu.memory_space<vmem>>, vector<16xf32>,
        %get3A_439 = arith.index_cast %add3A_397 : i32 to index
        %get3A_440 = arith.constant 32 : index
        %get3A_441 = tpu.vector_load %arg18[%get3A_439, %get3A_440] {strides = array<i32>} : memref<200x64xf32, #tpu.memory_space<vmem>>, vector<16xf32>,
        %add3A_442 = arith.addf %get3A_438, %get3A_441 : vector<16xf32>
        %add3A_443 = arith.constant 32 : i32
        %add3A_444 = arith.addi %squeeze3A_399, %add3A_443 : i32
        %get3A_445 = arith.index_cast %add3A_444 : i32 to index
        %get3A_446 = tpu.vector_load %arg13[%get3A_445] {strides = array<i32>} : memref<6400xf32, #tpu.memory_space<vmem>>, vector<16xf32>,
        %add3A_447 = arith.addf %add3A_442, %get3A_446 : vector<16xf32>
        %add3A_448 = arith.constant 32 : i32
        %add3A_449 = arith.addi %squeeze3A_401, %add3A_448 : i32
        %get3A_450 = arith.index_cast %add3A_449 : i32 to index
        %get3A_451 = tpu.vector_load %arg14[%get3A_450] {strides = array<i32>} : memref<32768xf32, #tpu.memory_space<vmem>>, vector<16xf32>,
        %add3A_452 = arith.addf %add3A_447, %get3A_451 : vector<16xf32>
        %get3A_453 = arith.index_cast %add3A_397 : i32 to index
        %get3A_454 = arith.constant 48 : index
        %get3A_455 = tpu.vector_load %arg17[%get3A_453, %get3A_454] {strides = array<i32>} : memref<200x64xf32, #tpu.memory_space<vmem>>, vector<16xf32>,
        %get3A_456 = arith.index_cast %add3A_397 : i32 to index
        %get3A_457 = arith.constant 48 : index
        %get3A_458 = tpu.vector_load %arg18[%get3A_456, %get3A_457] {strides = array<i32>} : memref<200x64xf32, #tpu.memory_space<vmem>>, vector<16xf32>,
        %add3A_459 = arith.addf %get3A_455, %get3A_458 : vector<16xf32>
        %add3A_460 = arith.constant 48 : i32
        %add3A_461 = arith.addi %squeeze3A_399, %add3A_460 : i32
        %get3A_462 = arith.index_cast %add3A_461 : i32 to index
        %get3A_463 = tpu.vector_load %arg13[%get3A_462] {strides = array<i32>} : memref<6400xf32, #tpu.memory_space<vmem>>, vector<16xf32>,
        %add3A_464 = arith.addf %add3A_459, %get3A_463 : vector<16xf32>
        %add3A_465 = arith.constant 48 : i32
        %add3A_466 = arith.addi %squeeze3A_401, %add3A_465 : i32
        %get3A_467 = arith.index_cast %add3A_466 : i32 to index
        %get3A_468 = tpu.vector_load %arg14[%get3A_467] {strides = array<i32>} : memref<32768xf32, #tpu.memory_space<vmem>>, vector<16xf32>,
        %add3A_469 = arith.addf %add3A_464, %get3A_468 : vector<16xf32>
        %add3A_470 = arith.constant 3 : i32
        %add3A_471 = arith.addi %mul3A_239, %add3A_470 : i32
        %slice3A_472 = vector.extract_strided_slice %mul3A_244 {offsets = [3], sizes = [1], strides = [1]} : vector<16xi32> to vector<1xi32>
        %squeeze3A_473 = vector.extract %slice3A_472[0] : i32 from vector<1xi32>
        %slice3A_474 = vector.extract_strided_slice %mul3A_249 {offsets = [3], sizes = [1], strides = [1]} : vector<16xi32> to vector<1xi32>
        %squeeze3A_475 = vector.extract %slice3A_474[0] : i32 from vector<1xi32>
        %get3A_476 = arith.index_cast %add3A_471 : i32 to index
        %get3A_477 = arith.constant 0 : index
        %get3A_478 = tpu.vector_load %arg17[%get3A_476, %get3A_477] {strides = array<i32>} : memref<200x64xf32, #tpu.memory_space<vmem>>, vector<16xf32>,
        %get3A_479 = arith.index_cast %add3A_471 : i32 to index
        %get3A_480 = arith.constant 0 : index
        %get3A_481 = tpu.vector_load %arg18[%get3A_479, %get3A_480] {strides = array<i32>} : memref<200x64xf32, #tpu.memory_space<vmem>>, vector<16xf32>,
        %add3A_482 = arith.addf %get3A_478, %get3A_481 : vector<16xf32>
        %add3A_483 = arith.constant 0 : i32
        %add3A_484 = arith.addi %squeeze3A_473, %add3A_483 : i32
        %get3A_485 = arith.index_cast %add3A_484 : i32 to index
        %get3A_486 = tpu.vector_load %arg13[%get3A_485] {strides = array<i32>} : memref<6400xf32, #tpu.memory_space<vmem>>, vector<16xf32>,
        %add3A_487 = arith.addf %add3A_482, %get3A_486 : vector<16xf32>
        %add3A_488 = arith.constant 0 : i32
        %add3A_489 = arith.addi %squeeze3A_475, %add3A_488 : i32
        %get3A_490 = arith.index_cast %add3A_489 : i32 to index
        %get3A_491 = tpu.vector_load %arg14[%get3A_490] {strides = array<i32>} : memref<32768xf32, #tpu.memory_space<vmem>>, vector<16xf32>,
        %add3A_492 = arith.addf %add3A_487, %get3A_491 : vector<16xf32>
        %get3A_493 = arith.index_cast %add3A_471 : i32 to index
        %get3A_494 = arith.constant 16 : index
        %get3A_495 = tpu.vector_load %arg17[%get3A_493, %get3A_494] {strides = array<i32>} : memref<200x64xf32, #tpu.memory_space<vmem>>, vector<16xf32>,
        %get3A_496 = arith.index_cast %add3A_471 : i32 to index
        %get3A_497 = arith.constant 16 : index
        %get3A_498 = tpu.vector_load %arg18[%get3A_496, %get3A_497] {strides = array<i32>} : memref<200x64xf32, #tpu.memory_space<vmem>>, vector<16xf32>,
        %add3A_499 = arith.addf %get3A_495, %get3A_498 : vector<16xf32>
        %add3A_500 = arith.constant 16 : i32
        %add3A_501 = arith.addi %squeeze3A_473, %add3A_500 : i32
        %get3A_502 = arith.index_cast %add3A_501 : i32 to index
        %get3A_503 = tpu.vector_load %arg13[%get3A_502] {strides = array<i32>} : memref<6400xf32, #tpu.memory_space<vmem>>, vector<16xf32>,
        %add3A_504 = arith.addf %add3A_499, %get3A_503 : vector<16xf32>
        %add3A_505 = arith.constant 16 : i32
        %add3A_506 = arith.addi %squeeze3A_475, %add3A_505 : i32
        %get3A_507 = arith.index_cast %add3A_506 : i32 to index
        %get3A_508 = tpu.vector_load %arg14[%get3A_507] {strides = array<i32>} : memref<32768xf32, #tpu.memory_space<vmem>>, vector<16xf32>,
        %add3A_509 = arith.addf %add3A_504, %get3A_508 : vector<16xf32>
        %get3A_510 = arith.index_cast %add3A_471 : i32 to index
        %get3A_511 = arith.constant 32 : index
        %get3A_512 = tpu.vector_load %arg17[%get3A_510, %get3A_511] {strides = array<i32>} : memref<200x64xf32, #tpu.memory_space<vmem>>, vector<16xf32>,
        %get3A_513 = arith.index_cast %add3A_471 : i32 to index
        %get3A_514 = arith.constant 32 : index
        %get3A_515 = tpu.vector_load %arg18[%get3A_513, %get3A_514] {strides = array<i32>} : memref<200x64xf32, #tpu.memory_space<vmem>>, vector<16xf32>,
        %add3A_516 = arith.addf %get3A_512, %get3A_515 : vector<16xf32>
        %add3A_517 = arith.constant 32 : i32
        %add3A_518 = arith.addi %squeeze3A_473, %add3A_517 : i32
        %get3A_519 = arith.index_cast %add3A_518 : i32 to index
        %get3A_520 = tpu.vector_load %arg13[%get3A_519] {strides = array<i32>} : memref<6400xf32, #tpu.memory_space<vmem>>, vector<16xf32>,
        %add3A_521 = arith.addf %add3A_516, %get3A_520 : vector<16xf32>
        %add3A_522 = arith.constant 32 : i32
        %add3A_523 = arith.addi %squeeze3A_475, %add3A_522 : i32
        %get3A_524 = arith.index_cast %add3A_523 : i32 to index
        %get3A_525 = tpu.vector_load %arg14[%get3A_524] {strides = array<i32>} : memref<32768xf32, #tpu.memory_space<vmem>>, vector<16xf32>,
        %add3A_526 = arith.addf %add3A_521, %get3A_525 : vector<16xf32>
        %get3A_527 = arith.index_cast %add3A_471 : i32 to index
        %get3A_528 = arith.constant 48 : index
        %get3A_529 = tpu.vector_load %arg17[%get3A_527, %get3A_528] {strides = array<i32>} : memref<200x64xf32, #tpu.memory_space<vmem>>, vector<16xf32>,
        %get3A_530 = arith.index_cast %add3A_471 : i32 to index
        %get3A_531 = arith.constant 48 : index
        %get3A_532 = tpu.vector_load %arg18[%get3A_530, %get3A_531] {strides = array<i32>} : memref<200x64xf32, #tpu.memory_space<vmem>>, vector<16xf32>,
        %add3A_533 = arith.addf %get3A_529, %get3A_532 : vector<16xf32>
        %add3A_534 = arith.constant 48 : i32
        %add3A_535 = arith.addi %squeeze3A_473, %add3A_534 : i32
        %get3A_536 = arith.index_cast %add3A_535 : i32 to index
        %get3A_537 = tpu.vector_load %arg13[%get3A_536] {strides = array<i32>} : memref<6400xf32, #tpu.memory_space<vmem>>, vector<16xf32>,
        %add3A_538 = arith.addf %add3A_533, %get3A_537 : vector<16xf32>
        %add3A_539 = arith.constant 48 : i32
        %add3A_540 = arith.addi %squeeze3A_475, %add3A_539 : i32
        %get3A_541 = arith.index_cast %add3A_540 : i32 to index
        %get3A_542 = tpu.vector_load %arg14[%get3A_541] {strides = array<i32>} : memref<32768xf32, #tpu.memory_space<vmem>>, vector<16xf32>,
        %add3A_543 = arith.addf %add3A_538, %get3A_542 : vector<16xf32>
        %add3A_544 = arith.constant 4 : i32
        %add3A_545 = arith.addi %mul3A_239, %add3A_544 : i32
        %slice3A_546 = vector.extract_strided_slice %mul3A_244 {offsets = [4], sizes = [1], strides = [1]} : vector<16xi32> to vector<1xi32>
        %squeeze3A_547 = vector.extract %slice3A_546[0] : i32 from vector<1xi32>
        %slice3A_548 = vector.extract_strided_slice %mul3A_249 {offsets = [4], sizes = [1], strides = [1]} : vector<16xi32> to vector<1xi32>
        %squeeze3A_549 = vector.extract %slice3A_548[0] : i32 from vector<1xi32>
        %get3A_550 = arith.index_cast %add3A_545 : i32 to index
        %get3A_551 = arith.constant 0 : index
        %get3A_552 = tpu.vector_load %arg17[%get3A_550, %get3A_551] {strides = array<i32>} : memref<200x64xf32, #tpu.memory_space<vmem>>, vector<16xf32>,
        %get3A_553 = arith.index_cast %add3A_545 : i32 to index
        %get3A_554 = arith.constant 0 : index
        %get3A_555 = tpu.vector_load %arg18[%get3A_553, %get3A_554] {strides = array<i32>} : memref<200x64xf32, #tpu.memory_space<vmem>>, vector<16xf32>,
        %add3A_556 = arith.addf %get3A_552, %get3A_555 : vector<16xf32>
        %add3A_557 = arith.constant 0 : i32
        %add3A_558 = arith.addi %squeeze3A_547, %add3A_557 : i32
        %get3A_559 = arith.index_cast %add3A_558 : i32 to index
        %get3A_560 = tpu.vector_load %arg13[%get3A_559] {strides = array<i32>} : memref<6400xf32, #tpu.memory_space<vmem>>, vector<16xf32>,
        %add3A_561 = arith.addf %add3A_556, %get3A_560 : vector<16xf32>
        %add3A_562 = arith.constant 0 : i32
        %add3A_563 = arith.addi %squeeze3A_549, %add3A_562 : i32
        %get3A_564 = arith.index_cast %add3A_563 : i32 to index
        %get3A_565 = tpu.vector_load %arg14[%get3A_564] {strides = array<i32>} : memref<32768xf32, #tpu.memory_space<vmem>>, vector<16xf32>,
        %add3A_566 = arith.addf %add3A_561, %get3A_565 : vector<16xf32>
        %get3A_567 = arith.index_cast %add3A_545 : i32 to index
        %get3A_568 = arith.constant 16 : index
        %get3A_569 = tpu.vector_load %arg17[%get3A_567, %get3A_568] {strides = array<i32>} : memref<200x64xf32, #tpu.memory_space<vmem>>, vector<16xf32>,
        %get3A_570 = arith.index_cast %add3A_545 : i32 to index
        %get3A_571 = arith.constant 16 : index
        %get3A_572 = tpu.vector_load %arg18[%get3A_570, %get3A_571] {strides = array<i32>} : memref<200x64xf32, #tpu.memory_space<vmem>>, vector<16xf32>,
        %add3A_573 = arith.addf %get3A_569, %get3A_572 : vector<16xf32>
        %add3A_574 = arith.constant 16 : i32
        %add3A_575 = arith.addi %squeeze3A_547, %add3A_574 : i32
        %get3A_576 = arith.index_cast %add3A_575 : i32 to index
        %get3A_577 = tpu.vector_load %arg13[%get3A_576] {strides = array<i32>} : memref<6400xf32, #tpu.memory_space<vmem>>, vector<16xf32>,
        %add3A_578 = arith.addf %add3A_573, %get3A_577 : vector<16xf32>
        %add3A_579 = arith.constant 16 : i32
        %add3A_580 = arith.addi %squeeze3A_549, %add3A_579 : i32
        %get3A_581 = arith.index_cast %add3A_580 : i32 to index
        %get3A_582 = tpu.vector_load %arg14[%get3A_581] {strides = array<i32>} : memref<32768xf32, #tpu.memory_space<vmem>>, vector<16xf32>,
        %add3A_583 = arith.addf %add3A_578, %get3A_582 : vector<16xf32>
        %get3A_584 = arith.index_cast %add3A_545 : i32 to index
        %get3A_585 = arith.constant 32 : index
        %get3A_586 = tpu.vector_load %arg17[%get3A_584, %get3A_585] {strides = array<i32>} : memref<200x64xf32, #tpu.memory_space<vmem>>, vector<16xf32>,
        %get3A_587 = arith.index_cast %add3A_545 : i32 to index
        %get3A_588 = arith.constant 32 : index
        %get3A_589 = tpu.vector_load %arg18[%get3A_587, %get3A_588] {strides = array<i32>} : memref<200x64xf32, #tpu.memory_space<vmem>>, vector<16xf32>,
        %add3A_590 = arith.addf %get3A_586, %get3A_589 : vector<16xf32>
        %add3A_591 = arith.constant 32 : i32
        %add3A_592 = arith.addi %squeeze3A_547, %add3A_591 : i32
        %get3A_593 = arith.index_cast %add3A_592 : i32 to index
        %get3A_594 = tpu.vector_load %arg13[%get3A_593] {strides = array<i32>} : memref<6400xf32, #tpu.memory_space<vmem>>, vector<16xf32>,
        %add3A_595 = arith.addf %add3A_590, %get3A_594 : vector<16xf32>
        %add3A_596 = arith.constant 32 : i32
        %add3A_597 = arith.addi %squeeze3A_549, %add3A_596 : i32
        %get3A_598 = arith.index_cast %add3A_597 : i32 to index
        %get3A_599 = tpu.vector_load %arg14[%get3A_598] {strides = array<i32>} : memref<32768xf32, #tpu.memory_space<vmem>>, vector<16xf32>,
        %add3A_600 = arith.addf %add3A_595, %get3A_599 : vector<16xf32>
        %get3A_601 = arith.index_cast %add3A_545 : i32 to index
        %get3A_602 = arith.constant 48 : index
        %get3A_603 = tpu.vector_load %arg17[%get3A_601, %get3A_602] {strides = array<i32>} : memref<200x64xf32, #tpu.memory_space<vmem>>, vector<16xf32>,
        %get3A_604 = arith.index_cast %add3A_545 : i32 to index
        %get3A_605 = arith.constant 48 : index
        %get3A_606 = tpu.vector_load %arg18[%get3A_604, %get3A_605] {strides = array<i32>} : memref<200x64xf32, #tpu.memory_space<vmem>>, vector<16xf32>,
        %add3A_607 = arith.addf %get3A_603, %get3A_606 : vector<16xf32>
        %add3A_608 = arith.constant 48 : i32
        %add3A_609 = arith.addi %squeeze3A_547, %add3A_608 : i32
        %get3A_610 = arith.index_cast %add3A_609 : i32 to index
        %get3A_611 = tpu.vector_load %arg13[%get3A_610] {strides = array<i32>} : memref<6400xf32, #tpu.memory_space<vmem>>, vector<16xf32>,
        %add3A_612 = arith.addf %add3A_607, %get3A_611 : vector<16xf32>
        %add3A_613 = arith.constant 48 : i32
        %add3A_614 = arith.addi %squeeze3A_549, %add3A_613 : i32
        %get3A_615 = arith.index_cast %add3A_614 : i32 to index
        %get3A_616 = tpu.vector_load %arg14[%get3A_615] {strides = array<i32>} : memref<32768xf32, #tpu.memory_space<vmem>>, vector<16xf32>,
        %add3A_617 = arith.addf %add3A_612, %get3A_616 : vector<16xf32>
        %add3A_618 = arith.constant 5 : i32
        %add3A_619 = arith.addi %mul3A_239, %add3A_618 : i32
        %slice3A_620 = vector.extract_strided_slice %mul3A_244 {offsets = [5], sizes = [1], strides = [1]} : vector<16xi32> to vector<1xi32>
        %squeeze3A_621 = vector.extract %slice3A_620[0] : i32 from vector<1xi32>
        %slice3A_622 = vector.extract_strided_slice %mul3A_249 {offsets = [5], sizes = [1], strides = [1]} : vector<16xi32> to vector<1xi32>
        %squeeze3A_623 = vector.extract %slice3A_622[0] : i32 from vector<1xi32>
        %get3A_624 = arith.index_cast %add3A_619 : i32 to index
        %get3A_625 = arith.constant 0 : index
        %get3A_626 = tpu.vector_load %arg17[%get3A_624, %get3A_625] {strides = array<i32>} : memref<200x64xf32, #tpu.memory_space<vmem>>, vector<16xf32>,
        %get3A_627 = arith.index_cast %add3A_619 : i32 to index
        %get3A_628 = arith.constant 0 : index
        %get3A_629 = tpu.vector_load %arg18[%get3A_627, %get3A_628] {strides = array<i32>} : memref<200x64xf32, #tpu.memory_space<vmem>>, vector<16xf32>,
        %add3A_630 = arith.addf %get3A_626, %get3A_629 : vector<16xf32>
        %add3A_631 = arith.constant 0 : i32
        %add3A_632 = arith.addi %squeeze3A_621, %add3A_631 : i32
        %get3A_633 = arith.index_cast %add3A_632 : i32 to index
        %get3A_634 = tpu.vector_load %arg13[%get3A_633] {strides = array<i32>} : memref<6400xf32, #tpu.memory_space<vmem>>, vector<16xf32>,
        %add3A_635 = arith.addf %add3A_630, %get3A_634 : vector<16xf32>
        %add3A_636 = arith.constant 0 : i32
        %add3A_637 = arith.addi %squeeze3A_623, %add3A_636 : i32
        %get3A_638 = arith.index_cast %add3A_637 : i32 to index
        %get3A_639 = tpu.vector_load %arg14[%get3A_638] {strides = array<i32>} : memref<32768xf32, #tpu.memory_space<vmem>>, vector<16xf32>,
        %add3A_640 = arith.addf %add3A_635, %get3A_639 : vector<16xf32>
        %get3A_641 = arith.index_cast %add3A_619 : i32 to index
        %get3A_642 = arith.constant 16 : index
        %get3A_643 = tpu.vector_load %arg17[%get3A_641, %get3A_642] {strides = array<i32>} : memref<200x64xf32, #tpu.memory_space<vmem>>, vector<16xf32>,
        %get3A_644 = arith.index_cast %add3A_619 : i32 to index
        %get3A_645 = arith.constant 16 : index
        %get3A_646 = tpu.vector_load %arg18[%get3A_644, %get3A_645] {strides = array<i32>} : memref<200x64xf32, #tpu.memory_space<vmem>>, vector<16xf32>,
        %add3A_647 = arith.addf %get3A_643, %get3A_646 : vector<16xf32>
        %add3A_648 = arith.constant 16 : i32
        %add3A_649 = arith.addi %squeeze3A_621, %add3A_648 : i32
        %get3A_650 = arith.index_cast %add3A_649 : i32 to index
        %get3A_651 = tpu.vector_load %arg13[%get3A_650] {strides = array<i32>} : memref<6400xf32, #tpu.memory_space<vmem>>, vector<16xf32>,
        %add3A_652 = arith.addf %add3A_647, %get3A_651 : vector<16xf32>
        %add3A_653 = arith.constant 16 : i32
        %add3A_654 = arith.addi %squeeze3A_623, %add3A_653 : i32
        %get3A_655 = arith.index_cast %add3A_654 : i32 to index
        %get3A_656 = tpu.vector_load %arg14[%get3A_655] {strides = array<i32>} : memref<32768xf32, #tpu.memory_space<vmem>>, vector<16xf32>,
        %add3A_657 = arith.addf %add3A_652, %get3A_656 : vector<16xf32>
        %get3A_658 = arith.index_cast %add3A_619 : i32 to index
        %get3A_659 = arith.constant 32 : index
        %get3A_660 = tpu.vector_load %arg17[%get3A_658, %get3A_659] {strides = array<i32>} : memref<200x64xf32, #tpu.memory_space<vmem>>, vector<16xf32>,
        %get3A_661 = arith.index_cast %add3A_619 : i32 to index
        %get3A_662 = arith.constant 32 : index
        %get3A_663 = tpu.vector_load %arg18[%get3A_661, %get3A_662] {strides = array<i32>} : memref<200x64xf32, #tpu.memory_space<vmem>>, vector<16xf32>,
        %add3A_664 = arith.addf %get3A_660, %get3A_663 : vector<16xf32>
        %add3A_665 = arith.constant 32 : i32
        %add3A_666 = arith.addi %squeeze3A_621, %add3A_665 : i32
        %get3A_667 = arith.index_cast %add3A_666 : i32 to index
        %get3A_668 = tpu.vector_load %arg13[%get3A_667] {strides = array<i32>} : memref<6400xf32, #tpu.memory_space<vmem>>, vector<16xf32>,
        %add3A_669 = arith.addf %add3A_664, %get3A_668 : vector<16xf32>
        %add3A_670 = arith.constant 32 : i32
        %add3A_671 = arith.addi %squeeze3A_623, %add3A_670 : i32
        %get3A_672 = arith.index_cast %add3A_671 : i32 to index
        %get3A_673 = tpu.vector_load %arg14[%get3A_672] {strides = array<i32>} : memref<32768xf32, #tpu.memory_space<vmem>>, vector<16xf32>,
        %add3A_674 = arith.addf %add3A_669, %get3A_673 : vector<16xf32>
        %get3A_675 = arith.index_cast %add3A_619 : i32 to index
        %get3A_676 = arith.constant 48 : index
        %get3A_677 = tpu.vector_load %arg17[%get3A_675, %get3A_676] {strides = array<i32>} : memref<200x64xf32, #tpu.memory_space<vmem>>, vector<16xf32>,
        %get3A_678 = arith.index_cast %add3A_619 : i32 to index
        %get3A_679 = arith.constant 48 : index
        %get3A_680 = tpu.vector_load %arg18[%get3A_678, %get3A_679] {strides = array<i32>} : memref<200x64xf32, #tpu.memory_space<vmem>>, vector<16xf32>,
        %add3A_681 = arith.addf %get3A_677, %get3A_680 : vector<16xf32>
        %add3A_682 = arith.constant 48 : i32
        %add3A_683 = arith.addi %squeeze3A_621, %add3A_682 : i32
        %get3A_684 = arith.index_cast %add3A_683 : i32 to index
        %get3A_685 = tpu.vector_load %arg13[%get3A_684] {strides = array<i32>} : memref<6400xf32, #tpu.memory_space<vmem>>, vector<16xf32>,
        %add3A_686 = arith.addf %add3A_681, %get3A_685 : vector<16xf32>
        %add3A_687 = arith.constant 48 : i32
        %add3A_688 = arith.addi %squeeze3A_623, %add3A_687 : i32
        %get3A_689 = arith.index_cast %add3A_688 : i32 to index
        %get3A_690 = tpu.vector_load %arg14[%get3A_689] {strides = array<i32>} : memref<32768xf32, #tpu.memory_space<vmem>>, vector<16xf32>,
        %add3A_691 = arith.addf %add3A_686, %get3A_690 : vector<16xf32>
        %add3A_692 = arith.constant 6 : i32
        %add3A_693 = arith.addi %mul3A_239, %add3A_692 : i32
        %slice3A_694 = vector.extract_strided_slice %mul3A_244 {offsets = [6], sizes = [1], strides = [1]} : vector<16xi32> to vector<1xi32>
        %squeeze3A_695 = vector.extract %slice3A_694[0] : i32 from vector<1xi32>
        %slice3A_696 = vector.extract_strided_slice %mul3A_249 {offsets = [6], sizes = [1], strides = [1]} : vector<16xi32> to vector<1xi32>
        %squeeze3A_697 = vector.extract %slice3A_696[0] : i32 from vector<1xi32>
        %get3A_698 = arith.index_cast %add3A_693 : i32 to index
        %get3A_699 = arith.constant 0 : index
        %get3A_700 = tpu.vector_load %arg17[%get3A_698, %get3A_699] {strides = array<i32>} : memref<200x64xf32, #tpu.memory_space<vmem>>, vector<16xf32>,
        %get3A_701 = arith.index_cast %add3A_693 : i32 to index
        %get3A_702 = arith.constant 0 : index
        %get3A_703 = tpu.vector_load %arg18[%get3A_701, %get3A_702] {strides = array<i32>} : memref<200x64xf32, #tpu.memory_space<vmem>>, vector<16xf32>,
        %add3A_704 = arith.addf %get3A_700, %get3A_703 : vector<16xf32>
        %add3A_705 = arith.constant 0 : i32
        %add3A_706 = arith.addi %squeeze3A_695, %add3A_705 : i32
        %get3A_707 = arith.index_cast %add3A_706 : i32 to index
        %get3A_708 = tpu.vector_load %arg13[%get3A_707] {strides = array<i32>} : memref<6400xf32, #tpu.memory_space<vmem>>, vector<16xf32>,
        %add3A_709 = arith.addf %add3A_704, %get3A_708 : vector<16xf32>
        %add3A_710 = arith.constant 0 : i32
        %add3A_711 = arith.addi %squeeze3A_697, %add3A_710 : i32
        %get3A_712 = arith.index_cast %add3A_711 : i32 to index
        %get3A_713 = tpu.vector_load %arg14[%get3A_712] {strides = array<i32>} : memref<32768xf32, #tpu.memory_space<vmem>>, vector<16xf32>,
        %add3A_714 = arith.addf %add3A_709, %get3A_713 : vector<16xf32>
        %get3A_715 = arith.index_cast %add3A_693 : i32 to index
        %get3A_716 = arith.constant 16 : index
        %get3A_717 = tpu.vector_load %arg17[%get3A_715, %get3A_716] {strides = array<i32>} : memref<200x64xf32, #tpu.memory_space<vmem>>, vector<16xf32>,
        %get3A_718 = arith.index_cast %add3A_693 : i32 to index
        %get3A_719 = arith.constant 16 : index
        %get3A_720 = tpu.vector_load %arg18[%get3A_718, %get3A_719] {strides = array<i32>} : memref<200x64xf32, #tpu.memory_space<vmem>>, vector<16xf32>,
        %add3A_721 = arith.addf %get3A_717, %get3A_720 : vector<16xf32>
        %add3A_722 = arith.constant 16 : i32
        %add3A_723 = arith.addi %squeeze3A_695, %add3A_722 : i32
        %get3A_724 = arith.index_cast %add3A_723 : i32 to index
        %get3A_725 = tpu.vector_load %arg13[%get3A_724] {strides = array<i32>} : memref<6400xf32, #tpu.memory_space<vmem>>, vector<16xf32>,
        %add3A_726 = arith.addf %add3A_721, %get3A_725 : vector<16xf32>
        %add3A_727 = arith.constant 16 : i32
        %add3A_728 = arith.addi %squeeze3A_697, %add3A_727 : i32
        %get3A_729 = arith.index_cast %add3A_728 : i32 to index
        %get3A_730 = tpu.vector_load %arg14[%get3A_729] {strides = array<i32>} : memref<32768xf32, #tpu.memory_space<vmem>>, vector<16xf32>,
        %add3A_731 = arith.addf %add3A_726, %get3A_730 : vector<16xf32>
        %get3A_732 = arith.index_cast %add3A_693 : i32 to index
        %get3A_733 = arith.constant 32 : index
        %get3A_734 = tpu.vector_load %arg17[%get3A_732, %get3A_733] {strides = array<i32>} : memref<200x64xf32, #tpu.memory_space<vmem>>, vector<16xf32>,
        %get3A_735 = arith.index_cast %add3A_693 : i32 to index
        %get3A_736 = arith.constant 32 : index
        %get3A_737 = tpu.vector_load %arg18[%get3A_735, %get3A_736] {strides = array<i32>} : memref<200x64xf32, #tpu.memory_space<vmem>>, vector<16xf32>,
        %add3A_738 = arith.addf %get3A_734, %get3A_737 : vector<16xf32>
        %add3A_739 = arith.constant 32 : i32
        %add3A_740 = arith.addi %squeeze3A_695, %add3A_739 : i32
        %get3A_741 = arith.index_cast %add3A_740 : i32 to index
        %get3A_742 = tpu.vector_load %arg13[%get3A_741] {strides = array<i32>} : memref<6400xf32, #tpu.memory_space<vmem>>, vector<16xf32>,
        %add3A_743 = arith.addf %add3A_738, %get3A_742 : vector<16xf32>
        %add3A_744 = arith.constant 32 : i32
        %add3A_745 = arith.addi %squeeze3A_697, %add3A_744 : i32
        %get3A_746 = arith.index_cast %add3A_745 : i32 to index
        %get3A_747 = tpu.vector_load %arg14[%get3A_746] {strides = array<i32>} : memref<32768xf32, #tpu.memory_space<vmem>>, vector<16xf32>,
        %add3A_748 = arith.addf %add3A_743, %get3A_747 : vector<16xf32>
        %get3A_749 = arith.index_cast %add3A_693 : i32 to index
        %get3A_750 = arith.constant 48 : index
        %get3A_751 = tpu.vector_load %arg17[%get3A_749, %get3A_750] {strides = array<i32>} : memref<200x64xf32, #tpu.memory_space<vmem>>, vector<16xf32>,
        %get3A_752 = arith.index_cast %add3A_693 : i32 to index
        %get3A_753 = arith.constant 48 : index
        %get3A_754 = tpu.vector_load %arg18[%get3A_752, %get3A_753] {strides = array<i32>} : memref<200x64xf32, #tpu.memory_space<vmem>>, vector<16xf32>,
        %add3A_755 = arith.addf %get3A_751, %get3A_754 : vector<16xf32>
        %add3A_756 = arith.constant 48 : i32
        %add3A_757 = arith.addi %squeeze3A_695, %add3A_756 : i32
        %get3A_758 = arith.index_cast %add3A_757 : i32 to index
        %get3A_759 = tpu.vector_load %arg13[%get3A_758] {strides = array<i32>} : memref<6400xf32, #tpu.memory_space<vmem>>, vector<16xf32>,
        %add3A_760 = arith.addf %add3A_755, %get3A_759 : vector<16xf32>
        %add3A_761 = arith.constant 48 : i32
        %add3A_762 = arith.addi %squeeze3A_697, %add3A_761 : i32
        %get3A_763 = arith.index_cast %add3A_762 : i32 to index
        %get3A_764 = tpu.vector_load %arg14[%get3A_763] {strides = array<i32>} : memref<32768xf32, #tpu.memory_space<vmem>>, vector<16xf32>,
        %add3A_765 = arith.addf %add3A_760, %get3A_764 : vector<16xf32>
        %add3A_766 = arith.constant 7 : i32
        %add3A_767 = arith.addi %mul3A_239, %add3A_766 : i32
        %slice3A_768 = vector.extract_strided_slice %mul3A_244 {offsets = [7], sizes = [1], strides = [1]} : vector<16xi32> to vector<1xi32>
        %squeeze3A_769 = vector.extract %slice3A_768[0] : i32 from vector<1xi32>
        %slice3A_770 = vector.extract_strided_slice %mul3A_249 {offsets = [7], sizes = [1], strides = [1]} : vector<16xi32> to vector<1xi32>
        %squeeze3A_771 = vector.extract %slice3A_770[0] : i32 from vector<1xi32>
        %get3A_772 = arith.index_cast %add3A_767 : i32 to index
        %get3A_773 = arith.constant 0 : index
        %get3A_774 = tpu.vector_load %arg17[%get3A_772, %get3A_773] {strides = array<i32>} : memref<200x64xf32, #tpu.memory_space<vmem>>, vector<16xf32>,
        %get3A_775 = arith.index_cast %add3A_767 : i32 to index
        %get3A_776 = arith.constant 0 : index
        %get3A_777 = tpu.vector_load %arg18[%get3A_775, %get3A_776] {strides = array<i32>} : memref<200x64xf32, #tpu.memory_space<vmem>>, vector<16xf32>,
        %add3A_778 = arith.addf %get3A_774, %get3A_777 : vector<16xf32>
        %add3A_779 = arith.constant 0 : i32
        %add3A_780 = arith.addi %squeeze3A_769, %add3A_779 : i32
        %get3A_781 = arith.index_cast %add3A_780 : i32 to index
        %get3A_782 = tpu.vector_load %arg13[%get3A_781] {strides = array<i32>} : memref<6400xf32, #tpu.memory_space<vmem>>, vector<16xf32>,
        %add3A_783 = arith.addf %add3A_778, %get3A_782 : vector<16xf32>
        %add3A_784 = arith.constant 0 : i32
        %add3A_785 = arith.addi %squeeze3A_771, %add3A_784 : i32
        %get3A_786 = arith.index_cast %add3A_785 : i32 to index
        %get3A_787 = tpu.vector_load %arg14[%get3A_786] {strides = array<i32>} : memref<32768xf32, #tpu.memory_space<vmem>>, vector<16xf32>,
        %add3A_788 = arith.addf %add3A_783, %get3A_787 : vector<16xf32>
        %get3A_789 = arith.index_cast %add3A_767 : i32 to index
        %get3A_790 = arith.constant 16 : index
        %get3A_791 = tpu.vector_load %arg17[%get3A_789, %get3A_790] {strides = array<i32>} : memref<200x64xf32, #tpu.memory_space<vmem>>, vector<16xf32>,
        %get3A_792 = arith.index_cast %add3A_767 : i32 to index
        %get3A_793 = arith.constant 16 : index
        %get3A_794 = tpu.vector_load %arg18[%get3A_792, %get3A_793] {strides = array<i32>} : memref<200x64xf32, #tpu.memory_space<vmem>>, vector<16xf32>,
        %add3A_795 = arith.addf %get3A_791, %get3A_794 : vector<16xf32>
        %add3A_796 = arith.constant 16 : i32
        %add3A_797 = arith.addi %squeeze3A_769, %add3A_796 : i32
        %get3A_798 = arith.index_cast %add3A_797 : i32 to index
        %get3A_799 = tpu.vector_load %arg13[%get3A_798] {strides = array<i32>} : memref<6400xf32, #tpu.memory_space<vmem>>, vector<16xf32>,
        %add3A_800 = arith.addf %add3A_795, %get3A_799 : vector<16xf32>
        %add3A_801 = arith.constant 16 : i32
        %add3A_802 = arith.addi %squeeze3A_771, %add3A_801 : i32
        %get3A_803 = arith.index_cast %add3A_802 : i32 to index
        %get3A_804 = tpu.vector_load %arg14[%get3A_803] {strides = array<i32>} : memref<32768xf32, #tpu.memory_space<vmem>>, vector<16xf32>,
        %add3A_805 = arith.addf %add3A_800, %get3A_804 : vector<16xf32>
        %get3A_806 = arith.index_cast %add3A_767 : i32 to index
        %get3A_807 = arith.constant 32 : index
        %get3A_808 = tpu.vector_load %arg17[%get3A_806, %get3A_807] {strides = array<i32>} : memref<200x64xf32, #tpu.memory_space<vmem>>, vector<16xf32>,
        %get3A_809 = arith.index_cast %add3A_767 : i32 to index
        %get3A_810 = arith.constant 32 : index
        %get3A_811 = tpu.vector_load %arg18[%get3A_809, %get3A_810] {strides = array<i32>} : memref<200x64xf32, #tpu.memory_space<vmem>>, vector<16xf32>,
        %add3A_812 = arith.addf %get3A_808, %get3A_811 : vector<16xf32>
        %add3A_813 = arith.constant 32 : i32
        %add3A_814 = arith.addi %squeeze3A_769, %add3A_813 : i32
        %get3A_815 = arith.index_cast %add3A_814 : i32 to index
        %get3A_816 = tpu.vector_load %arg13[%get3A_815] {strides = array<i32>} : memref<6400xf32, #tpu.memory_space<vmem>>, vector<16xf32>,
        %add3A_817 = arith.addf %add3A_812, %get3A_816 : vector<16xf32>
        %add3A_818 = arith.constant 32 : i32
        %add3A_819 = arith.addi %squeeze3A_771, %add3A_818 : i32
        %get3A_820 = arith.index_cast %add3A_819 : i32 to index
        %get3A_821 = tpu.vector_load %arg14[%get3A_820] {strides = array<i32>} : memref<32768xf32, #tpu.memory_space<vmem>>, vector<16xf32>,
        %add3A_822 = arith.addf %add3A_817, %get3A_821 : vector<16xf32>
        %get3A_823 = arith.index_cast %add3A_767 : i32 to index
        %get3A_824 = arith.constant 48 : index
        %get3A_825 = tpu.vector_load %arg17[%get3A_823, %get3A_824] {strides = array<i32>} : memref<200x64xf32, #tpu.memory_space<vmem>>, vector<16xf32>,
        %get3A_826 = arith.index_cast %add3A_767 : i32 to index
        %get3A_827 = arith.constant 48 : index
        %get3A_828 = tpu.vector_load %arg18[%get3A_826, %get3A_827] {strides = array<i32>} : memref<200x64xf32, #tpu.memory_space<vmem>>, vector<16xf32>,
        %add3A_829 = arith.addf %get3A_825, %get3A_828 : vector<16xf32>
        %add3A_830 = arith.constant 48 : i32
        %add3A_831 = arith.addi %squeeze3A_769, %add3A_830 : i32
        %get3A_832 = arith.index_cast %add3A_831 : i32 to index
        %get3A_833 = tpu.vector_load %arg13[%get3A_832] {strides = array<i32>} : memref<6400xf32, #tpu.memory_space<vmem>>, vector<16xf32>,
        %add3A_834 = arith.addf %add3A_829, %get3A_833 : vector<16xf32>
        %add3A_835 = arith.constant 48 : i32
        %add3A_836 = arith.addi %squeeze3A_771, %add3A_835 : i32
        %get3A_837 = arith.index_cast %add3A_836 : i32 to index
        %get3A_838 = tpu.vector_load %arg14[%get3A_837] {strides = array<i32>} : memref<32768xf32, #tpu.memory_space<vmem>>, vector<16xf32>,
        %add3A_839 = arith.addf %add3A_834, %get3A_838 : vector<16xf32>
        %add3A_840 = arith.constant 0 : i32
        %add3A_841 = arith.addi %mul3A_239, %add3A_840 : i32
        %add3A_842 = arith.addf %add3A_270, %add3A_287 : vector<16xf32>
        %add3A_843 = arith.addf %add3A_304, %add3A_321 : vector<16xf32>
        %add3A_844 = arith.addf %add3A_842, %add3A_843 : vector<16xf32>
        %mul3A_845 = arith.mulf %add3A_270, %add3A_270 : vector<16xf32>
        %mul3A_846 = arith.mulf %add3A_287, %add3A_287 : vector<16xf32>
        %add3A_847 = arith.addf %mul3A_845, %mul3A_846 : vector<16xf32>
        %mul3A_848 = arith.mulf %add3A_304, %add3A_304 : vector<16xf32>
        %mul3A_849 = arith.mulf %add3A_321, %add3A_321 : vector<16xf32>
        %add3A_850 = arith.addf %mul3A_848, %mul3A_849 : vector<16xf32>
        %add3A_851 = arith.addf %add3A_847, %add3A_850 : vector<16xf32>
        %iota3A_852 = tpu.iota {dimensions = array<i32: 0>} : vector<16xi32>
        %xor3A = arith.constant 8 : i32
        %xor3A_853 = vector.broadcast %xor3A : i32 to vector<16xi32>
        %xor3A_854 = arith.xori %iota3A_852, %xor3A_853 : vector<16xi32>
        %lt3A_855 = arith.constant 0 : i32
        %lt3A_856 = vector.broadcast %lt3A_855 : i32 to vector<16xi32>
        %lt3A_857 = arith.cmpi slt, %xor3A_854, %lt3A_856 : vector<16xi32>
        %add3A_858 = arith.constant 16 : i32
        %add3A_859 = vector.broadcast %add3A_858 : i32 to vector<16xi32>
        %add3A_860 = arith.addi %xor3A_854, %add3A_859 : vector<16xi32>
        %select_n3A = arith.select %lt3A_857, %add3A_860, %xor3A_854 : vector<16xi1>, vector<16xi32>
        %broadcast_in_dim3A = vector.shape_cast %select_n3A : vector<16xi32> to vector<16x1xi32>
        %gather3A = vector.shape_cast %broadcast_in_dim3A : vector<16x1xi32> to vector<16xi32>
        %gather3A_861 = tpu.dynamic_gather %add3A_844[%gather3A] in [0] : vector<16xf32>, vector<16xi32> -> vector<16xf32>
        %add3A_862 = arith.addf %add3A_844, %gather3A_861 : vector<16xf32>
        %iota3A_863 = tpu.iota {dimensions = array<i32: 0>} : vector<16xi32>
        %xor3A_864 = arith.constant 4 : i32
        %xor3A_865 = vector.broadcast %xor3A_864 : i32 to vector<16xi32>
        %xor3A_866 = arith.xori %iota3A_863, %xor3A_865 : vector<16xi32>
        %lt3A_867 = arith.constant 0 : i32
        %lt3A_868 = vector.broadcast %lt3A_867 : i32 to vector<16xi32>
        %lt3A_869 = arith.cmpi slt, %xor3A_866, %lt3A_868 : vector<16xi32>
        %add3A_870 = arith.constant 16 : i32
        %add3A_871 = vector.broadcast %add3A_870 : i32 to vector<16xi32>
        %add3A_872 = arith.addi %xor3A_866, %add3A_871 : vector<16xi32>
        %select_n3A_873 = arith.select %lt3A_869, %add3A_872, %xor3A_866 : vector<16xi1>, vector<16xi32>
        %broadcast_in_dim3A_874 = vector.shape_cast %select_n3A_873 : vector<16xi32> to vector<16x1xi32>
        %gather3A_875 = vector.shape_cast %broadcast_in_dim3A_874 : vector<16x1xi32> to vector<16xi32>
        %gather3A_876 = tpu.dynamic_gather %add3A_862[%gather3A_875] in [0] : vector<16xf32>, vector<16xi32> -> vector<16xf32>
        %add3A_877 = arith.addf %add3A_862, %gather3A_876 : vector<16xf32>
        %iota3A_878 = tpu.iota {dimensions = array<i32: 0>} : vector<16xi32>
        %xor3A_879 = arith.constant 2 : i32
        %xor3A_880 = vector.broadcast %xor3A_879 : i32 to vector<16xi32>
        %xor3A_881 = arith.xori %iota3A_878, %xor3A_880 : vector<16xi32>
        %lt3A_882 = arith.constant 0 : i32
        %lt3A_883 = vector.broadcast %lt3A_882 : i32 to vector<16xi32>
        %lt3A_884 = arith.cmpi slt, %xor3A_881, %lt3A_883 : vector<16xi32>
        %add3A_885 = arith.constant 16 : i32
        %add3A_886 = vector.broadcast %add3A_885 : i32 to vector<16xi32>
        %add3A_887 = arith.addi %xor3A_881, %add3A_886 : vector<16xi32>
        %select_n3A_888 = arith.select %lt3A_884, %add3A_887, %xor3A_881 : vector<16xi1>, vector<16xi32>
        %broadcast_in_dim3A_889 = vector.shape_cast %select_n3A_888 : vector<16xi32> to vector<16x1xi32>
        %gather3A_890 = vector.shape_cast %broadcast_in_dim3A_889 : vector<16x1xi32> to vector<16xi32>
        %gather3A_891 = tpu.dynamic_gather %add3A_877[%gather3A_890] in [0] : vector<16xf32>, vector<16xi32> -> vector<16xf32>
        %add3A_892 = arith.addf %add3A_877, %gather3A_891 : vector<16xf32>
        %iota3A_893 = tpu.iota {dimensions = array<i32: 0>} : vector<16xi32>
        %xor3A_894 = arith.constant 1 : i32
        %xor3A_895 = vector.broadcast %xor3A_894 : i32 to vector<16xi32>
        %xor3A_896 = arith.xori %iota3A_893, %xor3A_895 : vector<16xi32>
        %lt3A_897 = arith.constant 0 : i32
        %lt3A_898 = vector.broadcast %lt3A_897 : i32 to vector<16xi32>
        %lt3A_899 = arith.cmpi slt, %xor3A_896, %lt3A_898 : vector<16xi32>
        %add3A_900 = arith.constant 16 : i32
        %add3A_901 = vector.broadcast %add3A_900 : i32 to vector<16xi32>
        %add3A_902 = arith.addi %xor3A_896, %add3A_901 : vector<16xi32>
        %select_n3A_903 = arith.select %lt3A_899, %add3A_902, %xor3A_896 : vector<16xi1>, vector<16xi32>
        %broadcast_in_dim3A_904 = vector.shape_cast %select_n3A_903 : vector<16xi32> to vector<16x1xi32>
        %gather3A_905 = vector.shape_cast %broadcast_in_dim3A_904 : vector<16x1xi32> to vector<16xi32>
        %gather3A_906 = tpu.dynamic_gather %add3A_892[%gather3A_905] in [0] : vector<16xf32>, vector<16xi32> -> vector<16xf32>
        %add3A_907 = arith.addf %add3A_892, %gather3A_906 : vector<16xf32>
        %mul3A_908 = arith.constant 1.562500e-02 : f32
        %mul3A_909 = vector.broadcast %mul3A_908 : f32 to vector<16xf32>
        %mul3A_910 = arith.mulf %add3A_907, %mul3A_909 : vector<16xf32>
        %iota3A_911 = tpu.iota {dimensions = array<i32: 0>} : vector<16xi32>
        %xor3A_912 = arith.constant 8 : i32
        %xor3A_913 = vector.broadcast %xor3A_912 : i32 to vector<16xi32>
        %xor3A_914 = arith.xori %iota3A_911, %xor3A_913 : vector<16xi32>
        %lt3A_915 = arith.constant 0 : i32
        %lt3A_916 = vector.broadcast %lt3A_915 : i32 to vector<16xi32>
        %lt3A_917 = arith.cmpi slt, %xor3A_914, %lt3A_916 : vector<16xi32>
        %add3A_918 = arith.constant 16 : i32
        %add3A_919 = vector.broadcast %add3A_918 : i32 to vector<16xi32>
        %add3A_920 = arith.addi %xor3A_914, %add3A_919 : vector<16xi32>
        %select_n3A_921 = arith.select %lt3A_917, %add3A_920, %xor3A_914 : vector<16xi1>, vector<16xi32>
        %broadcast_in_dim3A_922 = vector.shape_cast %select_n3A_921 : vector<16xi32> to vector<16x1xi32>
        %gather3A_923 = vector.shape_cast %broadcast_in_dim3A_922 : vector<16x1xi32> to vector<16xi32>
        %gather3A_924 = tpu.dynamic_gather %add3A_851[%gather3A_923] in [0] : vector<16xf32>, vector<16xi32> -> vector<16xf32>
        %add3A_925 = arith.addf %add3A_851, %gather3A_924 : vector<16xf32>
        %iota3A_926 = tpu.iota {dimensions = array<i32: 0>} : vector<16xi32>
        %xor3A_927 = arith.constant 4 : i32
        %xor3A_928 = vector.broadcast %xor3A_927 : i32 to vector<16xi32>
        %xor3A_929 = arith.xori %iota3A_926, %xor3A_928 : vector<16xi32>
        %lt3A_930 = arith.constant 0 : i32
        %lt3A_931 = vector.broadcast %lt3A_930 : i32 to vector<16xi32>
        %lt3A_932 = arith.cmpi slt, %xor3A_929, %lt3A_931 : vector<16xi32>
        %add3A_933 = arith.constant 16 : i32
        %add3A_934 = vector.broadcast %add3A_933 : i32 to vector<16xi32>
        %add3A_935 = arith.addi %xor3A_929, %add3A_934 : vector<16xi32>
        %select_n3A_936 = arith.select %lt3A_932, %add3A_935, %xor3A_929 : vector<16xi1>, vector<16xi32>
        %broadcast_in_dim3A_937 = vector.shape_cast %select_n3A_936 : vector<16xi32> to vector<16x1xi32>
        %gather3A_938 = vector.shape_cast %broadcast_in_dim3A_937 : vector<16x1xi32> to vector<16xi32>
        %gather3A_939 = tpu.dynamic_gather %add3A_925[%gather3A_938] in [0] : vector<16xf32>, vector<16xi32> -> vector<16xf32>
        %add3A_940 = arith.addf %add3A_925, %gather3A_939 : vector<16xf32>
        %iota3A_941 = tpu.iota {dimensions = array<i32: 0>} : vector<16xi32>
        %xor3A_942 = arith.constant 2 : i32
        %xor3A_943 = vector.broadcast %xor3A_942 : i32 to vector<16xi32>
        %xor3A_944 = arith.xori %iota3A_941, %xor3A_943 : vector<16xi32>
        %lt3A_945 = arith.constant 0 : i32
        %lt3A_946 = vector.broadcast %lt3A_945 : i32 to vector<16xi32>
        %lt3A_947 = arith.cmpi slt, %xor3A_944, %lt3A_946 : vector<16xi32>
        %add3A_948 = arith.constant 16 : i32
        %add3A_949 = vector.broadcast %add3A_948 : i32 to vector<16xi32>
        %add3A_950 = arith.addi %xor3A_944, %add3A_949 : vector<16xi32>
        %select_n3A_951 = arith.select %lt3A_947, %add3A_950, %xor3A_944 : vector<16xi1>, vector<16xi32>
        %broadcast_in_dim3A_952 = vector.shape_cast %select_n3A_951 : vector<16xi32> to vector<16x1xi32>
        %gather3A_953 = vector.shape_cast %broadcast_in_dim3A_952 : vector<16x1xi32> to vector<16xi32>
        %gather3A_954 = tpu.dynamic_gather %add3A_940[%gather3A_953] in [0] : vector<16xf32>, vector<16xi32> -> vector<16xf32>
        %add3A_955 = arith.addf %add3A_940, %gather3A_954 : vector<16xf32>
        %iota3A_956 = tpu.iota {dimensions = array<i32: 0>} : vector<16xi32>
        %xor3A_957 = arith.constant 1 : i32
        %xor3A_958 = vector.broadcast %xor3A_957 : i32 to vector<16xi32>
        %xor3A_959 = arith.xori %iota3A_956, %xor3A_958 : vector<16xi32>
        %lt3A_960 = arith.constant 0 : i32
        %lt3A_961 = vector.broadcast %lt3A_960 : i32 to vector<16xi32>
        %lt3A_962 = arith.cmpi slt, %xor3A_959, %lt3A_961 : vector<16xi32>
        %add3A_963 = arith.constant 16 : i32
        %add3A_964 = vector.broadcast %add3A_963 : i32 to vector<16xi32>
        %add3A_965 = arith.addi %xor3A_959, %add3A_964 : vector<16xi32>
        %select_n3A_966 = arith.select %lt3A_962, %add3A_965, %xor3A_959 : vector<16xi1>, vector<16xi32>
        %broadcast_in_dim3A_967 = vector.shape_cast %select_n3A_966 : vector<16xi32> to vector<16x1xi32>
        %gather3A_968 = vector.shape_cast %broadcast_in_dim3A_967 : vector<16x1xi32> to vector<16xi32>
        %gather3A_969 = tpu.dynamic_gather %add3A_955[%gather3A_968] in [0] : vector<16xf32>, vector<16xi32> -> vector<16xf32>
        %add3A_970 = arith.addf %add3A_955, %gather3A_969 : vector<16xf32>
        %mul3A_971 = arith.constant 1.562500e-02 : f32
        %mul3A_972 = vector.broadcast %mul3A_971 : f32 to vector<16xf32>
        %mul3A_973 = arith.mulf %add3A_970, %mul3A_972 : vector<16xf32>
        %mul3A_974 = arith.mulf %mul3A_910, %mul3A_910 : vector<16xf32>
        %sub3A = arith.subf %mul3A_973, %mul3A_974 : vector<16xf32>
        %add3A_975 = arith.constant 9.99999996E-13 : f32
        %add3A_976 = vector.broadcast %add3A_975 : f32 to vector<16xf32>
        %add3A_977 = arith.addf %sub3A, %add3A_976 : vector<16xf32>
        %bitcast3A = vector.bitcast %add3A_977 : vector<16xf32> to vector<16xi32>
        %shift_right_logical3A = arith.constant 1 : i32
        %shift_right_logical3A_978 = vector.broadcast %shift_right_logical3A : i32 to vector<16xi32>
        %shift_right_logical3A_979 = arith.shrui %bitcast3A, %shift_right_logical3A_978 : vector<16xi32>
        %sub3A_980 = arith.constant 1597463007 : i32
        %sub3A_981 = vector.broadcast %sub3A_980 : i32 to vector<16xi32>
        %sub3A_982 = arith.subi %sub3A_981, %shift_right_logical3A_979 : vector<16xi32>
        %bitcast3A_983 = vector.bitcast %sub3A_982 : vector<16xi32> to vector<16xf32>
        %mul3A_984 = arith.constant 5.000000e-01 : f32
        %mul3A_985 = vector.broadcast %mul3A_984 : f32 to vector<16xf32>
        %mul3A_986 = arith.mulf %mul3A_985, %add3A_977 : vector<16xf32>
        %mul3A_987 = arith.mulf %mul3A_986, %bitcast3A_983 : vector<16xf32>
        %mul3A_988 = arith.mulf %mul3A_987, %bitcast3A_983 : vector<16xf32>
        %sub3A_989 = arith.constant 1.500000e+00 : f32
        %sub3A_990 = vector.broadcast %sub3A_989 : f32 to vector<16xf32>
        %sub3A_991 = arith.subf %sub3A_990, %mul3A_988 : vector<16xf32>
        %mul3A_992 = arith.mulf %bitcast3A_983, %sub3A_991 : vector<16xf32>
        %mul3A_993 = arith.constant 5.000000e-01 : f32
        %mul3A_994 = vector.broadcast %mul3A_993 : f32 to vector<16xf32>
        %mul3A_995 = arith.mulf %mul3A_994, %add3A_977 : vector<16xf32>
        %mul3A_996 = arith.mulf %mul3A_995, %mul3A_992 : vector<16xf32>
        %mul3A_997 = arith.mulf %mul3A_996, %mul3A_992 : vector<16xf32>
        %sub3A_998 = arith.constant 1.500000e+00 : f32
        %sub3A_999 = vector.broadcast %sub3A_998 : f32 to vector<16xf32>
        %sub3A_1000 = arith.subf %sub3A_999, %mul3A_997 : vector<16xf32>
        %mul3A_1001 = arith.mulf %mul3A_992, %sub3A_1000 : vector<16xf32>
        %sub3A_1002 = arith.subf %add3A_270, %mul3A_910 : vector<16xf32>
        %mul3A_1003 = arith.mulf %mul3A_1001, %get3A_18 : vector<16xf32>
        %mul3A_1004 = arith.mulf %sub3A_1002, %mul3A_1003 : vector<16xf32>
        %add3A_1005 = arith.addf %mul3A_1004, %get3A_26 : vector<16xf32>
        %mul3A_1006 = arith.constant 64 : i32
        %mul3A_1007 = arith.muli %add3A_841, %mul3A_1006 : i32
        %add3A_1008 = arith.constant 0 : i32
        %add3A_1009 = arith.addi %mul3A_1007, %add3A_1008 : i32
        %swap3A = arith.index_cast %add3A_1009 : i32 to index
        %swap3A_1010 = tpu.vector_load %arg21[%swap3A] {strides = array<i32>} : memref<12800xf32, #tpu.memory_space<vmem>>, vector<16xf32>,
        tpu.vector_store %arg21[%swap3A], %add3A_1005 {strides = array<i32>} : memref<12800xf32, #tpu.memory_space<vmem>>, vector<16xf32>,
        %sub3A_1011 = arith.subf %add3A_287, %mul3A_910 : vector<16xf32>
        %mul3A_1012 = arith.mulf %mul3A_1001, %get3A_20 : vector<16xf32>
        %mul3A_1013 = arith.mulf %sub3A_1011, %mul3A_1012 : vector<16xf32>
        %add3A_1014 = arith.addf %mul3A_1013, %get3A_28 : vector<16xf32>
        %mul3A_1015 = arith.constant 64 : i32
        %mul3A_1016 = arith.muli %add3A_841, %mul3A_1015 : i32
        %add3A_1017 = arith.constant 16 : i32
        %add3A_1018 = arith.addi %mul3A_1016, %add3A_1017 : i32
        %swap3A_1019 = arith.index_cast %add3A_1018 : i32 to index
        %swap3A_1020 = tpu.vector_load %arg21[%swap3A_1019] {strides = array<i32>} : memref<12800xf32, #tpu.memory_space<vmem>>, vector<16xf32>,
        tpu.vector_store %arg21[%swap3A_1019], %add3A_1014 {strides = array<i32>} : memref<12800xf32, #tpu.memory_space<vmem>>, vector<16xf32>,
        %sub3A_1021 = arith.subf %add3A_304, %mul3A_910 : vector<16xf32>
        %mul3A_1022 = arith.mulf %mul3A_1001, %get3A_22 : vector<16xf32>
        %mul3A_1023 = arith.mulf %sub3A_1021, %mul3A_1022 : vector<16xf32>
        %add3A_1024 = arith.addf %mul3A_1023, %get3A_30 : vector<16xf32>
        %mul3A_1025 = arith.constant 64 : i32
        %mul3A_1026 = arith.muli %add3A_841, %mul3A_1025 : i32
        %add3A_1027 = arith.constant 32 : i32
        %add3A_1028 = arith.addi %mul3A_1026, %add3A_1027 : i32
        %swap3A_1029 = arith.index_cast %add3A_1028 : i32 to index
        %swap3A_1030 = tpu.vector_load %arg21[%swap3A_1029] {strides = array<i32>} : memref<12800xf32, #tpu.memory_space<vmem>>, vector<16xf32>,
        tpu.vector_store %arg21[%swap3A_1029], %add3A_1024 {strides = array<i32>} : memref<12800xf32, #tpu.memory_space<vmem>>, vector<16xf32>,
        %sub3A_1031 = arith.subf %add3A_321, %mul3A_910 : vector<16xf32>
        %mul3A_1032 = arith.mulf %mul3A_1001, %get3A_24 : vector<16xf32>
        %mul3A_1033 = arith.mulf %sub3A_1031, %mul3A_1032 : vector<16xf32>
        %add3A_1034 = arith.addf %mul3A_1033, %get3A_32 : vector<16xf32>
        %mul3A_1035 = arith.constant 64 : i32
        %mul3A_1036 = arith.muli %add3A_841, %mul3A_1035 : i32
        %add3A_1037 = arith.constant 48 : i32
        %add3A_1038 = arith.addi %mul3A_1036, %add3A_1037 : i32
        %swap3A_1039 = arith.index_cast %add3A_1038 : i32 to index
        %swap3A_1040 = tpu.vector_load %arg21[%swap3A_1039] {strides = array<i32>} : memref<12800xf32, #tpu.memory_space<vmem>>, vector<16xf32>,
        tpu.vector_store %arg21[%swap3A_1039], %add3A_1034 {strides = array<i32>} : memref<12800xf32, #tpu.memory_space<vmem>>, vector<16xf32>,
        %add3A_1041 = arith.constant 1 : i32
        %add3A_1042 = arith.addi %mul3A_239, %add3A_1041 : i32
        %add3A_1043 = arith.addf %add3A_344, %add3A_361 : vector<16xf32>
        %add3A_1044 = arith.addf %add3A_378, %add3A_395 : vector<16xf32>
        %add3A_1045 = arith.addf %add3A_1043, %add3A_1044 : vector<16xf32>
        %mul3A_1046 = arith.mulf %add3A_344, %add3A_344 : vector<16xf32>
        %mul3A_1047 = arith.mulf %add3A_361, %add3A_361 : vector<16xf32>
        %add3A_1048 = arith.addf %mul3A_1046, %mul3A_1047 : vector<16xf32>
        %mul3A_1049 = arith.mulf %add3A_378, %add3A_378 : vector<16xf32>
        %mul3A_1050 = arith.mulf %add3A_395, %add3A_395 : vector<16xf32>
        %add3A_1051 = arith.addf %mul3A_1049, %mul3A_1050 : vector<16xf32>
        %add3A_1052 = arith.addf %add3A_1048, %add3A_1051 : vector<16xf32>
        %iota3A_1053 = tpu.iota {dimensions = array<i32: 0>} : vector<16xi32>
        %xor3A_1054 = arith.constant 8 : i32
        %xor3A_1055 = vector.broadcast %xor3A_1054 : i32 to vector<16xi32>
        %xor3A_1056 = arith.xori %iota3A_1053, %xor3A_1055 : vector<16xi32>
        %lt3A_1057 = arith.constant 0 : i32
        %lt3A_1058 = vector.broadcast %lt3A_1057 : i32 to vector<16xi32>
        %lt3A_1059 = arith.cmpi slt, %xor3A_1056, %lt3A_1058 : vector<16xi32>
        %add3A_1060 = arith.constant 16 : i32
        %add3A_1061 = vector.broadcast %add3A_1060 : i32 to vector<16xi32>
        %add3A_1062 = arith.addi %xor3A_1056, %add3A_1061 : vector<16xi32>
        %select_n3A_1063 = arith.select %lt3A_1059, %add3A_1062, %xor3A_1056 : vector<16xi1>, vector<16xi32>
        %broadcast_in_dim3A_1064 = vector.shape_cast %select_n3A_1063 : vector<16xi32> to vector<16x1xi32>
        %gather3A_1065 = vector.shape_cast %broadcast_in_dim3A_1064 : vector<16x1xi32> to vector<16xi32>
        %gather3A_1066 = tpu.dynamic_gather %add3A_1045[%gather3A_1065] in [0] : vector<16xf32>, vector<16xi32> -> vector<16xf32>
        %add3A_1067 = arith.addf %add3A_1045, %gather3A_1066 : vector<16xf32>
        %iota3A_1068 = tpu.iota {dimensions = array<i32: 0>} : vector<16xi32>
        %xor3A_1069 = arith.constant 4 : i32
        %xor3A_1070 = vector.broadcast %xor3A_1069 : i32 to vector<16xi32>
        %xor3A_1071 = arith.xori %iota3A_1068, %xor3A_1070 : vector<16xi32>
        %lt3A_1072 = arith.constant 0 : i32
        %lt3A_1073 = vector.broadcast %lt3A_1072 : i32 to vector<16xi32>
        %lt3A_1074 = arith.cmpi slt, %xor3A_1071, %lt3A_1073 : vector<16xi32>
        %add3A_1075 = arith.constant 16 : i32
        %add3A_1076 = vector.broadcast %add3A_1075 : i32 to vector<16xi32>
        %add3A_1077 = arith.addi %xor3A_1071, %add3A_1076 : vector<16xi32>
        %select_n3A_1078 = arith.select %lt3A_1074, %add3A_1077, %xor3A_1071 : vector<16xi1>, vector<16xi32>
        %broadcast_in_dim3A_1079 = vector.shape_cast %select_n3A_1078 : vector<16xi32> to vector<16x1xi32>
        %gather3A_1080 = vector.shape_cast %broadcast_in_dim3A_1079 : vector<16x1xi32> to vector<16xi32>
        %gather3A_1081 = tpu.dynamic_gather %add3A_1067[%gather3A_1080] in [0] : vector<16xf32>, vector<16xi32> -> vector<16xf32>
        %add3A_1082 = arith.addf %add3A_1067, %gather3A_1081 : vector<16xf32>
        %iota3A_1083 = tpu.iota {dimensions = array<i32: 0>} : vector<16xi32>
        %xor3A_1084 = arith.constant 2 : i32
        %xor3A_1085 = vector.broadcast %xor3A_1084 : i32 to vector<16xi32>
        %xor3A_1086 = arith.xori %iota3A_1083, %xor3A_1085 : vector<16xi32>
        %lt3A_1087 = arith.constant 0 : i32
        %lt3A_1088 = vector.broadcast %lt3A_1087 : i32 to vector<16xi32>
        %lt3A_1089 = arith.cmpi slt, %xor3A_1086, %lt3A_1088 : vector<16xi32>
        %add3A_1090 = arith.constant 16 : i32
        %add3A_1091 = vector.broadcast %add3A_1090 : i32 to vector<16xi32>
        %add3A_1092 = arith.addi %xor3A_1086, %add3A_1091 : vector<16xi32>
        %select_n3A_1093 = arith.select %lt3A_1089, %add3A_1092, %xor3A_1086 : vector<16xi1>, vector<16xi32>
        %broadcast_in_dim3A_1094 = vector.shape_cast %select_n3A_1093 : vector<16xi32> to vector<16x1xi32>
        %gather3A_1095 = vector.shape_cast %broadcast_in_dim3A_1094 : vector<16x1xi32> to vector<16xi32>
        %gather3A_1096 = tpu.dynamic_gather %add3A_1082[%gather3A_1095] in [0] : vector<16xf32>, vector<16xi32> -> vector<16xf32>
        %add3A_1097 = arith.addf %add3A_1082, %gather3A_1096 : vector<16xf32>
        %iota3A_1098 = tpu.iota {dimensions = array<i32: 0>} : vector<16xi32>
        %xor3A_1099 = arith.constant 1 : i32
        %xor3A_1100 = vector.broadcast %xor3A_1099 : i32 to vector<16xi32>
        %xor3A_1101 = arith.xori %iota3A_1098, %xor3A_1100 : vector<16xi32>
        %lt3A_1102 = arith.constant 0 : i32
        %lt3A_1103 = vector.broadcast %lt3A_1102 : i32 to vector<16xi32>
        %lt3A_1104 = arith.cmpi slt, %xor3A_1101, %lt3A_1103 : vector<16xi32>
        %add3A_1105 = arith.constant 16 : i32
        %add3A_1106 = vector.broadcast %add3A_1105 : i32 to vector<16xi32>
        %add3A_1107 = arith.addi %xor3A_1101, %add3A_1106 : vector<16xi32>
        %select_n3A_1108 = arith.select %lt3A_1104, %add3A_1107, %xor3A_1101 : vector<16xi1>, vector<16xi32>
        %broadcast_in_dim3A_1109 = vector.shape_cast %select_n3A_1108 : vector<16xi32> to vector<16x1xi32>
        %gather3A_1110 = vector.shape_cast %broadcast_in_dim3A_1109 : vector<16x1xi32> to vector<16xi32>
        %gather3A_1111 = tpu.dynamic_gather %add3A_1097[%gather3A_1110] in [0] : vector<16xf32>, vector<16xi32> -> vector<16xf32>
        %add3A_1112 = arith.addf %add3A_1097, %gather3A_1111 : vector<16xf32>
        %mul3A_1113 = arith.constant 1.562500e-02 : f32
        %mul3A_1114 = vector.broadcast %mul3A_1113 : f32 to vector<16xf32>
        %mul3A_1115 = arith.mulf %add3A_1112, %mul3A_1114 : vector<16xf32>
        %iota3A_1116 = tpu.iota {dimensions = array<i32: 0>} : vector<16xi32>
        %xor3A_1117 = arith.constant 8 : i32
        %xor3A_1118 = vector.broadcast %xor3A_1117 : i32 to vector<16xi32>
        %xor3A_1119 = arith.xori %iota3A_1116, %xor3A_1118 : vector<16xi32>
        %lt3A_1120 = arith.constant 0 : i32
        %lt3A_1121 = vector.broadcast %lt3A_1120 : i32 to vector<16xi32>
        %lt3A_1122 = arith.cmpi slt, %xor3A_1119, %lt3A_1121 : vector<16xi32>
        %add3A_1123 = arith.constant 16 : i32
        %add3A_1124 = vector.broadcast %add3A_1123 : i32 to vector<16xi32>
        %add3A_1125 = arith.addi %xor3A_1119, %add3A_1124 : vector<16xi32>
        %select_n3A_1126 = arith.select %lt3A_1122, %add3A_1125, %xor3A_1119 : vector<16xi1>, vector<16xi32>
        %broadcast_in_dim3A_1127 = vector.shape_cast %select_n3A_1126 : vector<16xi32> to vector<16x1xi32>
        %gather3A_1128 = vector.shape_cast %broadcast_in_dim3A_1127 : vector<16x1xi32> to vector<16xi32>
        %gather3A_1129 = tpu.dynamic_gather %add3A_1052[%gather3A_1128] in [0] : vector<16xf32>, vector<16xi32> -> vector<16xf32>
        %add3A_1130 = arith.addf %add3A_1052, %gather3A_1129 : vector<16xf32>
        %iota3A_1131 = tpu.iota {dimensions = array<i32: 0>} : vector<16xi32>
        %xor3A_1132 = arith.constant 4 : i32
        %xor3A_1133 = vector.broadcast %xor3A_1132 : i32 to vector<16xi32>
        %xor3A_1134 = arith.xori %iota3A_1131, %xor3A_1133 : vector<16xi32>
        %lt3A_1135 = arith.constant 0 : i32
        %lt3A_1136 = vector.broadcast %lt3A_1135 : i32 to vector<16xi32>
        %lt3A_1137 = arith.cmpi slt, %xor3A_1134, %lt3A_1136 : vector<16xi32>
        %add3A_1138 = arith.constant 16 : i32
        %add3A_1139 = vector.broadcast %add3A_1138 : i32 to vector<16xi32>
        %add3A_1140 = arith.addi %xor3A_1134, %add3A_1139 : vector<16xi32>
        %select_n3A_1141 = arith.select %lt3A_1137, %add3A_1140, %xor3A_1134 : vector<16xi1>, vector<16xi32>
        %broadcast_in_dim3A_1142 = vector.shape_cast %select_n3A_1141 : vector<16xi32> to vector<16x1xi32>
        %gather3A_1143 = vector.shape_cast %broadcast_in_dim3A_1142 : vector<16x1xi32> to vector<16xi32>
        %gather3A_1144 = tpu.dynamic_gather %add3A_1130[%gather3A_1143] in [0] : vector<16xf32>, vector<16xi32> -> vector<16xf32>
        %add3A_1145 = arith.addf %add3A_1130, %gather3A_1144 : vector<16xf32>
        %iota3A_1146 = tpu.iota {dimensions = array<i32: 0>} : vector<16xi32>
        %xor3A_1147 = arith.constant 2 : i32
        %xor3A_1148 = vector.broadcast %xor3A_1147 : i32 to vector<16xi32>
        %xor3A_1149 = arith.xori %iota3A_1146, %xor3A_1148 : vector<16xi32>
        %lt3A_1150 = arith.constant 0 : i32
        %lt3A_1151 = vector.broadcast %lt3A_1150 : i32 to vector<16xi32>
        %lt3A_1152 = arith.cmpi slt, %xor3A_1149, %lt3A_1151 : vector<16xi32>
        %add3A_1153 = arith.constant 16 : i32
        %add3A_1154 = vector.broadcast %add3A_1153 : i32 to vector<16xi32>
        %add3A_1155 = arith.addi %xor3A_1149, %add3A_1154 : vector<16xi32>
        %select_n3A_1156 = arith.select %lt3A_1152, %add3A_1155, %xor3A_1149 : vector<16xi1>, vector<16xi32>
        %broadcast_in_dim3A_1157 = vector.shape_cast %select_n3A_1156 : vector<16xi32> to vector<16x1xi32>
        %gather3A_1158 = vector.shape_cast %broadcast_in_dim3A_1157 : vector<16x1xi32> to vector<16xi32>
        %gather3A_1159 = tpu.dynamic_gather %add3A_1145[%gather3A_1158] in [0] : vector<16xf32>, vector<16xi32> -> vector<16xf32>
        %add3A_1160 = arith.addf %add3A_1145, %gather3A_1159 : vector<16xf32>
        %iota3A_1161 = tpu.iota {dimensions = array<i32: 0>} : vector<16xi32>
        %xor3A_1162 = arith.constant 1 : i32
        %xor3A_1163 = vector.broadcast %xor3A_1162 : i32 to vector<16xi32>
        %xor3A_1164 = arith.xori %iota3A_1161, %xor3A_1163 : vector<16xi32>
        %lt3A_1165 = arith.constant 0 : i32
        %lt3A_1166 = vector.broadcast %lt3A_1165 : i32 to vector<16xi32>
        %lt3A_1167 = arith.cmpi slt, %xor3A_1164, %lt3A_1166 : vector<16xi32>
        %add3A_1168 = arith.constant 16 : i32
        %add3A_1169 = vector.broadcast %add3A_1168 : i32 to vector<16xi32>
        %add3A_1170 = arith.addi %xor3A_1164, %add3A_1169 : vector<16xi32>
        %select_n3A_1171 = arith.select %lt3A_1167, %add3A_1170, %xor3A_1164 : vector<16xi1>, vector<16xi32>
        %broadcast_in_dim3A_1172 = vector.shape_cast %select_n3A_1171 : vector<16xi32> to vector<16x1xi32>
        %gather3A_1173 = vector.shape_cast %broadcast_in_dim3A_1172 : vector<16x1xi32> to vector<16xi32>
        %gather3A_1174 = tpu.dynamic_gather %add3A_1160[%gather3A_1173] in [0] : vector<16xf32>, vector<16xi32> -> vector<16xf32>
        %add3A_1175 = arith.addf %add3A_1160, %gather3A_1174 : vector<16xf32>
        %mul3A_1176 = arith.constant 1.562500e-02 : f32
        %mul3A_1177 = vector.broadcast %mul3A_1176 : f32 to vector<16xf32>
        %mul3A_1178 = arith.mulf %add3A_1175, %mul3A_1177 : vector<16xf32>
        %mul3A_1179 = arith.mulf %mul3A_1115, %mul3A_1115 : vector<16xf32>
        %sub3A_1180 = arith.subf %mul3A_1178, %mul3A_1179 : vector<16xf32>
        %add3A_1181 = arith.constant 9.99999996E-13 : f32
        %add3A_1182 = vector.broadcast %add3A_1181 : f32 to vector<16xf32>
        %add3A_1183 = arith.addf %sub3A_1180, %add3A_1182 : vector<16xf32>
        %bitcast3A_1184 = vector.bitcast %add3A_1183 : vector<16xf32> to vector<16xi32>
        %shift_right_logical3A_1185 = arith.constant 1 : i32
        %shift_right_logical3A_1186 = vector.broadcast %shift_right_logical3A_1185 : i32 to vector<16xi32>
        %shift_right_logical3A_1187 = arith.shrui %bitcast3A_1184, %shift_right_logical3A_1186 : vector<16xi32>
        %sub3A_1188 = arith.constant 1597463007 : i32
        %sub3A_1189 = vector.broadcast %sub3A_1188 : i32 to vector<16xi32>
        %sub3A_1190 = arith.subi %sub3A_1189, %shift_right_logical3A_1187 : vector<16xi32>
        %bitcast3A_1191 = vector.bitcast %sub3A_1190 : vector<16xi32> to vector<16xf32>
        %mul3A_1192 = arith.constant 5.000000e-01 : f32
        %mul3A_1193 = vector.broadcast %mul3A_1192 : f32 to vector<16xf32>
        %mul3A_1194 = arith.mulf %mul3A_1193, %add3A_1183 : vector<16xf32>
        %mul3A_1195 = arith.mulf %mul3A_1194, %bitcast3A_1191 : vector<16xf32>
        %mul3A_1196 = arith.mulf %mul3A_1195, %bitcast3A_1191 : vector<16xf32>
        %sub3A_1197 = arith.constant 1.500000e+00 : f32
        %sub3A_1198 = vector.broadcast %sub3A_1197 : f32 to vector<16xf32>
        %sub3A_1199 = arith.subf %sub3A_1198, %mul3A_1196 : vector<16xf32>
        %mul3A_1200 = arith.mulf %bitcast3A_1191, %sub3A_1199 : vector<16xf32>
        %mul3A_1201 = arith.constant 5.000000e-01 : f32
        %mul3A_1202 = vector.broadcast %mul3A_1201 : f32 to vector<16xf32>
        %mul3A_1203 = arith.mulf %mul3A_1202, %add3A_1183 : vector<16xf32>
        %mul3A_1204 = arith.mulf %mul3A_1203, %mul3A_1200 : vector<16xf32>
        %mul3A_1205 = arith.mulf %mul3A_1204, %mul3A_1200 : vector<16xf32>
        %sub3A_1206 = arith.constant 1.500000e+00 : f32
        %sub3A_1207 = vector.broadcast %sub3A_1206 : f32 to vector<16xf32>
        %sub3A_1208 = arith.subf %sub3A_1207, %mul3A_1205 : vector<16xf32>
        %mul3A_1209 = arith.mulf %mul3A_1200, %sub3A_1208 : vector<16xf32>
        %sub3A_1210 = arith.subf %add3A_344, %mul3A_1115 : vector<16xf32>
        %mul3A_1211 = arith.mulf %mul3A_1209, %get3A_18 : vector<16xf32>
        %mul3A_1212 = arith.mulf %sub3A_1210, %mul3A_1211 : vector<16xf32>
        %add3A_1213 = arith.addf %mul3A_1212, %get3A_26 : vector<16xf32>
        %mul3A_1214 = arith.constant 64 : i32
        %mul3A_1215 = arith.muli %add3A_1042, %mul3A_1214 : i32
        %add3A_1216 = arith.constant 0 : i32
        %add3A_1217 = arith.addi %mul3A_1215, %add3A_1216 : i32
        %swap3A_1218 = arith.index_cast %add3A_1217 : i32 to index
        %swap3A_1219 = tpu.vector_load %arg21[%swap3A_1218] {strides = array<i32>} : memref<12800xf32, #tpu.memory_space<vmem>>, vector<16xf32>,
        tpu.vector_store %arg21[%swap3A_1218], %add3A_1213 {strides = array<i32>} : memref<12800xf32, #tpu.memory_space<vmem>>, vector<16xf32>,
        %sub3A_1220 = arith.subf %add3A_361, %mul3A_1115 : vector<16xf32>
        %mul3A_1221 = arith.mulf %mul3A_1209, %get3A_20 : vector<16xf32>
        %mul3A_1222 = arith.mulf %sub3A_1220, %mul3A_1221 : vector<16xf32>
        %add3A_1223 = arith.addf %mul3A_1222, %get3A_28 : vector<16xf32>
        %mul3A_1224 = arith.constant 64 : i32
        %mul3A_1225 = arith.muli %add3A_1042, %mul3A_1224 : i32
        %add3A_1226 = arith.constant 16 : i32
        %add3A_1227 = arith.addi %mul3A_1225, %add3A_1226 : i32
        %swap3A_1228 = arith.index_cast %add3A_1227 : i32 to index
        %swap3A_1229 = tpu.vector_load %arg21[%swap3A_1228] {strides = array<i32>} : memref<12800xf32, #tpu.memory_space<vmem>>, vector<16xf32>,
        tpu.vector_store %arg21[%swap3A_1228], %add3A_1223 {strides = array<i32>} : memref<12800xf32, #tpu.memory_space<vmem>>, vector<16xf32>,
        %sub3A_1230 = arith.subf %add3A_378, %mul3A_1115 : vector<16xf32>
        %mul3A_1231 = arith.mulf %mul3A_1209, %get3A_22 : vector<16xf32>
        %mul3A_1232 = arith.mulf %sub3A_1230, %mul3A_1231 : vector<16xf32>
        %add3A_1233 = arith.addf %mul3A_1232, %get3A_30 : vector<16xf32>
        %mul3A_1234 = arith.constant 64 : i32
        %mul3A_1235 = arith.muli %add3A_1042, %mul3A_1234 : i32
        %add3A_1236 = arith.constant 32 : i32
        %add3A_1237 = arith.addi %mul3A_1235, %add3A_1236 : i32
        %swap3A_1238 = arith.index_cast %add3A_1237 : i32 to index
        %swap3A_1239 = tpu.vector_load %arg21[%swap3A_1238] {strides = array<i32>} : memref<12800xf32, #tpu.memory_space<vmem>>, vector<16xf32>,
        tpu.vector_store %arg21[%swap3A_1238], %add3A_1233 {strides = array<i32>} : memref<12800xf32, #tpu.memory_space<vmem>>, vector<16xf32>,
        %sub3A_1240 = arith.subf %add3A_395, %mul3A_1115 : vector<16xf32>
        %mul3A_1241 = arith.mulf %mul3A_1209, %get3A_24 : vector<16xf32>
        %mul3A_1242 = arith.mulf %sub3A_1240, %mul3A_1241 : vector<16xf32>
        %add3A_1243 = arith.addf %mul3A_1242, %get3A_32 : vector<16xf32>
        %mul3A_1244 = arith.constant 64 : i32
        %mul3A_1245 = arith.muli %add3A_1042, %mul3A_1244 : i32
        %add3A_1246 = arith.constant 48 : i32
        %add3A_1247 = arith.addi %mul3A_1245, %add3A_1246 : i32
        %swap3A_1248 = arith.index_cast %add3A_1247 : i32 to index
        %swap3A_1249 = tpu.vector_load %arg21[%swap3A_1248] {strides = array<i32>} : memref<12800xf32, #tpu.memory_space<vmem>>, vector<16xf32>,
        tpu.vector_store %arg21[%swap3A_1248], %add3A_1243 {strides = array<i32>} : memref<12800xf32, #tpu.memory_space<vmem>>, vector<16xf32>,
        %add3A_1250 = arith.constant 2 : i32
        %add3A_1251 = arith.addi %mul3A_239, %add3A_1250 : i32
        %add3A_1252 = arith.addf %add3A_418, %add3A_435 : vector<16xf32>
        %add3A_1253 = arith.addf %add3A_452, %add3A_469 : vector<16xf32>
        %add3A_1254 = arith.addf %add3A_1252, %add3A_1253 : vector<16xf32>
        %mul3A_1255 = arith.mulf %add3A_418, %add3A_418 : vector<16xf32>
        %mul3A_1256 = arith.mulf %add3A_435, %add3A_435 : vector<16xf32>
        %add3A_1257 = arith.addf %mul3A_1255, %mul3A_1256 : vector<16xf32>
        %mul3A_1258 = arith.mulf %add3A_452, %add3A_452 : vector<16xf32>
        %mul3A_1259 = arith.mulf %add3A_469, %add3A_469 : vector<16xf32>
        %add3A_1260 = arith.addf %mul3A_1258, %mul3A_1259 : vector<16xf32>
        %add3A_1261 = arith.addf %add3A_1257, %add3A_1260 : vector<16xf32>
        %iota3A_1262 = tpu.iota {dimensions = array<i32: 0>} : vector<16xi32>
        %xor3A_1263 = arith.constant 8 : i32
        %xor3A_1264 = vector.broadcast %xor3A_1263 : i32 to vector<16xi32>
        %xor3A_1265 = arith.xori %iota3A_1262, %xor3A_1264 : vector<16xi32>
        %lt3A_1266 = arith.constant 0 : i32
        %lt3A_1267 = vector.broadcast %lt3A_1266 : i32 to vector<16xi32>
        %lt3A_1268 = arith.cmpi slt, %xor3A_1265, %lt3A_1267 : vector<16xi32>
        %add3A_1269 = arith.constant 16 : i32
        %add3A_1270 = vector.broadcast %add3A_1269 : i32 to vector<16xi32>
        %add3A_1271 = arith.addi %xor3A_1265, %add3A_1270 : vector<16xi32>
        %select_n3A_1272 = arith.select %lt3A_1268, %add3A_1271, %xor3A_1265 : vector<16xi1>, vector<16xi32>
        %broadcast_in_dim3A_1273 = vector.shape_cast %select_n3A_1272 : vector<16xi32> to vector<16x1xi32>
        %gather3A_1274 = vector.shape_cast %broadcast_in_dim3A_1273 : vector<16x1xi32> to vector<16xi32>
        %gather3A_1275 = tpu.dynamic_gather %add3A_1254[%gather3A_1274] in [0] : vector<16xf32>, vector<16xi32> -> vector<16xf32>
        %add3A_1276 = arith.addf %add3A_1254, %gather3A_1275 : vector<16xf32>
        %iota3A_1277 = tpu.iota {dimensions = array<i32: 0>} : vector<16xi32>
        %xor3A_1278 = arith.constant 4 : i32
        %xor3A_1279 = vector.broadcast %xor3A_1278 : i32 to vector<16xi32>
        %xor3A_1280 = arith.xori %iota3A_1277, %xor3A_1279 : vector<16xi32>
        %lt3A_1281 = arith.constant 0 : i32
        %lt3A_1282 = vector.broadcast %lt3A_1281 : i32 to vector<16xi32>
        %lt3A_1283 = arith.cmpi slt, %xor3A_1280, %lt3A_1282 : vector<16xi32>
        %add3A_1284 = arith.constant 16 : i32
        %add3A_1285 = vector.broadcast %add3A_1284 : i32 to vector<16xi32>
        %add3A_1286 = arith.addi %xor3A_1280, %add3A_1285 : vector<16xi32>
        %select_n3A_1287 = arith.select %lt3A_1283, %add3A_1286, %xor3A_1280 : vector<16xi1>, vector<16xi32>
        %broadcast_in_dim3A_1288 = vector.shape_cast %select_n3A_1287 : vector<16xi32> to vector<16x1xi32>
        %gather3A_1289 = vector.shape_cast %broadcast_in_dim3A_1288 : vector<16x1xi32> to vector<16xi32>
        %gather3A_1290 = tpu.dynamic_gather %add3A_1276[%gather3A_1289] in [0] : vector<16xf32>, vector<16xi32> -> vector<16xf32>
        %add3A_1291 = arith.addf %add3A_1276, %gather3A_1290 : vector<16xf32>
        %iota3A_1292 = tpu.iota {dimensions = array<i32: 0>} : vector<16xi32>
        %xor3A_1293 = arith.constant 2 : i32
        %xor3A_1294 = vector.broadcast %xor3A_1293 : i32 to vector<16xi32>
        %xor3A_1295 = arith.xori %iota3A_1292, %xor3A_1294 : vector<16xi32>
        %lt3A_1296 = arith.constant 0 : i32
        %lt3A_1297 = vector.broadcast %lt3A_1296 : i32 to vector<16xi32>
        %lt3A_1298 = arith.cmpi slt, %xor3A_1295, %lt3A_1297 : vector<16xi32>
        %add3A_1299 = arith.constant 16 : i32
        %add3A_1300 = vector.broadcast %add3A_1299 : i32 to vector<16xi32>
        %add3A_1301 = arith.addi %xor3A_1295, %add3A_1300 : vector<16xi32>
        %select_n3A_1302 = arith.select %lt3A_1298, %add3A_1301, %xor3A_1295 : vector<16xi1>, vector<16xi32>
        %broadcast_in_dim3A_1303 = vector.shape_cast %select_n3A_1302 : vector<16xi32> to vector<16x1xi32>
        %gather3A_1304 = vector.shape_cast %broadcast_in_dim3A_1303 : vector<16x1xi32> to vector<16xi32>
        %gather3A_1305 = tpu.dynamic_gather %add3A_1291[%gather3A_1304] in [0] : vector<16xf32>, vector<16xi32> -> vector<16xf32>
        %add3A_1306 = arith.addf %add3A_1291, %gather3A_1305 : vector<16xf32>
        %iota3A_1307 = tpu.iota {dimensions = array<i32: 0>} : vector<16xi32>
        %xor3A_1308 = arith.constant 1 : i32
        %xor3A_1309 = vector.broadcast %xor3A_1308 : i32 to vector<16xi32>
        %xor3A_1310 = arith.xori %iota3A_1307, %xor3A_1309 : vector<16xi32>
        %lt3A_1311 = arith.constant 0 : i32
        %lt3A_1312 = vector.broadcast %lt3A_1311 : i32 to vector<16xi32>
        %lt3A_1313 = arith.cmpi slt, %xor3A_1310, %lt3A_1312 : vector<16xi32>
        %add3A_1314 = arith.constant 16 : i32
        %add3A_1315 = vector.broadcast %add3A_1314 : i32 to vector<16xi32>
        %add3A_1316 = arith.addi %xor3A_1310, %add3A_1315 : vector<16xi32>
        %select_n3A_1317 = arith.select %lt3A_1313, %add3A_1316, %xor3A_1310 : vector<16xi1>, vector<16xi32>
        %broadcast_in_dim3A_1318 = vector.shape_cast %select_n3A_1317 : vector<16xi32> to vector<16x1xi32>
        %gather3A_1319 = vector.shape_cast %broadcast_in_dim3A_1318 : vector<16x1xi32> to vector<16xi32>
        %gather3A_1320 = tpu.dynamic_gather %add3A_1306[%gather3A_1319] in [0] : vector<16xf32>, vector<16xi32> -> vector<16xf32>
        %add3A_1321 = arith.addf %add3A_1306, %gather3A_1320 : vector<16xf32>
        %mul3A_1322 = arith.constant 1.562500e-02 : f32
        %mul3A_1323 = vector.broadcast %mul3A_1322 : f32 to vector<16xf32>
        %mul3A_1324 = arith.mulf %add3A_1321, %mul3A_1323 : vector<16xf32>
        %iota3A_1325 = tpu.iota {dimensions = array<i32: 0>} : vector<16xi32>
        %xor3A_1326 = arith.constant 8 : i32
        %xor3A_1327 = vector.broadcast %xor3A_1326 : i32 to vector<16xi32>
        %xor3A_1328 = arith.xori %iota3A_1325, %xor3A_1327 : vector<16xi32>
        %lt3A_1329 = arith.constant 0 : i32
        %lt3A_1330 = vector.broadcast %lt3A_1329 : i32 to vector<16xi32>
        %lt3A_1331 = arith.cmpi slt, %xor3A_1328, %lt3A_1330 : vector<16xi32>
        %add3A_1332 = arith.constant 16 : i32
        %add3A_1333 = vector.broadcast %add3A_1332 : i32 to vector<16xi32>
        %add3A_1334 = arith.addi %xor3A_1328, %add3A_1333 : vector<16xi32>
        %select_n3A_1335 = arith.select %lt3A_1331, %add3A_1334, %xor3A_1328 : vector<16xi1>, vector<16xi32>
        %broadcast_in_dim3A_1336 = vector.shape_cast %select_n3A_1335 : vector<16xi32> to vector<16x1xi32>
        %gather3A_1337 = vector.shape_cast %broadcast_in_dim3A_1336 : vector<16x1xi32> to vector<16xi32>
        %gather3A_1338 = tpu.dynamic_gather %add3A_1261[%gather3A_1337] in [0] : vector<16xf32>, vector<16xi32> -> vector<16xf32>
        %add3A_1339 = arith.addf %add3A_1261, %gather3A_1338 : vector<16xf32>
        %iota3A_1340 = tpu.iota {dimensions = array<i32: 0>} : vector<16xi32>
        %xor3A_1341 = arith.constant 4 : i32
        %xor3A_1342 = vector.broadcast %xor3A_1341 : i32 to vector<16xi32>
        %xor3A_1343 = arith.xori %iota3A_1340, %xor3A_1342 : vector<16xi32>
        %lt3A_1344 = arith.constant 0 : i32
        %lt3A_1345 = vector.broadcast %lt3A_1344 : i32 to vector<16xi32>
        %lt3A_1346 = arith.cmpi slt, %xor3A_1343, %lt3A_1345 : vector<16xi32>
        %add3A_1347 = arith.constant 16 : i32
        %add3A_1348 = vector.broadcast %add3A_1347 : i32 to vector<16xi32>
        %add3A_1349 = arith.addi %xor3A_1343, %add3A_1348 : vector<16xi32>
        %select_n3A_1350 = arith.select %lt3A_1346, %add3A_1349, %xor3A_1343 : vector<16xi1>, vector<16xi32>
        %broadcast_in_dim3A_1351 = vector.shape_cast %select_n3A_1350 : vector<16xi32> to vector<16x1xi32>
        %gather3A_1352 = vector.shape_cast %broadcast_in_dim3A_1351 : vector<16x1xi32> to vector<16xi32>
        %gather3A_1353 = tpu.dynamic_gather %add3A_1339[%gather3A_1352] in [0] : vector<16xf32>, vector<16xi32> -> vector<16xf32>
        %add3A_1354 = arith.addf %add3A_1339, %gather3A_1353 : vector<16xf32>
        %iota3A_1355 = tpu.iota {dimensions = array<i32: 0>} : vector<16xi32>
        %xor3A_1356 = arith.constant 2 : i32
        %xor3A_1357 = vector.broadcast %xor3A_1356 : i32 to vector<16xi32>
        %xor3A_1358 = arith.xori %iota3A_1355, %xor3A_1357 : vector<16xi32>
        %lt3A_1359 = arith.constant 0 : i32
        %lt3A_1360 = vector.broadcast %lt3A_1359 : i32 to vector<16xi32>
        %lt3A_1361 = arith.cmpi slt, %xor3A_1358, %lt3A_1360 : vector<16xi32>
        %add3A_1362 = arith.constant 16 : i32
        %add3A_1363 = vector.broadcast %add3A_1362 : i32 to vector<16xi32>
        %add3A_1364 = arith.addi %xor3A_1358, %add3A_1363 : vector<16xi32>
        %select_n3A_1365 = arith.select %lt3A_1361, %add3A_1364, %xor3A_1358 : vector<16xi1>, vector<16xi32>
        %broadcast_in_dim3A_1366 = vector.shape_cast %select_n3A_1365 : vector<16xi32> to vector<16x1xi32>
        %gather3A_1367 = vector.shape_cast %broadcast_in_dim3A_1366 : vector<16x1xi32> to vector<16xi32>
        %gather3A_1368 = tpu.dynamic_gather %add3A_1354[%gather3A_1367] in [0] : vector<16xf32>, vector<16xi32> -> vector<16xf32>
        %add3A_1369 = arith.addf %add3A_1354, %gather3A_1368 : vector<16xf32>
        %iota3A_1370 = tpu.iota {dimensions = array<i32: 0>} : vector<16xi32>
        %xor3A_1371 = arith.constant 1 : i32
        %xor3A_1372 = vector.broadcast %xor3A_1371 : i32 to vector<16xi32>
        %xor3A_1373 = arith.xori %iota3A_1370, %xor3A_1372 : vector<16xi32>
        %lt3A_1374 = arith.constant 0 : i32
        %lt3A_1375 = vector.broadcast %lt3A_1374 : i32 to vector<16xi32>
        %lt3A_1376 = arith.cmpi slt, %xor3A_1373, %lt3A_1375 : vector<16xi32>
        %add3A_1377 = arith.constant 16 : i32
        %add3A_1378 = vector.broadcast %add3A_1377 : i32 to vector<16xi32>
        %add3A_1379 = arith.addi %xor3A_1373, %add3A_1378 : vector<16xi32>
        %select_n3A_1380 = arith.select %lt3A_1376, %add3A_1379, %xor3A_1373 : vector<16xi1>, vector<16xi32>
        %broadcast_in_dim3A_1381 = vector.shape_cast %select_n3A_1380 : vector<16xi32> to vector<16x1xi32>
        %gather3A_1382 = vector.shape_cast %broadcast_in_dim3A_1381 : vector<16x1xi32> to vector<16xi32>
        %gather3A_1383 = tpu.dynamic_gather %add3A_1369[%gather3A_1382] in [0] : vector<16xf32>, vector<16xi32> -> vector<16xf32>
        %add3A_1384 = arith.addf %add3A_1369, %gather3A_1383 : vector<16xf32>
        %mul3A_1385 = arith.constant 1.562500e-02 : f32
        %mul3A_1386 = vector.broadcast %mul3A_1385 : f32 to vector<16xf32>
        %mul3A_1387 = arith.mulf %add3A_1384, %mul3A_1386 : vector<16xf32>
        %mul3A_1388 = arith.mulf %mul3A_1324, %mul3A_1324 : vector<16xf32>
        %sub3A_1389 = arith.subf %mul3A_1387, %mul3A_1388 : vector<16xf32>
        %add3A_1390 = arith.constant 9.99999996E-13 : f32
        %add3A_1391 = vector.broadcast %add3A_1390 : f32 to vector<16xf32>
        %add3A_1392 = arith.addf %sub3A_1389, %add3A_1391 : vector<16xf32>
        %bitcast3A_1393 = vector.bitcast %add3A_1392 : vector<16xf32> to vector<16xi32>
        %shift_right_logical3A_1394 = arith.constant 1 : i32
        %shift_right_logical3A_1395 = vector.broadcast %shift_right_logical3A_1394 : i32 to vector<16xi32>
        %shift_right_logical3A_1396 = arith.shrui %bitcast3A_1393, %shift_right_logical3A_1395 : vector<16xi32>
        %sub3A_1397 = arith.constant 1597463007 : i32
        %sub3A_1398 = vector.broadcast %sub3A_1397 : i32 to vector<16xi32>
        %sub3A_1399 = arith.subi %sub3A_1398, %shift_right_logical3A_1396 : vector<16xi32>
        %bitcast3A_1400 = vector.bitcast %sub3A_1399 : vector<16xi32> to vector<16xf32>
        %mul3A_1401 = arith.constant 5.000000e-01 : f32
        %mul3A_1402 = vector.broadcast %mul3A_1401 : f32 to vector<16xf32>
        %mul3A_1403 = arith.mulf %mul3A_1402, %add3A_1392 : vector<16xf32>
        %mul3A_1404 = arith.mulf %mul3A_1403, %bitcast3A_1400 : vector<16xf32>
        %mul3A_1405 = arith.mulf %mul3A_1404, %bitcast3A_1400 : vector<16xf32>
        %sub3A_1406 = arith.constant 1.500000e+00 : f32
        %sub3A_1407 = vector.broadcast %sub3A_1406 : f32 to vector<16xf32>
        %sub3A_1408 = arith.subf %sub3A_1407, %mul3A_1405 : vector<16xf32>
        %mul3A_1409 = arith.mulf %bitcast3A_1400, %sub3A_1408 : vector<16xf32>
        %mul3A_1410 = arith.constant 5.000000e-01 : f32
        %mul3A_1411 = vector.broadcast %mul3A_1410 : f32 to vector<16xf32>
        %mul3A_1412 = arith.mulf %mul3A_1411, %add3A_1392 : vector<16xf32>
        %mul3A_1413 = arith.mulf %mul3A_1412, %mul3A_1409 : vector<16xf32>
        %mul3A_1414 = arith.mulf %mul3A_1413, %mul3A_1409 : vector<16xf32>
        %sub3A_1415 = arith.constant 1.500000e+00 : f32
        %sub3A_1416 = vector.broadcast %sub3A_1415 : f32 to vector<16xf32>
        %sub3A_1417 = arith.subf %sub3A_1416, %mul3A_1414 : vector<16xf32>
        %mul3A_1418 = arith.mulf %mul3A_1409, %sub3A_1417 : vector<16xf32>
        %sub3A_1419 = arith.subf %add3A_418, %mul3A_1324 : vector<16xf32>
        %mul3A_1420 = arith.mulf %mul3A_1418, %get3A_18 : vector<16xf32>
        %mul3A_1421 = arith.mulf %sub3A_1419, %mul3A_1420 : vector<16xf32>
        %add3A_1422 = arith.addf %mul3A_1421, %get3A_26 : vector<16xf32>
        %mul3A_1423 = arith.constant 64 : i32
        %mul3A_1424 = arith.muli %add3A_1251, %mul3A_1423 : i32
        %add3A_1425 = arith.constant 0 : i32
        %add3A_1426 = arith.addi %mul3A_1424, %add3A_1425 : i32
        %swap3A_1427 = arith.index_cast %add3A_1426 : i32 to index
        %swap3A_1428 = tpu.vector_load %arg21[%swap3A_1427] {strides = array<i32>} : memref<12800xf32, #tpu.memory_space<vmem>>, vector<16xf32>,
        tpu.vector_store %arg21[%swap3A_1427], %add3A_1422 {strides = array<i32>} : memref<12800xf32, #tpu.memory_space<vmem>>, vector<16xf32>,
        %sub3A_1429 = arith.subf %add3A_435, %mul3A_1324 : vector<16xf32>
        %mul3A_1430 = arith.mulf %mul3A_1418, %get3A_20 : vector<16xf32>
        %mul3A_1431 = arith.mulf %sub3A_1429, %mul3A_1430 : vector<16xf32>
        %add3A_1432 = arith.addf %mul3A_1431, %get3A_28 : vector<16xf32>
        %mul3A_1433 = arith.constant 64 : i32
        %mul3A_1434 = arith.muli %add3A_1251, %mul3A_1433 : i32
        %add3A_1435 = arith.constant 16 : i32
        %add3A_1436 = arith.addi %mul3A_1434, %add3A_1435 : i32
        %swap3A_1437 = arith.index_cast %add3A_1436 : i32 to index
        %swap3A_1438 = tpu.vector_load %arg21[%swap3A_1437] {strides = array<i32>} : memref<12800xf32, #tpu.memory_space<vmem>>, vector<16xf32>,
        tpu.vector_store %arg21[%swap3A_1437], %add3A_1432 {strides = array<i32>} : memref<12800xf32, #tpu.memory_space<vmem>>, vector<16xf32>,
        %sub3A_1439 = arith.subf %add3A_452, %mul3A_1324 : vector<16xf32>
        %mul3A_1440 = arith.mulf %mul3A_1418, %get3A_22 : vector<16xf32>
        %mul3A_1441 = arith.mulf %sub3A_1439, %mul3A_1440 : vector<16xf32>
        %add3A_1442 = arith.addf %mul3A_1441, %get3A_30 : vector<16xf32>
        %mul3A_1443 = arith.constant 64 : i32
        %mul3A_1444 = arith.muli %add3A_1251, %mul3A_1443 : i32
        %add3A_1445 = arith.constant 32 : i32
        %add3A_1446 = arith.addi %mul3A_1444, %add3A_1445 : i32
        %swap3A_1447 = arith.index_cast %add3A_1446 : i32 to index
        %swap3A_1448 = tpu.vector_load %arg21[%swap3A_1447] {strides = array<i32>} : memref<12800xf32, #tpu.memory_space<vmem>>, vector<16xf32>,
        tpu.vector_store %arg21[%swap3A_1447], %add3A_1442 {strides = array<i32>} : memref<12800xf32, #tpu.memory_space<vmem>>, vector<16xf32>,
        %sub3A_1449 = arith.subf %add3A_469, %mul3A_1324 : vector<16xf32>
        %mul3A_1450 = arith.mulf %mul3A_1418, %get3A_24 : vector<16xf32>
        %mul3A_1451 = arith.mulf %sub3A_1449, %mul3A_1450 : vector<16xf32>
        %add3A_1452 = arith.addf %mul3A_1451, %get3A_32 : vector<16xf32>
        %mul3A_1453 = arith.constant 64 : i32
        %mul3A_1454 = arith.muli %add3A_1251, %mul3A_1453 : i32
        %add3A_1455 = arith.constant 48 : i32
        %add3A_1456 = arith.addi %mul3A_1454, %add3A_1455 : i32
        %swap3A_1457 = arith.index_cast %add3A_1456 : i32 to index
        %swap3A_1458 = tpu.vector_load %arg21[%swap3A_1457] {strides = array<i32>} : memref<12800xf32, #tpu.memory_space<vmem>>, vector<16xf32>,
        tpu.vector_store %arg21[%swap3A_1457], %add3A_1452 {strides = array<i32>} : memref<12800xf32, #tpu.memory_space<vmem>>, vector<16xf32>,
        %add3A_1459 = arith.constant 3 : i32
        %add3A_1460 = arith.addi %mul3A_239, %add3A_1459 : i32
        %add3A_1461 = arith.addf %add3A_492, %add3A_509 : vector<16xf32>
        %add3A_1462 = arith.addf %add3A_526, %add3A_543 : vector<16xf32>
        %add3A_1463 = arith.addf %add3A_1461, %add3A_1462 : vector<16xf32>
        %mul3A_1464 = arith.mulf %add3A_492, %add3A_492 : vector<16xf32>
        %mul3A_1465 = arith.mulf %add3A_509, %add3A_509 : vector<16xf32>
        %add3A_1466 = arith.addf %mul3A_1464, %mul3A_1465 : vector<16xf32>
        %mul3A_1467 = arith.mulf %add3A_526, %add3A_526 : vector<16xf32>
        %mul3A_1468 = arith.mulf %add3A_543, %add3A_543 : vector<16xf32>
        %add3A_1469 = arith.addf %mul3A_1467, %mul3A_1468 : vector<16xf32>
        %add3A_1470 = arith.addf %add3A_1466, %add3A_1469 : vector<16xf32>
        %iota3A_1471 = tpu.iota {dimensions = array<i32: 0>} : vector<16xi32>
        %xor3A_1472 = arith.constant 8 : i32
        %xor3A_1473 = vector.broadcast %xor3A_1472 : i32 to vector<16xi32>
        %xor3A_1474 = arith.xori %iota3A_1471, %xor3A_1473 : vector<16xi32>
        %lt3A_1475 = arith.constant 0 : i32
        %lt3A_1476 = vector.broadcast %lt3A_1475 : i32 to vector<16xi32>
        %lt3A_1477 = arith.cmpi slt, %xor3A_1474, %lt3A_1476 : vector<16xi32>
        %add3A_1478 = arith.constant 16 : i32
        %add3A_1479 = vector.broadcast %add3A_1478 : i32 to vector<16xi32>
        %add3A_1480 = arith.addi %xor3A_1474, %add3A_1479 : vector<16xi32>
        %select_n3A_1481 = arith.select %lt3A_1477, %add3A_1480, %xor3A_1474 : vector<16xi1>, vector<16xi32>
        %broadcast_in_dim3A_1482 = vector.shape_cast %select_n3A_1481 : vector<16xi32> to vector<16x1xi32>
        %gather3A_1483 = vector.shape_cast %broadcast_in_dim3A_1482 : vector<16x1xi32> to vector<16xi32>
        %gather3A_1484 = tpu.dynamic_gather %add3A_1463[%gather3A_1483] in [0] : vector<16xf32>, vector<16xi32> -> vector<16xf32>
        %add3A_1485 = arith.addf %add3A_1463, %gather3A_1484 : vector<16xf32>
        %iota3A_1486 = tpu.iota {dimensions = array<i32: 0>} : vector<16xi32>
        %xor3A_1487 = arith.constant 4 : i32
        %xor3A_1488 = vector.broadcast %xor3A_1487 : i32 to vector<16xi32>
        %xor3A_1489 = arith.xori %iota3A_1486, %xor3A_1488 : vector<16xi32>
        %lt3A_1490 = arith.constant 0 : i32
        %lt3A_1491 = vector.broadcast %lt3A_1490 : i32 to vector<16xi32>
        %lt3A_1492 = arith.cmpi slt, %xor3A_1489, %lt3A_1491 : vector<16xi32>
        %add3A_1493 = arith.constant 16 : i32
        %add3A_1494 = vector.broadcast %add3A_1493 : i32 to vector<16xi32>
        %add3A_1495 = arith.addi %xor3A_1489, %add3A_1494 : vector<16xi32>
        %select_n3A_1496 = arith.select %lt3A_1492, %add3A_1495, %xor3A_1489 : vector<16xi1>, vector<16xi32>
        %broadcast_in_dim3A_1497 = vector.shape_cast %select_n3A_1496 : vector<16xi32> to vector<16x1xi32>
        %gather3A_1498 = vector.shape_cast %broadcast_in_dim3A_1497 : vector<16x1xi32> to vector<16xi32>
        %gather3A_1499 = tpu.dynamic_gather %add3A_1485[%gather3A_1498] in [0] : vector<16xf32>, vector<16xi32> -> vector<16xf32>
        %add3A_1500 = arith.addf %add3A_1485, %gather3A_1499 : vector<16xf32>
        %iota3A_1501 = tpu.iota {dimensions = array<i32: 0>} : vector<16xi32>
        %xor3A_1502 = arith.constant 2 : i32
        %xor3A_1503 = vector.broadcast %xor3A_1502 : i32 to vector<16xi32>
        %xor3A_1504 = arith.xori %iota3A_1501, %xor3A_1503 : vector<16xi32>
        %lt3A_1505 = arith.constant 0 : i32
        %lt3A_1506 = vector.broadcast %lt3A_1505 : i32 to vector<16xi32>
        %lt3A_1507 = arith.cmpi slt, %xor3A_1504, %lt3A_1506 : vector<16xi32>
        %add3A_1508 = arith.constant 16 : i32
        %add3A_1509 = vector.broadcast %add3A_1508 : i32 to vector<16xi32>
        %add3A_1510 = arith.addi %xor3A_1504, %add3A_1509 : vector<16xi32>
        %select_n3A_1511 = arith.select %lt3A_1507, %add3A_1510, %xor3A_1504 : vector<16xi1>, vector<16xi32>
        %broadcast_in_dim3A_1512 = vector.shape_cast %select_n3A_1511 : vector<16xi32> to vector<16x1xi32>
        %gather3A_1513 = vector.shape_cast %broadcast_in_dim3A_1512 : vector<16x1xi32> to vector<16xi32>
        %gather3A_1514 = tpu.dynamic_gather %add3A_1500[%gather3A_1513] in [0] : vector<16xf32>, vector<16xi32> -> vector<16xf32>
        %add3A_1515 = arith.addf %add3A_1500, %gather3A_1514 : vector<16xf32>
        %iota3A_1516 = tpu.iota {dimensions = array<i32: 0>} : vector<16xi32>
        %xor3A_1517 = arith.constant 1 : i32
        %xor3A_1518 = vector.broadcast %xor3A_1517 : i32 to vector<16xi32>
        %xor3A_1519 = arith.xori %iota3A_1516, %xor3A_1518 : vector<16xi32>
        %lt3A_1520 = arith.constant 0 : i32
        %lt3A_1521 = vector.broadcast %lt3A_1520 : i32 to vector<16xi32>
        %lt3A_1522 = arith.cmpi slt, %xor3A_1519, %lt3A_1521 : vector<16xi32>
        %add3A_1523 = arith.constant 16 : i32
        %add3A_1524 = vector.broadcast %add3A_1523 : i32 to vector<16xi32>
        %add3A_1525 = arith.addi %xor3A_1519, %add3A_1524 : vector<16xi32>
        %select_n3A_1526 = arith.select %lt3A_1522, %add3A_1525, %xor3A_1519 : vector<16xi1>, vector<16xi32>
        %broadcast_in_dim3A_1527 = vector.shape_cast %select_n3A_1526 : vector<16xi32> to vector<16x1xi32>
        %gather3A_1528 = vector.shape_cast %broadcast_in_dim3A_1527 : vector<16x1xi32> to vector<16xi32>
        %gather3A_1529 = tpu.dynamic_gather %add3A_1515[%gather3A_1528] in [0] : vector<16xf32>, vector<16xi32> -> vector<16xf32>
        %add3A_1530 = arith.addf %add3A_1515, %gather3A_1529 : vector<16xf32>
        %mul3A_1531 = arith.constant 1.562500e-02 : f32
        %mul3A_1532 = vector.broadcast %mul3A_1531 : f32 to vector<16xf32>
        %mul3A_1533 = arith.mulf %add3A_1530, %mul3A_1532 : vector<16xf32>
        %iota3A_1534 = tpu.iota {dimensions = array<i32: 0>} : vector<16xi32>
        %xor3A_1535 = arith.constant 8 : i32
        %xor3A_1536 = vector.broadcast %xor3A_1535 : i32 to vector<16xi32>
        %xor3A_1537 = arith.xori %iota3A_1534, %xor3A_1536 : vector<16xi32>
        %lt3A_1538 = arith.constant 0 : i32
        %lt3A_1539 = vector.broadcast %lt3A_1538 : i32 to vector<16xi32>
        %lt3A_1540 = arith.cmpi slt, %xor3A_1537, %lt3A_1539 : vector<16xi32>
        %add3A_1541 = arith.constant 16 : i32
        %add3A_1542 = vector.broadcast %add3A_1541 : i32 to vector<16xi32>
        %add3A_1543 = arith.addi %xor3A_1537, %add3A_1542 : vector<16xi32>
        %select_n3A_1544 = arith.select %lt3A_1540, %add3A_1543, %xor3A_1537 : vector<16xi1>, vector<16xi32>
        %broadcast_in_dim3A_1545 = vector.shape_cast %select_n3A_1544 : vector<16xi32> to vector<16x1xi32>
        %gather3A_1546 = vector.shape_cast %broadcast_in_dim3A_1545 : vector<16x1xi32> to vector<16xi32>
        %gather3A_1547 = tpu.dynamic_gather %add3A_1470[%gather3A_1546] in [0] : vector<16xf32>, vector<16xi32> -> vector<16xf32>
        %add3A_1548 = arith.addf %add3A_1470, %gather3A_1547 : vector<16xf32>
        %iota3A_1549 = tpu.iota {dimensions = array<i32: 0>} : vector<16xi32>
        %xor3A_1550 = arith.constant 4 : i32
        %xor3A_1551 = vector.broadcast %xor3A_1550 : i32 to vector<16xi32>
        %xor3A_1552 = arith.xori %iota3A_1549, %xor3A_1551 : vector<16xi32>
        %lt3A_1553 = arith.constant 0 : i32
        %lt3A_1554 = vector.broadcast %lt3A_1553 : i32 to vector<16xi32>
        %lt3A_1555 = arith.cmpi slt, %xor3A_1552, %lt3A_1554 : vector<16xi32>
        %add3A_1556 = arith.constant 16 : i32
        %add3A_1557 = vector.broadcast %add3A_1556 : i32 to vector<16xi32>
        %add3A_1558 = arith.addi %xor3A_1552, %add3A_1557 : vector<16xi32>
        %select_n3A_1559 = arith.select %lt3A_1555, %add3A_1558, %xor3A_1552 : vector<16xi1>, vector<16xi32>
        %broadcast_in_dim3A_1560 = vector.shape_cast %select_n3A_1559 : vector<16xi32> to vector<16x1xi32>
        %gather3A_1561 = vector.shape_cast %broadcast_in_dim3A_1560 : vector<16x1xi32> to vector<16xi32>
        %gather3A_1562 = tpu.dynamic_gather %add3A_1548[%gather3A_1561] in [0] : vector<16xf32>, vector<16xi32> -> vector<16xf32>
        %add3A_1563 = arith.addf %add3A_1548, %gather3A_1562 : vector<16xf32>
        %iota3A_1564 = tpu.iota {dimensions = array<i32: 0>} : vector<16xi32>
        %xor3A_1565 = arith.constant 2 : i32
        %xor3A_1566 = vector.broadcast %xor3A_1565 : i32 to vector<16xi32>
        %xor3A_1567 = arith.xori %iota3A_1564, %xor3A_1566 : vector<16xi32>
        %lt3A_1568 = arith.constant 0 : i32
        %lt3A_1569 = vector.broadcast %lt3A_1568 : i32 to vector<16xi32>
        %lt3A_1570 = arith.cmpi slt, %xor3A_1567, %lt3A_1569 : vector<16xi32>
        %add3A_1571 = arith.constant 16 : i32
        %add3A_1572 = vector.broadcast %add3A_1571 : i32 to vector<16xi32>
        %add3A_1573 = arith.addi %xor3A_1567, %add3A_1572 : vector<16xi32>
        %select_n3A_1574 = arith.select %lt3A_1570, %add3A_1573, %xor3A_1567 : vector<16xi1>, vector<16xi32>
        %broadcast_in_dim3A_1575 = vector.shape_cast %select_n3A_1574 : vector<16xi32> to vector<16x1xi32>
        %gather3A_1576 = vector.shape_cast %broadcast_in_dim3A_1575 : vector<16x1xi32> to vector<16xi32>
        %gather3A_1577 = tpu.dynamic_gather %add3A_1563[%gather3A_1576] in [0] : vector<16xf32>, vector<16xi32> -> vector<16xf32>
        %add3A_1578 = arith.addf %add3A_1563, %gather3A_1577 : vector<16xf32>
        %iota3A_1579 = tpu.iota {dimensions = array<i32: 0>} : vector<16xi32>
        %xor3A_1580 = arith.constant 1 : i32
        %xor3A_1581 = vector.broadcast %xor3A_1580 : i32 to vector<16xi32>
        %xor3A_1582 = arith.xori %iota3A_1579, %xor3A_1581 : vector<16xi32>
        %lt3A_1583 = arith.constant 0 : i32
        %lt3A_1584 = vector.broadcast %lt3A_1583 : i32 to vector<16xi32>
        %lt3A_1585 = arith.cmpi slt, %xor3A_1582, %lt3A_1584 : vector<16xi32>
        %add3A_1586 = arith.constant 16 : i32
        %add3A_1587 = vector.broadcast %add3A_1586 : i32 to vector<16xi32>
        %add3A_1588 = arith.addi %xor3A_1582, %add3A_1587 : vector<16xi32>
        %select_n3A_1589 = arith.select %lt3A_1585, %add3A_1588, %xor3A_1582 : vector<16xi1>, vector<16xi32>
        %broadcast_in_dim3A_1590 = vector.shape_cast %select_n3A_1589 : vector<16xi32> to vector<16x1xi32>
        %gather3A_1591 = vector.shape_cast %broadcast_in_dim3A_1590 : vector<16x1xi32> to vector<16xi32>
        %gather3A_1592 = tpu.dynamic_gather %add3A_1578[%gather3A_1591] in [0] : vector<16xf32>, vector<16xi32> -> vector<16xf32>
        %add3A_1593 = arith.addf %add3A_1578, %gather3A_1592 : vector<16xf32>
        %mul3A_1594 = arith.constant 1.562500e-02 : f32
        %mul3A_1595 = vector.broadcast %mul3A_1594 : f32 to vector<16xf32>
        %mul3A_1596 = arith.mulf %add3A_1593, %mul3A_1595 : vector<16xf32>
        %mul3A_1597 = arith.mulf %mul3A_1533, %mul3A_1533 : vector<16xf32>
        %sub3A_1598 = arith.subf %mul3A_1596, %mul3A_1597 : vector<16xf32>
        %add3A_1599 = arith.constant 9.99999996E-13 : f32
        %add3A_1600 = vector.broadcast %add3A_1599 : f32 to vector<16xf32>
        %add3A_1601 = arith.addf %sub3A_1598, %add3A_1600 : vector<16xf32>
        %bitcast3A_1602 = vector.bitcast %add3A_1601 : vector<16xf32> to vector<16xi32>
        %shift_right_logical3A_1603 = arith.constant 1 : i32
        %shift_right_logical3A_1604 = vector.broadcast %shift_right_logical3A_1603 : i32 to vector<16xi32>
        %shift_right_logical3A_1605 = arith.shrui %bitcast3A_1602, %shift_right_logical3A_1604 : vector<16xi32>
        %sub3A_1606 = arith.constant 1597463007 : i32
        %sub3A_1607 = vector.broadcast %sub3A_1606 : i32 to vector<16xi32>
        %sub3A_1608 = arith.subi %sub3A_1607, %shift_right_logical3A_1605 : vector<16xi32>
        %bitcast3A_1609 = vector.bitcast %sub3A_1608 : vector<16xi32> to vector<16xf32>
        %mul3A_1610 = arith.constant 5.000000e-01 : f32
        %mul3A_1611 = vector.broadcast %mul3A_1610 : f32 to vector<16xf32>
        %mul3A_1612 = arith.mulf %mul3A_1611, %add3A_1601 : vector<16xf32>
        %mul3A_1613 = arith.mulf %mul3A_1612, %bitcast3A_1609 : vector<16xf32>
        %mul3A_1614 = arith.mulf %mul3A_1613, %bitcast3A_1609 : vector<16xf32>
        %sub3A_1615 = arith.constant 1.500000e+00 : f32
        %sub3A_1616 = vector.broadcast %sub3A_1615 : f32 to vector<16xf32>
        %sub3A_1617 = arith.subf %sub3A_1616, %mul3A_1614 : vector<16xf32>
        %mul3A_1618 = arith.mulf %bitcast3A_1609, %sub3A_1617 : vector<16xf32>
        %mul3A_1619 = arith.constant 5.000000e-01 : f32
        %mul3A_1620 = vector.broadcast %mul3A_1619 : f32 to vector<16xf32>
        %mul3A_1621 = arith.mulf %mul3A_1620, %add3A_1601 : vector<16xf32>
        %mul3A_1622 = arith.mulf %mul3A_1621, %mul3A_1618 : vector<16xf32>
        %mul3A_1623 = arith.mulf %mul3A_1622, %mul3A_1618 : vector<16xf32>
        %sub3A_1624 = arith.constant 1.500000e+00 : f32
        %sub3A_1625 = vector.broadcast %sub3A_1624 : f32 to vector<16xf32>
        %sub3A_1626 = arith.subf %sub3A_1625, %mul3A_1623 : vector<16xf32>
        %mul3A_1627 = arith.mulf %mul3A_1618, %sub3A_1626 : vector<16xf32>
        %sub3A_1628 = arith.subf %add3A_492, %mul3A_1533 : vector<16xf32>
        %mul3A_1629 = arith.mulf %mul3A_1627, %get3A_18 : vector<16xf32>
        %mul3A_1630 = arith.mulf %sub3A_1628, %mul3A_1629 : vector<16xf32>
        %add3A_1631 = arith.addf %mul3A_1630, %get3A_26 : vector<16xf32>
        %mul3A_1632 = arith.constant 64 : i32
        %mul3A_1633 = arith.muli %add3A_1460, %mul3A_1632 : i32
        %add3A_1634 = arith.constant 0 : i32
        %add3A_1635 = arith.addi %mul3A_1633, %add3A_1634 : i32
        %swap3A_1636 = arith.index_cast %add3A_1635 : i32 to index
        %swap3A_1637 = tpu.vector_load %arg21[%swap3A_1636] {strides = array<i32>} : memref<12800xf32, #tpu.memory_space<vmem>>, vector<16xf32>,
        tpu.vector_store %arg21[%swap3A_1636], %add3A_1631 {strides = array<i32>} : memref<12800xf32, #tpu.memory_space<vmem>>, vector<16xf32>,
        %sub3A_1638 = arith.subf %add3A_509, %mul3A_1533 : vector<16xf32>
        %mul3A_1639 = arith.mulf %mul3A_1627, %get3A_20 : vector<16xf32>
        %mul3A_1640 = arith.mulf %sub3A_1638, %mul3A_1639 : vector<16xf32>
        %add3A_1641 = arith.addf %mul3A_1640, %get3A_28 : vector<16xf32>
        %mul3A_1642 = arith.constant 64 : i32
        %mul3A_1643 = arith.muli %add3A_1460, %mul3A_1642 : i32
        %add3A_1644 = arith.constant 16 : i32
        %add3A_1645 = arith.addi %mul3A_1643, %add3A_1644 : i32
        %swap3A_1646 = arith.index_cast %add3A_1645 : i32 to index
        %swap3A_1647 = tpu.vector_load %arg21[%swap3A_1646] {strides = array<i32>} : memref<12800xf32, #tpu.memory_space<vmem>>, vector<16xf32>,
        tpu.vector_store %arg21[%swap3A_1646], %add3A_1641 {strides = array<i32>} : memref<12800xf32, #tpu.memory_space<vmem>>, vector<16xf32>,
        %sub3A_1648 = arith.subf %add3A_526, %mul3A_1533 : vector<16xf32>
        %mul3A_1649 = arith.mulf %mul3A_1627, %get3A_22 : vector<16xf32>
        %mul3A_1650 = arith.mulf %sub3A_1648, %mul3A_1649 : vector<16xf32>
        %add3A_1651 = arith.addf %mul3A_1650, %get3A_30 : vector<16xf32>
        %mul3A_1652 = arith.constant 64 : i32
        %mul3A_1653 = arith.muli %add3A_1460, %mul3A_1652 : i32
        %add3A_1654 = arith.constant 32 : i32
        %add3A_1655 = arith.addi %mul3A_1653, %add3A_1654 : i32
        %swap3A_1656 = arith.index_cast %add3A_1655 : i32 to index
        %swap3A_1657 = tpu.vector_load %arg21[%swap3A_1656] {strides = array<i32>} : memref<12800xf32, #tpu.memory_space<vmem>>, vector<16xf32>,
        tpu.vector_store %arg21[%swap3A_1656], %add3A_1651 {strides = array<i32>} : memref<12800xf32, #tpu.memory_space<vmem>>, vector<16xf32>,
        %sub3A_1658 = arith.subf %add3A_543, %mul3A_1533 : vector<16xf32>
        %mul3A_1659 = arith.mulf %mul3A_1627, %get3A_24 : vector<16xf32>
        %mul3A_1660 = arith.mulf %sub3A_1658, %mul3A_1659 : vector<16xf32>
        %add3A_1661 = arith.addf %mul3A_1660, %get3A_32 : vector<16xf32>
        %mul3A_1662 = arith.constant 64 : i32
        %mul3A_1663 = arith.muli %add3A_1460, %mul3A_1662 : i32
        %add3A_1664 = arith.constant 48 : i32
        %add3A_1665 = arith.addi %mul3A_1663, %add3A_1664 : i32
        %swap3A_1666 = arith.index_cast %add3A_1665 : i32 to index
        %swap3A_1667 = tpu.vector_load %arg21[%swap3A_1666] {strides = array<i32>} : memref<12800xf32, #tpu.memory_space<vmem>>, vector<16xf32>,
        tpu.vector_store %arg21[%swap3A_1666], %add3A_1661 {strides = array<i32>} : memref<12800xf32, #tpu.memory_space<vmem>>, vector<16xf32>,
        %add3A_1668 = arith.constant 4 : i32
        %add3A_1669 = arith.addi %mul3A_239, %add3A_1668 : i32
        %add3A_1670 = arith.addf %add3A_566, %add3A_583 : vector<16xf32>
        %add3A_1671 = arith.addf %add3A_600, %add3A_617 : vector<16xf32>
        %add3A_1672 = arith.addf %add3A_1670, %add3A_1671 : vector<16xf32>
        %mul3A_1673 = arith.mulf %add3A_566, %add3A_566 : vector<16xf32>
        %mul3A_1674 = arith.mulf %add3A_583, %add3A_583 : vector<16xf32>
        %add3A_1675 = arith.addf %mul3A_1673, %mul3A_1674 : vector<16xf32>
        %mul3A_1676 = arith.mulf %add3A_600, %add3A_600 : vector<16xf32>
        %mul3A_1677 = arith.mulf %add3A_617, %add3A_617 : vector<16xf32>
        %add3A_1678 = arith.addf %mul3A_1676, %mul3A_1677 : vector<16xf32>
        %add3A_1679 = arith.addf %add3A_1675, %add3A_1678 : vector<16xf32>
        %iota3A_1680 = tpu.iota {dimensions = array<i32: 0>} : vector<16xi32>
        %xor3A_1681 = arith.constant 8 : i32
        %xor3A_1682 = vector.broadcast %xor3A_1681 : i32 to vector<16xi32>
        %xor3A_1683 = arith.xori %iota3A_1680, %xor3A_1682 : vector<16xi32>
        %lt3A_1684 = arith.constant 0 : i32
        %lt3A_1685 = vector.broadcast %lt3A_1684 : i32 to vector<16xi32>
        %lt3A_1686 = arith.cmpi slt, %xor3A_1683, %lt3A_1685 : vector<16xi32>
        %add3A_1687 = arith.constant 16 : i32
        %add3A_1688 = vector.broadcast %add3A_1687 : i32 to vector<16xi32>
        %add3A_1689 = arith.addi %xor3A_1683, %add3A_1688 : vector<16xi32>
        %select_n3A_1690 = arith.select %lt3A_1686, %add3A_1689, %xor3A_1683 : vector<16xi1>, vector<16xi32>
        %broadcast_in_dim3A_1691 = vector.shape_cast %select_n3A_1690 : vector<16xi32> to vector<16x1xi32>
        %gather3A_1692 = vector.shape_cast %broadcast_in_dim3A_1691 : vector<16x1xi32> to vector<16xi32>
        %gather3A_1693 = tpu.dynamic_gather %add3A_1672[%gather3A_1692] in [0] : vector<16xf32>, vector<16xi32> -> vector<16xf32>
        %add3A_1694 = arith.addf %add3A_1672, %gather3A_1693 : vector<16xf32>
        %iota3A_1695 = tpu.iota {dimensions = array<i32: 0>} : vector<16xi32>
        %xor3A_1696 = arith.constant 4 : i32
        %xor3A_1697 = vector.broadcast %xor3A_1696 : i32 to vector<16xi32>
        %xor3A_1698 = arith.xori %iota3A_1695, %xor3A_1697 : vector<16xi32>
        %lt3A_1699 = arith.constant 0 : i32
        %lt3A_1700 = vector.broadcast %lt3A_1699 : i32 to vector<16xi32>
        %lt3A_1701 = arith.cmpi slt, %xor3A_1698, %lt3A_1700 : vector<16xi32>
        %add3A_1702 = arith.constant 16 : i32
        %add3A_1703 = vector.broadcast %add3A_1702 : i32 to vector<16xi32>
        %add3A_1704 = arith.addi %xor3A_1698, %add3A_1703 : vector<16xi32>
        %select_n3A_1705 = arith.select %lt3A_1701, %add3A_1704, %xor3A_1698 : vector<16xi1>, vector<16xi32>
        %broadcast_in_dim3A_1706 = vector.shape_cast %select_n3A_1705 : vector<16xi32> to vector<16x1xi32>
        %gather3A_1707 = vector.shape_cast %broadcast_in_dim3A_1706 : vector<16x1xi32> to vector<16xi32>
        %gather3A_1708 = tpu.dynamic_gather %add3A_1694[%gather3A_1707] in [0] : vector<16xf32>, vector<16xi32> -> vector<16xf32>
        %add3A_1709 = arith.addf %add3A_1694, %gather3A_1708 : vector<16xf32>
        %iota3A_1710 = tpu.iota {dimensions = array<i32: 0>} : vector<16xi32>
        %xor3A_1711 = arith.constant 2 : i32
        %xor3A_1712 = vector.broadcast %xor3A_1711 : i32 to vector<16xi32>
        %xor3A_1713 = arith.xori %iota3A_1710, %xor3A_1712 : vector<16xi32>
        %lt3A_1714 = arith.constant 0 : i32
        %lt3A_1715 = vector.broadcast %lt3A_1714 : i32 to vector<16xi32>
        %lt3A_1716 = arith.cmpi slt, %xor3A_1713, %lt3A_1715 : vector<16xi32>
        %add3A_1717 = arith.constant 16 : i32
        %add3A_1718 = vector.broadcast %add3A_1717 : i32 to vector<16xi32>
        %add3A_1719 = arith.addi %xor3A_1713, %add3A_1718 : vector<16xi32>
        %select_n3A_1720 = arith.select %lt3A_1716, %add3A_1719, %xor3A_1713 : vector<16xi1>, vector<16xi32>
        %broadcast_in_dim3A_1721 = vector.shape_cast %select_n3A_1720 : vector<16xi32> to vector<16x1xi32>
        %gather3A_1722 = vector.shape_cast %broadcast_in_dim3A_1721 : vector<16x1xi32> to vector<16xi32>
        %gather3A_1723 = tpu.dynamic_gather %add3A_1709[%gather3A_1722] in [0] : vector<16xf32>, vector<16xi32> -> vector<16xf32>
        %add3A_1724 = arith.addf %add3A_1709, %gather3A_1723 : vector<16xf32>
        %iota3A_1725 = tpu.iota {dimensions = array<i32: 0>} : vector<16xi32>
        %xor3A_1726 = arith.constant 1 : i32
        %xor3A_1727 = vector.broadcast %xor3A_1726 : i32 to vector<16xi32>
        %xor3A_1728 = arith.xori %iota3A_1725, %xor3A_1727 : vector<16xi32>
        %lt3A_1729 = arith.constant 0 : i32
        %lt3A_1730 = vector.broadcast %lt3A_1729 : i32 to vector<16xi32>
        %lt3A_1731 = arith.cmpi slt, %xor3A_1728, %lt3A_1730 : vector<16xi32>
        %add3A_1732 = arith.constant 16 : i32
        %add3A_1733 = vector.broadcast %add3A_1732 : i32 to vector<16xi32>
        %add3A_1734 = arith.addi %xor3A_1728, %add3A_1733 : vector<16xi32>
        %select_n3A_1735 = arith.select %lt3A_1731, %add3A_1734, %xor3A_1728 : vector<16xi1>, vector<16xi32>
        %broadcast_in_dim3A_1736 = vector.shape_cast %select_n3A_1735 : vector<16xi32> to vector<16x1xi32>
        %gather3A_1737 = vector.shape_cast %broadcast_in_dim3A_1736 : vector<16x1xi32> to vector<16xi32>
        %gather3A_1738 = tpu.dynamic_gather %add3A_1724[%gather3A_1737] in [0] : vector<16xf32>, vector<16xi32> -> vector<16xf32>
        %add3A_1739 = arith.addf %add3A_1724, %gather3A_1738 : vector<16xf32>
        %mul3A_1740 = arith.constant 1.562500e-02 : f32
        %mul3A_1741 = vector.broadcast %mul3A_1740 : f32 to vector<16xf32>
        %mul3A_1742 = arith.mulf %add3A_1739, %mul3A_1741 : vector<16xf32>
        %iota3A_1743 = tpu.iota {dimensions = array<i32: 0>} : vector<16xi32>
        %xor3A_1744 = arith.constant 8 : i32
        %xor3A_1745 = vector.broadcast %xor3A_1744 : i32 to vector<16xi32>
        %xor3A_1746 = arith.xori %iota3A_1743, %xor3A_1745 : vector<16xi32>
        %lt3A_1747 = arith.constant 0 : i32
        %lt3A_1748 = vector.broadcast %lt3A_1747 : i32 to vector<16xi32>
        %lt3A_1749 = arith.cmpi slt, %xor3A_1746, %lt3A_1748 : vector<16xi32>
        %add3A_1750 = arith.constant 16 : i32
        %add3A_1751 = vector.broadcast %add3A_1750 : i32 to vector<16xi32>
        %add3A_1752 = arith.addi %xor3A_1746, %add3A_1751 : vector<16xi32>
        %select_n3A_1753 = arith.select %lt3A_1749, %add3A_1752, %xor3A_1746 : vector<16xi1>, vector<16xi32>
        %broadcast_in_dim3A_1754 = vector.shape_cast %select_n3A_1753 : vector<16xi32> to vector<16x1xi32>
        %gather3A_1755 = vector.shape_cast %broadcast_in_dim3A_1754 : vector<16x1xi32> to vector<16xi32>
        %gather3A_1756 = tpu.dynamic_gather %add3A_1679[%gather3A_1755] in [0] : vector<16xf32>, vector<16xi32> -> vector<16xf32>
        %add3A_1757 = arith.addf %add3A_1679, %gather3A_1756 : vector<16xf32>
        %iota3A_1758 = tpu.iota {dimensions = array<i32: 0>} : vector<16xi32>
        %xor3A_1759 = arith.constant 4 : i32
        %xor3A_1760 = vector.broadcast %xor3A_1759 : i32 to vector<16xi32>
        %xor3A_1761 = arith.xori %iota3A_1758, %xor3A_1760 : vector<16xi32>
        %lt3A_1762 = arith.constant 0 : i32
        %lt3A_1763 = vector.broadcast %lt3A_1762 : i32 to vector<16xi32>
        %lt3A_1764 = arith.cmpi slt, %xor3A_1761, %lt3A_1763 : vector<16xi32>
        %add3A_1765 = arith.constant 16 : i32
        %add3A_1766 = vector.broadcast %add3A_1765 : i32 to vector<16xi32>
        %add3A_1767 = arith.addi %xor3A_1761, %add3A_1766 : vector<16xi32>
        %select_n3A_1768 = arith.select %lt3A_1764, %add3A_1767, %xor3A_1761 : vector<16xi1>, vector<16xi32>
        %broadcast_in_dim3A_1769 = vector.shape_cast %select_n3A_1768 : vector<16xi32> to vector<16x1xi32>
        %gather3A_1770 = vector.shape_cast %broadcast_in_dim3A_1769 : vector<16x1xi32> to vector<16xi32>
        %gather3A_1771 = tpu.dynamic_gather %add3A_1757[%gather3A_1770] in [0] : vector<16xf32>, vector<16xi32> -> vector<16xf32>
        %add3A_1772 = arith.addf %add3A_1757, %gather3A_1771 : vector<16xf32>
        %iota3A_1773 = tpu.iota {dimensions = array<i32: 0>} : vector<16xi32>
        %xor3A_1774 = arith.constant 2 : i32
        %xor3A_1775 = vector.broadcast %xor3A_1774 : i32 to vector<16xi32>
        %xor3A_1776 = arith.xori %iota3A_1773, %xor3A_1775 : vector<16xi32>
        %lt3A_1777 = arith.constant 0 : i32
        %lt3A_1778 = vector.broadcast %lt3A_1777 : i32 to vector<16xi32>
        %lt3A_1779 = arith.cmpi slt, %xor3A_1776, %lt3A_1778 : vector<16xi32>
        %add3A_1780 = arith.constant 16 : i32
        %add3A_1781 = vector.broadcast %add3A_1780 : i32 to vector<16xi32>
        %add3A_1782 = arith.addi %xor3A_1776, %add3A_1781 : vector<16xi32>
        %select_n3A_1783 = arith.select %lt3A_1779, %add3A_1782, %xor3A_1776 : vector<16xi1>, vector<16xi32>
        %broadcast_in_dim3A_1784 = vector.shape_cast %select_n3A_1783 : vector<16xi32> to vector<16x1xi32>
        %gather3A_1785 = vector.shape_cast %broadcast_in_dim3A_1784 : vector<16x1xi32> to vector<16xi32>
        %gather3A_1786 = tpu.dynamic_gather %add3A_1772[%gather3A_1785] in [0] : vector<16xf32>, vector<16xi32> -> vector<16xf32>
        %add3A_1787 = arith.addf %add3A_1772, %gather3A_1786 : vector<16xf32>
        %iota3A_1788 = tpu.iota {dimensions = array<i32: 0>} : vector<16xi32>
        %xor3A_1789 = arith.constant 1 : i32
        %xor3A_1790 = vector.broadcast %xor3A_1789 : i32 to vector<16xi32>
        %xor3A_1791 = arith.xori %iota3A_1788, %xor3A_1790 : vector<16xi32>
        %lt3A_1792 = arith.constant 0 : i32
        %lt3A_1793 = vector.broadcast %lt3A_1792 : i32 to vector<16xi32>
        %lt3A_1794 = arith.cmpi slt, %xor3A_1791, %lt3A_1793 : vector<16xi32>
        %add3A_1795 = arith.constant 16 : i32
        %add3A_1796 = vector.broadcast %add3A_1795 : i32 to vector<16xi32>
        %add3A_1797 = arith.addi %xor3A_1791, %add3A_1796 : vector<16xi32>
        %select_n3A_1798 = arith.select %lt3A_1794, %add3A_1797, %xor3A_1791 : vector<16xi1>, vector<16xi32>
        %broadcast_in_dim3A_1799 = vector.shape_cast %select_n3A_1798 : vector<16xi32> to vector<16x1xi32>
        %gather3A_1800 = vector.shape_cast %broadcast_in_dim3A_1799 : vector<16x1xi32> to vector<16xi32>
        %gather3A_1801 = tpu.dynamic_gather %add3A_1787[%gather3A_1800] in [0] : vector<16xf32>, vector<16xi32> -> vector<16xf32>
        %add3A_1802 = arith.addf %add3A_1787, %gather3A_1801 : vector<16xf32>
        %mul3A_1803 = arith.constant 1.562500e-02 : f32
        %mul3A_1804 = vector.broadcast %mul3A_1803 : f32 to vector<16xf32>
        %mul3A_1805 = arith.mulf %add3A_1802, %mul3A_1804 : vector<16xf32>
        %mul3A_1806 = arith.mulf %mul3A_1742, %mul3A_1742 : vector<16xf32>
        %sub3A_1807 = arith.subf %mul3A_1805, %mul3A_1806 : vector<16xf32>
        %add3A_1808 = arith.constant 9.99999996E-13 : f32
        %add3A_1809 = vector.broadcast %add3A_1808 : f32 to vector<16xf32>
        %add3A_1810 = arith.addf %sub3A_1807, %add3A_1809 : vector<16xf32>
        %bitcast3A_1811 = vector.bitcast %add3A_1810 : vector<16xf32> to vector<16xi32>
        %shift_right_logical3A_1812 = arith.constant 1 : i32
        %shift_right_logical3A_1813 = vector.broadcast %shift_right_logical3A_1812 : i32 to vector<16xi32>
        %shift_right_logical3A_1814 = arith.shrui %bitcast3A_1811, %shift_right_logical3A_1813 : vector<16xi32>
        %sub3A_1815 = arith.constant 1597463007 : i32
        %sub3A_1816 = vector.broadcast %sub3A_1815 : i32 to vector<16xi32>
        %sub3A_1817 = arith.subi %sub3A_1816, %shift_right_logical3A_1814 : vector<16xi32>
        %bitcast3A_1818 = vector.bitcast %sub3A_1817 : vector<16xi32> to vector<16xf32>
        %mul3A_1819 = arith.constant 5.000000e-01 : f32
        %mul3A_1820 = vector.broadcast %mul3A_1819 : f32 to vector<16xf32>
        %mul3A_1821 = arith.mulf %mul3A_1820, %add3A_1810 : vector<16xf32>
        %mul3A_1822 = arith.mulf %mul3A_1821, %bitcast3A_1818 : vector<16xf32>
        %mul3A_1823 = arith.mulf %mul3A_1822, %bitcast3A_1818 : vector<16xf32>
        %sub3A_1824 = arith.constant 1.500000e+00 : f32
        %sub3A_1825 = vector.broadcast %sub3A_1824 : f32 to vector<16xf32>
        %sub3A_1826 = arith.subf %sub3A_1825, %mul3A_1823 : vector<16xf32>
        %mul3A_1827 = arith.mulf %bitcast3A_1818, %sub3A_1826 : vector<16xf32>
        %mul3A_1828 = arith.constant 5.000000e-01 : f32
        %mul3A_1829 = vector.broadcast %mul3A_1828 : f32 to vector<16xf32>
        %mul3A_1830 = arith.mulf %mul3A_1829, %add3A_1810 : vector<16xf32>
        %mul3A_1831 = arith.mulf %mul3A_1830, %mul3A_1827 : vector<16xf32>
        %mul3A_1832 = arith.mulf %mul3A_1831, %mul3A_1827 : vector<16xf32>
        %sub3A_1833 = arith.constant 1.500000e+00 : f32
        %sub3A_1834 = vector.broadcast %sub3A_1833 : f32 to vector<16xf32>
        %sub3A_1835 = arith.subf %sub3A_1834, %mul3A_1832 : vector<16xf32>
        %mul3A_1836 = arith.mulf %mul3A_1827, %sub3A_1835 : vector<16xf32>
        %sub3A_1837 = arith.subf %add3A_566, %mul3A_1742 : vector<16xf32>
        %mul3A_1838 = arith.mulf %mul3A_1836, %get3A_18 : vector<16xf32>
        %mul3A_1839 = arith.mulf %sub3A_1837, %mul3A_1838 : vector<16xf32>
        %add3A_1840 = arith.addf %mul3A_1839, %get3A_26 : vector<16xf32>
        %mul3A_1841 = arith.constant 64 : i32
        %mul3A_1842 = arith.muli %add3A_1669, %mul3A_1841 : i32
        %add3A_1843 = arith.constant 0 : i32
        %add3A_1844 = arith.addi %mul3A_1842, %add3A_1843 : i32
        %swap3A_1845 = arith.index_cast %add3A_1844 : i32 to index
        %swap3A_1846 = tpu.vector_load %arg21[%swap3A_1845] {strides = array<i32>} : memref<12800xf32, #tpu.memory_space<vmem>>, vector<16xf32>,
        tpu.vector_store %arg21[%swap3A_1845], %add3A_1840 {strides = array<i32>} : memref<12800xf32, #tpu.memory_space<vmem>>, vector<16xf32>,
        %sub3A_1847 = arith.subf %add3A_583, %mul3A_1742 : vector<16xf32>
        %mul3A_1848 = arith.mulf %mul3A_1836, %get3A_20 : vector<16xf32>
        %mul3A_1849 = arith.mulf %sub3A_1847, %mul3A_1848 : vector<16xf32>
        %add3A_1850 = arith.addf %mul3A_1849, %get3A_28 : vector<16xf32>
        %mul3A_1851 = arith.constant 64 : i32
        %mul3A_1852 = arith.muli %add3A_1669, %mul3A_1851 : i32
        %add3A_1853 = arith.constant 16 : i32
        %add3A_1854 = arith.addi %mul3A_1852, %add3A_1853 : i32
        %swap3A_1855 = arith.index_cast %add3A_1854 : i32 to index
        %swap3A_1856 = tpu.vector_load %arg21[%swap3A_1855] {strides = array<i32>} : memref<12800xf32, #tpu.memory_space<vmem>>, vector<16xf32>,
        tpu.vector_store %arg21[%swap3A_1855], %add3A_1850 {strides = array<i32>} : memref<12800xf32, #tpu.memory_space<vmem>>, vector<16xf32>,
        %sub3A_1857 = arith.subf %add3A_600, %mul3A_1742 : vector<16xf32>
        %mul3A_1858 = arith.mulf %mul3A_1836, %get3A_22 : vector<16xf32>
        %mul3A_1859 = arith.mulf %sub3A_1857, %mul3A_1858 : vector<16xf32>
        %add3A_1860 = arith.addf %mul3A_1859, %get3A_30 : vector<16xf32>
        %mul3A_1861 = arith.constant 64 : i32
        %mul3A_1862 = arith.muli %add3A_1669, %mul3A_1861 : i32
        %add3A_1863 = arith.constant 32 : i32
        %add3A_1864 = arith.addi %mul3A_1862, %add3A_1863 : i32
        %swap3A_1865 = arith.index_cast %add3A_1864 : i32 to index
        %swap3A_1866 = tpu.vector_load %arg21[%swap3A_1865] {strides = array<i32>} : memref<12800xf32, #tpu.memory_space<vmem>>, vector<16xf32>,
        tpu.vector_store %arg21[%swap3A_1865], %add3A_1860 {strides = array<i32>} : memref<12800xf32, #tpu.memory_space<vmem>>, vector<16xf32>,
        %sub3A_1867 = arith.subf %add3A_617, %mul3A_1742 : vector<16xf32>
        %mul3A_1868 = arith.mulf %mul3A_1836, %get3A_24 : vector<16xf32>
        %mul3A_1869 = arith.mulf %sub3A_1867, %mul3A_1868 : vector<16xf32>
        %add3A_1870 = arith.addf %mul3A_1869, %get3A_32 : vector<16xf32>
        %mul3A_1871 = arith.constant 64 : i32
        %mul3A_1872 = arith.muli %add3A_1669, %mul3A_1871 : i32
        %add3A_1873 = arith.constant 48 : i32
        %add3A_1874 = arith.addi %mul3A_1872, %add3A_1873 : i32
        %swap3A_1875 = arith.index_cast %add3A_1874 : i32 to index
        %swap3A_1876 = tpu.vector_load %arg21[%swap3A_1875] {strides = array<i32>} : memref<12800xf32, #tpu.memory_space<vmem>>, vector<16xf32>,
        tpu.vector_store %arg21[%swap3A_1875], %add3A_1870 {strides = array<i32>} : memref<12800xf32, #tpu.memory_space<vmem>>, vector<16xf32>,
        %add3A_1877 = arith.constant 5 : i32
        %add3A_1878 = arith.addi %mul3A_239, %add3A_1877 : i32
        %add3A_1879 = arith.addf %add3A_640, %add3A_657 : vector<16xf32>
        %add3A_1880 = arith.addf %add3A_674, %add3A_691 : vector<16xf32>
        %add3A_1881 = arith.addf %add3A_1879, %add3A_1880 : vector<16xf32>
        %mul3A_1882 = arith.mulf %add3A_640, %add3A_640 : vector<16xf32>
        %mul3A_1883 = arith.mulf %add3A_657, %add3A_657 : vector<16xf32>
        %add3A_1884 = arith.addf %mul3A_1882, %mul3A_1883 : vector<16xf32>
        %mul3A_1885 = arith.mulf %add3A_674, %add3A_674 : vector<16xf32>
        %mul3A_1886 = arith.mulf %add3A_691, %add3A_691 : vector<16xf32>
        %add3A_1887 = arith.addf %mul3A_1885, %mul3A_1886 : vector<16xf32>
        %add3A_1888 = arith.addf %add3A_1884, %add3A_1887 : vector<16xf32>
        %iota3A_1889 = tpu.iota {dimensions = array<i32: 0>} : vector<16xi32>
        %xor3A_1890 = arith.constant 8 : i32
        %xor3A_1891 = vector.broadcast %xor3A_1890 : i32 to vector<16xi32>
        %xor3A_1892 = arith.xori %iota3A_1889, %xor3A_1891 : vector<16xi32>
        %lt3A_1893 = arith.constant 0 : i32
        %lt3A_1894 = vector.broadcast %lt3A_1893 : i32 to vector<16xi32>
        %lt3A_1895 = arith.cmpi slt, %xor3A_1892, %lt3A_1894 : vector<16xi32>
        %add3A_1896 = arith.constant 16 : i32
        %add3A_1897 = vector.broadcast %add3A_1896 : i32 to vector<16xi32>
        %add3A_1898 = arith.addi %xor3A_1892, %add3A_1897 : vector<16xi32>
        %select_n3A_1899 = arith.select %lt3A_1895, %add3A_1898, %xor3A_1892 : vector<16xi1>, vector<16xi32>
        %broadcast_in_dim3A_1900 = vector.shape_cast %select_n3A_1899 : vector<16xi32> to vector<16x1xi32>
        %gather3A_1901 = vector.shape_cast %broadcast_in_dim3A_1900 : vector<16x1xi32> to vector<16xi32>
        %gather3A_1902 = tpu.dynamic_gather %add3A_1881[%gather3A_1901] in [0] : vector<16xf32>, vector<16xi32> -> vector<16xf32>
        %add3A_1903 = arith.addf %add3A_1881, %gather3A_1902 : vector<16xf32>
        %iota3A_1904 = tpu.iota {dimensions = array<i32: 0>} : vector<16xi32>
        %xor3A_1905 = arith.constant 4 : i32
        %xor3A_1906 = vector.broadcast %xor3A_1905 : i32 to vector<16xi32>
        %xor3A_1907 = arith.xori %iota3A_1904, %xor3A_1906 : vector<16xi32>
        %lt3A_1908 = arith.constant 0 : i32
        %lt3A_1909 = vector.broadcast %lt3A_1908 : i32 to vector<16xi32>
        %lt3A_1910 = arith.cmpi slt, %xor3A_1907, %lt3A_1909 : vector<16xi32>
        %add3A_1911 = arith.constant 16 : i32
        %add3A_1912 = vector.broadcast %add3A_1911 : i32 to vector<16xi32>
        %add3A_1913 = arith.addi %xor3A_1907, %add3A_1912 : vector<16xi32>
        %select_n3A_1914 = arith.select %lt3A_1910, %add3A_1913, %xor3A_1907 : vector<16xi1>, vector<16xi32>
        %broadcast_in_dim3A_1915 = vector.shape_cast %select_n3A_1914 : vector<16xi32> to vector<16x1xi32>
        %gather3A_1916 = vector.shape_cast %broadcast_in_dim3A_1915 : vector<16x1xi32> to vector<16xi32>
        %gather3A_1917 = tpu.dynamic_gather %add3A_1903[%gather3A_1916] in [0] : vector<16xf32>, vector<16xi32> -> vector<16xf32>
        %add3A_1918 = arith.addf %add3A_1903, %gather3A_1917 : vector<16xf32>
        %iota3A_1919 = tpu.iota {dimensions = array<i32: 0>} : vector<16xi32>
        %xor3A_1920 = arith.constant 2 : i32
        %xor3A_1921 = vector.broadcast %xor3A_1920 : i32 to vector<16xi32>
        %xor3A_1922 = arith.xori %iota3A_1919, %xor3A_1921 : vector<16xi32>
        %lt3A_1923 = arith.constant 0 : i32
        %lt3A_1924 = vector.broadcast %lt3A_1923 : i32 to vector<16xi32>
        %lt3A_1925 = arith.cmpi slt, %xor3A_1922, %lt3A_1924 : vector<16xi32>
        %add3A_1926 = arith.constant 16 : i32
        %add3A_1927 = vector.broadcast %add3A_1926 : i32 to vector<16xi32>
        %add3A_1928 = arith.addi %xor3A_1922, %add3A_1927 : vector<16xi32>
        %select_n3A_1929 = arith.select %lt3A_1925, %add3A_1928, %xor3A_1922 : vector<16xi1>, vector<16xi32>
        %broadcast_in_dim3A_1930 = vector.shape_cast %select_n3A_1929 : vector<16xi32> to vector<16x1xi32>
        %gather3A_1931 = vector.shape_cast %broadcast_in_dim3A_1930 : vector<16x1xi32> to vector<16xi32>
        %gather3A_1932 = tpu.dynamic_gather %add3A_1918[%gather3A_1931] in [0] : vector<16xf32>, vector<16xi32> -> vector<16xf32>
        %add3A_1933 = arith.addf %add3A_1918, %gather3A_1932 : vector<16xf32>
        %iota3A_1934 = tpu.iota {dimensions = array<i32: 0>} : vector<16xi32>
        %xor3A_1935 = arith.constant 1 : i32
        %xor3A_1936 = vector.broadcast %xor3A_1935 : i32 to vector<16xi32>
        %xor3A_1937 = arith.xori %iota3A_1934, %xor3A_1936 : vector<16xi32>
        %lt3A_1938 = arith.constant 0 : i32
        %lt3A_1939 = vector.broadcast %lt3A_1938 : i32 to vector<16xi32>
        %lt3A_1940 = arith.cmpi slt, %xor3A_1937, %lt3A_1939 : vector<16xi32>
        %add3A_1941 = arith.constant 16 : i32
        %add3A_1942 = vector.broadcast %add3A_1941 : i32 to vector<16xi32>
        %add3A_1943 = arith.addi %xor3A_1937, %add3A_1942 : vector<16xi32>
        %select_n3A_1944 = arith.select %lt3A_1940, %add3A_1943, %xor3A_1937 : vector<16xi1>, vector<16xi32>
        %broadcast_in_dim3A_1945 = vector.shape_cast %select_n3A_1944 : vector<16xi32> to vector<16x1xi32>
        %gather3A_1946 = vector.shape_cast %broadcast_in_dim3A_1945 : vector<16x1xi32> to vector<16xi32>
        %gather3A_1947 = tpu.dynamic_gather %add3A_1933[%gather3A_1946] in [0] : vector<16xf32>, vector<16xi32> -> vector<16xf32>
        %add3A_1948 = arith.addf %add3A_1933, %gather3A_1947 : vector<16xf32>
        %mul3A_1949 = arith.constant 1.562500e-02 : f32
        %mul3A_1950 = vector.broadcast %mul3A_1949 : f32 to vector<16xf32>
        %mul3A_1951 = arith.mulf %add3A_1948, %mul3A_1950 : vector<16xf32>
        %iota3A_1952 = tpu.iota {dimensions = array<i32: 0>} : vector<16xi32>
        %xor3A_1953 = arith.constant 8 : i32
        %xor3A_1954 = vector.broadcast %xor3A_1953 : i32 to vector<16xi32>
        %xor3A_1955 = arith.xori %iota3A_1952, %xor3A_1954 : vector<16xi32>
        %lt3A_1956 = arith.constant 0 : i32
        %lt3A_1957 = vector.broadcast %lt3A_1956 : i32 to vector<16xi32>
        %lt3A_1958 = arith.cmpi slt, %xor3A_1955, %lt3A_1957 : vector<16xi32>
        %add3A_1959 = arith.constant 16 : i32
        %add3A_1960 = vector.broadcast %add3A_1959 : i32 to vector<16xi32>
        %add3A_1961 = arith.addi %xor3A_1955, %add3A_1960 : vector<16xi32>
        %select_n3A_1962 = arith.select %lt3A_1958, %add3A_1961, %xor3A_1955 : vector<16xi1>, vector<16xi32>
        %broadcast_in_dim3A_1963 = vector.shape_cast %select_n3A_1962 : vector<16xi32> to vector<16x1xi32>
        %gather3A_1964 = vector.shape_cast %broadcast_in_dim3A_1963 : vector<16x1xi32> to vector<16xi32>
        %gather3A_1965 = tpu.dynamic_gather %add3A_1888[%gather3A_1964] in [0] : vector<16xf32>, vector<16xi32> -> vector<16xf32>
        %add3A_1966 = arith.addf %add3A_1888, %gather3A_1965 : vector<16xf32>
        %iota3A_1967 = tpu.iota {dimensions = array<i32: 0>} : vector<16xi32>
        %xor3A_1968 = arith.constant 4 : i32
        %xor3A_1969 = vector.broadcast %xor3A_1968 : i32 to vector<16xi32>
        %xor3A_1970 = arith.xori %iota3A_1967, %xor3A_1969 : vector<16xi32>
        %lt3A_1971 = arith.constant 0 : i32
        %lt3A_1972 = vector.broadcast %lt3A_1971 : i32 to vector<16xi32>
        %lt3A_1973 = arith.cmpi slt, %xor3A_1970, %lt3A_1972 : vector<16xi32>
        %add3A_1974 = arith.constant 16 : i32
        %add3A_1975 = vector.broadcast %add3A_1974 : i32 to vector<16xi32>
        %add3A_1976 = arith.addi %xor3A_1970, %add3A_1975 : vector<16xi32>
        %select_n3A_1977 = arith.select %lt3A_1973, %add3A_1976, %xor3A_1970 : vector<16xi1>, vector<16xi32>
        %broadcast_in_dim3A_1978 = vector.shape_cast %select_n3A_1977 : vector<16xi32> to vector<16x1xi32>
        %gather3A_1979 = vector.shape_cast %broadcast_in_dim3A_1978 : vector<16x1xi32> to vector<16xi32>
        %gather3A_1980 = tpu.dynamic_gather %add3A_1966[%gather3A_1979] in [0] : vector<16xf32>, vector<16xi32> -> vector<16xf32>
        %add3A_1981 = arith.addf %add3A_1966, %gather3A_1980 : vector<16xf32>
        %iota3A_1982 = tpu.iota {dimensions = array<i32: 0>} : vector<16xi32>
        %xor3A_1983 = arith.constant 2 : i32
        %xor3A_1984 = vector.broadcast %xor3A_1983 : i32 to vector<16xi32>
        %xor3A_1985 = arith.xori %iota3A_1982, %xor3A_1984 : vector<16xi32>
        %lt3A_1986 = arith.constant 0 : i32
        %lt3A_1987 = vector.broadcast %lt3A_1986 : i32 to vector<16xi32>
        %lt3A_1988 = arith.cmpi slt, %xor3A_1985, %lt3A_1987 : vector<16xi32>
        %add3A_1989 = arith.constant 16 : i32
        %add3A_1990 = vector.broadcast %add3A_1989 : i32 to vector<16xi32>
        %add3A_1991 = arith.addi %xor3A_1985, %add3A_1990 : vector<16xi32>
        %select_n3A_1992 = arith.select %lt3A_1988, %add3A_1991, %xor3A_1985 : vector<16xi1>, vector<16xi32>
        %broadcast_in_dim3A_1993 = vector.shape_cast %select_n3A_1992 : vector<16xi32> to vector<16x1xi32>
        %gather3A_1994 = vector.shape_cast %broadcast_in_dim3A_1993 : vector<16x1xi32> to vector<16xi32>
        %gather3A_1995 = tpu.dynamic_gather %add3A_1981[%gather3A_1994] in [0] : vector<16xf32>, vector<16xi32> -> vector<16xf32>
        %add3A_1996 = arith.addf %add3A_1981, %gather3A_1995 : vector<16xf32>
        %iota3A_1997 = tpu.iota {dimensions = array<i32: 0>} : vector<16xi32>
        %xor3A_1998 = arith.constant 1 : i32
        %xor3A_1999 = vector.broadcast %xor3A_1998 : i32 to vector<16xi32>
        %xor3A_2000 = arith.xori %iota3A_1997, %xor3A_1999 : vector<16xi32>
        %lt3A_2001 = arith.constant 0 : i32
        %lt3A_2002 = vector.broadcast %lt3A_2001 : i32 to vector<16xi32>
        %lt3A_2003 = arith.cmpi slt, %xor3A_2000, %lt3A_2002 : vector<16xi32>
        %add3A_2004 = arith.constant 16 : i32
        %add3A_2005 = vector.broadcast %add3A_2004 : i32 to vector<16xi32>
        %add3A_2006 = arith.addi %xor3A_2000, %add3A_2005 : vector<16xi32>
        %select_n3A_2007 = arith.select %lt3A_2003, %add3A_2006, %xor3A_2000 : vector<16xi1>, vector<16xi32>
        %broadcast_in_dim3A_2008 = vector.shape_cast %select_n3A_2007 : vector<16xi32> to vector<16x1xi32>
        %gather3A_2009 = vector.shape_cast %broadcast_in_dim3A_2008 : vector<16x1xi32> to vector<16xi32>
        %gather3A_2010 = tpu.dynamic_gather %add3A_1996[%gather3A_2009] in [0] : vector<16xf32>, vector<16xi32> -> vector<16xf32>
        %add3A_2011 = arith.addf %add3A_1996, %gather3A_2010 : vector<16xf32>
        %mul3A_2012 = arith.constant 1.562500e-02 : f32
        %mul3A_2013 = vector.broadcast %mul3A_2012 : f32 to vector<16xf32>
        %mul3A_2014 = arith.mulf %add3A_2011, %mul3A_2013 : vector<16xf32>
        %mul3A_2015 = arith.mulf %mul3A_1951, %mul3A_1951 : vector<16xf32>
        %sub3A_2016 = arith.subf %mul3A_2014, %mul3A_2015 : vector<16xf32>
        %add3A_2017 = arith.constant 9.99999996E-13 : f32
        %add3A_2018 = vector.broadcast %add3A_2017 : f32 to vector<16xf32>
        %add3A_2019 = arith.addf %sub3A_2016, %add3A_2018 : vector<16xf32>
        %bitcast3A_2020 = vector.bitcast %add3A_2019 : vector<16xf32> to vector<16xi32>
        %shift_right_logical3A_2021 = arith.constant 1 : i32
        %shift_right_logical3A_2022 = vector.broadcast %shift_right_logical3A_2021 : i32 to vector<16xi32>
        %shift_right_logical3A_2023 = arith.shrui %bitcast3A_2020, %shift_right_logical3A_2022 : vector<16xi32>
        %sub3A_2024 = arith.constant 1597463007 : i32
        %sub3A_2025 = vector.broadcast %sub3A_2024 : i32 to vector<16xi32>
        %sub3A_2026 = arith.subi %sub3A_2025, %shift_right_logical3A_2023 : vector<16xi32>
        %bitcast3A_2027 = vector.bitcast %sub3A_2026 : vector<16xi32> to vector<16xf32>
        %mul3A_2028 = arith.constant 5.000000e-01 : f32
        %mul3A_2029 = vector.broadcast %mul3A_2028 : f32 to vector<16xf32>
        %mul3A_2030 = arith.mulf %mul3A_2029, %add3A_2019 : vector<16xf32>
        %mul3A_2031 = arith.mulf %mul3A_2030, %bitcast3A_2027 : vector<16xf32>
        %mul3A_2032 = arith.mulf %mul3A_2031, %bitcast3A_2027 : vector<16xf32>
        %sub3A_2033 = arith.constant 1.500000e+00 : f32
        %sub3A_2034 = vector.broadcast %sub3A_2033 : f32 to vector<16xf32>
        %sub3A_2035 = arith.subf %sub3A_2034, %mul3A_2032 : vector<16xf32>
        %mul3A_2036 = arith.mulf %bitcast3A_2027, %sub3A_2035 : vector<16xf32>
        %mul3A_2037 = arith.constant 5.000000e-01 : f32
        %mul3A_2038 = vector.broadcast %mul3A_2037 : f32 to vector<16xf32>
        %mul3A_2039 = arith.mulf %mul3A_2038, %add3A_2019 : vector<16xf32>
        %mul3A_2040 = arith.mulf %mul3A_2039, %mul3A_2036 : vector<16xf32>
        %mul3A_2041 = arith.mulf %mul3A_2040, %mul3A_2036 : vector<16xf32>
        %sub3A_2042 = arith.constant 1.500000e+00 : f32
        %sub3A_2043 = vector.broadcast %sub3A_2042 : f32 to vector<16xf32>
        %sub3A_2044 = arith.subf %sub3A_2043, %mul3A_2041 : vector<16xf32>
        %mul3A_2045 = arith.mulf %mul3A_2036, %sub3A_2044 : vector<16xf32>
        %sub3A_2046 = arith.subf %add3A_640, %mul3A_1951 : vector<16xf32>
        %mul3A_2047 = arith.mulf %mul3A_2045, %get3A_18 : vector<16xf32>
        %mul3A_2048 = arith.mulf %sub3A_2046, %mul3A_2047 : vector<16xf32>
        %add3A_2049 = arith.addf %mul3A_2048, %get3A_26 : vector<16xf32>
        %mul3A_2050 = arith.constant 64 : i32
        %mul3A_2051 = arith.muli %add3A_1878, %mul3A_2050 : i32
        %add3A_2052 = arith.constant 0 : i32
        %add3A_2053 = arith.addi %mul3A_2051, %add3A_2052 : i32
        %swap3A_2054 = arith.index_cast %add3A_2053 : i32 to index
        %swap3A_2055 = tpu.vector_load %arg21[%swap3A_2054] {strides = array<i32>} : memref<12800xf32, #tpu.memory_space<vmem>>, vector<16xf32>,
        tpu.vector_store %arg21[%swap3A_2054], %add3A_2049 {strides = array<i32>} : memref<12800xf32, #tpu.memory_space<vmem>>, vector<16xf32>,
        %sub3A_2056 = arith.subf %add3A_657, %mul3A_1951 : vector<16xf32>
        %mul3A_2057 = arith.mulf %mul3A_2045, %get3A_20 : vector<16xf32>
        %mul3A_2058 = arith.mulf %sub3A_2056, %mul3A_2057 : vector<16xf32>
        %add3A_2059 = arith.addf %mul3A_2058, %get3A_28 : vector<16xf32>
        %mul3A_2060 = arith.constant 64 : i32
        %mul3A_2061 = arith.muli %add3A_1878, %mul3A_2060 : i32
        %add3A_2062 = arith.constant 16 : i32
        %add3A_2063 = arith.addi %mul3A_2061, %add3A_2062 : i32
        %swap3A_2064 = arith.index_cast %add3A_2063 : i32 to index
        %swap3A_2065 = tpu.vector_load %arg21[%swap3A_2064] {strides = array<i32>} : memref<12800xf32, #tpu.memory_space<vmem>>, vector<16xf32>,
        tpu.vector_store %arg21[%swap3A_2064], %add3A_2059 {strides = array<i32>} : memref<12800xf32, #tpu.memory_space<vmem>>, vector<16xf32>,
        %sub3A_2066 = arith.subf %add3A_674, %mul3A_1951 : vector<16xf32>
        %mul3A_2067 = arith.mulf %mul3A_2045, %get3A_22 : vector<16xf32>
        %mul3A_2068 = arith.mulf %sub3A_2066, %mul3A_2067 : vector<16xf32>
        %add3A_2069 = arith.addf %mul3A_2068, %get3A_30 : vector<16xf32>
        %mul3A_2070 = arith.constant 64 : i32
        %mul3A_2071 = arith.muli %add3A_1878, %mul3A_2070 : i32
        %add3A_2072 = arith.constant 32 : i32
        %add3A_2073 = arith.addi %mul3A_2071, %add3A_2072 : i32
        %swap3A_2074 = arith.index_cast %add3A_2073 : i32 to index
        %swap3A_2075 = tpu.vector_load %arg21[%swap3A_2074] {strides = array<i32>} : memref<12800xf32, #tpu.memory_space<vmem>>, vector<16xf32>,
        tpu.vector_store %arg21[%swap3A_2074], %add3A_2069 {strides = array<i32>} : memref<12800xf32, #tpu.memory_space<vmem>>, vector<16xf32>,
        %sub3A_2076 = arith.subf %add3A_691, %mul3A_1951 : vector<16xf32>
        %mul3A_2077 = arith.mulf %mul3A_2045, %get3A_24 : vector<16xf32>
        %mul3A_2078 = arith.mulf %sub3A_2076, %mul3A_2077 : vector<16xf32>
        %add3A_2079 = arith.addf %mul3A_2078, %get3A_32 : vector<16xf32>
        %mul3A_2080 = arith.constant 64 : i32
        %mul3A_2081 = arith.muli %add3A_1878, %mul3A_2080 : i32
        %add3A_2082 = arith.constant 48 : i32
        %add3A_2083 = arith.addi %mul3A_2081, %add3A_2082 : i32
        %swap3A_2084 = arith.index_cast %add3A_2083 : i32 to index
        %swap3A_2085 = tpu.vector_load %arg21[%swap3A_2084] {strides = array<i32>} : memref<12800xf32, #tpu.memory_space<vmem>>, vector<16xf32>,
        tpu.vector_store %arg21[%swap3A_2084], %add3A_2079 {strides = array<i32>} : memref<12800xf32, #tpu.memory_space<vmem>>, vector<16xf32>,
        %add3A_2086 = arith.constant 6 : i32
        %add3A_2087 = arith.addi %mul3A_239, %add3A_2086 : i32
        %add3A_2088 = arith.addf %add3A_714, %add3A_731 : vector<16xf32>
        %add3A_2089 = arith.addf %add3A_748, %add3A_765 : vector<16xf32>
        %add3A_2090 = arith.addf %add3A_2088, %add3A_2089 : vector<16xf32>
        %mul3A_2091 = arith.mulf %add3A_714, %add3A_714 : vector<16xf32>
        %mul3A_2092 = arith.mulf %add3A_731, %add3A_731 : vector<16xf32>
        %add3A_2093 = arith.addf %mul3A_2091, %mul3A_2092 : vector<16xf32>
        %mul3A_2094 = arith.mulf %add3A_748, %add3A_748 : vector<16xf32>
        %mul3A_2095 = arith.mulf %add3A_765, %add3A_765 : vector<16xf32>
        %add3A_2096 = arith.addf %mul3A_2094, %mul3A_2095 : vector<16xf32>
        %add3A_2097 = arith.addf %add3A_2093, %add3A_2096 : vector<16xf32>
        %iota3A_2098 = tpu.iota {dimensions = array<i32: 0>} : vector<16xi32>
        %xor3A_2099 = arith.constant 8 : i32
        %xor3A_2100 = vector.broadcast %xor3A_2099 : i32 to vector<16xi32>
        %xor3A_2101 = arith.xori %iota3A_2098, %xor3A_2100 : vector<16xi32>
        %lt3A_2102 = arith.constant 0 : i32
        %lt3A_2103 = vector.broadcast %lt3A_2102 : i32 to vector<16xi32>
        %lt3A_2104 = arith.cmpi slt, %xor3A_2101, %lt3A_2103 : vector<16xi32>
        %add3A_2105 = arith.constant 16 : i32
        %add3A_2106 = vector.broadcast %add3A_2105 : i32 to vector<16xi32>
        %add3A_2107 = arith.addi %xor3A_2101, %add3A_2106 : vector<16xi32>
        %select_n3A_2108 = arith.select %lt3A_2104, %add3A_2107, %xor3A_2101 : vector<16xi1>, vector<16xi32>
        %broadcast_in_dim3A_2109 = vector.shape_cast %select_n3A_2108 : vector<16xi32> to vector<16x1xi32>
        %gather3A_2110 = vector.shape_cast %broadcast_in_dim3A_2109 : vector<16x1xi32> to vector<16xi32>
        %gather3A_2111 = tpu.dynamic_gather %add3A_2090[%gather3A_2110] in [0] : vector<16xf32>, vector<16xi32> -> vector<16xf32>
        %add3A_2112 = arith.addf %add3A_2090, %gather3A_2111 : vector<16xf32>
        %iota3A_2113 = tpu.iota {dimensions = array<i32: 0>} : vector<16xi32>
        %xor3A_2114 = arith.constant 4 : i32
        %xor3A_2115 = vector.broadcast %xor3A_2114 : i32 to vector<16xi32>
        %xor3A_2116 = arith.xori %iota3A_2113, %xor3A_2115 : vector<16xi32>
        %lt3A_2117 = arith.constant 0 : i32
        %lt3A_2118 = vector.broadcast %lt3A_2117 : i32 to vector<16xi32>
        %lt3A_2119 = arith.cmpi slt, %xor3A_2116, %lt3A_2118 : vector<16xi32>
        %add3A_2120 = arith.constant 16 : i32
        %add3A_2121 = vector.broadcast %add3A_2120 : i32 to vector<16xi32>
        %add3A_2122 = arith.addi %xor3A_2116, %add3A_2121 : vector<16xi32>
        %select_n3A_2123 = arith.select %lt3A_2119, %add3A_2122, %xor3A_2116 : vector<16xi1>, vector<16xi32>
        %broadcast_in_dim3A_2124 = vector.shape_cast %select_n3A_2123 : vector<16xi32> to vector<16x1xi32>
        %gather3A_2125 = vector.shape_cast %broadcast_in_dim3A_2124 : vector<16x1xi32> to vector<16xi32>
        %gather3A_2126 = tpu.dynamic_gather %add3A_2112[%gather3A_2125] in [0] : vector<16xf32>, vector<16xi32> -> vector<16xf32>
        %add3A_2127 = arith.addf %add3A_2112, %gather3A_2126 : vector<16xf32>
        %iota3A_2128 = tpu.iota {dimensions = array<i32: 0>} : vector<16xi32>
        %xor3A_2129 = arith.constant 2 : i32
        %xor3A_2130 = vector.broadcast %xor3A_2129 : i32 to vector<16xi32>
        %xor3A_2131 = arith.xori %iota3A_2128, %xor3A_2130 : vector<16xi32>
        %lt3A_2132 = arith.constant 0 : i32
        %lt3A_2133 = vector.broadcast %lt3A_2132 : i32 to vector<16xi32>
        %lt3A_2134 = arith.cmpi slt, %xor3A_2131, %lt3A_2133 : vector<16xi32>
        %add3A_2135 = arith.constant 16 : i32
        %add3A_2136 = vector.broadcast %add3A_2135 : i32 to vector<16xi32>
        %add3A_2137 = arith.addi %xor3A_2131, %add3A_2136 : vector<16xi32>
        %select_n3A_2138 = arith.select %lt3A_2134, %add3A_2137, %xor3A_2131 : vector<16xi1>, vector<16xi32>
        %broadcast_in_dim3A_2139 = vector.shape_cast %select_n3A_2138 : vector<16xi32> to vector<16x1xi32>
        %gather3A_2140 = vector.shape_cast %broadcast_in_dim3A_2139 : vector<16x1xi32> to vector<16xi32>
        %gather3A_2141 = tpu.dynamic_gather %add3A_2127[%gather3A_2140] in [0] : vector<16xf32>, vector<16xi32> -> vector<16xf32>
        %add3A_2142 = arith.addf %add3A_2127, %gather3A_2141 : vector<16xf32>
        %iota3A_2143 = tpu.iota {dimensions = array<i32: 0>} : vector<16xi32>
        %xor3A_2144 = arith.constant 1 : i32
        %xor3A_2145 = vector.broadcast %xor3A_2144 : i32 to vector<16xi32>
        %xor3A_2146 = arith.xori %iota3A_2143, %xor3A_2145 : vector<16xi32>
        %lt3A_2147 = arith.constant 0 : i32
        %lt3A_2148 = vector.broadcast %lt3A_2147 : i32 to vector<16xi32>
        %lt3A_2149 = arith.cmpi slt, %xor3A_2146, %lt3A_2148 : vector<16xi32>
        %add3A_2150 = arith.constant 16 : i32
        %add3A_2151 = vector.broadcast %add3A_2150 : i32 to vector<16xi32>
        %add3A_2152 = arith.addi %xor3A_2146, %add3A_2151 : vector<16xi32>
        %select_n3A_2153 = arith.select %lt3A_2149, %add3A_2152, %xor3A_2146 : vector<16xi1>, vector<16xi32>
        %broadcast_in_dim3A_2154 = vector.shape_cast %select_n3A_2153 : vector<16xi32> to vector<16x1xi32>
        %gather3A_2155 = vector.shape_cast %broadcast_in_dim3A_2154 : vector<16x1xi32> to vector<16xi32>
        %gather3A_2156 = tpu.dynamic_gather %add3A_2142[%gather3A_2155] in [0] : vector<16xf32>, vector<16xi32> -> vector<16xf32>
        %add3A_2157 = arith.addf %add3A_2142, %gather3A_2156 : vector<16xf32>
        %mul3A_2158 = arith.constant 1.562500e-02 : f32
        %mul3A_2159 = vector.broadcast %mul3A_2158 : f32 to vector<16xf32>
        %mul3A_2160 = arith.mulf %add3A_2157, %mul3A_2159 : vector<16xf32>
        %iota3A_2161 = tpu.iota {dimensions = array<i32: 0>} : vector<16xi32>
        %xor3A_2162 = arith.constant 8 : i32
        %xor3A_2163 = vector.broadcast %xor3A_2162 : i32 to vector<16xi32>
        %xor3A_2164 = arith.xori %iota3A_2161, %xor3A_2163 : vector<16xi32>
        %lt3A_2165 = arith.constant 0 : i32
        %lt3A_2166 = vector.broadcast %lt3A_2165 : i32 to vector<16xi32>
        %lt3A_2167 = arith.cmpi slt, %xor3A_2164, %lt3A_2166 : vector<16xi32>
        %add3A_2168 = arith.constant 16 : i32
        %add3A_2169 = vector.broadcast %add3A_2168 : i32 to vector<16xi32>
        %add3A_2170 = arith.addi %xor3A_2164, %add3A_2169 : vector<16xi32>
        %select_n3A_2171 = arith.select %lt3A_2167, %add3A_2170, %xor3A_2164 : vector<16xi1>, vector<16xi32>
        %broadcast_in_dim3A_2172 = vector.shape_cast %select_n3A_2171 : vector<16xi32> to vector<16x1xi32>
        %gather3A_2173 = vector.shape_cast %broadcast_in_dim3A_2172 : vector<16x1xi32> to vector<16xi32>
        %gather3A_2174 = tpu.dynamic_gather %add3A_2097[%gather3A_2173] in [0] : vector<16xf32>, vector<16xi32> -> vector<16xf32>
        %add3A_2175 = arith.addf %add3A_2097, %gather3A_2174 : vector<16xf32>
        %iota3A_2176 = tpu.iota {dimensions = array<i32: 0>} : vector<16xi32>
        %xor3A_2177 = arith.constant 4 : i32
        %xor3A_2178 = vector.broadcast %xor3A_2177 : i32 to vector<16xi32>
        %xor3A_2179 = arith.xori %iota3A_2176, %xor3A_2178 : vector<16xi32>
        %lt3A_2180 = arith.constant 0 : i32
        %lt3A_2181 = vector.broadcast %lt3A_2180 : i32 to vector<16xi32>
        %lt3A_2182 = arith.cmpi slt, %xor3A_2179, %lt3A_2181 : vector<16xi32>
        %add3A_2183 = arith.constant 16 : i32
        %add3A_2184 = vector.broadcast %add3A_2183 : i32 to vector<16xi32>
        %add3A_2185 = arith.addi %xor3A_2179, %add3A_2184 : vector<16xi32>
        %select_n3A_2186 = arith.select %lt3A_2182, %add3A_2185, %xor3A_2179 : vector<16xi1>, vector<16xi32>
        %broadcast_in_dim3A_2187 = vector.shape_cast %select_n3A_2186 : vector<16xi32> to vector<16x1xi32>
        %gather3A_2188 = vector.shape_cast %broadcast_in_dim3A_2187 : vector<16x1xi32> to vector<16xi32>
        %gather3A_2189 = tpu.dynamic_gather %add3A_2175[%gather3A_2188] in [0] : vector<16xf32>, vector<16xi32> -> vector<16xf32>
        %add3A_2190 = arith.addf %add3A_2175, %gather3A_2189 : vector<16xf32>
        %iota3A_2191 = tpu.iota {dimensions = array<i32: 0>} : vector<16xi32>
        %xor3A_2192 = arith.constant 2 : i32
        %xor3A_2193 = vector.broadcast %xor3A_2192 : i32 to vector<16xi32>
        %xor3A_2194 = arith.xori %iota3A_2191, %xor3A_2193 : vector<16xi32>
        %lt3A_2195 = arith.constant 0 : i32
        %lt3A_2196 = vector.broadcast %lt3A_2195 : i32 to vector<16xi32>
        %lt3A_2197 = arith.cmpi slt, %xor3A_2194, %lt3A_2196 : vector<16xi32>
        %add3A_2198 = arith.constant 16 : i32
        %add3A_2199 = vector.broadcast %add3A_2198 : i32 to vector<16xi32>
        %add3A_2200 = arith.addi %xor3A_2194, %add3A_2199 : vector<16xi32>
        %select_n3A_2201 = arith.select %lt3A_2197, %add3A_2200, %xor3A_2194 : vector<16xi1>, vector<16xi32>
        %broadcast_in_dim3A_2202 = vector.shape_cast %select_n3A_2201 : vector<16xi32> to vector<16x1xi32>
        %gather3A_2203 = vector.shape_cast %broadcast_in_dim3A_2202 : vector<16x1xi32> to vector<16xi32>
        %gather3A_2204 = tpu.dynamic_gather %add3A_2190[%gather3A_2203] in [0] : vector<16xf32>, vector<16xi32> -> vector<16xf32>
        %add3A_2205 = arith.addf %add3A_2190, %gather3A_2204 : vector<16xf32>
        %iota3A_2206 = tpu.iota {dimensions = array<i32: 0>} : vector<16xi32>
        %xor3A_2207 = arith.constant 1 : i32
        %xor3A_2208 = vector.broadcast %xor3A_2207 : i32 to vector<16xi32>
        %xor3A_2209 = arith.xori %iota3A_2206, %xor3A_2208 : vector<16xi32>
        %lt3A_2210 = arith.constant 0 : i32
        %lt3A_2211 = vector.broadcast %lt3A_2210 : i32 to vector<16xi32>
        %lt3A_2212 = arith.cmpi slt, %xor3A_2209, %lt3A_2211 : vector<16xi32>
        %add3A_2213 = arith.constant 16 : i32
        %add3A_2214 = vector.broadcast %add3A_2213 : i32 to vector<16xi32>
        %add3A_2215 = arith.addi %xor3A_2209, %add3A_2214 : vector<16xi32>
        %select_n3A_2216 = arith.select %lt3A_2212, %add3A_2215, %xor3A_2209 : vector<16xi1>, vector<16xi32>
        %broadcast_in_dim3A_2217 = vector.shape_cast %select_n3A_2216 : vector<16xi32> to vector<16x1xi32>
        %gather3A_2218 = vector.shape_cast %broadcast_in_dim3A_2217 : vector<16x1xi32> to vector<16xi32>
        %gather3A_2219 = tpu.dynamic_gather %add3A_2205[%gather3A_2218] in [0] : vector<16xf32>, vector<16xi32> -> vector<16xf32>
        %add3A_2220 = arith.addf %add3A_2205, %gather3A_2219 : vector<16xf32>
        %mul3A_2221 = arith.constant 1.562500e-02 : f32
        %mul3A_2222 = vector.broadcast %mul3A_2221 : f32 to vector<16xf32>
        %mul3A_2223 = arith.mulf %add3A_2220, %mul3A_2222 : vector<16xf32>
        %mul3A_2224 = arith.mulf %mul3A_2160, %mul3A_2160 : vector<16xf32>
        %sub3A_2225 = arith.subf %mul3A_2223, %mul3A_2224 : vector<16xf32>
        %add3A_2226 = arith.constant 9.99999996E-13 : f32
        %add3A_2227 = vector.broadcast %add3A_2226 : f32 to vector<16xf32>
        %add3A_2228 = arith.addf %sub3A_2225, %add3A_2227 : vector<16xf32>
        %bitcast3A_2229 = vector.bitcast %add3A_2228 : vector<16xf32> to vector<16xi32>
        %shift_right_logical3A_2230 = arith.constant 1 : i32
        %shift_right_logical3A_2231 = vector.broadcast %shift_right_logical3A_2230 : i32 to vector<16xi32>
        %shift_right_logical3A_2232 = arith.shrui %bitcast3A_2229, %shift_right_logical3A_2231 : vector<16xi32>
        %sub3A_2233 = arith.constant 1597463007 : i32
        %sub3A_2234 = vector.broadcast %sub3A_2233 : i32 to vector<16xi32>
        %sub3A_2235 = arith.subi %sub3A_2234, %shift_right_logical3A_2232 : vector<16xi32>
        %bitcast3A_2236 = vector.bitcast %sub3A_2235 : vector<16xi32> to vector<16xf32>
        %mul3A_2237 = arith.constant 5.000000e-01 : f32
        %mul3A_2238 = vector.broadcast %mul3A_2237 : f32 to vector<16xf32>
        %mul3A_2239 = arith.mulf %mul3A_2238, %add3A_2228 : vector<16xf32>
        %mul3A_2240 = arith.mulf %mul3A_2239, %bitcast3A_2236 : vector<16xf32>
        %mul3A_2241 = arith.mulf %mul3A_2240, %bitcast3A_2236 : vector<16xf32>
        %sub3A_2242 = arith.constant 1.500000e+00 : f32
        %sub3A_2243 = vector.broadcast %sub3A_2242 : f32 to vector<16xf32>
        %sub3A_2244 = arith.subf %sub3A_2243, %mul3A_2241 : vector<16xf32>
        %mul3A_2245 = arith.mulf %bitcast3A_2236, %sub3A_2244 : vector<16xf32>
        %mul3A_2246 = arith.constant 5.000000e-01 : f32
        %mul3A_2247 = vector.broadcast %mul3A_2246 : f32 to vector<16xf32>
        %mul3A_2248 = arith.mulf %mul3A_2247, %add3A_2228 : vector<16xf32>
        %mul3A_2249 = arith.mulf %mul3A_2248, %mul3A_2245 : vector<16xf32>
        %mul3A_2250 = arith.mulf %mul3A_2249, %mul3A_2245 : vector<16xf32>
        %sub3A_2251 = arith.constant 1.500000e+00 : f32
        %sub3A_2252 = vector.broadcast %sub3A_2251 : f32 to vector<16xf32>
        %sub3A_2253 = arith.subf %sub3A_2252, %mul3A_2250 : vector<16xf32>
        %mul3A_2254 = arith.mulf %mul3A_2245, %sub3A_2253 : vector<16xf32>
        %sub3A_2255 = arith.subf %add3A_714, %mul3A_2160 : vector<16xf32>
        %mul3A_2256 = arith.mulf %mul3A_2254, %get3A_18 : vector<16xf32>
        %mul3A_2257 = arith.mulf %sub3A_2255, %mul3A_2256 : vector<16xf32>
        %add3A_2258 = arith.addf %mul3A_2257, %get3A_26 : vector<16xf32>
        %mul3A_2259 = arith.constant 64 : i32
        %mul3A_2260 = arith.muli %add3A_2087, %mul3A_2259 : i32
        %add3A_2261 = arith.constant 0 : i32
        %add3A_2262 = arith.addi %mul3A_2260, %add3A_2261 : i32
        %swap3A_2263 = arith.index_cast %add3A_2262 : i32 to index
        %swap3A_2264 = tpu.vector_load %arg21[%swap3A_2263] {strides = array<i32>} : memref<12800xf32, #tpu.memory_space<vmem>>, vector<16xf32>,
        tpu.vector_store %arg21[%swap3A_2263], %add3A_2258 {strides = array<i32>} : memref<12800xf32, #tpu.memory_space<vmem>>, vector<16xf32>,
        %sub3A_2265 = arith.subf %add3A_731, %mul3A_2160 : vector<16xf32>
        %mul3A_2266 = arith.mulf %mul3A_2254, %get3A_20 : vector<16xf32>
        %mul3A_2267 = arith.mulf %sub3A_2265, %mul3A_2266 : vector<16xf32>
        %add3A_2268 = arith.addf %mul3A_2267, %get3A_28 : vector<16xf32>
        %mul3A_2269 = arith.constant 64 : i32
        %mul3A_2270 = arith.muli %add3A_2087, %mul3A_2269 : i32
        %add3A_2271 = arith.constant 16 : i32
        %add3A_2272 = arith.addi %mul3A_2270, %add3A_2271 : i32
        %swap3A_2273 = arith.index_cast %add3A_2272 : i32 to index
        %swap3A_2274 = tpu.vector_load %arg21[%swap3A_2273] {strides = array<i32>} : memref<12800xf32, #tpu.memory_space<vmem>>, vector<16xf32>,
        tpu.vector_store %arg21[%swap3A_2273], %add3A_2268 {strides = array<i32>} : memref<12800xf32, #tpu.memory_space<vmem>>, vector<16xf32>,
        %sub3A_2275 = arith.subf %add3A_748, %mul3A_2160 : vector<16xf32>
        %mul3A_2276 = arith.mulf %mul3A_2254, %get3A_22 : vector<16xf32>
        %mul3A_2277 = arith.mulf %sub3A_2275, %mul3A_2276 : vector<16xf32>
        %add3A_2278 = arith.addf %mul3A_2277, %get3A_30 : vector<16xf32>
        %mul3A_2279 = arith.constant 64 : i32
        %mul3A_2280 = arith.muli %add3A_2087, %mul3A_2279 : i32
        %add3A_2281 = arith.constant 32 : i32
        %add3A_2282 = arith.addi %mul3A_2280, %add3A_2281 : i32
        %swap3A_2283 = arith.index_cast %add3A_2282 : i32 to index
        %swap3A_2284 = tpu.vector_load %arg21[%swap3A_2283] {strides = array<i32>} : memref<12800xf32, #tpu.memory_space<vmem>>, vector<16xf32>,
        tpu.vector_store %arg21[%swap3A_2283], %add3A_2278 {strides = array<i32>} : memref<12800xf32, #tpu.memory_space<vmem>>, vector<16xf32>,
        %sub3A_2285 = arith.subf %add3A_765, %mul3A_2160 : vector<16xf32>
        %mul3A_2286 = arith.mulf %mul3A_2254, %get3A_24 : vector<16xf32>
        %mul3A_2287 = arith.mulf %sub3A_2285, %mul3A_2286 : vector<16xf32>
        %add3A_2288 = arith.addf %mul3A_2287, %get3A_32 : vector<16xf32>
        %mul3A_2289 = arith.constant 64 : i32
        %mul3A_2290 = arith.muli %add3A_2087, %mul3A_2289 : i32
        %add3A_2291 = arith.constant 48 : i32
        %add3A_2292 = arith.addi %mul3A_2290, %add3A_2291 : i32
        %swap3A_2293 = arith.index_cast %add3A_2292 : i32 to index
        %swap3A_2294 = tpu.vector_load %arg21[%swap3A_2293] {strides = array<i32>} : memref<12800xf32, #tpu.memory_space<vmem>>, vector<16xf32>,
        tpu.vector_store %arg21[%swap3A_2293], %add3A_2288 {strides = array<i32>} : memref<12800xf32, #tpu.memory_space<vmem>>, vector<16xf32>,
        %add3A_2295 = arith.constant 7 : i32
        %add3A_2296 = arith.addi %mul3A_239, %add3A_2295 : i32
        %add3A_2297 = arith.addf %add3A_788, %add3A_805 : vector<16xf32>
        %add3A_2298 = arith.addf %add3A_822, %add3A_839 : vector<16xf32>
        %add3A_2299 = arith.addf %add3A_2297, %add3A_2298 : vector<16xf32>
        %mul3A_2300 = arith.mulf %add3A_788, %add3A_788 : vector<16xf32>
        %mul3A_2301 = arith.mulf %add3A_805, %add3A_805 : vector<16xf32>
        %add3A_2302 = arith.addf %mul3A_2300, %mul3A_2301 : vector<16xf32>
        %mul3A_2303 = arith.mulf %add3A_822, %add3A_822 : vector<16xf32>
        %mul3A_2304 = arith.mulf %add3A_839, %add3A_839 : vector<16xf32>
        %add3A_2305 = arith.addf %mul3A_2303, %mul3A_2304 : vector<16xf32>
        %add3A_2306 = arith.addf %add3A_2302, %add3A_2305 : vector<16xf32>
        %iota3A_2307 = tpu.iota {dimensions = array<i32: 0>} : vector<16xi32>
        %xor3A_2308 = arith.constant 8 : i32
        %xor3A_2309 = vector.broadcast %xor3A_2308 : i32 to vector<16xi32>
        %xor3A_2310 = arith.xori %iota3A_2307, %xor3A_2309 : vector<16xi32>
        %lt3A_2311 = arith.constant 0 : i32
        %lt3A_2312 = vector.broadcast %lt3A_2311 : i32 to vector<16xi32>
        %lt3A_2313 = arith.cmpi slt, %xor3A_2310, %lt3A_2312 : vector<16xi32>
        %add3A_2314 = arith.constant 16 : i32
        %add3A_2315 = vector.broadcast %add3A_2314 : i32 to vector<16xi32>
        %add3A_2316 = arith.addi %xor3A_2310, %add3A_2315 : vector<16xi32>
        %select_n3A_2317 = arith.select %lt3A_2313, %add3A_2316, %xor3A_2310 : vector<16xi1>, vector<16xi32>
        %broadcast_in_dim3A_2318 = vector.shape_cast %select_n3A_2317 : vector<16xi32> to vector<16x1xi32>
        %gather3A_2319 = vector.shape_cast %broadcast_in_dim3A_2318 : vector<16x1xi32> to vector<16xi32>
        %gather3A_2320 = tpu.dynamic_gather %add3A_2299[%gather3A_2319] in [0] : vector<16xf32>, vector<16xi32> -> vector<16xf32>
        %add3A_2321 = arith.addf %add3A_2299, %gather3A_2320 : vector<16xf32>
        %iota3A_2322 = tpu.iota {dimensions = array<i32: 0>} : vector<16xi32>
        %xor3A_2323 = arith.constant 4 : i32
        %xor3A_2324 = vector.broadcast %xor3A_2323 : i32 to vector<16xi32>
        %xor3A_2325 = arith.xori %iota3A_2322, %xor3A_2324 : vector<16xi32>
        %lt3A_2326 = arith.constant 0 : i32
        %lt3A_2327 = vector.broadcast %lt3A_2326 : i32 to vector<16xi32>
        %lt3A_2328 = arith.cmpi slt, %xor3A_2325, %lt3A_2327 : vector<16xi32>
        %add3A_2329 = arith.constant 16 : i32
        %add3A_2330 = vector.broadcast %add3A_2329 : i32 to vector<16xi32>
        %add3A_2331 = arith.addi %xor3A_2325, %add3A_2330 : vector<16xi32>
        %select_n3A_2332 = arith.select %lt3A_2328, %add3A_2331, %xor3A_2325 : vector<16xi1>, vector<16xi32>
        %broadcast_in_dim3A_2333 = vector.shape_cast %select_n3A_2332 : vector<16xi32> to vector<16x1xi32>
        %gather3A_2334 = vector.shape_cast %broadcast_in_dim3A_2333 : vector<16x1xi32> to vector<16xi32>
        %gather3A_2335 = tpu.dynamic_gather %add3A_2321[%gather3A_2334] in [0] : vector<16xf32>, vector<16xi32> -> vector<16xf32>
        %add3A_2336 = arith.addf %add3A_2321, %gather3A_2335 : vector<16xf32>
        %iota3A_2337 = tpu.iota {dimensions = array<i32: 0>} : vector<16xi32>
        %xor3A_2338 = arith.constant 2 : i32
        %xor3A_2339 = vector.broadcast %xor3A_2338 : i32 to vector<16xi32>
        %xor3A_2340 = arith.xori %iota3A_2337, %xor3A_2339 : vector<16xi32>
        %lt3A_2341 = arith.constant 0 : i32
        %lt3A_2342 = vector.broadcast %lt3A_2341 : i32 to vector<16xi32>
        %lt3A_2343 = arith.cmpi slt, %xor3A_2340, %lt3A_2342 : vector<16xi32>
        %add3A_2344 = arith.constant 16 : i32
        %add3A_2345 = vector.broadcast %add3A_2344 : i32 to vector<16xi32>
        %add3A_2346 = arith.addi %xor3A_2340, %add3A_2345 : vector<16xi32>
        %select_n3A_2347 = arith.select %lt3A_2343, %add3A_2346, %xor3A_2340 : vector<16xi1>, vector<16xi32>
        %broadcast_in_dim3A_2348 = vector.shape_cast %select_n3A_2347 : vector<16xi32> to vector<16x1xi32>
        %gather3A_2349 = vector.shape_cast %broadcast_in_dim3A_2348 : vector<16x1xi32> to vector<16xi32>
        %gather3A_2350 = tpu.dynamic_gather %add3A_2336[%gather3A_2349] in [0] : vector<16xf32>, vector<16xi32> -> vector<16xf32>
        %add3A_2351 = arith.addf %add3A_2336, %gather3A_2350 : vector<16xf32>
        %iota3A_2352 = tpu.iota {dimensions = array<i32: 0>} : vector<16xi32>
        %xor3A_2353 = arith.constant 1 : i32
        %xor3A_2354 = vector.broadcast %xor3A_2353 : i32 to vector<16xi32>
        %xor3A_2355 = arith.xori %iota3A_2352, %xor3A_2354 : vector<16xi32>
        %lt3A_2356 = arith.constant 0 : i32
        %lt3A_2357 = vector.broadcast %lt3A_2356 : i32 to vector<16xi32>
        %lt3A_2358 = arith.cmpi slt, %xor3A_2355, %lt3A_2357 : vector<16xi32>
        %add3A_2359 = arith.constant 16 : i32
        %add3A_2360 = vector.broadcast %add3A_2359 : i32 to vector<16xi32>
        %add3A_2361 = arith.addi %xor3A_2355, %add3A_2360 : vector<16xi32>
        %select_n3A_2362 = arith.select %lt3A_2358, %add3A_2361, %xor3A_2355 : vector<16xi1>, vector<16xi32>
        %broadcast_in_dim3A_2363 = vector.shape_cast %select_n3A_2362 : vector<16xi32> to vector<16x1xi32>
        %gather3A_2364 = vector.shape_cast %broadcast_in_dim3A_2363 : vector<16x1xi32> to vector<16xi32>
        %gather3A_2365 = tpu.dynamic_gather %add3A_2351[%gather3A_2364] in [0] : vector<16xf32>, vector<16xi32> -> vector<16xf32>
        %add3A_2366 = arith.addf %add3A_2351, %gather3A_2365 : vector<16xf32>
        %mul3A_2367 = arith.constant 1.562500e-02 : f32
        %mul3A_2368 = vector.broadcast %mul3A_2367 : f32 to vector<16xf32>
        %mul3A_2369 = arith.mulf %add3A_2366, %mul3A_2368 : vector<16xf32>
        %iota3A_2370 = tpu.iota {dimensions = array<i32: 0>} : vector<16xi32>
        %xor3A_2371 = arith.constant 8 : i32
        %xor3A_2372 = vector.broadcast %xor3A_2371 : i32 to vector<16xi32>
        %xor3A_2373 = arith.xori %iota3A_2370, %xor3A_2372 : vector<16xi32>
        %lt3A_2374 = arith.constant 0 : i32
        %lt3A_2375 = vector.broadcast %lt3A_2374 : i32 to vector<16xi32>
        %lt3A_2376 = arith.cmpi slt, %xor3A_2373, %lt3A_2375 : vector<16xi32>
        %add3A_2377 = arith.constant 16 : i32
        %add3A_2378 = vector.broadcast %add3A_2377 : i32 to vector<16xi32>
        %add3A_2379 = arith.addi %xor3A_2373, %add3A_2378 : vector<16xi32>
        %select_n3A_2380 = arith.select %lt3A_2376, %add3A_2379, %xor3A_2373 : vector<16xi1>, vector<16xi32>
        %broadcast_in_dim3A_2381 = vector.shape_cast %select_n3A_2380 : vector<16xi32> to vector<16x1xi32>
        %gather3A_2382 = vector.shape_cast %broadcast_in_dim3A_2381 : vector<16x1xi32> to vector<16xi32>
        %gather3A_2383 = tpu.dynamic_gather %add3A_2306[%gather3A_2382] in [0] : vector<16xf32>, vector<16xi32> -> vector<16xf32>
        %add3A_2384 = arith.addf %add3A_2306, %gather3A_2383 : vector<16xf32>
        %iota3A_2385 = tpu.iota {dimensions = array<i32: 0>} : vector<16xi32>
        %xor3A_2386 = arith.constant 4 : i32
        %xor3A_2387 = vector.broadcast %xor3A_2386 : i32 to vector<16xi32>
        %xor3A_2388 = arith.xori %iota3A_2385, %xor3A_2387 : vector<16xi32>
        %lt3A_2389 = arith.constant 0 : i32
        %lt3A_2390 = vector.broadcast %lt3A_2389 : i32 to vector<16xi32>
        %lt3A_2391 = arith.cmpi slt, %xor3A_2388, %lt3A_2390 : vector<16xi32>
        %add3A_2392 = arith.constant 16 : i32
        %add3A_2393 = vector.broadcast %add3A_2392 : i32 to vector<16xi32>
        %add3A_2394 = arith.addi %xor3A_2388, %add3A_2393 : vector<16xi32>
        %select_n3A_2395 = arith.select %lt3A_2391, %add3A_2394, %xor3A_2388 : vector<16xi1>, vector<16xi32>
        %broadcast_in_dim3A_2396 = vector.shape_cast %select_n3A_2395 : vector<16xi32> to vector<16x1xi32>
        %gather3A_2397 = vector.shape_cast %broadcast_in_dim3A_2396 : vector<16x1xi32> to vector<16xi32>
        %gather3A_2398 = tpu.dynamic_gather %add3A_2384[%gather3A_2397] in [0] : vector<16xf32>, vector<16xi32> -> vector<16xf32>
        %add3A_2399 = arith.addf %add3A_2384, %gather3A_2398 : vector<16xf32>
        %iota3A_2400 = tpu.iota {dimensions = array<i32: 0>} : vector<16xi32>
        %xor3A_2401 = arith.constant 2 : i32
        %xor3A_2402 = vector.broadcast %xor3A_2401 : i32 to vector<16xi32>
        %xor3A_2403 = arith.xori %iota3A_2400, %xor3A_2402 : vector<16xi32>
        %lt3A_2404 = arith.constant 0 : i32
        %lt3A_2405 = vector.broadcast %lt3A_2404 : i32 to vector<16xi32>
        %lt3A_2406 = arith.cmpi slt, %xor3A_2403, %lt3A_2405 : vector<16xi32>
        %add3A_2407 = arith.constant 16 : i32
        %add3A_2408 = vector.broadcast %add3A_2407 : i32 to vector<16xi32>
        %add3A_2409 = arith.addi %xor3A_2403, %add3A_2408 : vector<16xi32>
        %select_n3A_2410 = arith.select %lt3A_2406, %add3A_2409, %xor3A_2403 : vector<16xi1>, vector<16xi32>
        %broadcast_in_dim3A_2411 = vector.shape_cast %select_n3A_2410 : vector<16xi32> to vector<16x1xi32>
        %gather3A_2412 = vector.shape_cast %broadcast_in_dim3A_2411 : vector<16x1xi32> to vector<16xi32>
        %gather3A_2413 = tpu.dynamic_gather %add3A_2399[%gather3A_2412] in [0] : vector<16xf32>, vector<16xi32> -> vector<16xf32>
        %add3A_2414 = arith.addf %add3A_2399, %gather3A_2413 : vector<16xf32>
        %iota3A_2415 = tpu.iota {dimensions = array<i32: 0>} : vector<16xi32>
        %xor3A_2416 = arith.constant 1 : i32
        %xor3A_2417 = vector.broadcast %xor3A_2416 : i32 to vector<16xi32>
        %xor3A_2418 = arith.xori %iota3A_2415, %xor3A_2417 : vector<16xi32>
        %lt3A_2419 = arith.constant 0 : i32
        %lt3A_2420 = vector.broadcast %lt3A_2419 : i32 to vector<16xi32>
        %lt3A_2421 = arith.cmpi slt, %xor3A_2418, %lt3A_2420 : vector<16xi32>
        %add3A_2422 = arith.constant 16 : i32
        %add3A_2423 = vector.broadcast %add3A_2422 : i32 to vector<16xi32>
        %add3A_2424 = arith.addi %xor3A_2418, %add3A_2423 : vector<16xi32>
        %select_n3A_2425 = arith.select %lt3A_2421, %add3A_2424, %xor3A_2418 : vector<16xi1>, vector<16xi32>
        %broadcast_in_dim3A_2426 = vector.shape_cast %select_n3A_2425 : vector<16xi32> to vector<16x1xi32>
        %gather3A_2427 = vector.shape_cast %broadcast_in_dim3A_2426 : vector<16x1xi32> to vector<16xi32>
        %gather3A_2428 = tpu.dynamic_gather %add3A_2414[%gather3A_2427] in [0] : vector<16xf32>, vector<16xi32> -> vector<16xf32>
        %add3A_2429 = arith.addf %add3A_2414, %gather3A_2428 : vector<16xf32>
        %mul3A_2430 = arith.constant 1.562500e-02 : f32
        %mul3A_2431 = vector.broadcast %mul3A_2430 : f32 to vector<16xf32>
        %mul3A_2432 = arith.mulf %add3A_2429, %mul3A_2431 : vector<16xf32>
        %mul3A_2433 = arith.mulf %mul3A_2369, %mul3A_2369 : vector<16xf32>
        %sub3A_2434 = arith.subf %mul3A_2432, %mul3A_2433 : vector<16xf32>
        %add3A_2435 = arith.constant 9.99999996E-13 : f32
        %add3A_2436 = vector.broadcast %add3A_2435 : f32 to vector<16xf32>
        %add3A_2437 = arith.addf %sub3A_2434, %add3A_2436 : vector<16xf32>
        %bitcast3A_2438 = vector.bitcast %add3A_2437 : vector<16xf32> to vector<16xi32>
        %shift_right_logical3A_2439 = arith.constant 1 : i32
        %shift_right_logical3A_2440 = vector.broadcast %shift_right_logical3A_2439 : i32 to vector<16xi32>
        %shift_right_logical3A_2441 = arith.shrui %bitcast3A_2438, %shift_right_logical3A_2440 : vector<16xi32>
        %sub3A_2442 = arith.constant 1597463007 : i32
        %sub3A_2443 = vector.broadcast %sub3A_2442 : i32 to vector<16xi32>
        %sub3A_2444 = arith.subi %sub3A_2443, %shift_right_logical3A_2441 : vector<16xi32>
        %bitcast3A_2445 = vector.bitcast %sub3A_2444 : vector<16xi32> to vector<16xf32>
        %mul3A_2446 = arith.constant 5.000000e-01 : f32
        %mul3A_2447 = vector.broadcast %mul3A_2446 : f32 to vector<16xf32>
        %mul3A_2448 = arith.mulf %mul3A_2447, %add3A_2437 : vector<16xf32>
        %mul3A_2449 = arith.mulf %mul3A_2448, %bitcast3A_2445 : vector<16xf32>
        %mul3A_2450 = arith.mulf %mul3A_2449, %bitcast3A_2445 : vector<16xf32>
        %sub3A_2451 = arith.constant 1.500000e+00 : f32
        %sub3A_2452 = vector.broadcast %sub3A_2451 : f32 to vector<16xf32>
        %sub3A_2453 = arith.subf %sub3A_2452, %mul3A_2450 : vector<16xf32>
        %mul3A_2454 = arith.mulf %bitcast3A_2445, %sub3A_2453 : vector<16xf32>
        %mul3A_2455 = arith.constant 5.000000e-01 : f32
        %mul3A_2456 = vector.broadcast %mul3A_2455 : f32 to vector<16xf32>
        %mul3A_2457 = arith.mulf %mul3A_2456, %add3A_2437 : vector<16xf32>
        %mul3A_2458 = arith.mulf %mul3A_2457, %mul3A_2454 : vector<16xf32>
        %mul3A_2459 = arith.mulf %mul3A_2458, %mul3A_2454 : vector<16xf32>
        %sub3A_2460 = arith.constant 1.500000e+00 : f32
        %sub3A_2461 = vector.broadcast %sub3A_2460 : f32 to vector<16xf32>
        %sub3A_2462 = arith.subf %sub3A_2461, %mul3A_2459 : vector<16xf32>
        %mul3A_2463 = arith.mulf %mul3A_2454, %sub3A_2462 : vector<16xf32>
        %sub3A_2464 = arith.subf %add3A_788, %mul3A_2369 : vector<16xf32>
        %mul3A_2465 = arith.mulf %mul3A_2463, %get3A_18 : vector<16xf32>
        %mul3A_2466 = arith.mulf %sub3A_2464, %mul3A_2465 : vector<16xf32>
        %add3A_2467 = arith.addf %mul3A_2466, %get3A_26 : vector<16xf32>
        %mul3A_2468 = arith.constant 64 : i32
        %mul3A_2469 = arith.muli %add3A_2296, %mul3A_2468 : i32
        %add3A_2470 = arith.constant 0 : i32
        %add3A_2471 = arith.addi %mul3A_2469, %add3A_2470 : i32
        %swap3A_2472 = arith.index_cast %add3A_2471 : i32 to index
        %swap3A_2473 = tpu.vector_load %arg21[%swap3A_2472] {strides = array<i32>} : memref<12800xf32, #tpu.memory_space<vmem>>, vector<16xf32>,
        tpu.vector_store %arg21[%swap3A_2472], %add3A_2467 {strides = array<i32>} : memref<12800xf32, #tpu.memory_space<vmem>>, vector<16xf32>,
        %sub3A_2474 = arith.subf %add3A_805, %mul3A_2369 : vector<16xf32>
        %mul3A_2475 = arith.mulf %mul3A_2463, %get3A_20 : vector<16xf32>
        %mul3A_2476 = arith.mulf %sub3A_2474, %mul3A_2475 : vector<16xf32>
        %add3A_2477 = arith.addf %mul3A_2476, %get3A_28 : vector<16xf32>
        %mul3A_2478 = arith.constant 64 : i32
        %mul3A_2479 = arith.muli %add3A_2296, %mul3A_2478 : i32
        %add3A_2480 = arith.constant 16 : i32
        %add3A_2481 = arith.addi %mul3A_2479, %add3A_2480 : i32
        %swap3A_2482 = arith.index_cast %add3A_2481 : i32 to index
        %swap3A_2483 = tpu.vector_load %arg21[%swap3A_2482] {strides = array<i32>} : memref<12800xf32, #tpu.memory_space<vmem>>, vector<16xf32>,
        tpu.vector_store %arg21[%swap3A_2482], %add3A_2477 {strides = array<i32>} : memref<12800xf32, #tpu.memory_space<vmem>>, vector<16xf32>,
        %sub3A_2484 = arith.subf %add3A_822, %mul3A_2369 : vector<16xf32>
        %mul3A_2485 = arith.mulf %mul3A_2463, %get3A_22 : vector<16xf32>
        %mul3A_2486 = arith.mulf %sub3A_2484, %mul3A_2485 : vector<16xf32>
        %add3A_2487 = arith.addf %mul3A_2486, %get3A_30 : vector<16xf32>
        %mul3A_2488 = arith.constant 64 : i32
        %mul3A_2489 = arith.muli %add3A_2296, %mul3A_2488 : i32
        %add3A_2490 = arith.constant 32 : i32
        %add3A_2491 = arith.addi %mul3A_2489, %add3A_2490 : i32
        %swap3A_2492 = arith.index_cast %add3A_2491 : i32 to index
        %swap3A_2493 = tpu.vector_load %arg21[%swap3A_2492] {strides = array<i32>} : memref<12800xf32, #tpu.memory_space<vmem>>, vector<16xf32>,
        tpu.vector_store %arg21[%swap3A_2492], %add3A_2487 {strides = array<i32>} : memref<12800xf32, #tpu.memory_space<vmem>>, vector<16xf32>,
        %sub3A_2494 = arith.subf %add3A_839, %mul3A_2369 : vector<16xf32>
        %mul3A_2495 = arith.mulf %mul3A_2463, %get3A_24 : vector<16xf32>
        %mul3A_2496 = arith.mulf %sub3A_2494, %mul3A_2495 : vector<16xf32>
        %add3A_2497 = arith.addf %mul3A_2496, %get3A_32 : vector<16xf32>
        %mul3A_2498 = arith.constant 64 : i32
        %mul3A_2499 = arith.muli %add3A_2296, %mul3A_2498 : i32
        %add3A_2500 = arith.constant 48 : i32
        %add3A_2501 = arith.addi %mul3A_2499, %add3A_2500 : i32
        %swap3A_2502 = arith.index_cast %add3A_2501 : i32 to index
        %swap3A_2503 = tpu.vector_load %arg21[%swap3A_2502] {strides = array<i32>} : memref<12800xf32, #tpu.memory_space<vmem>>, vector<16xf32>,
        tpu.vector_store %arg21[%swap3A_2502], %add3A_2497 {strides = array<i32>} : memref<12800xf32, #tpu.memory_space<vmem>>, vector<16xf32>,
        %scan3A_2504 = arith.constant 0 : i32
        scf.yield %scan3A_2504 : i32
      }
      %scan3A_194 = arith.constant 25 : i32
      %mul3A_195 = arith.constant 200 : i32
      %mul3A_196 = arith.muli %mul3A_112, %mul3A_195 : i32
      %add3A_197 = arith.addi %mul3A_2, %mul3A_196 : i32
      %mul3A_198 = arith.constant 64 : i32
      %mul3A_199 = arith.muli %add3A_197, %mul3A_198 : i32
      %dma_start3A_200 = tpu.memref_slice %arg12[%mul3A_199] : memref<52428800xf32, #tpu.memory_space<hbm>> -> memref<12800xf32, #tpu.memory_space<hbm>>
      %dma_start3A_201 = tpu.memref_slice %arg12[%mul3A_199] : memref<52428800xf32, #tpu.memory_space<hbm>> -> memref<12800xf32, #tpu.memory_space<hbm>>
      tpu.enqueue_dma source(%arg21 : memref<12800xf32, #tpu.memory_space<vmem>>) target(%dma_start3A_201 : memref<12800xf32, #tpu.memory_space<hbm>>) target_semaphore(%arg35 : memref<!tpu.dma_semaphore, #tpu.memory_space<semaphore_mem>>)
      %lt3A = arith.constant 63 : i32
      %lt3A_202 = arith.cmpi slt, %scan3A_109, %lt3A : i32
      %convert_element_type3A_203 = arith.extui %lt3A_202 : i1 to i32
      %cond3A_204 = arith.constant 0 : i32
      %cond3A_205 = arith.cmpi ne, %convert_element_type3A_203, %cond3A_204 : i32
      scf.if %cond3A_205 {
        %add3A_236 = arith.constant 2 : i32
        %add3A_237 = arith.addi %mul3A_112, %add3A_236 : i32
        %mul3A_238 = arith.constant 200 : i32
        %mul3A_239 = arith.muli %add3A_237, %mul3A_238 : i32
        %add3A_240 = arith.addi %mul3A_2, %mul3A_239 : i32
        %dma_start3A_241 = arith.constant 0 : i32
        %dma_start3A_242 = tpu.memref_slice %arg23[%dma_start3A_241] : memref<216xi32, #tpu.memory_space<vmem>> -> memref<200xi32, #tpu.memory_space<vmem>>
        %dma_start3A_243 = tpu.memref_slice %arg2[%add3A_240] : memref<819200xi32, #tpu.memory_space<hbm>> -> memref<200xi32, #tpu.memory_space<hbm>>
        %dma_start3A_244 = arith.constant 0 : i32
        %dma_start3A_245 = tpu.memref_slice %arg23[%dma_start3A_244] : memref<216xi32, #tpu.memory_space<vmem>> -> memref<200xi32, #tpu.memory_space<vmem>>
        %dma_start3A_246 = tpu.memref_slice %arg2[%add3A_240] : memref<819200xi32, #tpu.memory_space<hbm>> -> memref<200xi32, #tpu.memory_space<hbm>>
        tpu.enqueue_dma source(%dma_start3A_246 : memref<200xi32, #tpu.memory_space<hbm>>) target(%dma_start3A_245 : memref<200xi32, #tpu.memory_space<vmem>>) target_semaphore(%arg37 : memref<!tpu.dma_semaphore, #tpu.memory_space<semaphore_mem>>)
        %dma_start3A_247 = arith.constant 0 : i32
        %dma_start3A_248 = tpu.memref_slice %arg24[%dma_start3A_247] : memref<216xi32, #tpu.memory_space<vmem>> -> memref<200xi32, #tpu.memory_space<vmem>>
        %dma_start3A_249 = tpu.memref_slice %arg3[%add3A_240] : memref<819200xi32, #tpu.memory_space<hbm>> -> memref<200xi32, #tpu.memory_space<hbm>>
        %dma_start3A_250 = arith.constant 0 : i32
        %dma_start3A_251 = tpu.memref_slice %arg24[%dma_start3A_250] : memref<216xi32, #tpu.memory_space<vmem>> -> memref<200xi32, #tpu.memory_space<vmem>>
        %dma_start3A_252 = tpu.memref_slice %arg3[%add3A_240] : memref<819200xi32, #tpu.memory_space<hbm>> -> memref<200xi32, #tpu.memory_space<hbm>>
        tpu.enqueue_dma source(%dma_start3A_252 : memref<200xi32, #tpu.memory_space<hbm>>) target(%dma_start3A_251 : memref<200xi32, #tpu.memory_space<vmem>>) target_semaphore(%arg37 : memref<!tpu.dma_semaphore, #tpu.memory_space<semaphore_mem>>)
        %dma_start3A_253 = arith.constant 0 : i32
        %dma_start3A_254 = tpu.memref_slice %arg25[%dma_start3A_253] : memref<216xi32, #tpu.memory_space<vmem>> -> memref<200xi32, #tpu.memory_space<vmem>>
        %dma_start3A_255 = tpu.memref_slice %arg4[%add3A_240] : memref<819200xi32, #tpu.memory_space<hbm>> -> memref<200xi32, #tpu.memory_space<hbm>>
        %dma_start3A_256 = arith.constant 0 : i32
        %dma_start3A_257 = tpu.memref_slice %arg25[%dma_start3A_256] : memref<216xi32, #tpu.memory_space<vmem>> -> memref<200xi32, #tpu.memory_space<vmem>>
        %dma_start3A_258 = tpu.memref_slice %arg4[%add3A_240] : memref<819200xi32, #tpu.memory_space<hbm>> -> memref<200xi32, #tpu.memory_space<hbm>>
        tpu.enqueue_dma source(%dma_start3A_258 : memref<200xi32, #tpu.memory_space<hbm>>) target(%dma_start3A_257 : memref<200xi32, #tpu.memory_space<vmem>>) target_semaphore(%arg37 : memref<!tpu.dma_semaphore, #tpu.memory_space<semaphore_mem>>)
        %dma_start3A_259 = arith.constant 0 : i32
        %dma_start3A_260 = tpu.memref_slice %arg26[%dma_start3A_259] : memref<216xi32, #tpu.memory_space<vmem>> -> memref<200xi32, #tpu.memory_space<vmem>>
        %dma_start3A_261 = tpu.memref_slice %arg5[%add3A_240] : memref<819200xi32, #tpu.memory_space<hbm>> -> memref<200xi32, #tpu.memory_space<hbm>>
        %dma_start3A_262 = arith.constant 0 : i32
        %dma_start3A_263 = tpu.memref_slice %arg26[%dma_start3A_262] : memref<216xi32, #tpu.memory_space<vmem>> -> memref<200xi32, #tpu.memory_space<vmem>>
        %dma_start3A_264 = tpu.memref_slice %arg5[%add3A_240] : memref<819200xi32, #tpu.memory_space<hbm>> -> memref<200xi32, #tpu.memory_space<hbm>>
        tpu.enqueue_dma source(%dma_start3A_264 : memref<200xi32, #tpu.memory_space<hbm>>) target(%dma_start3A_263 : memref<200xi32, #tpu.memory_space<vmem>>) target_semaphore(%arg37 : memref<!tpu.dma_semaphore, #tpu.memory_space<semaphore_mem>>)
        %dma_wait3A_265 = arith.constant 0 : i32
        %dma_wait3A_266 = tpu.memref_slice %arg23[%dma_wait3A_265] : memref<216xi32, #tpu.memory_space<vmem>> -> memref<200xi32, #tpu.memory_space<vmem>>
        %dma_wait3A_267 = tpu.memref_slice %arg2[%add3A_240] : memref<819200xi32, #tpu.memory_space<hbm>> -> memref<200xi32, #tpu.memory_space<hbm>>
        %dma_wait3A_268 = arith.constant 0 : i32
        %dma_wait3A_269 = tpu.memref_slice %arg23[%dma_wait3A_268] : memref<216xi32, #tpu.memory_space<vmem>> -> memref<200xi32, #tpu.memory_space<vmem>>
        %dma_wait3A_270 = tpu.memref_slice %arg2[%add3A_240] : memref<819200xi32, #tpu.memory_space<hbm>> -> memref<200xi32, #tpu.memory_space<hbm>>
        tpu.wait_dma2 semaphore(%arg37 : memref<!tpu.dma_semaphore, #tpu.memory_space<semaphore_mem>>) src(%dma_wait3A_270 : memref<200xi32, #tpu.memory_space<hbm>>) dst(%dma_wait3A_269 : memref<200xi32, #tpu.memory_space<vmem>>)
        %dma_wait3A_271 = arith.constant 0 : i32
        %dma_wait3A_272 = tpu.memref_slice %arg24[%dma_wait3A_271] : memref<216xi32, #tpu.memory_space<vmem>> -> memref<200xi32, #tpu.memory_space<vmem>>
        %dma_wait3A_273 = tpu.memref_slice %arg3[%add3A_240] : memref<819200xi32, #tpu.memory_space<hbm>> -> memref<200xi32, #tpu.memory_space<hbm>>
        %dma_wait3A_274 = arith.constant 0 : i32
        %dma_wait3A_275 = tpu.memref_slice %arg24[%dma_wait3A_274] : memref<216xi32, #tpu.memory_space<vmem>> -> memref<200xi32, #tpu.memory_space<vmem>>
        %dma_wait3A_276 = tpu.memref_slice %arg3[%add3A_240] : memref<819200xi32, #tpu.memory_space<hbm>> -> memref<200xi32, #tpu.memory_space<hbm>>
        tpu.wait_dma2 semaphore(%arg37 : memref<!tpu.dma_semaphore, #tpu.memory_space<semaphore_mem>>) src(%dma_wait3A_276 : memref<200xi32, #tpu.memory_space<hbm>>) dst(%dma_wait3A_275 : memref<200xi32, #tpu.memory_space<vmem>>)
        %dma_wait3A_277 = arith.constant 0 : i32
        %dma_wait3A_278 = tpu.memref_slice %arg25[%dma_wait3A_277] : memref<216xi32, #tpu.memory_space<vmem>> -> memref<200xi32, #tpu.memory_space<vmem>>
        %dma_wait3A_279 = tpu.memref_slice %arg4[%add3A_240] : memref<819200xi32, #tpu.memory_space<hbm>> -> memref<200xi32, #tpu.memory_space<hbm>>
        %dma_wait3A_280 = arith.constant 0 : i32
        %dma_wait3A_281 = tpu.memref_slice %arg25[%dma_wait3A_280] : memref<216xi32, #tpu.memory_space<vmem>> -> memref<200xi32, #tpu.memory_space<vmem>>
        %dma_wait3A_282 = tpu.memref_slice %arg4[%add3A_240] : memref<819200xi32, #tpu.memory_space<hbm>> -> memref<200xi32, #tpu.memory_space<hbm>>
        tpu.wait_dma2 semaphore(%arg37 : memref<!tpu.dma_semaphore, #tpu.memory_space<semaphore_mem>>) src(%dma_wait3A_282 : memref<200xi32, #tpu.memory_space<hbm>>) dst(%dma_wait3A_281 : memref<200xi32, #tpu.memory_space<vmem>>)
        %dma_wait3A_283 = arith.constant 0 : i32
        %dma_wait3A_284 = tpu.memref_slice %arg26[%dma_wait3A_283] : memref<216xi32, #tpu.memory_space<vmem>> -> memref<200xi32, #tpu.memory_space<vmem>>
        %dma_wait3A_285 = tpu.memref_slice %arg5[%add3A_240] : memref<819200xi32, #tpu.memory_space<hbm>> -> memref<200xi32, #tpu.memory_space<hbm>>
        %dma_wait3A_286 = arith.constant 0 : i32
        %dma_wait3A_287 = tpu.memref_slice %arg26[%dma_wait3A_286] : memref<216xi32, #tpu.memory_space<vmem>> -> memref<200xi32, #tpu.memory_space<vmem>>
        %dma_wait3A_288 = tpu.memref_slice %arg5[%add3A_240] : memref<819200xi32, #tpu.memory_space<hbm>> -> memref<200xi32, #tpu.memory_space<hbm>>
        tpu.wait_dma2 semaphore(%arg37 : memref<!tpu.dma_semaphore, #tpu.memory_space<semaphore_mem>>) src(%dma_wait3A_288 : memref<200xi32, #tpu.memory_space<hbm>>) dst(%dma_wait3A_287 : memref<200xi32, #tpu.memory_space<vmem>>)
        %dma_start3A_289 = arith.constant 0 : i32
        %dma_start3A_290 = tpu.memref_slice %arg23[%dma_start3A_289] : memref<216xi32, #tpu.memory_space<vmem>> -> memref<200xi32, #tpu.memory_space<vmem>>
        %dma_start3A_291 = arith.constant 0 : i32
        %dma_start3A_292 = arith.constant 0 : i32
        %dma_start3A_293 = tpu.memref_slice %arg6[%dma_start3A_291, %dma_start3A_292] : memref<1000000x64xf32, #tpu.memory_space<hbm>> -> memref<1000000x64xf32, #tpu.memory_space<hbm>>
        tpu.enqueue_indirect_dma source(%dma_start3A_293 : memref<1000000x64xf32, #tpu.memory_space<hbm>>) target(%arg17 : memref<200x64xf32, #tpu.memory_space<vmem>>) offsets(%dma_start3A_290 : memref<200xi32, #tpu.memory_space<vmem>>) semaphore(%arg31 : memref<!tpu.dma_semaphore, #tpu.memory_space<semaphore_mem>>)
        %dma_start3A_294 = arith.constant 0 : i32
        %dma_start3A_295 = tpu.memref_slice %arg24[%dma_start3A_294] : memref<216xi32, #tpu.memory_space<vmem>> -> memref<200xi32, #tpu.memory_space<vmem>>
        %dma_start3A_296 = arith.constant 0 : i32
        %dma_start3A_297 = arith.constant 0 : i32
        %dma_start3A_298 = tpu.memref_slice %arg7[%dma_start3A_296, %dma_start3A_297] : memref<100000x64xf32, #tpu.memory_space<hbm>> -> memref<100000x64xf32, #tpu.memory_space<hbm>>
        tpu.enqueue_indirect_dma source(%dma_start3A_298 : memref<100000x64xf32, #tpu.memory_space<hbm>>) target(%arg18 : memref<200x64xf32, #tpu.memory_space<vmem>>) offsets(%dma_start3A_295 : memref<200xi32, #tpu.memory_space<vmem>>) semaphore(%arg32 : memref<!tpu.dma_semaphore, #tpu.memory_space<semaphore_mem>>)
      } else {
      }
      %dma_wait3A_206 = arith.constant 0 : i32
      %dma_wait3A_207 = tpu.memref_slice %arg27[%dma_wait3A_206] : memref<216xi32, #tpu.memory_space<vmem>> -> memref<200xi32, #tpu.memory_space<vmem>>
      %dma_wait3A_208 = arith.constant 0 : i32
      %dma_wait3A_209 = arith.constant 0 : i32
      %dma_wait3A_210 = tpu.memref_slice %arg6[%dma_wait3A_208, %dma_wait3A_209] : memref<1000000x64xf32, #tpu.memory_space<hbm>> -> memref<1000000x64xf32, #tpu.memory_space<hbm>>
      tpu.wait_indirect_dma semaphore(%arg33 : memref<!tpu.dma_semaphore, #tpu.memory_space<semaphore_mem>>) src(%dma_wait3A_210 : memref<1000000x64xf32, #tpu.memory_space<hbm>>) dst(%arg19 : memref<200x64xf32, #tpu.memory_space<vmem>>)
      %dma_wait3A_211 = arith.constant 0 : i32
      %dma_wait3A_212 = tpu.memref_slice %arg28[%dma_wait3A_211] : memref<216xi32, #tpu.memory_space<vmem>> -> memref<200xi32, #tpu.memory_space<vmem>>
      %dma_wait3A_213 = arith.constant 0 : i32
      %dma_wait3A_214 = arith.constant 0 : i32
      %dma_wait3A_215 = tpu.memref_slice %arg7[%dma_wait3A_213, %dma_wait3A_214] : memref<100000x64xf32, #tpu.memory_space<hbm>> -> memref<100000x64xf32, #tpu.memory_space<hbm>>
      tpu.wait_indirect_dma semaphore(%arg34 : memref<!tpu.dma_semaphore, #tpu.memory_space<semaphore_mem>>) src(%dma_wait3A_215 : memref<100000x64xf32, #tpu.memory_space<hbm>>) dst(%arg20 : memref<200x64xf32, #tpu.memory_space<vmem>>)
      %gt3A_216 = arith.constant 0 : i32
      %gt3A_217 = arith.cmpi sgt, %scan3A_109, %gt3A_216 : i32
      %convert_element_type3A_218 = arith.extui %gt3A_217 : i1 to i32
      %cond3A_219 = arith.constant 0 : i32
      %cond3A_220 = arith.cmpi ne, %convert_element_type3A_218, %cond3A_219 : i32
      scf.if %cond3A_220 {
        %sub3A = arith.constant 2 : i32
        %sub3A_236 = arith.subi %add3A_114, %sub3A : i32
        %mul3A_237 = arith.constant 200 : i32
        %mul3A_238 = arith.muli %sub3A_236, %mul3A_237 : i32
        %add3A_239 = arith.addi %mul3A_2, %mul3A_238 : i32
        %mul3A_240 = arith.constant 64 : i32
        %mul3A_241 = arith.muli %add3A_239, %mul3A_240 : i32
        %dma_wait3A_242 = tpu.memref_slice %arg12[%mul3A_241] : memref<52428800xf32, #tpu.memory_space<hbm>> -> memref<12800xf32, #tpu.memory_space<hbm>>
        %dma_wait3A_243 = tpu.memref_slice %arg12[%mul3A_241] : memref<52428800xf32, #tpu.memory_space<hbm>> -> memref<12800xf32, #tpu.memory_space<hbm>>
        tpu.wait_dma2 semaphore(%arg36 : memref<!tpu.dma_semaphore, #tpu.memory_space<semaphore_mem>>) src(%arg22 : memref<12800xf32, #tpu.memory_space<vmem>>) dst(%dma_wait3A_243 : memref<12800xf32, #tpu.memory_space<hbm>>)
      } else {
      }
      %scan3A_221 = arith.constant 0 : i32
      %scan3A_222 = arith.constant 0 : i32
      %scan3A_223 = arith.constant 25 : i32
      %scan3A_224 = arith.addi %scan3A_222, %scan3A_223 : i32
      %scan3A_225 = arith.constant 1 : i32
      %scan3A_226 = scf.for %scan3A_236 = %scan3A_222 to %scan3A_224 step %scan3A_225 iter_args(%scan3A_237 = %scan3A_221) -> (i32)  : i32 {
        %mul3A_238 = arith.constant 8 : i32
        %mul3A_239 = arith.muli %scan3A_236, %mul3A_238 : i32
        %get3A_240 = arith.index_cast %mul3A_239 : i32 to index
        %get3A_241 = tpu.vector_load %arg29[%get3A_240] {strides = array<i32>} : memref<216xi32, #tpu.memory_space<vmem>>, vector<16xi32>,
        %mul3A_242 = arith.constant 64 : i32
        %mul3A_243 = vector.broadcast %mul3A_242 : i32 to vector<16xi32>
        %mul3A_244 = arith.muli %get3A_241, %mul3A_243 : vector<16xi32>
        %get3A_245 = arith.index_cast %mul3A_239 : i32 to index
        %get3A_246 = tpu.vector_load %arg30[%get3A_245] {strides = array<i32>} : memref<216xi32, #tpu.memory_space<vmem>>, vector<16xi32>,
        %mul3A_247 = arith.constant 64 : i32
        %mul3A_248 = vector.broadcast %mul3A_247 : i32 to vector<16xi32>
        %mul3A_249 = arith.muli %get3A_246, %mul3A_248 : vector<16xi32>
        %add3A_250 = arith.constant 0 : i32
        %add3A_251 = arith.addi %mul3A_239, %add3A_250 : i32
        %slice3A = vector.extract_strided_slice %mul3A_244 {offsets = [0], sizes = [1], strides = [1]} : vector<16xi32> to vector<1xi32>
        %squeeze3A = vector.extract %slice3A[0] : i32 from vector<1xi32>
        %slice3A_252 = vector.extract_strided_slice %mul3A_249 {offsets = [0], sizes = [1], strides = [1]} : vector<16xi32> to vector<1xi32>
        %squeeze3A_253 = vector.extract %slice3A_252[0] : i32 from vector<1xi32>
        %get3A_254 = arith.index_cast %add3A_251 : i32 to index
        %get3A_255 = arith.constant 0 : index
        %get3A_256 = tpu.vector_load %arg19[%get3A_254, %get3A_255] {strides = array<i32>} : memref<200x64xf32, #tpu.memory_space<vmem>>, vector<16xf32>,
        %get3A_257 = arith.index_cast %add3A_251 : i32 to index
        %get3A_258 = arith.constant 0 : index
        %get3A_259 = tpu.vector_load %arg20[%get3A_257, %get3A_258] {strides = array<i32>} : memref<200x64xf32, #tpu.memory_space<vmem>>, vector<16xf32>,
        %add3A_260 = arith.addf %get3A_256, %get3A_259 : vector<16xf32>
        %add3A_261 = arith.constant 0 : i32
        %add3A_262 = arith.addi %squeeze3A, %add3A_261 : i32
        %get3A_263 = arith.index_cast %add3A_262 : i32 to index
        %get3A_264 = tpu.vector_load %arg13[%get3A_263] {strides = array<i32>} : memref<6400xf32, #tpu.memory_space<vmem>>, vector<16xf32>,
        %add3A_265 = arith.addf %add3A_260, %get3A_264 : vector<16xf32>
        %add3A_266 = arith.constant 0 : i32
        %add3A_267 = arith.addi %squeeze3A_253, %add3A_266 : i32
        %get3A_268 = arith.index_cast %add3A_267 : i32 to index
        %get3A_269 = tpu.vector_load %arg14[%get3A_268] {strides = array<i32>} : memref<32768xf32, #tpu.memory_space<vmem>>, vector<16xf32>,
        %add3A_270 = arith.addf %add3A_265, %get3A_269 : vector<16xf32>
        %get3A_271 = arith.index_cast %add3A_251 : i32 to index
        %get3A_272 = arith.constant 16 : index
        %get3A_273 = tpu.vector_load %arg19[%get3A_271, %get3A_272] {strides = array<i32>} : memref<200x64xf32, #tpu.memory_space<vmem>>, vector<16xf32>,
        %get3A_274 = arith.index_cast %add3A_251 : i32 to index
        %get3A_275 = arith.constant 16 : index
        %get3A_276 = tpu.vector_load %arg20[%get3A_274, %get3A_275] {strides = array<i32>} : memref<200x64xf32, #tpu.memory_space<vmem>>, vector<16xf32>,
        %add3A_277 = arith.addf %get3A_273, %get3A_276 : vector<16xf32>
        %add3A_278 = arith.constant 16 : i32
        %add3A_279 = arith.addi %squeeze3A, %add3A_278 : i32
        %get3A_280 = arith.index_cast %add3A_279 : i32 to index
        %get3A_281 = tpu.vector_load %arg13[%get3A_280] {strides = array<i32>} : memref<6400xf32, #tpu.memory_space<vmem>>, vector<16xf32>,
        %add3A_282 = arith.addf %add3A_277, %get3A_281 : vector<16xf32>
        %add3A_283 = arith.constant 16 : i32
        %add3A_284 = arith.addi %squeeze3A_253, %add3A_283 : i32
        %get3A_285 = arith.index_cast %add3A_284 : i32 to index
        %get3A_286 = tpu.vector_load %arg14[%get3A_285] {strides = array<i32>} : memref<32768xf32, #tpu.memory_space<vmem>>, vector<16xf32>,
        %add3A_287 = arith.addf %add3A_282, %get3A_286 : vector<16xf32>
        %get3A_288 = arith.index_cast %add3A_251 : i32 to index
        %get3A_289 = arith.constant 32 : index
        %get3A_290 = tpu.vector_load %arg19[%get3A_288, %get3A_289] {strides = array<i32>} : memref<200x64xf32, #tpu.memory_space<vmem>>, vector<16xf32>,
        %get3A_291 = arith.index_cast %add3A_251 : i32 to index
        %get3A_292 = arith.constant 32 : index
        %get3A_293 = tpu.vector_load %arg20[%get3A_291, %get3A_292] {strides = array<i32>} : memref<200x64xf32, #tpu.memory_space<vmem>>, vector<16xf32>,
        %add3A_294 = arith.addf %get3A_290, %get3A_293 : vector<16xf32>
        %add3A_295 = arith.constant 32 : i32
        %add3A_296 = arith.addi %squeeze3A, %add3A_295 : i32
        %get3A_297 = arith.index_cast %add3A_296 : i32 to index
        %get3A_298 = tpu.vector_load %arg13[%get3A_297] {strides = array<i32>} : memref<6400xf32, #tpu.memory_space<vmem>>, vector<16xf32>,
        %add3A_299 = arith.addf %add3A_294, %get3A_298 : vector<16xf32>
        %add3A_300 = arith.constant 32 : i32
        %add3A_301 = arith.addi %squeeze3A_253, %add3A_300 : i32
        %get3A_302 = arith.index_cast %add3A_301 : i32 to index
        %get3A_303 = tpu.vector_load %arg14[%get3A_302] {strides = array<i32>} : memref<32768xf32, #tpu.memory_space<vmem>>, vector<16xf32>,
        %add3A_304 = arith.addf %add3A_299, %get3A_303 : vector<16xf32>
        %get3A_305 = arith.index_cast %add3A_251 : i32 to index
        %get3A_306 = arith.constant 48 : index
        %get3A_307 = tpu.vector_load %arg19[%get3A_305, %get3A_306] {strides = array<i32>} : memref<200x64xf32, #tpu.memory_space<vmem>>, vector<16xf32>,
        %get3A_308 = arith.index_cast %add3A_251 : i32 to index
        %get3A_309 = arith.constant 48 : index
        %get3A_310 = tpu.vector_load %arg20[%get3A_308, %get3A_309] {strides = array<i32>} : memref<200x64xf32, #tpu.memory_space<vmem>>, vector<16xf32>,
        %add3A_311 = arith.addf %get3A_307, %get3A_310 : vector<16xf32>
        %add3A_312 = arith.constant 48 : i32
        %add3A_313 = arith.addi %squeeze3A, %add3A_312 : i32
        %get3A_314 = arith.index_cast %add3A_313 : i32 to index
        %get3A_315 = tpu.vector_load %arg13[%get3A_314] {strides = array<i32>} : memref<6400xf32, #tpu.memory_space<vmem>>, vector<16xf32>,
        %add3A_316 = arith.addf %add3A_311, %get3A_315 : vector<16xf32>
        %add3A_317 = arith.constant 48 : i32
        %add3A_318 = arith.addi %squeeze3A_253, %add3A_317 : i32
        %get3A_319 = arith.index_cast %add3A_318 : i32 to index
        %get3A_320 = tpu.vector_load %arg14[%get3A_319] {strides = array<i32>} : memref<32768xf32, #tpu.memory_space<vmem>>, vector<16xf32>,
        %add3A_321 = arith.addf %add3A_316, %get3A_320 : vector<16xf32>
        %add3A_322 = arith.constant 1 : i32
        %add3A_323 = arith.addi %mul3A_239, %add3A_322 : i32
        %slice3A_324 = vector.extract_strided_slice %mul3A_244 {offsets = [1], sizes = [1], strides = [1]} : vector<16xi32> to vector<1xi32>
        %squeeze3A_325 = vector.extract %slice3A_324[0] : i32 from vector<1xi32>
        %slice3A_326 = vector.extract_strided_slice %mul3A_249 {offsets = [1], sizes = [1], strides = [1]} : vector<16xi32> to vector<1xi32>
        %squeeze3A_327 = vector.extract %slice3A_326[0] : i32 from vector<1xi32>
        %get3A_328 = arith.index_cast %add3A_323 : i32 to index
        %get3A_329 = arith.constant 0 : index
        %get3A_330 = tpu.vector_load %arg19[%get3A_328, %get3A_329] {strides = array<i32>} : memref<200x64xf32, #tpu.memory_space<vmem>>, vector<16xf32>,
        %get3A_331 = arith.index_cast %add3A_323 : i32 to index
        %get3A_332 = arith.constant 0 : index
        %get3A_333 = tpu.vector_load %arg20[%get3A_331, %get3A_332] {strides = array<i32>} : memref<200x64xf32, #tpu.memory_space<vmem>>, vector<16xf32>,
        %add3A_334 = arith.addf %get3A_330, %get3A_333 : vector<16xf32>
        %add3A_335 = arith.constant 0 : i32
        %add3A_336 = arith.addi %squeeze3A_325, %add3A_335 : i32
        %get3A_337 = arith.index_cast %add3A_336 : i32 to index
        %get3A_338 = tpu.vector_load %arg13[%get3A_337] {strides = array<i32>} : memref<6400xf32, #tpu.memory_space<vmem>>, vector<16xf32>,
        %add3A_339 = arith.addf %add3A_334, %get3A_338 : vector<16xf32>
        %add3A_340 = arith.constant 0 : i32
        %add3A_341 = arith.addi %squeeze3A_327, %add3A_340 : i32
        %get3A_342 = arith.index_cast %add3A_341 : i32 to index
        %get3A_343 = tpu.vector_load %arg14[%get3A_342] {strides = array<i32>} : memref<32768xf32, #tpu.memory_space<vmem>>, vector<16xf32>,
        %add3A_344 = arith.addf %add3A_339, %get3A_343 : vector<16xf32>
        %get3A_345 = arith.index_cast %add3A_323 : i32 to index
        %get3A_346 = arith.constant 16 : index
        %get3A_347 = tpu.vector_load %arg19[%get3A_345, %get3A_346] {strides = array<i32>} : memref<200x64xf32, #tpu.memory_space<vmem>>, vector<16xf32>,
        %get3A_348 = arith.index_cast %add3A_323 : i32 to index
        %get3A_349 = arith.constant 16 : index
        %get3A_350 = tpu.vector_load %arg20[%get3A_348, %get3A_349] {strides = array<i32>} : memref<200x64xf32, #tpu.memory_space<vmem>>, vector<16xf32>,
        %add3A_351 = arith.addf %get3A_347, %get3A_350 : vector<16xf32>
        %add3A_352 = arith.constant 16 : i32
        %add3A_353 = arith.addi %squeeze3A_325, %add3A_352 : i32
        %get3A_354 = arith.index_cast %add3A_353 : i32 to index
        %get3A_355 = tpu.vector_load %arg13[%get3A_354] {strides = array<i32>} : memref<6400xf32, #tpu.memory_space<vmem>>, vector<16xf32>,
        %add3A_356 = arith.addf %add3A_351, %get3A_355 : vector<16xf32>
        %add3A_357 = arith.constant 16 : i32
        %add3A_358 = arith.addi %squeeze3A_327, %add3A_357 : i32
        %get3A_359 = arith.index_cast %add3A_358 : i32 to index
        %get3A_360 = tpu.vector_load %arg14[%get3A_359] {strides = array<i32>} : memref<32768xf32, #tpu.memory_space<vmem>>, vector<16xf32>,
        %add3A_361 = arith.addf %add3A_356, %get3A_360 : vector<16xf32>
        %get3A_362 = arith.index_cast %add3A_323 : i32 to index
        %get3A_363 = arith.constant 32 : index
        %get3A_364 = tpu.vector_load %arg19[%get3A_362, %get3A_363] {strides = array<i32>} : memref<200x64xf32, #tpu.memory_space<vmem>>, vector<16xf32>,
        %get3A_365 = arith.index_cast %add3A_323 : i32 to index
        %get3A_366 = arith.constant 32 : index
        %get3A_367 = tpu.vector_load %arg20[%get3A_365, %get3A_366] {strides = array<i32>} : memref<200x64xf32, #tpu.memory_space<vmem>>, vector<16xf32>,
        %add3A_368 = arith.addf %get3A_364, %get3A_367 : vector<16xf32>
        %add3A_369 = arith.constant 32 : i32
        %add3A_370 = arith.addi %squeeze3A_325, %add3A_369 : i32
        %get3A_371 = arith.index_cast %add3A_370 : i32 to index
        %get3A_372 = tpu.vector_load %arg13[%get3A_371] {strides = array<i32>} : memref<6400xf32, #tpu.memory_space<vmem>>, vector<16xf32>,
        %add3A_373 = arith.addf %add3A_368, %get3A_372 : vector<16xf32>
        %add3A_374 = arith.constant 32 : i32
        %add3A_375 = arith.addi %squeeze3A_327, %add3A_374 : i32
        %get3A_376 = arith.index_cast %add3A_375 : i32 to index
        %get3A_377 = tpu.vector_load %arg14[%get3A_376] {strides = array<i32>} : memref<32768xf32, #tpu.memory_space<vmem>>, vector<16xf32>,
        %add3A_378 = arith.addf %add3A_373, %get3A_377 : vector<16xf32>
        %get3A_379 = arith.index_cast %add3A_323 : i32 to index
        %get3A_380 = arith.constant 48 : index
        %get3A_381 = tpu.vector_load %arg19[%get3A_379, %get3A_380] {strides = array<i32>} : memref<200x64xf32, #tpu.memory_space<vmem>>, vector<16xf32>,
        %get3A_382 = arith.index_cast %add3A_323 : i32 to index
        %get3A_383 = arith.constant 48 : index
        %get3A_384 = tpu.vector_load %arg20[%get3A_382, %get3A_383] {strides = array<i32>} : memref<200x64xf32, #tpu.memory_space<vmem>>, vector<16xf32>,
        %add3A_385 = arith.addf %get3A_381, %get3A_384 : vector<16xf32>
        %add3A_386 = arith.constant 48 : i32
        %add3A_387 = arith.addi %squeeze3A_325, %add3A_386 : i32
        %get3A_388 = arith.index_cast %add3A_387 : i32 to index
        %get3A_389 = tpu.vector_load %arg13[%get3A_388] {strides = array<i32>} : memref<6400xf32, #tpu.memory_space<vmem>>, vector<16xf32>,
        %add3A_390 = arith.addf %add3A_385, %get3A_389 : vector<16xf32>
        %add3A_391 = arith.constant 48 : i32
        %add3A_392 = arith.addi %squeeze3A_327, %add3A_391 : i32
        %get3A_393 = arith.index_cast %add3A_392 : i32 to index
        %get3A_394 = tpu.vector_load %arg14[%get3A_393] {strides = array<i32>} : memref<32768xf32, #tpu.memory_space<vmem>>, vector<16xf32>,
        %add3A_395 = arith.addf %add3A_390, %get3A_394 : vector<16xf32>
        %add3A_396 = arith.constant 2 : i32
        %add3A_397 = arith.addi %mul3A_239, %add3A_396 : i32
        %slice3A_398 = vector.extract_strided_slice %mul3A_244 {offsets = [2], sizes = [1], strides = [1]} : vector<16xi32> to vector<1xi32>
        %squeeze3A_399 = vector.extract %slice3A_398[0] : i32 from vector<1xi32>
        %slice3A_400 = vector.extract_strided_slice %mul3A_249 {offsets = [2], sizes = [1], strides = [1]} : vector<16xi32> to vector<1xi32>
        %squeeze3A_401 = vector.extract %slice3A_400[0] : i32 from vector<1xi32>
        %get3A_402 = arith.index_cast %add3A_397 : i32 to index
        %get3A_403 = arith.constant 0 : index
        %get3A_404 = tpu.vector_load %arg19[%get3A_402, %get3A_403] {strides = array<i32>} : memref<200x64xf32, #tpu.memory_space<vmem>>, vector<16xf32>,
        %get3A_405 = arith.index_cast %add3A_397 : i32 to index
        %get3A_406 = arith.constant 0 : index
        %get3A_407 = tpu.vector_load %arg20[%get3A_405, %get3A_406] {strides = array<i32>} : memref<200x64xf32, #tpu.memory_space<vmem>>, vector<16xf32>,
        %add3A_408 = arith.addf %get3A_404, %get3A_407 : vector<16xf32>
        %add3A_409 = arith.constant 0 : i32
        %add3A_410 = arith.addi %squeeze3A_399, %add3A_409 : i32
        %get3A_411 = arith.index_cast %add3A_410 : i32 to index
        %get3A_412 = tpu.vector_load %arg13[%get3A_411] {strides = array<i32>} : memref<6400xf32, #tpu.memory_space<vmem>>, vector<16xf32>,
        %add3A_413 = arith.addf %add3A_408, %get3A_412 : vector<16xf32>
        %add3A_414 = arith.constant 0 : i32
        %add3A_415 = arith.addi %squeeze3A_401, %add3A_414 : i32
        %get3A_416 = arith.index_cast %add3A_415 : i32 to index
        %get3A_417 = tpu.vector_load %arg14[%get3A_416] {strides = array<i32>} : memref<32768xf32, #tpu.memory_space<vmem>>, vector<16xf32>,
        %add3A_418 = arith.addf %add3A_413, %get3A_417 : vector<16xf32>
        %get3A_419 = arith.index_cast %add3A_397 : i32 to index
        %get3A_420 = arith.constant 16 : index
        %get3A_421 = tpu.vector_load %arg19[%get3A_419, %get3A_420] {strides = array<i32>} : memref<200x64xf32, #tpu.memory_space<vmem>>, vector<16xf32>,
        %get3A_422 = arith.index_cast %add3A_397 : i32 to index
        %get3A_423 = arith.constant 16 : index
        %get3A_424 = tpu.vector_load %arg20[%get3A_422, %get3A_423] {strides = array<i32>} : memref<200x64xf32, #tpu.memory_space<vmem>>, vector<16xf32>,
        %add3A_425 = arith.addf %get3A_421, %get3A_424 : vector<16xf32>
        %add3A_426 = arith.constant 16 : i32
        %add3A_427 = arith.addi %squeeze3A_399, %add3A_426 : i32
        %get3A_428 = arith.index_cast %add3A_427 : i32 to index
        %get3A_429 = tpu.vector_load %arg13[%get3A_428] {strides = array<i32>} : memref<6400xf32, #tpu.memory_space<vmem>>, vector<16xf32>,
        %add3A_430 = arith.addf %add3A_425, %get3A_429 : vector<16xf32>
        %add3A_431 = arith.constant 16 : i32
        %add3A_432 = arith.addi %squeeze3A_401, %add3A_431 : i32
        %get3A_433 = arith.index_cast %add3A_432 : i32 to index
        %get3A_434 = tpu.vector_load %arg14[%get3A_433] {strides = array<i32>} : memref<32768xf32, #tpu.memory_space<vmem>>, vector<16xf32>,
        %add3A_435 = arith.addf %add3A_430, %get3A_434 : vector<16xf32>
        %get3A_436 = arith.index_cast %add3A_397 : i32 to index
        %get3A_437 = arith.constant 32 : index
        %get3A_438 = tpu.vector_load %arg19[%get3A_436, %get3A_437] {strides = array<i32>} : memref<200x64xf32, #tpu.memory_space<vmem>>, vector<16xf32>,
        %get3A_439 = arith.index_cast %add3A_397 : i32 to index
        %get3A_440 = arith.constant 32 : index
        %get3A_441 = tpu.vector_load %arg20[%get3A_439, %get3A_440] {strides = array<i32>} : memref<200x64xf32, #tpu.memory_space<vmem>>, vector<16xf32>,
        %add3A_442 = arith.addf %get3A_438, %get3A_441 : vector<16xf32>
        %add3A_443 = arith.constant 32 : i32
        %add3A_444 = arith.addi %squeeze3A_399, %add3A_443 : i32
        %get3A_445 = arith.index_cast %add3A_444 : i32 to index
        %get3A_446 = tpu.vector_load %arg13[%get3A_445] {strides = array<i32>} : memref<6400xf32, #tpu.memory_space<vmem>>, vector<16xf32>,
        %add3A_447 = arith.addf %add3A_442, %get3A_446 : vector<16xf32>
        %add3A_448 = arith.constant 32 : i32
        %add3A_449 = arith.addi %squeeze3A_401, %add3A_448 : i32
        %get3A_450 = arith.index_cast %add3A_449 : i32 to index
        %get3A_451 = tpu.vector_load %arg14[%get3A_450] {strides = array<i32>} : memref<32768xf32, #tpu.memory_space<vmem>>, vector<16xf32>,
        %add3A_452 = arith.addf %add3A_447, %get3A_451 : vector<16xf32>
        %get3A_453 = arith.index_cast %add3A_397 : i32 to index
        %get3A_454 = arith.constant 48 : index
        %get3A_455 = tpu.vector_load %arg19[%get3A_453, %get3A_454] {strides = array<i32>} : memref<200x64xf32, #tpu.memory_space<vmem>>, vector<16xf32>,
        %get3A_456 = arith.index_cast %add3A_397 : i32 to index
        %get3A_457 = arith.constant 48 : index
        %get3A_458 = tpu.vector_load %arg20[%get3A_456, %get3A_457] {strides = array<i32>} : memref<200x64xf32, #tpu.memory_space<vmem>>, vector<16xf32>,
        %add3A_459 = arith.addf %get3A_455, %get3A_458 : vector<16xf32>
        %add3A_460 = arith.constant 48 : i32
        %add3A_461 = arith.addi %squeeze3A_399, %add3A_460 : i32
        %get3A_462 = arith.index_cast %add3A_461 : i32 to index
        %get3A_463 = tpu.vector_load %arg13[%get3A_462] {strides = array<i32>} : memref<6400xf32, #tpu.memory_space<vmem>>, vector<16xf32>,
        %add3A_464 = arith.addf %add3A_459, %get3A_463 : vector<16xf32>
        %add3A_465 = arith.constant 48 : i32
        %add3A_466 = arith.addi %squeeze3A_401, %add3A_465 : i32
        %get3A_467 = arith.index_cast %add3A_466 : i32 to index
        %get3A_468 = tpu.vector_load %arg14[%get3A_467] {strides = array<i32>} : memref<32768xf32, #tpu.memory_space<vmem>>, vector<16xf32>,
        %add3A_469 = arith.addf %add3A_464, %get3A_468 : vector<16xf32>
        %add3A_470 = arith.constant 3 : i32
        %add3A_471 = arith.addi %mul3A_239, %add3A_470 : i32
        %slice3A_472 = vector.extract_strided_slice %mul3A_244 {offsets = [3], sizes = [1], strides = [1]} : vector<16xi32> to vector<1xi32>
        %squeeze3A_473 = vector.extract %slice3A_472[0] : i32 from vector<1xi32>
        %slice3A_474 = vector.extract_strided_slice %mul3A_249 {offsets = [3], sizes = [1], strides = [1]} : vector<16xi32> to vector<1xi32>
        %squeeze3A_475 = vector.extract %slice3A_474[0] : i32 from vector<1xi32>
        %get3A_476 = arith.index_cast %add3A_471 : i32 to index
        %get3A_477 = arith.constant 0 : index
        %get3A_478 = tpu.vector_load %arg19[%get3A_476, %get3A_477] {strides = array<i32>} : memref<200x64xf32, #tpu.memory_space<vmem>>, vector<16xf32>,
        %get3A_479 = arith.index_cast %add3A_471 : i32 to index
        %get3A_480 = arith.constant 0 : index
        %get3A_481 = tpu.vector_load %arg20[%get3A_479, %get3A_480] {strides = array<i32>} : memref<200x64xf32, #tpu.memory_space<vmem>>, vector<16xf32>,
        %add3A_482 = arith.addf %get3A_478, %get3A_481 : vector<16xf32>
        %add3A_483 = arith.constant 0 : i32
        %add3A_484 = arith.addi %squeeze3A_473, %add3A_483 : i32
        %get3A_485 = arith.index_cast %add3A_484 : i32 to index
        %get3A_486 = tpu.vector_load %arg13[%get3A_485] {strides = array<i32>} : memref<6400xf32, #tpu.memory_space<vmem>>, vector<16xf32>,
        %add3A_487 = arith.addf %add3A_482, %get3A_486 : vector<16xf32>
        %add3A_488 = arith.constant 0 : i32
        %add3A_489 = arith.addi %squeeze3A_475, %add3A_488 : i32
        %get3A_490 = arith.index_cast %add3A_489 : i32 to index
        %get3A_491 = tpu.vector_load %arg14[%get3A_490] {strides = array<i32>} : memref<32768xf32, #tpu.memory_space<vmem>>, vector<16xf32>,
        %add3A_492 = arith.addf %add3A_487, %get3A_491 : vector<16xf32>
        %get3A_493 = arith.index_cast %add3A_471 : i32 to index
        %get3A_494 = arith.constant 16 : index
        %get3A_495 = tpu.vector_load %arg19[%get3A_493, %get3A_494] {strides = array<i32>} : memref<200x64xf32, #tpu.memory_space<vmem>>, vector<16xf32>,
        %get3A_496 = arith.index_cast %add3A_471 : i32 to index
        %get3A_497 = arith.constant 16 : index
        %get3A_498 = tpu.vector_load %arg20[%get3A_496, %get3A_497] {strides = array<i32>} : memref<200x64xf32, #tpu.memory_space<vmem>>, vector<16xf32>,
        %add3A_499 = arith.addf %get3A_495, %get3A_498 : vector<16xf32>
        %add3A_500 = arith.constant 16 : i32
        %add3A_501 = arith.addi %squeeze3A_473, %add3A_500 : i32
        %get3A_502 = arith.index_cast %add3A_501 : i32 to index
        %get3A_503 = tpu.vector_load %arg13[%get3A_502] {strides = array<i32>} : memref<6400xf32, #tpu.memory_space<vmem>>, vector<16xf32>,
        %add3A_504 = arith.addf %add3A_499, %get3A_503 : vector<16xf32>
        %add3A_505 = arith.constant 16 : i32
        %add3A_506 = arith.addi %squeeze3A_475, %add3A_505 : i32
        %get3A_507 = arith.index_cast %add3A_506 : i32 to index
        %get3A_508 = tpu.vector_load %arg14[%get3A_507] {strides = array<i32>} : memref<32768xf32, #tpu.memory_space<vmem>>, vector<16xf32>,
        %add3A_509 = arith.addf %add3A_504, %get3A_508 : vector<16xf32>
        %get3A_510 = arith.index_cast %add3A_471 : i32 to index
        %get3A_511 = arith.constant 32 : index
        %get3A_512 = tpu.vector_load %arg19[%get3A_510, %get3A_511] {strides = array<i32>} : memref<200x64xf32, #tpu.memory_space<vmem>>, vector<16xf32>,
        %get3A_513 = arith.index_cast %add3A_471 : i32 to index
        %get3A_514 = arith.constant 32 : index
        %get3A_515 = tpu.vector_load %arg20[%get3A_513, %get3A_514] {strides = array<i32>} : memref<200x64xf32, #tpu.memory_space<vmem>>, vector<16xf32>,
        %add3A_516 = arith.addf %get3A_512, %get3A_515 : vector<16xf32>
        %add3A_517 = arith.constant 32 : i32
        %add3A_518 = arith.addi %squeeze3A_473, %add3A_517 : i32
        %get3A_519 = arith.index_cast %add3A_518 : i32 to index
        %get3A_520 = tpu.vector_load %arg13[%get3A_519] {strides = array<i32>} : memref<6400xf32, #tpu.memory_space<vmem>>, vector<16xf32>,
        %add3A_521 = arith.addf %add3A_516, %get3A_520 : vector<16xf32>
        %add3A_522 = arith.constant 32 : i32
        %add3A_523 = arith.addi %squeeze3A_475, %add3A_522 : i32
        %get3A_524 = arith.index_cast %add3A_523 : i32 to index
        %get3A_525 = tpu.vector_load %arg14[%get3A_524] {strides = array<i32>} : memref<32768xf32, #tpu.memory_space<vmem>>, vector<16xf32>,
        %add3A_526 = arith.addf %add3A_521, %get3A_525 : vector<16xf32>
        %get3A_527 = arith.index_cast %add3A_471 : i32 to index
        %get3A_528 = arith.constant 48 : index
        %get3A_529 = tpu.vector_load %arg19[%get3A_527, %get3A_528] {strides = array<i32>} : memref<200x64xf32, #tpu.memory_space<vmem>>, vector<16xf32>,
        %get3A_530 = arith.index_cast %add3A_471 : i32 to index
        %get3A_531 = arith.constant 48 : index
        %get3A_532 = tpu.vector_load %arg20[%get3A_530, %get3A_531] {strides = array<i32>} : memref<200x64xf32, #tpu.memory_space<vmem>>, vector<16xf32>,
        %add3A_533 = arith.addf %get3A_529, %get3A_532 : vector<16xf32>
        %add3A_534 = arith.constant 48 : i32
        %add3A_535 = arith.addi %squeeze3A_473, %add3A_534 : i32
        %get3A_536 = arith.index_cast %add3A_535 : i32 to index
        %get3A_537 = tpu.vector_load %arg13[%get3A_536] {strides = array<i32>} : memref<6400xf32, #tpu.memory_space<vmem>>, vector<16xf32>,
        %add3A_538 = arith.addf %add3A_533, %get3A_537 : vector<16xf32>
        %add3A_539 = arith.constant 48 : i32
        %add3A_540 = arith.addi %squeeze3A_475, %add3A_539 : i32
        %get3A_541 = arith.index_cast %add3A_540 : i32 to index
        %get3A_542 = tpu.vector_load %arg14[%get3A_541] {strides = array<i32>} : memref<32768xf32, #tpu.memory_space<vmem>>, vector<16xf32>,
        %add3A_543 = arith.addf %add3A_538, %get3A_542 : vector<16xf32>
        %add3A_544 = arith.constant 4 : i32
        %add3A_545 = arith.addi %mul3A_239, %add3A_544 : i32
        %slice3A_546 = vector.extract_strided_slice %mul3A_244 {offsets = [4], sizes = [1], strides = [1]} : vector<16xi32> to vector<1xi32>
        %squeeze3A_547 = vector.extract %slice3A_546[0] : i32 from vector<1xi32>
        %slice3A_548 = vector.extract_strided_slice %mul3A_249 {offsets = [4], sizes = [1], strides = [1]} : vector<16xi32> to vector<1xi32>
        %squeeze3A_549 = vector.extract %slice3A_548[0] : i32 from vector<1xi32>
        %get3A_550 = arith.index_cast %add3A_545 : i32 to index
        %get3A_551 = arith.constant 0 : index
        %get3A_552 = tpu.vector_load %arg19[%get3A_550, %get3A_551] {strides = array<i32>} : memref<200x64xf32, #tpu.memory_space<vmem>>, vector<16xf32>,
        %get3A_553 = arith.index_cast %add3A_545 : i32 to index
        %get3A_554 = arith.constant 0 : index
        %get3A_555 = tpu.vector_load %arg20[%get3A_553, %get3A_554] {strides = array<i32>} : memref<200x64xf32, #tpu.memory_space<vmem>>, vector<16xf32>,
        %add3A_556 = arith.addf %get3A_552, %get3A_555 : vector<16xf32>
        %add3A_557 = arith.constant 0 : i32
        %add3A_558 = arith.addi %squeeze3A_547, %add3A_557 : i32
        %get3A_559 = arith.index_cast %add3A_558 : i32 to index
        %get3A_560 = tpu.vector_load %arg13[%get3A_559] {strides = array<i32>} : memref<6400xf32, #tpu.memory_space<vmem>>, vector<16xf32>,
        %add3A_561 = arith.addf %add3A_556, %get3A_560 : vector<16xf32>
        %add3A_562 = arith.constant 0 : i32
        %add3A_563 = arith.addi %squeeze3A_549, %add3A_562 : i32
        %get3A_564 = arith.index_cast %add3A_563 : i32 to index
        %get3A_565 = tpu.vector_load %arg14[%get3A_564] {strides = array<i32>} : memref<32768xf32, #tpu.memory_space<vmem>>, vector<16xf32>,
        %add3A_566 = arith.addf %add3A_561, %get3A_565 : vector<16xf32>
        %get3A_567 = arith.index_cast %add3A_545 : i32 to index
        %get3A_568 = arith.constant 16 : index
        %get3A_569 = tpu.vector_load %arg19[%get3A_567, %get3A_568] {strides = array<i32>} : memref<200x64xf32, #tpu.memory_space<vmem>>, vector<16xf32>,
        %get3A_570 = arith.index_cast %add3A_545 : i32 to index
        %get3A_571 = arith.constant 16 : index
        %get3A_572 = tpu.vector_load %arg20[%get3A_570, %get3A_571] {strides = array<i32>} : memref<200x64xf32, #tpu.memory_space<vmem>>, vector<16xf32>,
        %add3A_573 = arith.addf %get3A_569, %get3A_572 : vector<16xf32>
        %add3A_574 = arith.constant 16 : i32
        %add3A_575 = arith.addi %squeeze3A_547, %add3A_574 : i32
        %get3A_576 = arith.index_cast %add3A_575 : i32 to index
        %get3A_577 = tpu.vector_load %arg13[%get3A_576] {strides = array<i32>} : memref<6400xf32, #tpu.memory_space<vmem>>, vector<16xf32>,
        %add3A_578 = arith.addf %add3A_573, %get3A_577 : vector<16xf32>
        %add3A_579 = arith.constant 16 : i32
        %add3A_580 = arith.addi %squeeze3A_549, %add3A_579 : i32
        %get3A_581 = arith.index_cast %add3A_580 : i32 to index
        %get3A_582 = tpu.vector_load %arg14[%get3A_581] {strides = array<i32>} : memref<32768xf32, #tpu.memory_space<vmem>>, vector<16xf32>,
        %add3A_583 = arith.addf %add3A_578, %get3A_582 : vector<16xf32>
        %get3A_584 = arith.index_cast %add3A_545 : i32 to index
        %get3A_585 = arith.constant 32 : index
        %get3A_586 = tpu.vector_load %arg19[%get3A_584, %get3A_585] {strides = array<i32>} : memref<200x64xf32, #tpu.memory_space<vmem>>, vector<16xf32>,
        %get3A_587 = arith.index_cast %add3A_545 : i32 to index
        %get3A_588 = arith.constant 32 : index
        %get3A_589 = tpu.vector_load %arg20[%get3A_587, %get3A_588] {strides = array<i32>} : memref<200x64xf32, #tpu.memory_space<vmem>>, vector<16xf32>,
        %add3A_590 = arith.addf %get3A_586, %get3A_589 : vector<16xf32>
        %add3A_591 = arith.constant 32 : i32
        %add3A_592 = arith.addi %squeeze3A_547, %add3A_591 : i32
        %get3A_593 = arith.index_cast %add3A_592 : i32 to index
        %get3A_594 = tpu.vector_load %arg13[%get3A_593] {strides = array<i32>} : memref<6400xf32, #tpu.memory_space<vmem>>, vector<16xf32>,
        %add3A_595 = arith.addf %add3A_590, %get3A_594 : vector<16xf32>
        %add3A_596 = arith.constant 32 : i32
        %add3A_597 = arith.addi %squeeze3A_549, %add3A_596 : i32
        %get3A_598 = arith.index_cast %add3A_597 : i32 to index
        %get3A_599 = tpu.vector_load %arg14[%get3A_598] {strides = array<i32>} : memref<32768xf32, #tpu.memory_space<vmem>>, vector<16xf32>,
        %add3A_600 = arith.addf %add3A_595, %get3A_599 : vector<16xf32>
        %get3A_601 = arith.index_cast %add3A_545 : i32 to index
        %get3A_602 = arith.constant 48 : index
        %get3A_603 = tpu.vector_load %arg19[%get3A_601, %get3A_602] {strides = array<i32>} : memref<200x64xf32, #tpu.memory_space<vmem>>, vector<16xf32>,
        %get3A_604 = arith.index_cast %add3A_545 : i32 to index
        %get3A_605 = arith.constant 48 : index
        %get3A_606 = tpu.vector_load %arg20[%get3A_604, %get3A_605] {strides = array<i32>} : memref<200x64xf32, #tpu.memory_space<vmem>>, vector<16xf32>,
        %add3A_607 = arith.addf %get3A_603, %get3A_606 : vector<16xf32>
        %add3A_608 = arith.constant 48 : i32
        %add3A_609 = arith.addi %squeeze3A_547, %add3A_608 : i32
        %get3A_610 = arith.index_cast %add3A_609 : i32 to index
        %get3A_611 = tpu.vector_load %arg13[%get3A_610] {strides = array<i32>} : memref<6400xf32, #tpu.memory_space<vmem>>, vector<16xf32>,
        %add3A_612 = arith.addf %add3A_607, %get3A_611 : vector<16xf32>
        %add3A_613 = arith.constant 48 : i32
        %add3A_614 = arith.addi %squeeze3A_549, %add3A_613 : i32
        %get3A_615 = arith.index_cast %add3A_614 : i32 to index
        %get3A_616 = tpu.vector_load %arg14[%get3A_615] {strides = array<i32>} : memref<32768xf32, #tpu.memory_space<vmem>>, vector<16xf32>,
        %add3A_617 = arith.addf %add3A_612, %get3A_616 : vector<16xf32>
        %add3A_618 = arith.constant 5 : i32
        %add3A_619 = arith.addi %mul3A_239, %add3A_618 : i32
        %slice3A_620 = vector.extract_strided_slice %mul3A_244 {offsets = [5], sizes = [1], strides = [1]} : vector<16xi32> to vector<1xi32>
        %squeeze3A_621 = vector.extract %slice3A_620[0] : i32 from vector<1xi32>
        %slice3A_622 = vector.extract_strided_slice %mul3A_249 {offsets = [5], sizes = [1], strides = [1]} : vector<16xi32> to vector<1xi32>
        %squeeze3A_623 = vector.extract %slice3A_622[0] : i32 from vector<1xi32>
        %get3A_624 = arith.index_cast %add3A_619 : i32 to index
        %get3A_625 = arith.constant 0 : index
        %get3A_626 = tpu.vector_load %arg19[%get3A_624, %get3A_625] {strides = array<i32>} : memref<200x64xf32, #tpu.memory_space<vmem>>, vector<16xf32>,
        %get3A_627 = arith.index_cast %add3A_619 : i32 to index
        %get3A_628 = arith.constant 0 : index
        %get3A_629 = tpu.vector_load %arg20[%get3A_627, %get3A_628] {strides = array<i32>} : memref<200x64xf32, #tpu.memory_space<vmem>>, vector<16xf32>,
        %add3A_630 = arith.addf %get3A_626, %get3A_629 : vector<16xf32>
        %add3A_631 = arith.constant 0 : i32
        %add3A_632 = arith.addi %squeeze3A_621, %add3A_631 : i32
        %get3A_633 = arith.index_cast %add3A_632 : i32 to index
        %get3A_634 = tpu.vector_load %arg13[%get3A_633] {strides = array<i32>} : memref<6400xf32, #tpu.memory_space<vmem>>, vector<16xf32>,
        %add3A_635 = arith.addf %add3A_630, %get3A_634 : vector<16xf32>
        %add3A_636 = arith.constant 0 : i32
        %add3A_637 = arith.addi %squeeze3A_623, %add3A_636 : i32
        %get3A_638 = arith.index_cast %add3A_637 : i32 to index
        %get3A_639 = tpu.vector_load %arg14[%get3A_638] {strides = array<i32>} : memref<32768xf32, #tpu.memory_space<vmem>>, vector<16xf32>,
        %add3A_640 = arith.addf %add3A_635, %get3A_639 : vector<16xf32>
        %get3A_641 = arith.index_cast %add3A_619 : i32 to index
        %get3A_642 = arith.constant 16 : index
        %get3A_643 = tpu.vector_load %arg19[%get3A_641, %get3A_642] {strides = array<i32>} : memref<200x64xf32, #tpu.memory_space<vmem>>, vector<16xf32>,
        %get3A_644 = arith.index_cast %add3A_619 : i32 to index
        %get3A_645 = arith.constant 16 : index
        %get3A_646 = tpu.vector_load %arg20[%get3A_644, %get3A_645] {strides = array<i32>} : memref<200x64xf32, #tpu.memory_space<vmem>>, vector<16xf32>,
        %add3A_647 = arith.addf %get3A_643, %get3A_646 : vector<16xf32>
        %add3A_648 = arith.constant 16 : i32
        %add3A_649 = arith.addi %squeeze3A_621, %add3A_648 : i32
        %get3A_650 = arith.index_cast %add3A_649 : i32 to index
        %get3A_651 = tpu.vector_load %arg13[%get3A_650] {strides = array<i32>} : memref<6400xf32, #tpu.memory_space<vmem>>, vector<16xf32>,
        %add3A_652 = arith.addf %add3A_647, %get3A_651 : vector<16xf32>
        %add3A_653 = arith.constant 16 : i32
        %add3A_654 = arith.addi %squeeze3A_623, %add3A_653 : i32
        %get3A_655 = arith.index_cast %add3A_654 : i32 to index
        %get3A_656 = tpu.vector_load %arg14[%get3A_655] {strides = array<i32>} : memref<32768xf32, #tpu.memory_space<vmem>>, vector<16xf32>,
        %add3A_657 = arith.addf %add3A_652, %get3A_656 : vector<16xf32>
        %get3A_658 = arith.index_cast %add3A_619 : i32 to index
        %get3A_659 = arith.constant 32 : index
        %get3A_660 = tpu.vector_load %arg19[%get3A_658, %get3A_659] {strides = array<i32>} : memref<200x64xf32, #tpu.memory_space<vmem>>, vector<16xf32>,
        %get3A_661 = arith.index_cast %add3A_619 : i32 to index
        %get3A_662 = arith.constant 32 : index
        %get3A_663 = tpu.vector_load %arg20[%get3A_661, %get3A_662] {strides = array<i32>} : memref<200x64xf32, #tpu.memory_space<vmem>>, vector<16xf32>,
        %add3A_664 = arith.addf %get3A_660, %get3A_663 : vector<16xf32>
        %add3A_665 = arith.constant 32 : i32
        %add3A_666 = arith.addi %squeeze3A_621, %add3A_665 : i32
        %get3A_667 = arith.index_cast %add3A_666 : i32 to index
        %get3A_668 = tpu.vector_load %arg13[%get3A_667] {strides = array<i32>} : memref<6400xf32, #tpu.memory_space<vmem>>, vector<16xf32>,
        %add3A_669 = arith.addf %add3A_664, %get3A_668 : vector<16xf32>
        %add3A_670 = arith.constant 32 : i32
        %add3A_671 = arith.addi %squeeze3A_623, %add3A_670 : i32
        %get3A_672 = arith.index_cast %add3A_671 : i32 to index
        %get3A_673 = tpu.vector_load %arg14[%get3A_672] {strides = array<i32>} : memref<32768xf32, #tpu.memory_space<vmem>>, vector<16xf32>,
        %add3A_674 = arith.addf %add3A_669, %get3A_673 : vector<16xf32>
        %get3A_675 = arith.index_cast %add3A_619 : i32 to index
        %get3A_676 = arith.constant 48 : index
        %get3A_677 = tpu.vector_load %arg19[%get3A_675, %get3A_676] {strides = array<i32>} : memref<200x64xf32, #tpu.memory_space<vmem>>, vector<16xf32>,
        %get3A_678 = arith.index_cast %add3A_619 : i32 to index
        %get3A_679 = arith.constant 48 : index
        %get3A_680 = tpu.vector_load %arg20[%get3A_678, %get3A_679] {strides = array<i32>} : memref<200x64xf32, #tpu.memory_space<vmem>>, vector<16xf32>,
        %add3A_681 = arith.addf %get3A_677, %get3A_680 : vector<16xf32>
        %add3A_682 = arith.constant 48 : i32
        %add3A_683 = arith.addi %squeeze3A_621, %add3A_682 : i32
        %get3A_684 = arith.index_cast %add3A_683 : i32 to index
        %get3A_685 = tpu.vector_load %arg13[%get3A_684] {strides = array<i32>} : memref<6400xf32, #tpu.memory_space<vmem>>, vector<16xf32>,
        %add3A_686 = arith.addf %add3A_681, %get3A_685 : vector<16xf32>
        %add3A_687 = arith.constant 48 : i32
        %add3A_688 = arith.addi %squeeze3A_623, %add3A_687 : i32
        %get3A_689 = arith.index_cast %add3A_688 : i32 to index
        %get3A_690 = tpu.vector_load %arg14[%get3A_689] {strides = array<i32>} : memref<32768xf32, #tpu.memory_space<vmem>>, vector<16xf32>,
        %add3A_691 = arith.addf %add3A_686, %get3A_690 : vector<16xf32>
        %add3A_692 = arith.constant 6 : i32
        %add3A_693 = arith.addi %mul3A_239, %add3A_692 : i32
        %slice3A_694 = vector.extract_strided_slice %mul3A_244 {offsets = [6], sizes = [1], strides = [1]} : vector<16xi32> to vector<1xi32>
        %squeeze3A_695 = vector.extract %slice3A_694[0] : i32 from vector<1xi32>
        %slice3A_696 = vector.extract_strided_slice %mul3A_249 {offsets = [6], sizes = [1], strides = [1]} : vector<16xi32> to vector<1xi32>
        %squeeze3A_697 = vector.extract %slice3A_696[0] : i32 from vector<1xi32>
        %get3A_698 = arith.index_cast %add3A_693 : i32 to index
        %get3A_699 = arith.constant 0 : index
        %get3A_700 = tpu.vector_load %arg19[%get3A_698, %get3A_699] {strides = array<i32>} : memref<200x64xf32, #tpu.memory_space<vmem>>, vector<16xf32>,
        %get3A_701 = arith.index_cast %add3A_693 : i32 to index
        %get3A_702 = arith.constant 0 : index
        %get3A_703 = tpu.vector_load %arg20[%get3A_701, %get3A_702] {strides = array<i32>} : memref<200x64xf32, #tpu.memory_space<vmem>>, vector<16xf32>,
        %add3A_704 = arith.addf %get3A_700, %get3A_703 : vector<16xf32>
        %add3A_705 = arith.constant 0 : i32
        %add3A_706 = arith.addi %squeeze3A_695, %add3A_705 : i32
        %get3A_707 = arith.index_cast %add3A_706 : i32 to index
        %get3A_708 = tpu.vector_load %arg13[%get3A_707] {strides = array<i32>} : memref<6400xf32, #tpu.memory_space<vmem>>, vector<16xf32>,
        %add3A_709 = arith.addf %add3A_704, %get3A_708 : vector<16xf32>
        %add3A_710 = arith.constant 0 : i32
        %add3A_711 = arith.addi %squeeze3A_697, %add3A_710 : i32
        %get3A_712 = arith.index_cast %add3A_711 : i32 to index
        %get3A_713 = tpu.vector_load %arg14[%get3A_712] {strides = array<i32>} : memref<32768xf32, #tpu.memory_space<vmem>>, vector<16xf32>,
        %add3A_714 = arith.addf %add3A_709, %get3A_713 : vector<16xf32>
        %get3A_715 = arith.index_cast %add3A_693 : i32 to index
        %get3A_716 = arith.constant 16 : index
        %get3A_717 = tpu.vector_load %arg19[%get3A_715, %get3A_716] {strides = array<i32>} : memref<200x64xf32, #tpu.memory_space<vmem>>, vector<16xf32>,
        %get3A_718 = arith.index_cast %add3A_693 : i32 to index
        %get3A_719 = arith.constant 16 : index
        %get3A_720 = tpu.vector_load %arg20[%get3A_718, %get3A_719] {strides = array<i32>} : memref<200x64xf32, #tpu.memory_space<vmem>>, vector<16xf32>,
        %add3A_721 = arith.addf %get3A_717, %get3A_720 : vector<16xf32>
        %add3A_722 = arith.constant 16 : i32
        %add3A_723 = arith.addi %squeeze3A_695, %add3A_722 : i32
        %get3A_724 = arith.index_cast %add3A_723 : i32 to index
        %get3A_725 = tpu.vector_load %arg13[%get3A_724] {strides = array<i32>} : memref<6400xf32, #tpu.memory_space<vmem>>, vector<16xf32>,
        %add3A_726 = arith.addf %add3A_721, %get3A_725 : vector<16xf32>
        %add3A_727 = arith.constant 16 : i32
        %add3A_728 = arith.addi %squeeze3A_697, %add3A_727 : i32
        %get3A_729 = arith.index_cast %add3A_728 : i32 to index
        %get3A_730 = tpu.vector_load %arg14[%get3A_729] {strides = array<i32>} : memref<32768xf32, #tpu.memory_space<vmem>>, vector<16xf32>,
        %add3A_731 = arith.addf %add3A_726, %get3A_730 : vector<16xf32>
        %get3A_732 = arith.index_cast %add3A_693 : i32 to index
        %get3A_733 = arith.constant 32 : index
        %get3A_734 = tpu.vector_load %arg19[%get3A_732, %get3A_733] {strides = array<i32>} : memref<200x64xf32, #tpu.memory_space<vmem>>, vector<16xf32>,
        %get3A_735 = arith.index_cast %add3A_693 : i32 to index
        %get3A_736 = arith.constant 32 : index
        %get3A_737 = tpu.vector_load %arg20[%get3A_735, %get3A_736] {strides = array<i32>} : memref<200x64xf32, #tpu.memory_space<vmem>>, vector<16xf32>,
        %add3A_738 = arith.addf %get3A_734, %get3A_737 : vector<16xf32>
        %add3A_739 = arith.constant 32 : i32
        %add3A_740 = arith.addi %squeeze3A_695, %add3A_739 : i32
        %get3A_741 = arith.index_cast %add3A_740 : i32 to index
        %get3A_742 = tpu.vector_load %arg13[%get3A_741] {strides = array<i32>} : memref<6400xf32, #tpu.memory_space<vmem>>, vector<16xf32>,
        %add3A_743 = arith.addf %add3A_738, %get3A_742 : vector<16xf32>
        %add3A_744 = arith.constant 32 : i32
        %add3A_745 = arith.addi %squeeze3A_697, %add3A_744 : i32
        %get3A_746 = arith.index_cast %add3A_745 : i32 to index
        %get3A_747 = tpu.vector_load %arg14[%get3A_746] {strides = array<i32>} : memref<32768xf32, #tpu.memory_space<vmem>>, vector<16xf32>,
        %add3A_748 = arith.addf %add3A_743, %get3A_747 : vector<16xf32>
        %get3A_749 = arith.index_cast %add3A_693 : i32 to index
        %get3A_750 = arith.constant 48 : index
        %get3A_751 = tpu.vector_load %arg19[%get3A_749, %get3A_750] {strides = array<i32>} : memref<200x64xf32, #tpu.memory_space<vmem>>, vector<16xf32>,
        %get3A_752 = arith.index_cast %add3A_693 : i32 to index
        %get3A_753 = arith.constant 48 : index
        %get3A_754 = tpu.vector_load %arg20[%get3A_752, %get3A_753] {strides = array<i32>} : memref<200x64xf32, #tpu.memory_space<vmem>>, vector<16xf32>,
        %add3A_755 = arith.addf %get3A_751, %get3A_754 : vector<16xf32>
        %add3A_756 = arith.constant 48 : i32
        %add3A_757 = arith.addi %squeeze3A_695, %add3A_756 : i32
        %get3A_758 = arith.index_cast %add3A_757 : i32 to index
        %get3A_759 = tpu.vector_load %arg13[%get3A_758] {strides = array<i32>} : memref<6400xf32, #tpu.memory_space<vmem>>, vector<16xf32>,
        %add3A_760 = arith.addf %add3A_755, %get3A_759 : vector<16xf32>
        %add3A_761 = arith.constant 48 : i32
        %add3A_762 = arith.addi %squeeze3A_697, %add3A_761 : i32
        %get3A_763 = arith.index_cast %add3A_762 : i32 to index
        %get3A_764 = tpu.vector_load %arg14[%get3A_763] {strides = array<i32>} : memref<32768xf32, #tpu.memory_space<vmem>>, vector<16xf32>,
        %add3A_765 = arith.addf %add3A_760, %get3A_764 : vector<16xf32>
        %add3A_766 = arith.constant 7 : i32
        %add3A_767 = arith.addi %mul3A_239, %add3A_766 : i32
        %slice3A_768 = vector.extract_strided_slice %mul3A_244 {offsets = [7], sizes = [1], strides = [1]} : vector<16xi32> to vector<1xi32>
        %squeeze3A_769 = vector.extract %slice3A_768[0] : i32 from vector<1xi32>
        %slice3A_770 = vector.extract_strided_slice %mul3A_249 {offsets = [7], sizes = [1], strides = [1]} : vector<16xi32> to vector<1xi32>
        %squeeze3A_771 = vector.extract %slice3A_770[0] : i32 from vector<1xi32>
        %get3A_772 = arith.index_cast %add3A_767 : i32 to index
        %get3A_773 = arith.constant 0 : index
        %get3A_774 = tpu.vector_load %arg19[%get3A_772, %get3A_773] {strides = array<i32>} : memref<200x64xf32, #tpu.memory_space<vmem>>, vector<16xf32>,
        %get3A_775 = arith.index_cast %add3A_767 : i32 to index
        %get3A_776 = arith.constant 0 : index
        %get3A_777 = tpu.vector_load %arg20[%get3A_775, %get3A_776] {strides = array<i32>} : memref<200x64xf32, #tpu.memory_space<vmem>>, vector<16xf32>,
        %add3A_778 = arith.addf %get3A_774, %get3A_777 : vector<16xf32>
        %add3A_779 = arith.constant 0 : i32
        %add3A_780 = arith.addi %squeeze3A_769, %add3A_779 : i32
        %get3A_781 = arith.index_cast %add3A_780 : i32 to index
        %get3A_782 = tpu.vector_load %arg13[%get3A_781] {strides = array<i32>} : memref<6400xf32, #tpu.memory_space<vmem>>, vector<16xf32>,
        %add3A_783 = arith.addf %add3A_778, %get3A_782 : vector<16xf32>
        %add3A_784 = arith.constant 0 : i32
        %add3A_785 = arith.addi %squeeze3A_771, %add3A_784 : i32
        %get3A_786 = arith.index_cast %add3A_785 : i32 to index
        %get3A_787 = tpu.vector_load %arg14[%get3A_786] {strides = array<i32>} : memref<32768xf32, #tpu.memory_space<vmem>>, vector<16xf32>,
        %add3A_788 = arith.addf %add3A_783, %get3A_787 : vector<16xf32>
        %get3A_789 = arith.index_cast %add3A_767 : i32 to index
        %get3A_790 = arith.constant 16 : index
        %get3A_791 = tpu.vector_load %arg19[%get3A_789, %get3A_790] {strides = array<i32>} : memref<200x64xf32, #tpu.memory_space<vmem>>, vector<16xf32>,
        %get3A_792 = arith.index_cast %add3A_767 : i32 to index
        %get3A_793 = arith.constant 16 : index
        %get3A_794 = tpu.vector_load %arg20[%get3A_792, %get3A_793] {strides = array<i32>} : memref<200x64xf32, #tpu.memory_space<vmem>>, vector<16xf32>,
        %add3A_795 = arith.addf %get3A_791, %get3A_794 : vector<16xf32>
        %add3A_796 = arith.constant 16 : i32
        %add3A_797 = arith.addi %squeeze3A_769, %add3A_796 : i32
        %get3A_798 = arith.index_cast %add3A_797 : i32 to index
        %get3A_799 = tpu.vector_load %arg13[%get3A_798] {strides = array<i32>} : memref<6400xf32, #tpu.memory_space<vmem>>, vector<16xf32>,
        %add3A_800 = arith.addf %add3A_795, %get3A_799 : vector<16xf32>
        %add3A_801 = arith.constant 16 : i32
        %add3A_802 = arith.addi %squeeze3A_771, %add3A_801 : i32
        %get3A_803 = arith.index_cast %add3A_802 : i32 to index
        %get3A_804 = tpu.vector_load %arg14[%get3A_803] {strides = array<i32>} : memref<32768xf32, #tpu.memory_space<vmem>>, vector<16xf32>,
        %add3A_805 = arith.addf %add3A_800, %get3A_804 : vector<16xf32>
        %get3A_806 = arith.index_cast %add3A_767 : i32 to index
        %get3A_807 = arith.constant 32 : index
        %get3A_808 = tpu.vector_load %arg19[%get3A_806, %get3A_807] {strides = array<i32>} : memref<200x64xf32, #tpu.memory_space<vmem>>, vector<16xf32>,
        %get3A_809 = arith.index_cast %add3A_767 : i32 to index
        %get3A_810 = arith.constant 32 : index
        %get3A_811 = tpu.vector_load %arg20[%get3A_809, %get3A_810] {strides = array<i32>} : memref<200x64xf32, #tpu.memory_space<vmem>>, vector<16xf32>,
        %add3A_812 = arith.addf %get3A_808, %get3A_811 : vector<16xf32>
        %add3A_813 = arith.constant 32 : i32
        %add3A_814 = arith.addi %squeeze3A_769, %add3A_813 : i32
        %get3A_815 = arith.index_cast %add3A_814 : i32 to index
        %get3A_816 = tpu.vector_load %arg13[%get3A_815] {strides = array<i32>} : memref<6400xf32, #tpu.memory_space<vmem>>, vector<16xf32>,
        %add3A_817 = arith.addf %add3A_812, %get3A_816 : vector<16xf32>
        %add3A_818 = arith.constant 32 : i32
        %add3A_819 = arith.addi %squeeze3A_771, %add3A_818 : i32
        %get3A_820 = arith.index_cast %add3A_819 : i32 to index
        %get3A_821 = tpu.vector_load %arg14[%get3A_820] {strides = array<i32>} : memref<32768xf32, #tpu.memory_space<vmem>>, vector<16xf32>,
        %add3A_822 = arith.addf %add3A_817, %get3A_821 : vector<16xf32>
        %get3A_823 = arith.index_cast %add3A_767 : i32 to index
        %get3A_824 = arith.constant 48 : index
        %get3A_825 = tpu.vector_load %arg19[%get3A_823, %get3A_824] {strides = array<i32>} : memref<200x64xf32, #tpu.memory_space<vmem>>, vector<16xf32>,
        %get3A_826 = arith.index_cast %add3A_767 : i32 to index
        %get3A_827 = arith.constant 48 : index
        %get3A_828 = tpu.vector_load %arg20[%get3A_826, %get3A_827] {strides = array<i32>} : memref<200x64xf32, #tpu.memory_space<vmem>>, vector<16xf32>,
        %add3A_829 = arith.addf %get3A_825, %get3A_828 : vector<16xf32>
        %add3A_830 = arith.constant 48 : i32
        %add3A_831 = arith.addi %squeeze3A_769, %add3A_830 : i32
        %get3A_832 = arith.index_cast %add3A_831 : i32 to index
        %get3A_833 = tpu.vector_load %arg13[%get3A_832] {strides = array<i32>} : memref<6400xf32, #tpu.memory_space<vmem>>, vector<16xf32>,
        %add3A_834 = arith.addf %add3A_829, %get3A_833 : vector<16xf32>
        %add3A_835 = arith.constant 48 : i32
        %add3A_836 = arith.addi %squeeze3A_771, %add3A_835 : i32
        %get3A_837 = arith.index_cast %add3A_836 : i32 to index
        %get3A_838 = tpu.vector_load %arg14[%get3A_837] {strides = array<i32>} : memref<32768xf32, #tpu.memory_space<vmem>>, vector<16xf32>,
        %add3A_839 = arith.addf %add3A_834, %get3A_838 : vector<16xf32>
        %add3A_840 = arith.constant 0 : i32
        %add3A_841 = arith.addi %mul3A_239, %add3A_840 : i32
        %add3A_842 = arith.addf %add3A_270, %add3A_287 : vector<16xf32>
        %add3A_843 = arith.addf %add3A_304, %add3A_321 : vector<16xf32>
        %add3A_844 = arith.addf %add3A_842, %add3A_843 : vector<16xf32>
        %mul3A_845 = arith.mulf %add3A_270, %add3A_270 : vector<16xf32>
        %mul3A_846 = arith.mulf %add3A_287, %add3A_287 : vector<16xf32>
        %add3A_847 = arith.addf %mul3A_845, %mul3A_846 : vector<16xf32>
        %mul3A_848 = arith.mulf %add3A_304, %add3A_304 : vector<16xf32>
        %mul3A_849 = arith.mulf %add3A_321, %add3A_321 : vector<16xf32>
        %add3A_850 = arith.addf %mul3A_848, %mul3A_849 : vector<16xf32>
        %add3A_851 = arith.addf %add3A_847, %add3A_850 : vector<16xf32>
        %iota3A_852 = tpu.iota {dimensions = array<i32: 0>} : vector<16xi32>
        %xor3A = arith.constant 8 : i32
        %xor3A_853 = vector.broadcast %xor3A : i32 to vector<16xi32>
        %xor3A_854 = arith.xori %iota3A_852, %xor3A_853 : vector<16xi32>
        %lt3A_855 = arith.constant 0 : i32
        %lt3A_856 = vector.broadcast %lt3A_855 : i32 to vector<16xi32>
        %lt3A_857 = arith.cmpi slt, %xor3A_854, %lt3A_856 : vector<16xi32>
        %add3A_858 = arith.constant 16 : i32
        %add3A_859 = vector.broadcast %add3A_858 : i32 to vector<16xi32>
        %add3A_860 = arith.addi %xor3A_854, %add3A_859 : vector<16xi32>
        %select_n3A = arith.select %lt3A_857, %add3A_860, %xor3A_854 : vector<16xi1>, vector<16xi32>
        %broadcast_in_dim3A = vector.shape_cast %select_n3A : vector<16xi32> to vector<16x1xi32>
        %gather3A = vector.shape_cast %broadcast_in_dim3A : vector<16x1xi32> to vector<16xi32>
        %gather3A_861 = tpu.dynamic_gather %add3A_844[%gather3A] in [0] : vector<16xf32>, vector<16xi32> -> vector<16xf32>
        %add3A_862 = arith.addf %add3A_844, %gather3A_861 : vector<16xf32>
        %iota3A_863 = tpu.iota {dimensions = array<i32: 0>} : vector<16xi32>
        %xor3A_864 = arith.constant 4 : i32
        %xor3A_865 = vector.broadcast %xor3A_864 : i32 to vector<16xi32>
        %xor3A_866 = arith.xori %iota3A_863, %xor3A_865 : vector<16xi32>
        %lt3A_867 = arith.constant 0 : i32
        %lt3A_868 = vector.broadcast %lt3A_867 : i32 to vector<16xi32>
        %lt3A_869 = arith.cmpi slt, %xor3A_866, %lt3A_868 : vector<16xi32>
        %add3A_870 = arith.constant 16 : i32
        %add3A_871 = vector.broadcast %add3A_870 : i32 to vector<16xi32>
        %add3A_872 = arith.addi %xor3A_866, %add3A_871 : vector<16xi32>
        %select_n3A_873 = arith.select %lt3A_869, %add3A_872, %xor3A_866 : vector<16xi1>, vector<16xi32>
        %broadcast_in_dim3A_874 = vector.shape_cast %select_n3A_873 : vector<16xi32> to vector<16x1xi32>
        %gather3A_875 = vector.shape_cast %broadcast_in_dim3A_874 : vector<16x1xi32> to vector<16xi32>
        %gather3A_876 = tpu.dynamic_gather %add3A_862[%gather3A_875] in [0] : vector<16xf32>, vector<16xi32> -> vector<16xf32>
        %add3A_877 = arith.addf %add3A_862, %gather3A_876 : vector<16xf32>
        %iota3A_878 = tpu.iota {dimensions = array<i32: 0>} : vector<16xi32>
        %xor3A_879 = arith.constant 2 : i32
        %xor3A_880 = vector.broadcast %xor3A_879 : i32 to vector<16xi32>
        %xor3A_881 = arith.xori %iota3A_878, %xor3A_880 : vector<16xi32>
        %lt3A_882 = arith.constant 0 : i32
        %lt3A_883 = vector.broadcast %lt3A_882 : i32 to vector<16xi32>
        %lt3A_884 = arith.cmpi slt, %xor3A_881, %lt3A_883 : vector<16xi32>
        %add3A_885 = arith.constant 16 : i32
        %add3A_886 = vector.broadcast %add3A_885 : i32 to vector<16xi32>
        %add3A_887 = arith.addi %xor3A_881, %add3A_886 : vector<16xi32>
        %select_n3A_888 = arith.select %lt3A_884, %add3A_887, %xor3A_881 : vector<16xi1>, vector<16xi32>
        %broadcast_in_dim3A_889 = vector.shape_cast %select_n3A_888 : vector<16xi32> to vector<16x1xi32>
        %gather3A_890 = vector.shape_cast %broadcast_in_dim3A_889 : vector<16x1xi32> to vector<16xi32>
        %gather3A_891 = tpu.dynamic_gather %add3A_877[%gather3A_890] in [0] : vector<16xf32>, vector<16xi32> -> vector<16xf32>
        %add3A_892 = arith.addf %add3A_877, %gather3A_891 : vector<16xf32>
        %iota3A_893 = tpu.iota {dimensions = array<i32: 0>} : vector<16xi32>
        %xor3A_894 = arith.constant 1 : i32
        %xor3A_895 = vector.broadcast %xor3A_894 : i32 to vector<16xi32>
        %xor3A_896 = arith.xori %iota3A_893, %xor3A_895 : vector<16xi32>
        %lt3A_897 = arith.constant 0 : i32
        %lt3A_898 = vector.broadcast %lt3A_897 : i32 to vector<16xi32>
        %lt3A_899 = arith.cmpi slt, %xor3A_896, %lt3A_898 : vector<16xi32>
        %add3A_900 = arith.constant 16 : i32
        %add3A_901 = vector.broadcast %add3A_900 : i32 to vector<16xi32>
        %add3A_902 = arith.addi %xor3A_896, %add3A_901 : vector<16xi32>
        %select_n3A_903 = arith.select %lt3A_899, %add3A_902, %xor3A_896 : vector<16xi1>, vector<16xi32>
        %broadcast_in_dim3A_904 = vector.shape_cast %select_n3A_903 : vector<16xi32> to vector<16x1xi32>
        %gather3A_905 = vector.shape_cast %broadcast_in_dim3A_904 : vector<16x1xi32> to vector<16xi32>
        %gather3A_906 = tpu.dynamic_gather %add3A_892[%gather3A_905] in [0] : vector<16xf32>, vector<16xi32> -> vector<16xf32>
        %add3A_907 = arith.addf %add3A_892, %gather3A_906 : vector<16xf32>
        %mul3A_908 = arith.constant 1.562500e-02 : f32
        %mul3A_909 = vector.broadcast %mul3A_908 : f32 to vector<16xf32>
        %mul3A_910 = arith.mulf %add3A_907, %mul3A_909 : vector<16xf32>
        %iota3A_911 = tpu.iota {dimensions = array<i32: 0>} : vector<16xi32>
        %xor3A_912 = arith.constant 8 : i32
        %xor3A_913 = vector.broadcast %xor3A_912 : i32 to vector<16xi32>
        %xor3A_914 = arith.xori %iota3A_911, %xor3A_913 : vector<16xi32>
        %lt3A_915 = arith.constant 0 : i32
        %lt3A_916 = vector.broadcast %lt3A_915 : i32 to vector<16xi32>
        %lt3A_917 = arith.cmpi slt, %xor3A_914, %lt3A_916 : vector<16xi32>
        %add3A_918 = arith.constant 16 : i32
        %add3A_919 = vector.broadcast %add3A_918 : i32 to vector<16xi32>
        %add3A_920 = arith.addi %xor3A_914, %add3A_919 : vector<16xi32>
        %select_n3A_921 = arith.select %lt3A_917, %add3A_920, %xor3A_914 : vector<16xi1>, vector<16xi32>
        %broadcast_in_dim3A_922 = vector.shape_cast %select_n3A_921 : vector<16xi32> to vector<16x1xi32>
        %gather3A_923 = vector.shape_cast %broadcast_in_dim3A_922 : vector<16x1xi32> to vector<16xi32>
        %gather3A_924 = tpu.dynamic_gather %add3A_851[%gather3A_923] in [0] : vector<16xf32>, vector<16xi32> -> vector<16xf32>
        %add3A_925 = arith.addf %add3A_851, %gather3A_924 : vector<16xf32>
        %iota3A_926 = tpu.iota {dimensions = array<i32: 0>} : vector<16xi32>
        %xor3A_927 = arith.constant 4 : i32
        %xor3A_928 = vector.broadcast %xor3A_927 : i32 to vector<16xi32>
        %xor3A_929 = arith.xori %iota3A_926, %xor3A_928 : vector<16xi32>
        %lt3A_930 = arith.constant 0 : i32
        %lt3A_931 = vector.broadcast %lt3A_930 : i32 to vector<16xi32>
        %lt3A_932 = arith.cmpi slt, %xor3A_929, %lt3A_931 : vector<16xi32>
        %add3A_933 = arith.constant 16 : i32
        %add3A_934 = vector.broadcast %add3A_933 : i32 to vector<16xi32>
        %add3A_935 = arith.addi %xor3A_929, %add3A_934 : vector<16xi32>
        %select_n3A_936 = arith.select %lt3A_932, %add3A_935, %xor3A_929 : vector<16xi1>, vector<16xi32>
        %broadcast_in_dim3A_937 = vector.shape_cast %select_n3A_936 : vector<16xi32> to vector<16x1xi32>
        %gather3A_938 = vector.shape_cast %broadcast_in_dim3A_937 : vector<16x1xi32> to vector<16xi32>
        %gather3A_939 = tpu.dynamic_gather %add3A_925[%gather3A_938] in [0] : vector<16xf32>, vector<16xi32> -> vector<16xf32>
        %add3A_940 = arith.addf %add3A_925, %gather3A_939 : vector<16xf32>
        %iota3A_941 = tpu.iota {dimensions = array<i32: 0>} : vector<16xi32>
        %xor3A_942 = arith.constant 2 : i32
        %xor3A_943 = vector.broadcast %xor3A_942 : i32 to vector<16xi32>
        %xor3A_944 = arith.xori %iota3A_941, %xor3A_943 : vector<16xi32>
        %lt3A_945 = arith.constant 0 : i32
        %lt3A_946 = vector.broadcast %lt3A_945 : i32 to vector<16xi32>
        %lt3A_947 = arith.cmpi slt, %xor3A_944, %lt3A_946 : vector<16xi32>
        %add3A_948 = arith.constant 16 : i32
        %add3A_949 = vector.broadcast %add3A_948 : i32 to vector<16xi32>
        %add3A_950 = arith.addi %xor3A_944, %add3A_949 : vector<16xi32>
        %select_n3A_951 = arith.select %lt3A_947, %add3A_950, %xor3A_944 : vector<16xi1>, vector<16xi32>
        %broadcast_in_dim3A_952 = vector.shape_cast %select_n3A_951 : vector<16xi32> to vector<16x1xi32>
        %gather3A_953 = vector.shape_cast %broadcast_in_dim3A_952 : vector<16x1xi32> to vector<16xi32>
        %gather3A_954 = tpu.dynamic_gather %add3A_940[%gather3A_953] in [0] : vector<16xf32>, vector<16xi32> -> vector<16xf32>
        %add3A_955 = arith.addf %add3A_940, %gather3A_954 : vector<16xf32>
        %iota3A_956 = tpu.iota {dimensions = array<i32: 0>} : vector<16xi32>
        %xor3A_957 = arith.constant 1 : i32
        %xor3A_958 = vector.broadcast %xor3A_957 : i32 to vector<16xi32>
        %xor3A_959 = arith.xori %iota3A_956, %xor3A_958 : vector<16xi32>
        %lt3A_960 = arith.constant 0 : i32
        %lt3A_961 = vector.broadcast %lt3A_960 : i32 to vector<16xi32>
        %lt3A_962 = arith.cmpi slt, %xor3A_959, %lt3A_961 : vector<16xi32>
        %add3A_963 = arith.constant 16 : i32
        %add3A_964 = vector.broadcast %add3A_963 : i32 to vector<16xi32>
        %add3A_965 = arith.addi %xor3A_959, %add3A_964 : vector<16xi32>
        %select_n3A_966 = arith.select %lt3A_962, %add3A_965, %xor3A_959 : vector<16xi1>, vector<16xi32>
        %broadcast_in_dim3A_967 = vector.shape_cast %select_n3A_966 : vector<16xi32> to vector<16x1xi32>
        %gather3A_968 = vector.shape_cast %broadcast_in_dim3A_967 : vector<16x1xi32> to vector<16xi32>
        %gather3A_969 = tpu.dynamic_gather %add3A_955[%gather3A_968] in [0] : vector<16xf32>, vector<16xi32> -> vector<16xf32>
        %add3A_970 = arith.addf %add3A_955, %gather3A_969 : vector<16xf32>
        %mul3A_971 = arith.constant 1.562500e-02 : f32
        %mul3A_972 = vector.broadcast %mul3A_971 : f32 to vector<16xf32>
        %mul3A_973 = arith.mulf %add3A_970, %mul3A_972 : vector<16xf32>
        %mul3A_974 = arith.mulf %mul3A_910, %mul3A_910 : vector<16xf32>
        %sub3A = arith.subf %mul3A_973, %mul3A_974 : vector<16xf32>
        %add3A_975 = arith.constant 9.99999996E-13 : f32
        %add3A_976 = vector.broadcast %add3A_975 : f32 to vector<16xf32>
        %add3A_977 = arith.addf %sub3A, %add3A_976 : vector<16xf32>
        %bitcast3A = vector.bitcast %add3A_977 : vector<16xf32> to vector<16xi32>
        %shift_right_logical3A = arith.constant 1 : i32
        %shift_right_logical3A_978 = vector.broadcast %shift_right_logical3A : i32 to vector<16xi32>
        %shift_right_logical3A_979 = arith.shrui %bitcast3A, %shift_right_logical3A_978 : vector<16xi32>
        %sub3A_980 = arith.constant 1597463007 : i32
        %sub3A_981 = vector.broadcast %sub3A_980 : i32 to vector<16xi32>
        %sub3A_982 = arith.subi %sub3A_981, %shift_right_logical3A_979 : vector<16xi32>
        %bitcast3A_983 = vector.bitcast %sub3A_982 : vector<16xi32> to vector<16xf32>
        %mul3A_984 = arith.constant 5.000000e-01 : f32
        %mul3A_985 = vector.broadcast %mul3A_984 : f32 to vector<16xf32>
        %mul3A_986 = arith.mulf %mul3A_985, %add3A_977 : vector<16xf32>
        %mul3A_987 = arith.mulf %mul3A_986, %bitcast3A_983 : vector<16xf32>
        %mul3A_988 = arith.mulf %mul3A_987, %bitcast3A_983 : vector<16xf32>
        %sub3A_989 = arith.constant 1.500000e+00 : f32
        %sub3A_990 = vector.broadcast %sub3A_989 : f32 to vector<16xf32>
        %sub3A_991 = arith.subf %sub3A_990, %mul3A_988 : vector<16xf32>
        %mul3A_992 = arith.mulf %bitcast3A_983, %sub3A_991 : vector<16xf32>
        %mul3A_993 = arith.constant 5.000000e-01 : f32
        %mul3A_994 = vector.broadcast %mul3A_993 : f32 to vector<16xf32>
        %mul3A_995 = arith.mulf %mul3A_994, %add3A_977 : vector<16xf32>
        %mul3A_996 = arith.mulf %mul3A_995, %mul3A_992 : vector<16xf32>
        %mul3A_997 = arith.mulf %mul3A_996, %mul3A_992 : vector<16xf32>
        %sub3A_998 = arith.constant 1.500000e+00 : f32
        %sub3A_999 = vector.broadcast %sub3A_998 : f32 to vector<16xf32>
        %sub3A_1000 = arith.subf %sub3A_999, %mul3A_997 : vector<16xf32>
        %mul3A_1001 = arith.mulf %mul3A_992, %sub3A_1000 : vector<16xf32>
        %sub3A_1002 = arith.subf %add3A_270, %mul3A_910 : vector<16xf32>
        %mul3A_1003 = arith.mulf %mul3A_1001, %get3A_18 : vector<16xf32>
        %mul3A_1004 = arith.mulf %sub3A_1002, %mul3A_1003 : vector<16xf32>
        %add3A_1005 = arith.addf %mul3A_1004, %get3A_26 : vector<16xf32>
        %mul3A_1006 = arith.constant 64 : i32
        %mul3A_1007 = arith.muli %add3A_841, %mul3A_1006 : i32
        %add3A_1008 = arith.constant 0 : i32
        %add3A_1009 = arith.addi %mul3A_1007, %add3A_1008 : i32
        %swap3A = arith.index_cast %add3A_1009 : i32 to index
        %swap3A_1010 = tpu.vector_load %arg22[%swap3A] {strides = array<i32>} : memref<12800xf32, #tpu.memory_space<vmem>>, vector<16xf32>,
        tpu.vector_store %arg22[%swap3A], %add3A_1005 {strides = array<i32>} : memref<12800xf32, #tpu.memory_space<vmem>>, vector<16xf32>,
        %sub3A_1011 = arith.subf %add3A_287, %mul3A_910 : vector<16xf32>
        %mul3A_1012 = arith.mulf %mul3A_1001, %get3A_20 : vector<16xf32>
        %mul3A_1013 = arith.mulf %sub3A_1011, %mul3A_1012 : vector<16xf32>
        %add3A_1014 = arith.addf %mul3A_1013, %get3A_28 : vector<16xf32>
        %mul3A_1015 = arith.constant 64 : i32
        %mul3A_1016 = arith.muli %add3A_841, %mul3A_1015 : i32
        %add3A_1017 = arith.constant 16 : i32
        %add3A_1018 = arith.addi %mul3A_1016, %add3A_1017 : i32
        %swap3A_1019 = arith.index_cast %add3A_1018 : i32 to index
        %swap3A_1020 = tpu.vector_load %arg22[%swap3A_1019] {strides = array<i32>} : memref<12800xf32, #tpu.memory_space<vmem>>, vector<16xf32>,
        tpu.vector_store %arg22[%swap3A_1019], %add3A_1014 {strides = array<i32>} : memref<12800xf32, #tpu.memory_space<vmem>>, vector<16xf32>,
        %sub3A_1021 = arith.subf %add3A_304, %mul3A_910 : vector<16xf32>
        %mul3A_1022 = arith.mulf %mul3A_1001, %get3A_22 : vector<16xf32>
        %mul3A_1023 = arith.mulf %sub3A_1021, %mul3A_1022 : vector<16xf32>
        %add3A_1024 = arith.addf %mul3A_1023, %get3A_30 : vector<16xf32>
        %mul3A_1025 = arith.constant 64 : i32
        %mul3A_1026 = arith.muli %add3A_841, %mul3A_1025 : i32
        %add3A_1027 = arith.constant 32 : i32
        %add3A_1028 = arith.addi %mul3A_1026, %add3A_1027 : i32
        %swap3A_1029 = arith.index_cast %add3A_1028 : i32 to index
        %swap3A_1030 = tpu.vector_load %arg22[%swap3A_1029] {strides = array<i32>} : memref<12800xf32, #tpu.memory_space<vmem>>, vector<16xf32>,
        tpu.vector_store %arg22[%swap3A_1029], %add3A_1024 {strides = array<i32>} : memref<12800xf32, #tpu.memory_space<vmem>>, vector<16xf32>,
        %sub3A_1031 = arith.subf %add3A_321, %mul3A_910 : vector<16xf32>
        %mul3A_1032 = arith.mulf %mul3A_1001, %get3A_24 : vector<16xf32>
        %mul3A_1033 = arith.mulf %sub3A_1031, %mul3A_1032 : vector<16xf32>
        %add3A_1034 = arith.addf %mul3A_1033, %get3A_32 : vector<16xf32>
        %mul3A_1035 = arith.constant 64 : i32
        %mul3A_1036 = arith.muli %add3A_841, %mul3A_1035 : i32
        %add3A_1037 = arith.constant 48 : i32
        %add3A_1038 = arith.addi %mul3A_1036, %add3A_1037 : i32
        %swap3A_1039 = arith.index_cast %add3A_1038 : i32 to index
        %swap3A_1040 = tpu.vector_load %arg22[%swap3A_1039] {strides = array<i32>} : memref<12800xf32, #tpu.memory_space<vmem>>, vector<16xf32>,
        tpu.vector_store %arg22[%swap3A_1039], %add3A_1034 {strides = array<i32>} : memref<12800xf32, #tpu.memory_space<vmem>>, vector<16xf32>,
        %add3A_1041 = arith.constant 1 : i32
        %add3A_1042 = arith.addi %mul3A_239, %add3A_1041 : i32
        %add3A_1043 = arith.addf %add3A_344, %add3A_361 : vector<16xf32>
        %add3A_1044 = arith.addf %add3A_378, %add3A_395 : vector<16xf32>
        %add3A_1045 = arith.addf %add3A_1043, %add3A_1044 : vector<16xf32>
        %mul3A_1046 = arith.mulf %add3A_344, %add3A_344 : vector<16xf32>
        %mul3A_1047 = arith.mulf %add3A_361, %add3A_361 : vector<16xf32>
        %add3A_1048 = arith.addf %mul3A_1046, %mul3A_1047 : vector<16xf32>
        %mul3A_1049 = arith.mulf %add3A_378, %add3A_378 : vector<16xf32>
        %mul3A_1050 = arith.mulf %add3A_395, %add3A_395 : vector<16xf32>
        %add3A_1051 = arith.addf %mul3A_1049, %mul3A_1050 : vector<16xf32>
        %add3A_1052 = arith.addf %add3A_1048, %add3A_1051 : vector<16xf32>
        %iota3A_1053 = tpu.iota {dimensions = array<i32: 0>} : vector<16xi32>
        %xor3A_1054 = arith.constant 8 : i32
        %xor3A_1055 = vector.broadcast %xor3A_1054 : i32 to vector<16xi32>
        %xor3A_1056 = arith.xori %iota3A_1053, %xor3A_1055 : vector<16xi32>
        %lt3A_1057 = arith.constant 0 : i32
        %lt3A_1058 = vector.broadcast %lt3A_1057 : i32 to vector<16xi32>
        %lt3A_1059 = arith.cmpi slt, %xor3A_1056, %lt3A_1058 : vector<16xi32>
        %add3A_1060 = arith.constant 16 : i32
        %add3A_1061 = vector.broadcast %add3A_1060 : i32 to vector<16xi32>
        %add3A_1062 = arith.addi %xor3A_1056, %add3A_1061 : vector<16xi32>
        %select_n3A_1063 = arith.select %lt3A_1059, %add3A_1062, %xor3A_1056 : vector<16xi1>, vector<16xi32>
        %broadcast_in_dim3A_1064 = vector.shape_cast %select_n3A_1063 : vector<16xi32> to vector<16x1xi32>
        %gather3A_1065 = vector.shape_cast %broadcast_in_dim3A_1064 : vector<16x1xi32> to vector<16xi32>
        %gather3A_1066 = tpu.dynamic_gather %add3A_1045[%gather3A_1065] in [0] : vector<16xf32>, vector<16xi32> -> vector<16xf32>
        %add3A_1067 = arith.addf %add3A_1045, %gather3A_1066 : vector<16xf32>
        %iota3A_1068 = tpu.iota {dimensions = array<i32: 0>} : vector<16xi32>
        %xor3A_1069 = arith.constant 4 : i32
        %xor3A_1070 = vector.broadcast %xor3A_1069 : i32 to vector<16xi32>
        %xor3A_1071 = arith.xori %iota3A_1068, %xor3A_1070 : vector<16xi32>
        %lt3A_1072 = arith.constant 0 : i32
        %lt3A_1073 = vector.broadcast %lt3A_1072 : i32 to vector<16xi32>
        %lt3A_1074 = arith.cmpi slt, %xor3A_1071, %lt3A_1073 : vector<16xi32>
        %add3A_1075 = arith.constant 16 : i32
        %add3A_1076 = vector.broadcast %add3A_1075 : i32 to vector<16xi32>
        %add3A_1077 = arith.addi %xor3A_1071, %add3A_1076 : vector<16xi32>
        %select_n3A_1078 = arith.select %lt3A_1074, %add3A_1077, %xor3A_1071 : vector<16xi1>, vector<16xi32>
        %broadcast_in_dim3A_1079 = vector.shape_cast %select_n3A_1078 : vector<16xi32> to vector<16x1xi32>
        %gather3A_1080 = vector.shape_cast %broadcast_in_dim3A_1079 : vector<16x1xi32> to vector<16xi32>
        %gather3A_1081 = tpu.dynamic_gather %add3A_1067[%gather3A_1080] in [0] : vector<16xf32>, vector<16xi32> -> vector<16xf32>
        %add3A_1082 = arith.addf %add3A_1067, %gather3A_1081 : vector<16xf32>
        %iota3A_1083 = tpu.iota {dimensions = array<i32: 0>} : vector<16xi32>
        %xor3A_1084 = arith.constant 2 : i32
        %xor3A_1085 = vector.broadcast %xor3A_1084 : i32 to vector<16xi32>
        %xor3A_1086 = arith.xori %iota3A_1083, %xor3A_1085 : vector<16xi32>
        %lt3A_1087 = arith.constant 0 : i32
        %lt3A_1088 = vector.broadcast %lt3A_1087 : i32 to vector<16xi32>
        %lt3A_1089 = arith.cmpi slt, %xor3A_1086, %lt3A_1088 : vector<16xi32>
        %add3A_1090 = arith.constant 16 : i32
        %add3A_1091 = vector.broadcast %add3A_1090 : i32 to vector<16xi32>
        %add3A_1092 = arith.addi %xor3A_1086, %add3A_1091 : vector<16xi32>
        %select_n3A_1093 = arith.select %lt3A_1089, %add3A_1092, %xor3A_1086 : vector<16xi1>, vector<16xi32>
        %broadcast_in_dim3A_1094 = vector.shape_cast %select_n3A_1093 : vector<16xi32> to vector<16x1xi32>
        %gather3A_1095 = vector.shape_cast %broadcast_in_dim3A_1094 : vector<16x1xi32> to vector<16xi32>
        %gather3A_1096 = tpu.dynamic_gather %add3A_1082[%gather3A_1095] in [0] : vector<16xf32>, vector<16xi32> -> vector<16xf32>
        %add3A_1097 = arith.addf %add3A_1082, %gather3A_1096 : vector<16xf32>
        %iota3A_1098 = tpu.iota {dimensions = array<i32: 0>} : vector<16xi32>
        %xor3A_1099 = arith.constant 1 : i32
        %xor3A_1100 = vector.broadcast %xor3A_1099 : i32 to vector<16xi32>
        %xor3A_1101 = arith.xori %iota3A_1098, %xor3A_1100 : vector<16xi32>
        %lt3A_1102 = arith.constant 0 : i32
        %lt3A_1103 = vector.broadcast %lt3A_1102 : i32 to vector<16xi32>
        %lt3A_1104 = arith.cmpi slt, %xor3A_1101, %lt3A_1103 : vector<16xi32>
        %add3A_1105 = arith.constant 16 : i32
        %add3A_1106 = vector.broadcast %add3A_1105 : i32 to vector<16xi32>
        %add3A_1107 = arith.addi %xor3A_1101, %add3A_1106 : vector<16xi32>
        %select_n3A_1108 = arith.select %lt3A_1104, %add3A_1107, %xor3A_1101 : vector<16xi1>, vector<16xi32>
        %broadcast_in_dim3A_1109 = vector.shape_cast %select_n3A_1108 : vector<16xi32> to vector<16x1xi32>
        %gather3A_1110 = vector.shape_cast %broadcast_in_dim3A_1109 : vector<16x1xi32> to vector<16xi32>
        %gather3A_1111 = tpu.dynamic_gather %add3A_1097[%gather3A_1110] in [0] : vector<16xf32>, vector<16xi32> -> vector<16xf32>
        %add3A_1112 = arith.addf %add3A_1097, %gather3A_1111 : vector<16xf32>
        %mul3A_1113 = arith.constant 1.562500e-02 : f32
        %mul3A_1114 = vector.broadcast %mul3A_1113 : f32 to vector<16xf32>
        %mul3A_1115 = arith.mulf %add3A_1112, %mul3A_1114 : vector<16xf32>
        %iota3A_1116 = tpu.iota {dimensions = array<i32: 0>} : vector<16xi32>
        %xor3A_1117 = arith.constant 8 : i32
        %xor3A_1118 = vector.broadcast %xor3A_1117 : i32 to vector<16xi32>
        %xor3A_1119 = arith.xori %iota3A_1116, %xor3A_1118 : vector<16xi32>
        %lt3A_1120 = arith.constant 0 : i32
        %lt3A_1121 = vector.broadcast %lt3A_1120 : i32 to vector<16xi32>
        %lt3A_1122 = arith.cmpi slt, %xor3A_1119, %lt3A_1121 : vector<16xi32>
        %add3A_1123 = arith.constant 16 : i32
        %add3A_1124 = vector.broadcast %add3A_1123 : i32 to vector<16xi32>
        %add3A_1125 = arith.addi %xor3A_1119, %add3A_1124 : vector<16xi32>
        %select_n3A_1126 = arith.select %lt3A_1122, %add3A_1125, %xor3A_1119 : vector<16xi1>, vector<16xi32>
        %broadcast_in_dim3A_1127 = vector.shape_cast %select_n3A_1126 : vector<16xi32> to vector<16x1xi32>
        %gather3A_1128 = vector.shape_cast %broadcast_in_dim3A_1127 : vector<16x1xi32> to vector<16xi32>
        %gather3A_1129 = tpu.dynamic_gather %add3A_1052[%gather3A_1128] in [0] : vector<16xf32>, vector<16xi32> -> vector<16xf32>
        %add3A_1130 = arith.addf %add3A_1052, %gather3A_1129 : vector<16xf32>
        %iota3A_1131 = tpu.iota {dimensions = array<i32: 0>} : vector<16xi32>
        %xor3A_1132 = arith.constant 4 : i32
        %xor3A_1133 = vector.broadcast %xor3A_1132 : i32 to vector<16xi32>
        %xor3A_1134 = arith.xori %iota3A_1131, %xor3A_1133 : vector<16xi32>
        %lt3A_1135 = arith.constant 0 : i32
        %lt3A_1136 = vector.broadcast %lt3A_1135 : i32 to vector<16xi32>
        %lt3A_1137 = arith.cmpi slt, %xor3A_1134, %lt3A_1136 : vector<16xi32>
        %add3A_1138 = arith.constant 16 : i32
        %add3A_1139 = vector.broadcast %add3A_1138 : i32 to vector<16xi32>
        %add3A_1140 = arith.addi %xor3A_1134, %add3A_1139 : vector<16xi32>
        %select_n3A_1141 = arith.select %lt3A_1137, %add3A_1140, %xor3A_1134 : vector<16xi1>, vector<16xi32>
        %broadcast_in_dim3A_1142 = vector.shape_cast %select_n3A_1141 : vector<16xi32> to vector<16x1xi32>
        %gather3A_1143 = vector.shape_cast %broadcast_in_dim3A_1142 : vector<16x1xi32> to vector<16xi32>
        %gather3A_1144 = tpu.dynamic_gather %add3A_1130[%gather3A_1143] in [0] : vector<16xf32>, vector<16xi32> -> vector<16xf32>
        %add3A_1145 = arith.addf %add3A_1130, %gather3A_1144 : vector<16xf32>
        %iota3A_1146 = tpu.iota {dimensions = array<i32: 0>} : vector<16xi32>
        %xor3A_1147 = arith.constant 2 : i32
        %xor3A_1148 = vector.broadcast %xor3A_1147 : i32 to vector<16xi32>
        %xor3A_1149 = arith.xori %iota3A_1146, %xor3A_1148 : vector<16xi32>
        %lt3A_1150 = arith.constant 0 : i32
        %lt3A_1151 = vector.broadcast %lt3A_1150 : i32 to vector<16xi32>
        %lt3A_1152 = arith.cmpi slt, %xor3A_1149, %lt3A_1151 : vector<16xi32>
        %add3A_1153 = arith.constant 16 : i32
        %add3A_1154 = vector.broadcast %add3A_1153 : i32 to vector<16xi32>
        %add3A_1155 = arith.addi %xor3A_1149, %add3A_1154 : vector<16xi32>
        %select_n3A_1156 = arith.select %lt3A_1152, %add3A_1155, %xor3A_1149 : vector<16xi1>, vector<16xi32>
        %broadcast_in_dim3A_1157 = vector.shape_cast %select_n3A_1156 : vector<16xi32> to vector<16x1xi32>
        %gather3A_1158 = vector.shape_cast %broadcast_in_dim3A_1157 : vector<16x1xi32> to vector<16xi32>
        %gather3A_1159 = tpu.dynamic_gather %add3A_1145[%gather3A_1158] in [0] : vector<16xf32>, vector<16xi32> -> vector<16xf32>
        %add3A_1160 = arith.addf %add3A_1145, %gather3A_1159 : vector<16xf32>
        %iota3A_1161 = tpu.iota {dimensions = array<i32: 0>} : vector<16xi32>
        %xor3A_1162 = arith.constant 1 : i32
        %xor3A_1163 = vector.broadcast %xor3A_1162 : i32 to vector<16xi32>
        %xor3A_1164 = arith.xori %iota3A_1161, %xor3A_1163 : vector<16xi32>
        %lt3A_1165 = arith.constant 0 : i32
        %lt3A_1166 = vector.broadcast %lt3A_1165 : i32 to vector<16xi32>
        %lt3A_1167 = arith.cmpi slt, %xor3A_1164, %lt3A_1166 : vector<16xi32>
        %add3A_1168 = arith.constant 16 : i32
        %add3A_1169 = vector.broadcast %add3A_1168 : i32 to vector<16xi32>
        %add3A_1170 = arith.addi %xor3A_1164, %add3A_1169 : vector<16xi32>
        %select_n3A_1171 = arith.select %lt3A_1167, %add3A_1170, %xor3A_1164 : vector<16xi1>, vector<16xi32>
        %broadcast_in_dim3A_1172 = vector.shape_cast %select_n3A_1171 : vector<16xi32> to vector<16x1xi32>
        %gather3A_1173 = vector.shape_cast %broadcast_in_dim3A_1172 : vector<16x1xi32> to vector<16xi32>
        %gather3A_1174 = tpu.dynamic_gather %add3A_1160[%gather3A_1173] in [0] : vector<16xf32>, vector<16xi32> -> vector<16xf32>
        %add3A_1175 = arith.addf %add3A_1160, %gather3A_1174 : vector<16xf32>
        %mul3A_1176 = arith.constant 1.562500e-02 : f32
        %mul3A_1177 = vector.broadcast %mul3A_1176 : f32 to vector<16xf32>
        %mul3A_1178 = arith.mulf %add3A_1175, %mul3A_1177 : vector<16xf32>
        %mul3A_1179 = arith.mulf %mul3A_1115, %mul3A_1115 : vector<16xf32>
        %sub3A_1180 = arith.subf %mul3A_1178, %mul3A_1179 : vector<16xf32>
        %add3A_1181 = arith.constant 9.99999996E-13 : f32
        %add3A_1182 = vector.broadcast %add3A_1181 : f32 to vector<16xf32>
        %add3A_1183 = arith.addf %sub3A_1180, %add3A_1182 : vector<16xf32>
        %bitcast3A_1184 = vector.bitcast %add3A_1183 : vector<16xf32> to vector<16xi32>
        %shift_right_logical3A_1185 = arith.constant 1 : i32
        %shift_right_logical3A_1186 = vector.broadcast %shift_right_logical3A_1185 : i32 to vector<16xi32>
        %shift_right_logical3A_1187 = arith.shrui %bitcast3A_1184, %shift_right_logical3A_1186 : vector<16xi32>
        %sub3A_1188 = arith.constant 1597463007 : i32
        %sub3A_1189 = vector.broadcast %sub3A_1188 : i32 to vector<16xi32>
        %sub3A_1190 = arith.subi %sub3A_1189, %shift_right_logical3A_1187 : vector<16xi32>
        %bitcast3A_1191 = vector.bitcast %sub3A_1190 : vector<16xi32> to vector<16xf32>
        %mul3A_1192 = arith.constant 5.000000e-01 : f32
        %mul3A_1193 = vector.broadcast %mul3A_1192 : f32 to vector<16xf32>
        %mul3A_1194 = arith.mulf %mul3A_1193, %add3A_1183 : vector<16xf32>
        %mul3A_1195 = arith.mulf %mul3A_1194, %bitcast3A_1191 : vector<16xf32>
        %mul3A_1196 = arith.mulf %mul3A_1195, %bitcast3A_1191 : vector<16xf32>
        %sub3A_1197 = arith.constant 1.500000e+00 : f32
        %sub3A_1198 = vector.broadcast %sub3A_1197 : f32 to vector<16xf32>
        %sub3A_1199 = arith.subf %sub3A_1198, %mul3A_1196 : vector<16xf32>
        %mul3A_1200 = arith.mulf %bitcast3A_1191, %sub3A_1199 : vector<16xf32>
        %mul3A_1201 = arith.constant 5.000000e-01 : f32
        %mul3A_1202 = vector.broadcast %mul3A_1201 : f32 to vector<16xf32>
        %mul3A_1203 = arith.mulf %mul3A_1202, %add3A_1183 : vector<16xf32>
        %mul3A_1204 = arith.mulf %mul3A_1203, %mul3A_1200 : vector<16xf32>
        %mul3A_1205 = arith.mulf %mul3A_1204, %mul3A_1200 : vector<16xf32>
        %sub3A_1206 = arith.constant 1.500000e+00 : f32
        %sub3A_1207 = vector.broadcast %sub3A_1206 : f32 to vector<16xf32>
        %sub3A_1208 = arith.subf %sub3A_1207, %mul3A_1205 : vector<16xf32>
        %mul3A_1209 = arith.mulf %mul3A_1200, %sub3A_1208 : vector<16xf32>
        %sub3A_1210 = arith.subf %add3A_344, %mul3A_1115 : vector<16xf32>
        %mul3A_1211 = arith.mulf %mul3A_1209, %get3A_18 : vector<16xf32>
        %mul3A_1212 = arith.mulf %sub3A_1210, %mul3A_1211 : vector<16xf32>
        %add3A_1213 = arith.addf %mul3A_1212, %get3A_26 : vector<16xf32>
        %mul3A_1214 = arith.constant 64 : i32
        %mul3A_1215 = arith.muli %add3A_1042, %mul3A_1214 : i32
        %add3A_1216 = arith.constant 0 : i32
        %add3A_1217 = arith.addi %mul3A_1215, %add3A_1216 : i32
        %swap3A_1218 = arith.index_cast %add3A_1217 : i32 to index
        %swap3A_1219 = tpu.vector_load %arg22[%swap3A_1218] {strides = array<i32>} : memref<12800xf32, #tpu.memory_space<vmem>>, vector<16xf32>,
        tpu.vector_store %arg22[%swap3A_1218], %add3A_1213 {strides = array<i32>} : memref<12800xf32, #tpu.memory_space<vmem>>, vector<16xf32>,
        %sub3A_1220 = arith.subf %add3A_361, %mul3A_1115 : vector<16xf32>
        %mul3A_1221 = arith.mulf %mul3A_1209, %get3A_20 : vector<16xf32>
        %mul3A_1222 = arith.mulf %sub3A_1220, %mul3A_1221 : vector<16xf32>
        %add3A_1223 = arith.addf %mul3A_1222, %get3A_28 : vector<16xf32>
        %mul3A_1224 = arith.constant 64 : i32
        %mul3A_1225 = arith.muli %add3A_1042, %mul3A_1224 : i32
        %add3A_1226 = arith.constant 16 : i32
        %add3A_1227 = arith.addi %mul3A_1225, %add3A_1226 : i32
        %swap3A_1228 = arith.index_cast %add3A_1227 : i32 to index
        %swap3A_1229 = tpu.vector_load %arg22[%swap3A_1228] {strides = array<i32>} : memref<12800xf32, #tpu.memory_space<vmem>>, vector<16xf32>,
        tpu.vector_store %arg22[%swap3A_1228], %add3A_1223 {strides = array<i32>} : memref<12800xf32, #tpu.memory_space<vmem>>, vector<16xf32>,
        %sub3A_1230 = arith.subf %add3A_378, %mul3A_1115 : vector<16xf32>
        %mul3A_1231 = arith.mulf %mul3A_1209, %get3A_22 : vector<16xf32>
        %mul3A_1232 = arith.mulf %sub3A_1230, %mul3A_1231 : vector<16xf32>
        %add3A_1233 = arith.addf %mul3A_1232, %get3A_30 : vector<16xf32>
        %mul3A_1234 = arith.constant 64 : i32
        %mul3A_1235 = arith.muli %add3A_1042, %mul3A_1234 : i32
        %add3A_1236 = arith.constant 32 : i32
        %add3A_1237 = arith.addi %mul3A_1235, %add3A_1236 : i32
        %swap3A_1238 = arith.index_cast %add3A_1237 : i32 to index
        %swap3A_1239 = tpu.vector_load %arg22[%swap3A_1238] {strides = array<i32>} : memref<12800xf32, #tpu.memory_space<vmem>>, vector<16xf32>,
        tpu.vector_store %arg22[%swap3A_1238], %add3A_1233 {strides = array<i32>} : memref<12800xf32, #tpu.memory_space<vmem>>, vector<16xf32>,
        %sub3A_1240 = arith.subf %add3A_395, %mul3A_1115 : vector<16xf32>
        %mul3A_1241 = arith.mulf %mul3A_1209, %get3A_24 : vector<16xf32>
        %mul3A_1242 = arith.mulf %sub3A_1240, %mul3A_1241 : vector<16xf32>
        %add3A_1243 = arith.addf %mul3A_1242, %get3A_32 : vector<16xf32>
        %mul3A_1244 = arith.constant 64 : i32
        %mul3A_1245 = arith.muli %add3A_1042, %mul3A_1244 : i32
        %add3A_1246 = arith.constant 48 : i32
        %add3A_1247 = arith.addi %mul3A_1245, %add3A_1246 : i32
        %swap3A_1248 = arith.index_cast %add3A_1247 : i32 to index
        %swap3A_1249 = tpu.vector_load %arg22[%swap3A_1248] {strides = array<i32>} : memref<12800xf32, #tpu.memory_space<vmem>>, vector<16xf32>,
        tpu.vector_store %arg22[%swap3A_1248], %add3A_1243 {strides = array<i32>} : memref<12800xf32, #tpu.memory_space<vmem>>, vector<16xf32>,
        %add3A_1250 = arith.constant 2 : i32
        %add3A_1251 = arith.addi %mul3A_239, %add3A_1250 : i32
        %add3A_1252 = arith.addf %add3A_418, %add3A_435 : vector<16xf32>
        %add3A_1253 = arith.addf %add3A_452, %add3A_469 : vector<16xf32>
        %add3A_1254 = arith.addf %add3A_1252, %add3A_1253 : vector<16xf32>
        %mul3A_1255 = arith.mulf %add3A_418, %add3A_418 : vector<16xf32>
        %mul3A_1256 = arith.mulf %add3A_435, %add3A_435 : vector<16xf32>
        %add3A_1257 = arith.addf %mul3A_1255, %mul3A_1256 : vector<16xf32>
        %mul3A_1258 = arith.mulf %add3A_452, %add3A_452 : vector<16xf32>
        %mul3A_1259 = arith.mulf %add3A_469, %add3A_469 : vector<16xf32>
        %add3A_1260 = arith.addf %mul3A_1258, %mul3A_1259 : vector<16xf32>
        %add3A_1261 = arith.addf %add3A_1257, %add3A_1260 : vector<16xf32>
        %iota3A_1262 = tpu.iota {dimensions = array<i32: 0>} : vector<16xi32>
        %xor3A_1263 = arith.constant 8 : i32
        %xor3A_1264 = vector.broadcast %xor3A_1263 : i32 to vector<16xi32>
        %xor3A_1265 = arith.xori %iota3A_1262, %xor3A_1264 : vector<16xi32>
        %lt3A_1266 = arith.constant 0 : i32
        %lt3A_1267 = vector.broadcast %lt3A_1266 : i32 to vector<16xi32>
        %lt3A_1268 = arith.cmpi slt, %xor3A_1265, %lt3A_1267 : vector<16xi32>
        %add3A_1269 = arith.constant 16 : i32
        %add3A_1270 = vector.broadcast %add3A_1269 : i32 to vector<16xi32>
        %add3A_1271 = arith.addi %xor3A_1265, %add3A_1270 : vector<16xi32>
        %select_n3A_1272 = arith.select %lt3A_1268, %add3A_1271, %xor3A_1265 : vector<16xi1>, vector<16xi32>
        %broadcast_in_dim3A_1273 = vector.shape_cast %select_n3A_1272 : vector<16xi32> to vector<16x1xi32>
        %gather3A_1274 = vector.shape_cast %broadcast_in_dim3A_1273 : vector<16x1xi32> to vector<16xi32>
        %gather3A_1275 = tpu.dynamic_gather %add3A_1254[%gather3A_1274] in [0] : vector<16xf32>, vector<16xi32> -> vector<16xf32>
        %add3A_1276 = arith.addf %add3A_1254, %gather3A_1275 : vector<16xf32>
        %iota3A_1277 = tpu.iota {dimensions = array<i32: 0>} : vector<16xi32>
        %xor3A_1278 = arith.constant 4 : i32
        %xor3A_1279 = vector.broadcast %xor3A_1278 : i32 to vector<16xi32>
        %xor3A_1280 = arith.xori %iota3A_1277, %xor3A_1279 : vector<16xi32>
        %lt3A_1281 = arith.constant 0 : i32
        %lt3A_1282 = vector.broadcast %lt3A_1281 : i32 to vector<16xi32>
        %lt3A_1283 = arith.cmpi slt, %xor3A_1280, %lt3A_1282 : vector<16xi32>
        %add3A_1284 = arith.constant 16 : i32
        %add3A_1285 = vector.broadcast %add3A_1284 : i32 to vector<16xi32>
        %add3A_1286 = arith.addi %xor3A_1280, %add3A_1285 : vector<16xi32>
        %select_n3A_1287 = arith.select %lt3A_1283, %add3A_1286, %xor3A_1280 : vector<16xi1>, vector<16xi32>
        %broadcast_in_dim3A_1288 = vector.shape_cast %select_n3A_1287 : vector<16xi32> to vector<16x1xi32>
        %gather3A_1289 = vector.shape_cast %broadcast_in_dim3A_1288 : vector<16x1xi32> to vector<16xi32>
        %gather3A_1290 = tpu.dynamic_gather %add3A_1276[%gather3A_1289] in [0] : vector<16xf32>, vector<16xi32> -> vector<16xf32>
        %add3A_1291 = arith.addf %add3A_1276, %gather3A_1290 : vector<16xf32>
        %iota3A_1292 = tpu.iota {dimensions = array<i32: 0>} : vector<16xi32>
        %xor3A_1293 = arith.constant 2 : i32
        %xor3A_1294 = vector.broadcast %xor3A_1293 : i32 to vector<16xi32>
        %xor3A_1295 = arith.xori %iota3A_1292, %xor3A_1294 : vector<16xi32>
        %lt3A_1296 = arith.constant 0 : i32
        %lt3A_1297 = vector.broadcast %lt3A_1296 : i32 to vector<16xi32>
        %lt3A_1298 = arith.cmpi slt, %xor3A_1295, %lt3A_1297 : vector<16xi32>
        %add3A_1299 = arith.constant 16 : i32
        %add3A_1300 = vector.broadcast %add3A_1299 : i32 to vector<16xi32>
        %add3A_1301 = arith.addi %xor3A_1295, %add3A_1300 : vector<16xi32>
        %select_n3A_1302 = arith.select %lt3A_1298, %add3A_1301, %xor3A_1295 : vector<16xi1>, vector<16xi32>
        %broadcast_in_dim3A_1303 = vector.shape_cast %select_n3A_1302 : vector<16xi32> to vector<16x1xi32>
        %gather3A_1304 = vector.shape_cast %broadcast_in_dim3A_1303 : vector<16x1xi32> to vector<16xi32>
        %gather3A_1305 = tpu.dynamic_gather %add3A_1291[%gather3A_1304] in [0] : vector<16xf32>, vector<16xi32> -> vector<16xf32>
        %add3A_1306 = arith.addf %add3A_1291, %gather3A_1305 : vector<16xf32>
        %iota3A_1307 = tpu.iota {dimensions = array<i32: 0>} : vector<16xi32>
        %xor3A_1308 = arith.constant 1 : i32
        %xor3A_1309 = vector.broadcast %xor3A_1308 : i32 to vector<16xi32>
        %xor3A_1310 = arith.xori %iota3A_1307, %xor3A_1309 : vector<16xi32>
        %lt3A_1311 = arith.constant 0 : i32
        %lt3A_1312 = vector.broadcast %lt3A_1311 : i32 to vector<16xi32>
        %lt3A_1313 = arith.cmpi slt, %xor3A_1310, %lt3A_1312 : vector<16xi32>
        %add3A_1314 = arith.constant 16 : i32
        %add3A_1315 = vector.broadcast %add3A_1314 : i32 to vector<16xi32>
        %add3A_1316 = arith.addi %xor3A_1310, %add3A_1315 : vector<16xi32>
        %select_n3A_1317 = arith.select %lt3A_1313, %add3A_1316, %xor3A_1310 : vector<16xi1>, vector<16xi32>
        %broadcast_in_dim3A_1318 = vector.shape_cast %select_n3A_1317 : vector<16xi32> to vector<16x1xi32>
        %gather3A_1319 = vector.shape_cast %broadcast_in_dim3A_1318 : vector<16x1xi32> to vector<16xi32>
        %gather3A_1320 = tpu.dynamic_gather %add3A_1306[%gather3A_1319] in [0] : vector<16xf32>, vector<16xi32> -> vector<16xf32>
        %add3A_1321 = arith.addf %add3A_1306, %gather3A_1320 : vector<16xf32>
        %mul3A_1322 = arith.constant 1.562500e-02 : f32
        %mul3A_1323 = vector.broadcast %mul3A_1322 : f32 to vector<16xf32>
        %mul3A_1324 = arith.mulf %add3A_1321, %mul3A_1323 : vector<16xf32>
        %iota3A_1325 = tpu.iota {dimensions = array<i32: 0>} : vector<16xi32>
        %xor3A_1326 = arith.constant 8 : i32
        %xor3A_1327 = vector.broadcast %xor3A_1326 : i32 to vector<16xi32>
        %xor3A_1328 = arith.xori %iota3A_1325, %xor3A_1327 : vector<16xi32>
        %lt3A_1329 = arith.constant 0 : i32
        %lt3A_1330 = vector.broadcast %lt3A_1329 : i32 to vector<16xi32>
        %lt3A_1331 = arith.cmpi slt, %xor3A_1328, %lt3A_1330 : vector<16xi32>
        %add3A_1332 = arith.constant 16 : i32
        %add3A_1333 = vector.broadcast %add3A_1332 : i32 to vector<16xi32>
        %add3A_1334 = arith.addi %xor3A_1328, %add3A_1333 : vector<16xi32>
        %select_n3A_1335 = arith.select %lt3A_1331, %add3A_1334, %xor3A_1328 : vector<16xi1>, vector<16xi32>
        %broadcast_in_dim3A_1336 = vector.shape_cast %select_n3A_1335 : vector<16xi32> to vector<16x1xi32>
        %gather3A_1337 = vector.shape_cast %broadcast_in_dim3A_1336 : vector<16x1xi32> to vector<16xi32>
        %gather3A_1338 = tpu.dynamic_gather %add3A_1261[%gather3A_1337] in [0] : vector<16xf32>, vector<16xi32> -> vector<16xf32>
        %add3A_1339 = arith.addf %add3A_1261, %gather3A_1338 : vector<16xf32>
        %iota3A_1340 = tpu.iota {dimensions = array<i32: 0>} : vector<16xi32>
        %xor3A_1341 = arith.constant 4 : i32
        %xor3A_1342 = vector.broadcast %xor3A_1341 : i32 to vector<16xi32>
        %xor3A_1343 = arith.xori %iota3A_1340, %xor3A_1342 : vector<16xi32>
        %lt3A_1344 = arith.constant 0 : i32
        %lt3A_1345 = vector.broadcast %lt3A_1344 : i32 to vector<16xi32>
        %lt3A_1346 = arith.cmpi slt, %xor3A_1343, %lt3A_1345 : vector<16xi32>
        %add3A_1347 = arith.constant 16 : i32
        %add3A_1348 = vector.broadcast %add3A_1347 : i32 to vector<16xi32>
        %add3A_1349 = arith.addi %xor3A_1343, %add3A_1348 : vector<16xi32>
        %select_n3A_1350 = arith.select %lt3A_1346, %add3A_1349, %xor3A_1343 : vector<16xi1>, vector<16xi32>
        %broadcast_in_dim3A_1351 = vector.shape_cast %select_n3A_1350 : vector<16xi32> to vector<16x1xi32>
        %gather3A_1352 = vector.shape_cast %broadcast_in_dim3A_1351 : vector<16x1xi32> to vector<16xi32>
        %gather3A_1353 = tpu.dynamic_gather %add3A_1339[%gather3A_1352] in [0] : vector<16xf32>, vector<16xi32> -> vector<16xf32>
        %add3A_1354 = arith.addf %add3A_1339, %gather3A_1353 : vector<16xf32>
        %iota3A_1355 = tpu.iota {dimensions = array<i32: 0>} : vector<16xi32>
        %xor3A_1356 = arith.constant 2 : i32
        %xor3A_1357 = vector.broadcast %xor3A_1356 : i32 to vector<16xi32>
        %xor3A_1358 = arith.xori %iota3A_1355, %xor3A_1357 : vector<16xi32>
        %lt3A_1359 = arith.constant 0 : i32
        %lt3A_1360 = vector.broadcast %lt3A_1359 : i32 to vector<16xi32>
        %lt3A_1361 = arith.cmpi slt, %xor3A_1358, %lt3A_1360 : vector<16xi32>
        %add3A_1362 = arith.constant 16 : i32
        %add3A_1363 = vector.broadcast %add3A_1362 : i32 to vector<16xi32>
        %add3A_1364 = arith.addi %xor3A_1358, %add3A_1363 : vector<16xi32>
        %select_n3A_1365 = arith.select %lt3A_1361, %add3A_1364, %xor3A_1358 : vector<16xi1>, vector<16xi32>
        %broadcast_in_dim3A_1366 = vector.shape_cast %select_n3A_1365 : vector<16xi32> to vector<16x1xi32>
        %gather3A_1367 = vector.shape_cast %broadcast_in_dim3A_1366 : vector<16x1xi32> to vector<16xi32>
        %gather3A_1368 = tpu.dynamic_gather %add3A_1354[%gather3A_1367] in [0] : vector<16xf32>, vector<16xi32> -> vector<16xf32>
        %add3A_1369 = arith.addf %add3A_1354, %gather3A_1368 : vector<16xf32>
        %iota3A_1370 = tpu.iota {dimensions = array<i32: 0>} : vector<16xi32>
        %xor3A_1371 = arith.constant 1 : i32
        %xor3A_1372 = vector.broadcast %xor3A_1371 : i32 to vector<16xi32>
        %xor3A_1373 = arith.xori %iota3A_1370, %xor3A_1372 : vector<16xi32>
        %lt3A_1374 = arith.constant 0 : i32
        %lt3A_1375 = vector.broadcast %lt3A_1374 : i32 to vector<16xi32>
        %lt3A_1376 = arith.cmpi slt, %xor3A_1373, %lt3A_1375 : vector<16xi32>
        %add3A_1377 = arith.constant 16 : i32
        %add3A_1378 = vector.broadcast %add3A_1377 : i32 to vector<16xi32>
        %add3A_1379 = arith.addi %xor3A_1373, %add3A_1378 : vector<16xi32>
        %select_n3A_1380 = arith.select %lt3A_1376, %add3A_1379, %xor3A_1373 : vector<16xi1>, vector<16xi32>
        %broadcast_in_dim3A_1381 = vector.shape_cast %select_n3A_1380 : vector<16xi32> to vector<16x1xi32>
        %gather3A_1382 = vector.shape_cast %broadcast_in_dim3A_1381 : vector<16x1xi32> to vector<16xi32>
        %gather3A_1383 = tpu.dynamic_gather %add3A_1369[%gather3A_1382] in [0] : vector<16xf32>, vector<16xi32> -> vector<16xf32>
        %add3A_1384 = arith.addf %add3A_1369, %gather3A_1383 : vector<16xf32>
        %mul3A_1385 = arith.constant 1.562500e-02 : f32
        %mul3A_1386 = vector.broadcast %mul3A_1385 : f32 to vector<16xf32>
        %mul3A_1387 = arith.mulf %add3A_1384, %mul3A_1386 : vector<16xf32>
        %mul3A_1388 = arith.mulf %mul3A_1324, %mul3A_1324 : vector<16xf32>
        %sub3A_1389 = arith.subf %mul3A_1387, %mul3A_1388 : vector<16xf32>
        %add3A_1390 = arith.constant 9.99999996E-13 : f32
        %add3A_1391 = vector.broadcast %add3A_1390 : f32 to vector<16xf32>
        %add3A_1392 = arith.addf %sub3A_1389, %add3A_1391 : vector<16xf32>
        %bitcast3A_1393 = vector.bitcast %add3A_1392 : vector<16xf32> to vector<16xi32>
        %shift_right_logical3A_1394 = arith.constant 1 : i32
        %shift_right_logical3A_1395 = vector.broadcast %shift_right_logical3A_1394 : i32 to vector<16xi32>
        %shift_right_logical3A_1396 = arith.shrui %bitcast3A_1393, %shift_right_logical3A_1395 : vector<16xi32>
        %sub3A_1397 = arith.constant 1597463007 : i32
        %sub3A_1398 = vector.broadcast %sub3A_1397 : i32 to vector<16xi32>
        %sub3A_1399 = arith.subi %sub3A_1398, %shift_right_logical3A_1396 : vector<16xi32>
        %bitcast3A_1400 = vector.bitcast %sub3A_1399 : vector<16xi32> to vector<16xf32>
        %mul3A_1401 = arith.constant 5.000000e-01 : f32
        %mul3A_1402 = vector.broadcast %mul3A_1401 : f32 to vector<16xf32>
        %mul3A_1403 = arith.mulf %mul3A_1402, %add3A_1392 : vector<16xf32>
        %mul3A_1404 = arith.mulf %mul3A_1403, %bitcast3A_1400 : vector<16xf32>
        %mul3A_1405 = arith.mulf %mul3A_1404, %bitcast3A_1400 : vector<16xf32>
        %sub3A_1406 = arith.constant 1.500000e+00 : f32
        %sub3A_1407 = vector.broadcast %sub3A_1406 : f32 to vector<16xf32>
        %sub3A_1408 = arith.subf %sub3A_1407, %mul3A_1405 : vector<16xf32>
        %mul3A_1409 = arith.mulf %bitcast3A_1400, %sub3A_1408 : vector<16xf32>
        %mul3A_1410 = arith.constant 5.000000e-01 : f32
        %mul3A_1411 = vector.broadcast %mul3A_1410 : f32 to vector<16xf32>
        %mul3A_1412 = arith.mulf %mul3A_1411, %add3A_1392 : vector<16xf32>
        %mul3A_1413 = arith.mulf %mul3A_1412, %mul3A_1409 : vector<16xf32>
        %mul3A_1414 = arith.mulf %mul3A_1413, %mul3A_1409 : vector<16xf32>
        %sub3A_1415 = arith.constant 1.500000e+00 : f32
        %sub3A_1416 = vector.broadcast %sub3A_1415 : f32 to vector<16xf32>
        %sub3A_1417 = arith.subf %sub3A_1416, %mul3A_1414 : vector<16xf32>
        %mul3A_1418 = arith.mulf %mul3A_1409, %sub3A_1417 : vector<16xf32>
        %sub3A_1419 = arith.subf %add3A_418, %mul3A_1324 : vector<16xf32>
        %mul3A_1420 = arith.mulf %mul3A_1418, %get3A_18 : vector<16xf32>
        %mul3A_1421 = arith.mulf %sub3A_1419, %mul3A_1420 : vector<16xf32>
        %add3A_1422 = arith.addf %mul3A_1421, %get3A_26 : vector<16xf32>
        %mul3A_1423 = arith.constant 64 : i32
        %mul3A_1424 = arith.muli %add3A_1251, %mul3A_1423 : i32
        %add3A_1425 = arith.constant 0 : i32
        %add3A_1426 = arith.addi %mul3A_1424, %add3A_1425 : i32
        %swap3A_1427 = arith.index_cast %add3A_1426 : i32 to index
        %swap3A_1428 = tpu.vector_load %arg22[%swap3A_1427] {strides = array<i32>} : memref<12800xf32, #tpu.memory_space<vmem>>, vector<16xf32>,
        tpu.vector_store %arg22[%swap3A_1427], %add3A_1422 {strides = array<i32>} : memref<12800xf32, #tpu.memory_space<vmem>>, vector<16xf32>,
        %sub3A_1429 = arith.subf %add3A_435, %mul3A_1324 : vector<16xf32>
        %mul3A_1430 = arith.mulf %mul3A_1418, %get3A_20 : vector<16xf32>
        %mul3A_1431 = arith.mulf %sub3A_1429, %mul3A_1430 : vector<16xf32>
        %add3A_1432 = arith.addf %mul3A_1431, %get3A_28 : vector<16xf32>
        %mul3A_1433 = arith.constant 64 : i32
        %mul3A_1434 = arith.muli %add3A_1251, %mul3A_1433 : i32
        %add3A_1435 = arith.constant 16 : i32
        %add3A_1436 = arith.addi %mul3A_1434, %add3A_1435 : i32
        %swap3A_1437 = arith.index_cast %add3A_1436 : i32 to index
        %swap3A_1438 = tpu.vector_load %arg22[%swap3A_1437] {strides = array<i32>} : memref<12800xf32, #tpu.memory_space<vmem>>, vector<16xf32>,
        tpu.vector_store %arg22[%swap3A_1437], %add3A_1432 {strides = array<i32>} : memref<12800xf32, #tpu.memory_space<vmem>>, vector<16xf32>,
        %sub3A_1439 = arith.subf %add3A_452, %mul3A_1324 : vector<16xf32>
        %mul3A_1440 = arith.mulf %mul3A_1418, %get3A_22 : vector<16xf32>
        %mul3A_1441 = arith.mulf %sub3A_1439, %mul3A_1440 : vector<16xf32>
        %add3A_1442 = arith.addf %mul3A_1441, %get3A_30 : vector<16xf32>
        %mul3A_1443 = arith.constant 64 : i32
        %mul3A_1444 = arith.muli %add3A_1251, %mul3A_1443 : i32
        %add3A_1445 = arith.constant 32 : i32
        %add3A_1446 = arith.addi %mul3A_1444, %add3A_1445 : i32
        %swap3A_1447 = arith.index_cast %add3A_1446 : i32 to index
        %swap3A_1448 = tpu.vector_load %arg22[%swap3A_1447] {strides = array<i32>} : memref<12800xf32, #tpu.memory_space<vmem>>, vector<16xf32>,
        tpu.vector_store %arg22[%swap3A_1447], %add3A_1442 {strides = array<i32>} : memref<12800xf32, #tpu.memory_space<vmem>>, vector<16xf32>,
        %sub3A_1449 = arith.subf %add3A_469, %mul3A_1324 : vector<16xf32>
        %mul3A_1450 = arith.mulf %mul3A_1418, %get3A_24 : vector<16xf32>
        %mul3A_1451 = arith.mulf %sub3A_1449, %mul3A_1450 : vector<16xf32>
        %add3A_1452 = arith.addf %mul3A_1451, %get3A_32 : vector<16xf32>
        %mul3A_1453 = arith.constant 64 : i32
        %mul3A_1454 = arith.muli %add3A_1251, %mul3A_1453 : i32
        %add3A_1455 = arith.constant 48 : i32
        %add3A_1456 = arith.addi %mul3A_1454, %add3A_1455 : i32
        %swap3A_1457 = arith.index_cast %add3A_1456 : i32 to index
        %swap3A_1458 = tpu.vector_load %arg22[%swap3A_1457] {strides = array<i32>} : memref<12800xf32, #tpu.memory_space<vmem>>, vector<16xf32>,
        tpu.vector_store %arg22[%swap3A_1457], %add3A_1452 {strides = array<i32>} : memref<12800xf32, #tpu.memory_space<vmem>>, vector<16xf32>,
        %add3A_1459 = arith.constant 3 : i32
        %add3A_1460 = arith.addi %mul3A_239, %add3A_1459 : i32
        %add3A_1461 = arith.addf %add3A_492, %add3A_509 : vector<16xf32>
        %add3A_1462 = arith.addf %add3A_526, %add3A_543 : vector<16xf32>
        %add3A_1463 = arith.addf %add3A_1461, %add3A_1462 : vector<16xf32>
        %mul3A_1464 = arith.mulf %add3A_492, %add3A_492 : vector<16xf32>
        %mul3A_1465 = arith.mulf %add3A_509, %add3A_509 : vector<16xf32>
        %add3A_1466 = arith.addf %mul3A_1464, %mul3A_1465 : vector<16xf32>
        %mul3A_1467 = arith.mulf %add3A_526, %add3A_526 : vector<16xf32>
        %mul3A_1468 = arith.mulf %add3A_543, %add3A_543 : vector<16xf32>
        %add3A_1469 = arith.addf %mul3A_1467, %mul3A_1468 : vector<16xf32>
        %add3A_1470 = arith.addf %add3A_1466, %add3A_1469 : vector<16xf32>
        %iota3A_1471 = tpu.iota {dimensions = array<i32: 0>} : vector<16xi32>
        %xor3A_1472 = arith.constant 8 : i32
        %xor3A_1473 = vector.broadcast %xor3A_1472 : i32 to vector<16xi32>
        %xor3A_1474 = arith.xori %iota3A_1471, %xor3A_1473 : vector<16xi32>
        %lt3A_1475 = arith.constant 0 : i32
        %lt3A_1476 = vector.broadcast %lt3A_1475 : i32 to vector<16xi32>
        %lt3A_1477 = arith.cmpi slt, %xor3A_1474, %lt3A_1476 : vector<16xi32>
        %add3A_1478 = arith.constant 16 : i32
        %add3A_1479 = vector.broadcast %add3A_1478 : i32 to vector<16xi32>
        %add3A_1480 = arith.addi %xor3A_1474, %add3A_1479 : vector<16xi32>
        %select_n3A_1481 = arith.select %lt3A_1477, %add3A_1480, %xor3A_1474 : vector<16xi1>, vector<16xi32>
        %broadcast_in_dim3A_1482 = vector.shape_cast %select_n3A_1481 : vector<16xi32> to vector<16x1xi32>
        %gather3A_1483 = vector.shape_cast %broadcast_in_dim3A_1482 : vector<16x1xi32> to vector<16xi32>
        %gather3A_1484 = tpu.dynamic_gather %add3A_1463[%gather3A_1483] in [0] : vector<16xf32>, vector<16xi32> -> vector<16xf32>
        %add3A_1485 = arith.addf %add3A_1463, %gather3A_1484 : vector<16xf32>
        %iota3A_1486 = tpu.iota {dimensions = array<i32: 0>} : vector<16xi32>
        %xor3A_1487 = arith.constant 4 : i32
        %xor3A_1488 = vector.broadcast %xor3A_1487 : i32 to vector<16xi32>
        %xor3A_1489 = arith.xori %iota3A_1486, %xor3A_1488 : vector<16xi32>
        %lt3A_1490 = arith.constant 0 : i32
        %lt3A_1491 = vector.broadcast %lt3A_1490 : i32 to vector<16xi32>
        %lt3A_1492 = arith.cmpi slt, %xor3A_1489, %lt3A_1491 : vector<16xi32>
        %add3A_1493 = arith.constant 16 : i32
        %add3A_1494 = vector.broadcast %add3A_1493 : i32 to vector<16xi32>
        %add3A_1495 = arith.addi %xor3A_1489, %add3A_1494 : vector<16xi32>
        %select_n3A_1496 = arith.select %lt3A_1492, %add3A_1495, %xor3A_1489 : vector<16xi1>, vector<16xi32>
        %broadcast_in_dim3A_1497 = vector.shape_cast %select_n3A_1496 : vector<16xi32> to vector<16x1xi32>
        %gather3A_1498 = vector.shape_cast %broadcast_in_dim3A_1497 : vector<16x1xi32> to vector<16xi32>
        %gather3A_1499 = tpu.dynamic_gather %add3A_1485[%gather3A_1498] in [0] : vector<16xf32>, vector<16xi32> -> vector<16xf32>
        %add3A_1500 = arith.addf %add3A_1485, %gather3A_1499 : vector<16xf32>
        %iota3A_1501 = tpu.iota {dimensions = array<i32: 0>} : vector<16xi32>
        %xor3A_1502 = arith.constant 2 : i32
        %xor3A_1503 = vector.broadcast %xor3A_1502 : i32 to vector<16xi32>
        %xor3A_1504 = arith.xori %iota3A_1501, %xor3A_1503 : vector<16xi32>
        %lt3A_1505 = arith.constant 0 : i32
        %lt3A_1506 = vector.broadcast %lt3A_1505 : i32 to vector<16xi32>
        %lt3A_1507 = arith.cmpi slt, %xor3A_1504, %lt3A_1506 : vector<16xi32>
        %add3A_1508 = arith.constant 16 : i32
        %add3A_1509 = vector.broadcast %add3A_1508 : i32 to vector<16xi32>
        %add3A_1510 = arith.addi %xor3A_1504, %add3A_1509 : vector<16xi32>
        %select_n3A_1511 = arith.select %lt3A_1507, %add3A_1510, %xor3A_1504 : vector<16xi1>, vector<16xi32>
        %broadcast_in_dim3A_1512 = vector.shape_cast %select_n3A_1511 : vector<16xi32> to vector<16x1xi32>
        %gather3A_1513 = vector.shape_cast %broadcast_in_dim3A_1512 : vector<16x1xi32> to vector<16xi32>
        %gather3A_1514 = tpu.dynamic_gather %add3A_1500[%gather3A_1513] in [0] : vector<16xf32>, vector<16xi32> -> vector<16xf32>
        %add3A_1515 = arith.addf %add3A_1500, %gather3A_1514 : vector<16xf32>
        %iota3A_1516 = tpu.iota {dimensions = array<i32: 0>} : vector<16xi32>
        %xor3A_1517 = arith.constant 1 : i32
        %xor3A_1518 = vector.broadcast %xor3A_1517 : i32 to vector<16xi32>
        %xor3A_1519 = arith.xori %iota3A_1516, %xor3A_1518 : vector<16xi32>
        %lt3A_1520 = arith.constant 0 : i32
        %lt3A_1521 = vector.broadcast %lt3A_1520 : i32 to vector<16xi32>
        %lt3A_1522 = arith.cmpi slt, %xor3A_1519, %lt3A_1521 : vector<16xi32>
        %add3A_1523 = arith.constant 16 : i32
        %add3A_1524 = vector.broadcast %add3A_1523 : i32 to vector<16xi32>
        %add3A_1525 = arith.addi %xor3A_1519, %add3A_1524 : vector<16xi32>
        %select_n3A_1526 = arith.select %lt3A_1522, %add3A_1525, %xor3A_1519 : vector<16xi1>, vector<16xi32>
        %broadcast_in_dim3A_1527 = vector.shape_cast %select_n3A_1526 : vector<16xi32> to vector<16x1xi32>
        %gather3A_1528 = vector.shape_cast %broadcast_in_dim3A_1527 : vector<16x1xi32> to vector<16xi32>
        %gather3A_1529 = tpu.dynamic_gather %add3A_1515[%gather3A_1528] in [0] : vector<16xf32>, vector<16xi32> -> vector<16xf32>
        %add3A_1530 = arith.addf %add3A_1515, %gather3A_1529 : vector<16xf32>
        %mul3A_1531 = arith.constant 1.562500e-02 : f32
        %mul3A_1532 = vector.broadcast %mul3A_1531 : f32 to vector<16xf32>
        %mul3A_1533 = arith.mulf %add3A_1530, %mul3A_1532 : vector<16xf32>
        %iota3A_1534 = tpu.iota {dimensions = array<i32: 0>} : vector<16xi32>
        %xor3A_1535 = arith.constant 8 : i32
        %xor3A_1536 = vector.broadcast %xor3A_1535 : i32 to vector<16xi32>
        %xor3A_1537 = arith.xori %iota3A_1534, %xor3A_1536 : vector<16xi32>
        %lt3A_1538 = arith.constant 0 : i32
        %lt3A_1539 = vector.broadcast %lt3A_1538 : i32 to vector<16xi32>
        %lt3A_1540 = arith.cmpi slt, %xor3A_1537, %lt3A_1539 : vector<16xi32>
        %add3A_1541 = arith.constant 16 : i32
        %add3A_1542 = vector.broadcast %add3A_1541 : i32 to vector<16xi32>
        %add3A_1543 = arith.addi %xor3A_1537, %add3A_1542 : vector<16xi32>
        %select_n3A_1544 = arith.select %lt3A_1540, %add3A_1543, %xor3A_1537 : vector<16xi1>, vector<16xi32>
        %broadcast_in_dim3A_1545 = vector.shape_cast %select_n3A_1544 : vector<16xi32> to vector<16x1xi32>
        %gather3A_1546 = vector.shape_cast %broadcast_in_dim3A_1545 : vector<16x1xi32> to vector<16xi32>
        %gather3A_1547 = tpu.dynamic_gather %add3A_1470[%gather3A_1546] in [0] : vector<16xf32>, vector<16xi32> -> vector<16xf32>
        %add3A_1548 = arith.addf %add3A_1470, %gather3A_1547 : vector<16xf32>
        %iota3A_1549 = tpu.iota {dimensions = array<i32: 0>} : vector<16xi32>
        %xor3A_1550 = arith.constant 4 : i32
        %xor3A_1551 = vector.broadcast %xor3A_1550 : i32 to vector<16xi32>
        %xor3A_1552 = arith.xori %iota3A_1549, %xor3A_1551 : vector<16xi32>
        %lt3A_1553 = arith.constant 0 : i32
        %lt3A_1554 = vector.broadcast %lt3A_1553 : i32 to vector<16xi32>
        %lt3A_1555 = arith.cmpi slt, %xor3A_1552, %lt3A_1554 : vector<16xi32>
        %add3A_1556 = arith.constant 16 : i32
        %add3A_1557 = vector.broadcast %add3A_1556 : i32 to vector<16xi32>
        %add3A_1558 = arith.addi %xor3A_1552, %add3A_1557 : vector<16xi32>
        %select_n3A_1559 = arith.select %lt3A_1555, %add3A_1558, %xor3A_1552 : vector<16xi1>, vector<16xi32>
        %broadcast_in_dim3A_1560 = vector.shape_cast %select_n3A_1559 : vector<16xi32> to vector<16x1xi32>
        %gather3A_1561 = vector.shape_cast %broadcast_in_dim3A_1560 : vector<16x1xi32> to vector<16xi32>
        %gather3A_1562 = tpu.dynamic_gather %add3A_1548[%gather3A_1561] in [0] : vector<16xf32>, vector<16xi32> -> vector<16xf32>
        %add3A_1563 = arith.addf %add3A_1548, %gather3A_1562 : vector<16xf32>
        %iota3A_1564 = tpu.iota {dimensions = array<i32: 0>} : vector<16xi32>
        %xor3A_1565 = arith.constant 2 : i32
        %xor3A_1566 = vector.broadcast %xor3A_1565 : i32 to vector<16xi32>
        %xor3A_1567 = arith.xori %iota3A_1564, %xor3A_1566 : vector<16xi32>
        %lt3A_1568 = arith.constant 0 : i32
        %lt3A_1569 = vector.broadcast %lt3A_1568 : i32 to vector<16xi32>
        %lt3A_1570 = arith.cmpi slt, %xor3A_1567, %lt3A_1569 : vector<16xi32>
        %add3A_1571 = arith.constant 16 : i32
        %add3A_1572 = vector.broadcast %add3A_1571 : i32 to vector<16xi32>
        %add3A_1573 = arith.addi %xor3A_1567, %add3A_1572 : vector<16xi32>
        %select_n3A_1574 = arith.select %lt3A_1570, %add3A_1573, %xor3A_1567 : vector<16xi1>, vector<16xi32>
        %broadcast_in_dim3A_1575 = vector.shape_cast %select_n3A_1574 : vector<16xi32> to vector<16x1xi32>
        %gather3A_1576 = vector.shape_cast %broadcast_in_dim3A_1575 : vector<16x1xi32> to vector<16xi32>
        %gather3A_1577 = tpu.dynamic_gather %add3A_1563[%gather3A_1576] in [0] : vector<16xf32>, vector<16xi32> -> vector<16xf32>
        %add3A_1578 = arith.addf %add3A_1563, %gather3A_1577 : vector<16xf32>
        %iota3A_1579 = tpu.iota {dimensions = array<i32: 0>} : vector<16xi32>
        %xor3A_1580 = arith.constant 1 : i32
        %xor3A_1581 = vector.broadcast %xor3A_1580 : i32 to vector<16xi32>
        %xor3A_1582 = arith.xori %iota3A_1579, %xor3A_1581 : vector<16xi32>
        %lt3A_1583 = arith.constant 0 : i32
        %lt3A_1584 = vector.broadcast %lt3A_1583 : i32 to vector<16xi32>
        %lt3A_1585 = arith.cmpi slt, %xor3A_1582, %lt3A_1584 : vector<16xi32>
        %add3A_1586 = arith.constant 16 : i32
        %add3A_1587 = vector.broadcast %add3A_1586 : i32 to vector<16xi32>
        %add3A_1588 = arith.addi %xor3A_1582, %add3A_1587 : vector<16xi32>
        %select_n3A_1589 = arith.select %lt3A_1585, %add3A_1588, %xor3A_1582 : vector<16xi1>, vector<16xi32>
        %broadcast_in_dim3A_1590 = vector.shape_cast %select_n3A_1589 : vector<16xi32> to vector<16x1xi32>
        %gather3A_1591 = vector.shape_cast %broadcast_in_dim3A_1590 : vector<16x1xi32> to vector<16xi32>
        %gather3A_1592 = tpu.dynamic_gather %add3A_1578[%gather3A_1591] in [0] : vector<16xf32>, vector<16xi32> -> vector<16xf32>
        %add3A_1593 = arith.addf %add3A_1578, %gather3A_1592 : vector<16xf32>
        %mul3A_1594 = arith.constant 1.562500e-02 : f32
        %mul3A_1595 = vector.broadcast %mul3A_1594 : f32 to vector<16xf32>
        %mul3A_1596 = arith.mulf %add3A_1593, %mul3A_1595 : vector<16xf32>
        %mul3A_1597 = arith.mulf %mul3A_1533, %mul3A_1533 : vector<16xf32>
        %sub3A_1598 = arith.subf %mul3A_1596, %mul3A_1597 : vector<16xf32>
        %add3A_1599 = arith.constant 9.99999996E-13 : f32
        %add3A_1600 = vector.broadcast %add3A_1599 : f32 to vector<16xf32>
        %add3A_1601 = arith.addf %sub3A_1598, %add3A_1600 : vector<16xf32>
        %bitcast3A_1602 = vector.bitcast %add3A_1601 : vector<16xf32> to vector<16xi32>
        %shift_right_logical3A_1603 = arith.constant 1 : i32
        %shift_right_logical3A_1604 = vector.broadcast %shift_right_logical3A_1603 : i32 to vector<16xi32>
        %shift_right_logical3A_1605 = arith.shrui %bitcast3A_1602, %shift_right_logical3A_1604 : vector<16xi32>
        %sub3A_1606 = arith.constant 1597463007 : i32
        %sub3A_1607 = vector.broadcast %sub3A_1606 : i32 to vector<16xi32>
        %sub3A_1608 = arith.subi %sub3A_1607, %shift_right_logical3A_1605 : vector<16xi32>
        %bitcast3A_1609 = vector.bitcast %sub3A_1608 : vector<16xi32> to vector<16xf32>
        %mul3A_1610 = arith.constant 5.000000e-01 : f32
        %mul3A_1611 = vector.broadcast %mul3A_1610 : f32 to vector<16xf32>
        %mul3A_1612 = arith.mulf %mul3A_1611, %add3A_1601 : vector<16xf32>
        %mul3A_1613 = arith.mulf %mul3A_1612, %bitcast3A_1609 : vector<16xf32>
        %mul3A_1614 = arith.mulf %mul3A_1613, %bitcast3A_1609 : vector<16xf32>
        %sub3A_1615 = arith.constant 1.500000e+00 : f32
        %sub3A_1616 = vector.broadcast %sub3A_1615 : f32 to vector<16xf32>
        %sub3A_1617 = arith.subf %sub3A_1616, %mul3A_1614 : vector<16xf32>
        %mul3A_1618 = arith.mulf %bitcast3A_1609, %sub3A_1617 : vector<16xf32>
        %mul3A_1619 = arith.constant 5.000000e-01 : f32
        %mul3A_1620 = vector.broadcast %mul3A_1619 : f32 to vector<16xf32>
        %mul3A_1621 = arith.mulf %mul3A_1620, %add3A_1601 : vector<16xf32>
        %mul3A_1622 = arith.mulf %mul3A_1621, %mul3A_1618 : vector<16xf32>
        %mul3A_1623 = arith.mulf %mul3A_1622, %mul3A_1618 : vector<16xf32>
        %sub3A_1624 = arith.constant 1.500000e+00 : f32
        %sub3A_1625 = vector.broadcast %sub3A_1624 : f32 to vector<16xf32>
        %sub3A_1626 = arith.subf %sub3A_1625, %mul3A_1623 : vector<16xf32>
        %mul3A_1627 = arith.mulf %mul3A_1618, %sub3A_1626 : vector<16xf32>
        %sub3A_1628 = arith.subf %add3A_492, %mul3A_1533 : vector<16xf32>
        %mul3A_1629 = arith.mulf %mul3A_1627, %get3A_18 : vector<16xf32>
        %mul3A_1630 = arith.mulf %sub3A_1628, %mul3A_1629 : vector<16xf32>
        %add3A_1631 = arith.addf %mul3A_1630, %get3A_26 : vector<16xf32>
        %mul3A_1632 = arith.constant 64 : i32
        %mul3A_1633 = arith.muli %add3A_1460, %mul3A_1632 : i32
        %add3A_1634 = arith.constant 0 : i32
        %add3A_1635 = arith.addi %mul3A_1633, %add3A_1634 : i32
        %swap3A_1636 = arith.index_cast %add3A_1635 : i32 to index
        %swap3A_1637 = tpu.vector_load %arg22[%swap3A_1636] {strides = array<i32>} : memref<12800xf32, #tpu.memory_space<vmem>>, vector<16xf32>,
        tpu.vector_store %arg22[%swap3A_1636], %add3A_1631 {strides = array<i32>} : memref<12800xf32, #tpu.memory_space<vmem>>, vector<16xf32>,
        %sub3A_1638 = arith.subf %add3A_509, %mul3A_1533 : vector<16xf32>
        %mul3A_1639 = arith.mulf %mul3A_1627, %get3A_20 : vector<16xf32>
        %mul3A_1640 = arith.mulf %sub3A_1638, %mul3A_1639 : vector<16xf32>
        %add3A_1641 = arith.addf %mul3A_1640, %get3A_28 : vector<16xf32>
        %mul3A_1642 = arith.constant 64 : i32
        %mul3A_1643 = arith.muli %add3A_1460, %mul3A_1642 : i32
        %add3A_1644 = arith.constant 16 : i32
        %add3A_1645 = arith.addi %mul3A_1643, %add3A_1644 : i32
        %swap3A_1646 = arith.index_cast %add3A_1645 : i32 to index
        %swap3A_1647 = tpu.vector_load %arg22[%swap3A_1646] {strides = array<i32>} : memref<12800xf32, #tpu.memory_space<vmem>>, vector<16xf32>,
        tpu.vector_store %arg22[%swap3A_1646], %add3A_1641 {strides = array<i32>} : memref<12800xf32, #tpu.memory_space<vmem>>, vector<16xf32>,
        %sub3A_1648 = arith.subf %add3A_526, %mul3A_1533 : vector<16xf32>
        %mul3A_1649 = arith.mulf %mul3A_1627, %get3A_22 : vector<16xf32>
        %mul3A_1650 = arith.mulf %sub3A_1648, %mul3A_1649 : vector<16xf32>
        %add3A_1651 = arith.addf %mul3A_1650, %get3A_30 : vector<16xf32>
        %mul3A_1652 = arith.constant 64 : i32
        %mul3A_1653 = arith.muli %add3A_1460, %mul3A_1652 : i32
        %add3A_1654 = arith.constant 32 : i32
        %add3A_1655 = arith.addi %mul3A_1653, %add3A_1654 : i32
        %swap3A_1656 = arith.index_cast %add3A_1655 : i32 to index
        %swap3A_1657 = tpu.vector_load %arg22[%swap3A_1656] {strides = array<i32>} : memref<12800xf32, #tpu.memory_space<vmem>>, vector<16xf32>,
        tpu.vector_store %arg22[%swap3A_1656], %add3A_1651 {strides = array<i32>} : memref<12800xf32, #tpu.memory_space<vmem>>, vector<16xf32>,
        %sub3A_1658 = arith.subf %add3A_543, %mul3A_1533 : vector<16xf32>
        %mul3A_1659 = arith.mulf %mul3A_1627, %get3A_24 : vector<16xf32>
        %mul3A_1660 = arith.mulf %sub3A_1658, %mul3A_1659 : vector<16xf32>
        %add3A_1661 = arith.addf %mul3A_1660, %get3A_32 : vector<16xf32>
        %mul3A_1662 = arith.constant 64 : i32
        %mul3A_1663 = arith.muli %add3A_1460, %mul3A_1662 : i32
        %add3A_1664 = arith.constant 48 : i32
        %add3A_1665 = arith.addi %mul3A_1663, %add3A_1664 : i32
        %swap3A_1666 = arith.index_cast %add3A_1665 : i32 to index
        %swap3A_1667 = tpu.vector_load %arg22[%swap3A_1666] {strides = array<i32>} : memref<12800xf32, #tpu.memory_space<vmem>>, vector<16xf32>,
        tpu.vector_store %arg22[%swap3A_1666], %add3A_1661 {strides = array<i32>} : memref<12800xf32, #tpu.memory_space<vmem>>, vector<16xf32>,
        %add3A_1668 = arith.constant 4 : i32
        %add3A_1669 = arith.addi %mul3A_239, %add3A_1668 : i32
        %add3A_1670 = arith.addf %add3A_566, %add3A_583 : vector<16xf32>
        %add3A_1671 = arith.addf %add3A_600, %add3A_617 : vector<16xf32>
        %add3A_1672 = arith.addf %add3A_1670, %add3A_1671 : vector<16xf32>
        %mul3A_1673 = arith.mulf %add3A_566, %add3A_566 : vector<16xf32>
        %mul3A_1674 = arith.mulf %add3A_583, %add3A_583 : vector<16xf32>
        %add3A_1675 = arith.addf %mul3A_1673, %mul3A_1674 : vector<16xf32>
        %mul3A_1676 = arith.mulf %add3A_600, %add3A_600 : vector<16xf32>
        %mul3A_1677 = arith.mulf %add3A_617, %add3A_617 : vector<16xf32>
        %add3A_1678 = arith.addf %mul3A_1676, %mul3A_1677 : vector<16xf32>
        %add3A_1679 = arith.addf %add3A_1675, %add3A_1678 : vector<16xf32>
        %iota3A_1680 = tpu.iota {dimensions = array<i32: 0>} : vector<16xi32>
        %xor3A_1681 = arith.constant 8 : i32
        %xor3A_1682 = vector.broadcast %xor3A_1681 : i32 to vector<16xi32>
        %xor3A_1683 = arith.xori %iota3A_1680, %xor3A_1682 : vector<16xi32>
        %lt3A_1684 = arith.constant 0 : i32
        %lt3A_1685 = vector.broadcast %lt3A_1684 : i32 to vector<16xi32>
        %lt3A_1686 = arith.cmpi slt, %xor3A_1683, %lt3A_1685 : vector<16xi32>
        %add3A_1687 = arith.constant 16 : i32
        %add3A_1688 = vector.broadcast %add3A_1687 : i32 to vector<16xi32>
        %add3A_1689 = arith.addi %xor3A_1683, %add3A_1688 : vector<16xi32>
        %select_n3A_1690 = arith.select %lt3A_1686, %add3A_1689, %xor3A_1683 : vector<16xi1>, vector<16xi32>
        %broadcast_in_dim3A_1691 = vector.shape_cast %select_n3A_1690 : vector<16xi32> to vector<16x1xi32>
        %gather3A_1692 = vector.shape_cast %broadcast_in_dim3A_1691 : vector<16x1xi32> to vector<16xi32>
        %gather3A_1693 = tpu.dynamic_gather %add3A_1672[%gather3A_1692] in [0] : vector<16xf32>, vector<16xi32> -> vector<16xf32>
        %add3A_1694 = arith.addf %add3A_1672, %gather3A_1693 : vector<16xf32>
        %iota3A_1695 = tpu.iota {dimensions = array<i32: 0>} : vector<16xi32>
        %xor3A_1696 = arith.constant 4 : i32
        %xor3A_1697 = vector.broadcast %xor3A_1696 : i32 to vector<16xi32>
        %xor3A_1698 = arith.xori %iota3A_1695, %xor3A_1697 : vector<16xi32>
        %lt3A_1699 = arith.constant 0 : i32
        %lt3A_1700 = vector.broadcast %lt3A_1699 : i32 to vector<16xi32>
        %lt3A_1701 = arith.cmpi slt, %xor3A_1698, %lt3A_1700 : vector<16xi32>
        %add3A_1702 = arith.constant 16 : i32
        %add3A_1703 = vector.broadcast %add3A_1702 : i32 to vector<16xi32>
        %add3A_1704 = arith.addi %xor3A_1698, %add3A_1703 : vector<16xi32>
        %select_n3A_1705 = arith.select %lt3A_1701, %add3A_1704, %xor3A_1698 : vector<16xi1>, vector<16xi32>
        %broadcast_in_dim3A_1706 = vector.shape_cast %select_n3A_1705 : vector<16xi32> to vector<16x1xi32>
        %gather3A_1707 = vector.shape_cast %broadcast_in_dim3A_1706 : vector<16x1xi32> to vector<16xi32>
        %gather3A_1708 = tpu.dynamic_gather %add3A_1694[%gather3A_1707] in [0] : vector<16xf32>, vector<16xi32> -> vector<16xf32>
        %add3A_1709 = arith.addf %add3A_1694, %gather3A_1708 : vector<16xf32>
        %iota3A_1710 = tpu.iota {dimensions = array<i32: 0>} : vector<16xi32>
        %xor3A_1711 = arith.constant 2 : i32
        %xor3A_1712 = vector.broadcast %xor3A_1711 : i32 to vector<16xi32>
        %xor3A_1713 = arith.xori %iota3A_1710, %xor3A_1712 : vector<16xi32>
        %lt3A_1714 = arith.constant 0 : i32
        %lt3A_1715 = vector.broadcast %lt3A_1714 : i32 to vector<16xi32>
        %lt3A_1716 = arith.cmpi slt, %xor3A_1713, %lt3A_1715 : vector<16xi32>
        %add3A_1717 = arith.constant 16 : i32
        %add3A_1718 = vector.broadcast %add3A_1717 : i32 to vector<16xi32>
        %add3A_1719 = arith.addi %xor3A_1713, %add3A_1718 : vector<16xi32>
        %select_n3A_1720 = arith.select %lt3A_1716, %add3A_1719, %xor3A_1713 : vector<16xi1>, vector<16xi32>
        %broadcast_in_dim3A_1721 = vector.shape_cast %select_n3A_1720 : vector<16xi32> to vector<16x1xi32>
        %gather3A_1722 = vector.shape_cast %broadcast_in_dim3A_1721 : vector<16x1xi32> to vector<16xi32>
        %gather3A_1723 = tpu.dynamic_gather %add3A_1709[%gather3A_1722] in [0] : vector<16xf32>, vector<16xi32> -> vector<16xf32>
        %add3A_1724 = arith.addf %add3A_1709, %gather3A_1723 : vector<16xf32>
        %iota3A_1725 = tpu.iota {dimensions = array<i32: 0>} : vector<16xi32>
        %xor3A_1726 = arith.constant 1 : i32
        %xor3A_1727 = vector.broadcast %xor3A_1726 : i32 to vector<16xi32>
        %xor3A_1728 = arith.xori %iota3A_1725, %xor3A_1727 : vector<16xi32>
        %lt3A_1729 = arith.constant 0 : i32
        %lt3A_1730 = vector.broadcast %lt3A_1729 : i32 to vector<16xi32>
        %lt3A_1731 = arith.cmpi slt, %xor3A_1728, %lt3A_1730 : vector<16xi32>
        %add3A_1732 = arith.constant 16 : i32
        %add3A_1733 = vector.broadcast %add3A_1732 : i32 to vector<16xi32>
        %add3A_1734 = arith.addi %xor3A_1728, %add3A_1733 : vector<16xi32>
        %select_n3A_1735 = arith.select %lt3A_1731, %add3A_1734, %xor3A_1728 : vector<16xi1>, vector<16xi32>
        %broadcast_in_dim3A_1736 = vector.shape_cast %select_n3A_1735 : vector<16xi32> to vector<16x1xi32>
        %gather3A_1737 = vector.shape_cast %broadcast_in_dim3A_1736 : vector<16x1xi32> to vector<16xi32>
        %gather3A_1738 = tpu.dynamic_gather %add3A_1724[%gather3A_1737] in [0] : vector<16xf32>, vector<16xi32> -> vector<16xf32>
        %add3A_1739 = arith.addf %add3A_1724, %gather3A_1738 : vector<16xf32>
        %mul3A_1740 = arith.constant 1.562500e-02 : f32
        %mul3A_1741 = vector.broadcast %mul3A_1740 : f32 to vector<16xf32>
        %mul3A_1742 = arith.mulf %add3A_1739, %mul3A_1741 : vector<16xf32>
        %iota3A_1743 = tpu.iota {dimensions = array<i32: 0>} : vector<16xi32>
        %xor3A_1744 = arith.constant 8 : i32
        %xor3A_1745 = vector.broadcast %xor3A_1744 : i32 to vector<16xi32>
        %xor3A_1746 = arith.xori %iota3A_1743, %xor3A_1745 : vector<16xi32>
        %lt3A_1747 = arith.constant 0 : i32
        %lt3A_1748 = vector.broadcast %lt3A_1747 : i32 to vector<16xi32>
        %lt3A_1749 = arith.cmpi slt, %xor3A_1746, %lt3A_1748 : vector<16xi32>
        %add3A_1750 = arith.constant 16 : i32
        %add3A_1751 = vector.broadcast %add3A_1750 : i32 to vector<16xi32>
        %add3A_1752 = arith.addi %xor3A_1746, %add3A_1751 : vector<16xi32>
        %select_n3A_1753 = arith.select %lt3A_1749, %add3A_1752, %xor3A_1746 : vector<16xi1>, vector<16xi32>
        %broadcast_in_dim3A_1754 = vector.shape_cast %select_n3A_1753 : vector<16xi32> to vector<16x1xi32>
        %gather3A_1755 = vector.shape_cast %broadcast_in_dim3A_1754 : vector<16x1xi32> to vector<16xi32>
        %gather3A_1756 = tpu.dynamic_gather %add3A_1679[%gather3A_1755] in [0] : vector<16xf32>, vector<16xi32> -> vector<16xf32>
        %add3A_1757 = arith.addf %add3A_1679, %gather3A_1756 : vector<16xf32>
        %iota3A_1758 = tpu.iota {dimensions = array<i32: 0>} : vector<16xi32>
        %xor3A_1759 = arith.constant 4 : i32
        %xor3A_1760 = vector.broadcast %xor3A_1759 : i32 to vector<16xi32>
        %xor3A_1761 = arith.xori %iota3A_1758, %xor3A_1760 : vector<16xi32>
        %lt3A_1762 = arith.constant 0 : i32
        %lt3A_1763 = vector.broadcast %lt3A_1762 : i32 to vector<16xi32>
        %lt3A_1764 = arith.cmpi slt, %xor3A_1761, %lt3A_1763 : vector<16xi32>
        %add3A_1765 = arith.constant 16 : i32
        %add3A_1766 = vector.broadcast %add3A_1765 : i32 to vector<16xi32>
        %add3A_1767 = arith.addi %xor3A_1761, %add3A_1766 : vector<16xi32>
        %select_n3A_1768 = arith.select %lt3A_1764, %add3A_1767, %xor3A_1761 : vector<16xi1>, vector<16xi32>
        %broadcast_in_dim3A_1769 = vector.shape_cast %select_n3A_1768 : vector<16xi32> to vector<16x1xi32>
        %gather3A_1770 = vector.shape_cast %broadcast_in_dim3A_1769 : vector<16x1xi32> to vector<16xi32>
        %gather3A_1771 = tpu.dynamic_gather %add3A_1757[%gather3A_1770] in [0] : vector<16xf32>, vector<16xi32> -> vector<16xf32>
        %add3A_1772 = arith.addf %add3A_1757, %gather3A_1771 : vector<16xf32>
        %iota3A_1773 = tpu.iota {dimensions = array<i32: 0>} : vector<16xi32>
        %xor3A_1774 = arith.constant 2 : i32
        %xor3A_1775 = vector.broadcast %xor3A_1774 : i32 to vector<16xi32>
        %xor3A_1776 = arith.xori %iota3A_1773, %xor3A_1775 : vector<16xi32>
        %lt3A_1777 = arith.constant 0 : i32
        %lt3A_1778 = vector.broadcast %lt3A_1777 : i32 to vector<16xi32>
        %lt3A_1779 = arith.cmpi slt, %xor3A_1776, %lt3A_1778 : vector<16xi32>
        %add3A_1780 = arith.constant 16 : i32
        %add3A_1781 = vector.broadcast %add3A_1780 : i32 to vector<16xi32>
        %add3A_1782 = arith.addi %xor3A_1776, %add3A_1781 : vector<16xi32>
        %select_n3A_1783 = arith.select %lt3A_1779, %add3A_1782, %xor3A_1776 : vector<16xi1>, vector<16xi32>
        %broadcast_in_dim3A_1784 = vector.shape_cast %select_n3A_1783 : vector<16xi32> to vector<16x1xi32>
        %gather3A_1785 = vector.shape_cast %broadcast_in_dim3A_1784 : vector<16x1xi32> to vector<16xi32>
        %gather3A_1786 = tpu.dynamic_gather %add3A_1772[%gather3A_1785] in [0] : vector<16xf32>, vector<16xi32> -> vector<16xf32>
        %add3A_1787 = arith.addf %add3A_1772, %gather3A_1786 : vector<16xf32>
        %iota3A_1788 = tpu.iota {dimensions = array<i32: 0>} : vector<16xi32>
        %xor3A_1789 = arith.constant 1 : i32
        %xor3A_1790 = vector.broadcast %xor3A_1789 : i32 to vector<16xi32>
        %xor3A_1791 = arith.xori %iota3A_1788, %xor3A_1790 : vector<16xi32>
        %lt3A_1792 = arith.constant 0 : i32
        %lt3A_1793 = vector.broadcast %lt3A_1792 : i32 to vector<16xi32>
        %lt3A_1794 = arith.cmpi slt, %xor3A_1791, %lt3A_1793 : vector<16xi32>
        %add3A_1795 = arith.constant 16 : i32
        %add3A_1796 = vector.broadcast %add3A_1795 : i32 to vector<16xi32>
        %add3A_1797 = arith.addi %xor3A_1791, %add3A_1796 : vector<16xi32>
        %select_n3A_1798 = arith.select %lt3A_1794, %add3A_1797, %xor3A_1791 : vector<16xi1>, vector<16xi32>
        %broadcast_in_dim3A_1799 = vector.shape_cast %select_n3A_1798 : vector<16xi32> to vector<16x1xi32>
        %gather3A_1800 = vector.shape_cast %broadcast_in_dim3A_1799 : vector<16x1xi32> to vector<16xi32>
        %gather3A_1801 = tpu.dynamic_gather %add3A_1787[%gather3A_1800] in [0] : vector<16xf32>, vector<16xi32> -> vector<16xf32>
        %add3A_1802 = arith.addf %add3A_1787, %gather3A_1801 : vector<16xf32>
        %mul3A_1803 = arith.constant 1.562500e-02 : f32
        %mul3A_1804 = vector.broadcast %mul3A_1803 : f32 to vector<16xf32>
        %mul3A_1805 = arith.mulf %add3A_1802, %mul3A_1804 : vector<16xf32>
        %mul3A_1806 = arith.mulf %mul3A_1742, %mul3A_1742 : vector<16xf32>
        %sub3A_1807 = arith.subf %mul3A_1805, %mul3A_1806 : vector<16xf32>
        %add3A_1808 = arith.constant 9.99999996E-13 : f32
        %add3A_1809 = vector.broadcast %add3A_1808 : f32 to vector<16xf32>
        %add3A_1810 = arith.addf %sub3A_1807, %add3A_1809 : vector<16xf32>
        %bitcast3A_1811 = vector.bitcast %add3A_1810 : vector<16xf32> to vector<16xi32>
        %shift_right_logical3A_1812 = arith.constant 1 : i32
        %shift_right_logical3A_1813 = vector.broadcast %shift_right_logical3A_1812 : i32 to vector<16xi32>
        %shift_right_logical3A_1814 = arith.shrui %bitcast3A_1811, %shift_right_logical3A_1813 : vector<16xi32>
        %sub3A_1815 = arith.constant 1597463007 : i32
        %sub3A_1816 = vector.broadcast %sub3A_1815 : i32 to vector<16xi32>
        %sub3A_1817 = arith.subi %sub3A_1816, %shift_right_logical3A_1814 : vector<16xi32>
        %bitcast3A_1818 = vector.bitcast %sub3A_1817 : vector<16xi32> to vector<16xf32>
        %mul3A_1819 = arith.constant 5.000000e-01 : f32
        %mul3A_1820 = vector.broadcast %mul3A_1819 : f32 to vector<16xf32>
        %mul3A_1821 = arith.mulf %mul3A_1820, %add3A_1810 : vector<16xf32>
        %mul3A_1822 = arith.mulf %mul3A_1821, %bitcast3A_1818 : vector<16xf32>
        %mul3A_1823 = arith.mulf %mul3A_1822, %bitcast3A_1818 : vector<16xf32>
        %sub3A_1824 = arith.constant 1.500000e+00 : f32
        %sub3A_1825 = vector.broadcast %sub3A_1824 : f32 to vector<16xf32>
        %sub3A_1826 = arith.subf %sub3A_1825, %mul3A_1823 : vector<16xf32>
        %mul3A_1827 = arith.mulf %bitcast3A_1818, %sub3A_1826 : vector<16xf32>
        %mul3A_1828 = arith.constant 5.000000e-01 : f32
        %mul3A_1829 = vector.broadcast %mul3A_1828 : f32 to vector<16xf32>
        %mul3A_1830 = arith.mulf %mul3A_1829, %add3A_1810 : vector<16xf32>
        %mul3A_1831 = arith.mulf %mul3A_1830, %mul3A_1827 : vector<16xf32>
        %mul3A_1832 = arith.mulf %mul3A_1831, %mul3A_1827 : vector<16xf32>
        %sub3A_1833 = arith.constant 1.500000e+00 : f32
        %sub3A_1834 = vector.broadcast %sub3A_1833 : f32 to vector<16xf32>
        %sub3A_1835 = arith.subf %sub3A_1834, %mul3A_1832 : vector<16xf32>
        %mul3A_1836 = arith.mulf %mul3A_1827, %sub3A_1835 : vector<16xf32>
        %sub3A_1837 = arith.subf %add3A_566, %mul3A_1742 : vector<16xf32>
        %mul3A_1838 = arith.mulf %mul3A_1836, %get3A_18 : vector<16xf32>
        %mul3A_1839 = arith.mulf %sub3A_1837, %mul3A_1838 : vector<16xf32>
        %add3A_1840 = arith.addf %mul3A_1839, %get3A_26 : vector<16xf32>
        %mul3A_1841 = arith.constant 64 : i32
        %mul3A_1842 = arith.muli %add3A_1669, %mul3A_1841 : i32
        %add3A_1843 = arith.constant 0 : i32
        %add3A_1844 = arith.addi %mul3A_1842, %add3A_1843 : i32
        %swap3A_1845 = arith.index_cast %add3A_1844 : i32 to index
        %swap3A_1846 = tpu.vector_load %arg22[%swap3A_1845] {strides = array<i32>} : memref<12800xf32, #tpu.memory_space<vmem>>, vector<16xf32>,
        tpu.vector_store %arg22[%swap3A_1845], %add3A_1840 {strides = array<i32>} : memref<12800xf32, #tpu.memory_space<vmem>>, vector<16xf32>,
        %sub3A_1847 = arith.subf %add3A_583, %mul3A_1742 : vector<16xf32>
        %mul3A_1848 = arith.mulf %mul3A_1836, %get3A_20 : vector<16xf32>
        %mul3A_1849 = arith.mulf %sub3A_1847, %mul3A_1848 : vector<16xf32>
        %add3A_1850 = arith.addf %mul3A_1849, %get3A_28 : vector<16xf32>
        %mul3A_1851 = arith.constant 64 : i32
        %mul3A_1852 = arith.muli %add3A_1669, %mul3A_1851 : i32
        %add3A_1853 = arith.constant 16 : i32
        %add3A_1854 = arith.addi %mul3A_1852, %add3A_1853 : i32
        %swap3A_1855 = arith.index_cast %add3A_1854 : i32 to index
        %swap3A_1856 = tpu.vector_load %arg22[%swap3A_1855] {strides = array<i32>} : memref<12800xf32, #tpu.memory_space<vmem>>, vector<16xf32>,
        tpu.vector_store %arg22[%swap3A_1855], %add3A_1850 {strides = array<i32>} : memref<12800xf32, #tpu.memory_space<vmem>>, vector<16xf32>,
        %sub3A_1857 = arith.subf %add3A_600, %mul3A_1742 : vector<16xf32>
        %mul3A_1858 = arith.mulf %mul3A_1836, %get3A_22 : vector<16xf32>
        %mul3A_1859 = arith.mulf %sub3A_1857, %mul3A_1858 : vector<16xf32>
        %add3A_1860 = arith.addf %mul3A_1859, %get3A_30 : vector<16xf32>
        %mul3A_1861 = arith.constant 64 : i32
        %mul3A_1862 = arith.muli %add3A_1669, %mul3A_1861 : i32
        %add3A_1863 = arith.constant 32 : i32
        %add3A_1864 = arith.addi %mul3A_1862, %add3A_1863 : i32
        %swap3A_1865 = arith.index_cast %add3A_1864 : i32 to index
        %swap3A_1866 = tpu.vector_load %arg22[%swap3A_1865] {strides = array<i32>} : memref<12800xf32, #tpu.memory_space<vmem>>, vector<16xf32>,
        tpu.vector_store %arg22[%swap3A_1865], %add3A_1860 {strides = array<i32>} : memref<12800xf32, #tpu.memory_space<vmem>>, vector<16xf32>,
        %sub3A_1867 = arith.subf %add3A_617, %mul3A_1742 : vector<16xf32>
        %mul3A_1868 = arith.mulf %mul3A_1836, %get3A_24 : vector<16xf32>
        %mul3A_1869 = arith.mulf %sub3A_1867, %mul3A_1868 : vector<16xf32>
        %add3A_1870 = arith.addf %mul3A_1869, %get3A_32 : vector<16xf32>
        %mul3A_1871 = arith.constant 64 : i32
        %mul3A_1872 = arith.muli %add3A_1669, %mul3A_1871 : i32
        %add3A_1873 = arith.constant 48 : i32
        %add3A_1874 = arith.addi %mul3A_1872, %add3A_1873 : i32
        %swap3A_1875 = arith.index_cast %add3A_1874 : i32 to index
        %swap3A_1876 = tpu.vector_load %arg22[%swap3A_1875] {strides = array<i32>} : memref<12800xf32, #tpu.memory_space<vmem>>, vector<16xf32>,
        tpu.vector_store %arg22[%swap3A_1875], %add3A_1870 {strides = array<i32>} : memref<12800xf32, #tpu.memory_space<vmem>>, vector<16xf32>,
        %add3A_1877 = arith.constant 5 : i32
        %add3A_1878 = arith.addi %mul3A_239, %add3A_1877 : i32
        %add3A_1879 = arith.addf %add3A_640, %add3A_657 : vector<16xf32>
        %add3A_1880 = arith.addf %add3A_674, %add3A_691 : vector<16xf32>
        %add3A_1881 = arith.addf %add3A_1879, %add3A_1880 : vector<16xf32>
        %mul3A_1882 = arith.mulf %add3A_640, %add3A_640 : vector<16xf32>
        %mul3A_1883 = arith.mulf %add3A_657, %add3A_657 : vector<16xf32>
        %add3A_1884 = arith.addf %mul3A_1882, %mul3A_1883 : vector<16xf32>
        %mul3A_1885 = arith.mulf %add3A_674, %add3A_674 : vector<16xf32>
        %mul3A_1886 = arith.mulf %add3A_691, %add3A_691 : vector<16xf32>
        %add3A_1887 = arith.addf %mul3A_1885, %mul3A_1886 : vector<16xf32>
        %add3A_1888 = arith.addf %add3A_1884, %add3A_1887 : vector<16xf32>
        %iota3A_1889 = tpu.iota {dimensions = array<i32: 0>} : vector<16xi32>
        %xor3A_1890 = arith.constant 8 : i32
        %xor3A_1891 = vector.broadcast %xor3A_1890 : i32 to vector<16xi32>
        %xor3A_1892 = arith.xori %iota3A_1889, %xor3A_1891 : vector<16xi32>
        %lt3A_1893 = arith.constant 0 : i32
        %lt3A_1894 = vector.broadcast %lt3A_1893 : i32 to vector<16xi32>
        %lt3A_1895 = arith.cmpi slt, %xor3A_1892, %lt3A_1894 : vector<16xi32>
        %add3A_1896 = arith.constant 16 : i32
        %add3A_1897 = vector.broadcast %add3A_1896 : i32 to vector<16xi32>
        %add3A_1898 = arith.addi %xor3A_1892, %add3A_1897 : vector<16xi32>
        %select_n3A_1899 = arith.select %lt3A_1895, %add3A_1898, %xor3A_1892 : vector<16xi1>, vector<16xi32>
        %broadcast_in_dim3A_1900 = vector.shape_cast %select_n3A_1899 : vector<16xi32> to vector<16x1xi32>
        %gather3A_1901 = vector.shape_cast %broadcast_in_dim3A_1900 : vector<16x1xi32> to vector<16xi32>
        %gather3A_1902 = tpu.dynamic_gather %add3A_1881[%gather3A_1901] in [0] : vector<16xf32>, vector<16xi32> -> vector<16xf32>
        %add3A_1903 = arith.addf %add3A_1881, %gather3A_1902 : vector<16xf32>
        %iota3A_1904 = tpu.iota {dimensions = array<i32: 0>} : vector<16xi32>
        %xor3A_1905 = arith.constant 4 : i32
        %xor3A_1906 = vector.broadcast %xor3A_1905 : i32 to vector<16xi32>
        %xor3A_1907 = arith.xori %iota3A_1904, %xor3A_1906 : vector<16xi32>
        %lt3A_1908 = arith.constant 0 : i32
        %lt3A_1909 = vector.broadcast %lt3A_1908 : i32 to vector<16xi32>
        %lt3A_1910 = arith.cmpi slt, %xor3A_1907, %lt3A_1909 : vector<16xi32>
        %add3A_1911 = arith.constant 16 : i32
        %add3A_1912 = vector.broadcast %add3A_1911 : i32 to vector<16xi32>
        %add3A_1913 = arith.addi %xor3A_1907, %add3A_1912 : vector<16xi32>
        %select_n3A_1914 = arith.select %lt3A_1910, %add3A_1913, %xor3A_1907 : vector<16xi1>, vector<16xi32>
        %broadcast_in_dim3A_1915 = vector.shape_cast %select_n3A_1914 : vector<16xi32> to vector<16x1xi32>
        %gather3A_1916 = vector.shape_cast %broadcast_in_dim3A_1915 : vector<16x1xi32> to vector<16xi32>
        %gather3A_1917 = tpu.dynamic_gather %add3A_1903[%gather3A_1916] in [0] : vector<16xf32>, vector<16xi32> -> vector<16xf32>
        %add3A_1918 = arith.addf %add3A_1903, %gather3A_1917 : vector<16xf32>
        %iota3A_1919 = tpu.iota {dimensions = array<i32: 0>} : vector<16xi32>
        %xor3A_1920 = arith.constant 2 : i32
        %xor3A_1921 = vector.broadcast %xor3A_1920 : i32 to vector<16xi32>
        %xor3A_1922 = arith.xori %iota3A_1919, %xor3A_1921 : vector<16xi32>
        %lt3A_1923 = arith.constant 0 : i32
        %lt3A_1924 = vector.broadcast %lt3A_1923 : i32 to vector<16xi32>
        %lt3A_1925 = arith.cmpi slt, %xor3A_1922, %lt3A_1924 : vector<16xi32>
        %add3A_1926 = arith.constant 16 : i32
        %add3A_1927 = vector.broadcast %add3A_1926 : i32 to vector<16xi32>
        %add3A_1928 = arith.addi %xor3A_1922, %add3A_1927 : vector<16xi32>
        %select_n3A_1929 = arith.select %lt3A_1925, %add3A_1928, %xor3A_1922 : vector<16xi1>, vector<16xi32>
        %broadcast_in_dim3A_1930 = vector.shape_cast %select_n3A_1929 : vector<16xi32> to vector<16x1xi32>
        %gather3A_1931 = vector.shape_cast %broadcast_in_dim3A_1930 : vector<16x1xi32> to vector<16xi32>
        %gather3A_1932 = tpu.dynamic_gather %add3A_1918[%gather3A_1931] in [0] : vector<16xf32>, vector<16xi32> -> vector<16xf32>
        %add3A_1933 = arith.addf %add3A_1918, %gather3A_1932 : vector<16xf32>
        %iota3A_1934 = tpu.iota {dimensions = array<i32: 0>} : vector<16xi32>
        %xor3A_1935 = arith.constant 1 : i32
        %xor3A_1936 = vector.broadcast %xor3A_1935 : i32 to vector<16xi32>
        %xor3A_1937 = arith.xori %iota3A_1934, %xor3A_1936 : vector<16xi32>
        %lt3A_1938 = arith.constant 0 : i32
        %lt3A_1939 = vector.broadcast %lt3A_1938 : i32 to vector<16xi32>
        %lt3A_1940 = arith.cmpi slt, %xor3A_1937, %lt3A_1939 : vector<16xi32>
        %add3A_1941 = arith.constant 16 : i32
        %add3A_1942 = vector.broadcast %add3A_1941 : i32 to vector<16xi32>
        %add3A_1943 = arith.addi %xor3A_1937, %add3A_1942 : vector<16xi32>
        %select_n3A_1944 = arith.select %lt3A_1940, %add3A_1943, %xor3A_1937 : vector<16xi1>, vector<16xi32>
        %broadcast_in_dim3A_1945 = vector.shape_cast %select_n3A_1944 : vector<16xi32> to vector<16x1xi32>
        %gather3A_1946 = vector.shape_cast %broadcast_in_dim3A_1945 : vector<16x1xi32> to vector<16xi32>
        %gather3A_1947 = tpu.dynamic_gather %add3A_1933[%gather3A_1946] in [0] : vector<16xf32>, vector<16xi32> -> vector<16xf32>
        %add3A_1948 = arith.addf %add3A_1933, %gather3A_1947 : vector<16xf32>
        %mul3A_1949 = arith.constant 1.562500e-02 : f32
        %mul3A_1950 = vector.broadcast %mul3A_1949 : f32 to vector<16xf32>
        %mul3A_1951 = arith.mulf %add3A_1948, %mul3A_1950 : vector<16xf32>
        %iota3A_1952 = tpu.iota {dimensions = array<i32: 0>} : vector<16xi32>
        %xor3A_1953 = arith.constant 8 : i32
        %xor3A_1954 = vector.broadcast %xor3A_1953 : i32 to vector<16xi32>
        %xor3A_1955 = arith.xori %iota3A_1952, %xor3A_1954 : vector<16xi32>
        %lt3A_1956 = arith.constant 0 : i32
        %lt3A_1957 = vector.broadcast %lt3A_1956 : i32 to vector<16xi32>
        %lt3A_1958 = arith.cmpi slt, %xor3A_1955, %lt3A_1957 : vector<16xi32>
        %add3A_1959 = arith.constant 16 : i32
        %add3A_1960 = vector.broadcast %add3A_1959 : i32 to vector<16xi32>
        %add3A_1961 = arith.addi %xor3A_1955, %add3A_1960 : vector<16xi32>
        %select_n3A_1962 = arith.select %lt3A_1958, %add3A_1961, %xor3A_1955 : vector<16xi1>, vector<16xi32>
        %broadcast_in_dim3A_1963 = vector.shape_cast %select_n3A_1962 : vector<16xi32> to vector<16x1xi32>
        %gather3A_1964 = vector.shape_cast %broadcast_in_dim3A_1963 : vector<16x1xi32> to vector<16xi32>
        %gather3A_1965 = tpu.dynamic_gather %add3A_1888[%gather3A_1964] in [0] : vector<16xf32>, vector<16xi32> -> vector<16xf32>
        %add3A_1966 = arith.addf %add3A_1888, %gather3A_1965 : vector<16xf32>
        %iota3A_1967 = tpu.iota {dimensions = array<i32: 0>} : vector<16xi32>
        %xor3A_1968 = arith.constant 4 : i32
        %xor3A_1969 = vector.broadcast %xor3A_1968 : i32 to vector<16xi32>
        %xor3A_1970 = arith.xori %iota3A_1967, %xor3A_1969 : vector<16xi32>
        %lt3A_1971 = arith.constant 0 : i32
        %lt3A_1972 = vector.broadcast %lt3A_1971 : i32 to vector<16xi32>
        %lt3A_1973 = arith.cmpi slt, %xor3A_1970, %lt3A_1972 : vector<16xi32>
        %add3A_1974 = arith.constant 16 : i32
        %add3A_1975 = vector.broadcast %add3A_1974 : i32 to vector<16xi32>
        %add3A_1976 = arith.addi %xor3A_1970, %add3A_1975 : vector<16xi32>
        %select_n3A_1977 = arith.select %lt3A_1973, %add3A_1976, %xor3A_1970 : vector<16xi1>, vector<16xi32>
        %broadcast_in_dim3A_1978 = vector.shape_cast %select_n3A_1977 : vector<16xi32> to vector<16x1xi32>
        %gather3A_1979 = vector.shape_cast %broadcast_in_dim3A_1978 : vector<16x1xi32> to vector<16xi32>
        %gather3A_1980 = tpu.dynamic_gather %add3A_1966[%gather3A_1979] in [0] : vector<16xf32>, vector<16xi32> -> vector<16xf32>
        %add3A_1981 = arith.addf %add3A_1966, %gather3A_1980 : vector<16xf32>
        %iota3A_1982 = tpu.iota {dimensions = array<i32: 0>} : vector<16xi32>
        %xor3A_1983 = arith.constant 2 : i32
        %xor3A_1984 = vector.broadcast %xor3A_1983 : i32 to vector<16xi32>
        %xor3A_1985 = arith.xori %iota3A_1982, %xor3A_1984 : vector<16xi32>
        %lt3A_1986 = arith.constant 0 : i32
        %lt3A_1987 = vector.broadcast %lt3A_1986 : i32 to vector<16xi32>
        %lt3A_1988 = arith.cmpi slt, %xor3A_1985, %lt3A_1987 : vector<16xi32>
        %add3A_1989 = arith.constant 16 : i32
        %add3A_1990 = vector.broadcast %add3A_1989 : i32 to vector<16xi32>
        %add3A_1991 = arith.addi %xor3A_1985, %add3A_1990 : vector<16xi32>
        %select_n3A_1992 = arith.select %lt3A_1988, %add3A_1991, %xor3A_1985 : vector<16xi1>, vector<16xi32>
        %broadcast_in_dim3A_1993 = vector.shape_cast %select_n3A_1992 : vector<16xi32> to vector<16x1xi32>
        %gather3A_1994 = vector.shape_cast %broadcast_in_dim3A_1993 : vector<16x1xi32> to vector<16xi32>
        %gather3A_1995 = tpu.dynamic_gather %add3A_1981[%gather3A_1994] in [0] : vector<16xf32>, vector<16xi32> -> vector<16xf32>
        %add3A_1996 = arith.addf %add3A_1981, %gather3A_1995 : vector<16xf32>
        %iota3A_1997 = tpu.iota {dimensions = array<i32: 0>} : vector<16xi32>
        %xor3A_1998 = arith.constant 1 : i32
        %xor3A_1999 = vector.broadcast %xor3A_1998 : i32 to vector<16xi32>
        %xor3A_2000 = arith.xori %iota3A_1997, %xor3A_1999 : vector<16xi32>
        %lt3A_2001 = arith.constant 0 : i32
        %lt3A_2002 = vector.broadcast %lt3A_2001 : i32 to vector<16xi32>
        %lt3A_2003 = arith.cmpi slt, %xor3A_2000, %lt3A_2002 : vector<16xi32>
        %add3A_2004 = arith.constant 16 : i32
        %add3A_2005 = vector.broadcast %add3A_2004 : i32 to vector<16xi32>
        %add3A_2006 = arith.addi %xor3A_2000, %add3A_2005 : vector<16xi32>
        %select_n3A_2007 = arith.select %lt3A_2003, %add3A_2006, %xor3A_2000 : vector<16xi1>, vector<16xi32>
        %broadcast_in_dim3A_2008 = vector.shape_cast %select_n3A_2007 : vector<16xi32> to vector<16x1xi32>
        %gather3A_2009 = vector.shape_cast %broadcast_in_dim3A_2008 : vector<16x1xi32> to vector<16xi32>
        %gather3A_2010 = tpu.dynamic_gather %add3A_1996[%gather3A_2009] in [0] : vector<16xf32>, vector<16xi32> -> vector<16xf32>
        %add3A_2011 = arith.addf %add3A_1996, %gather3A_2010 : vector<16xf32>
        %mul3A_2012 = arith.constant 1.562500e-02 : f32
        %mul3A_2013 = vector.broadcast %mul3A_2012 : f32 to vector<16xf32>
        %mul3A_2014 = arith.mulf %add3A_2011, %mul3A_2013 : vector<16xf32>
        %mul3A_2015 = arith.mulf %mul3A_1951, %mul3A_1951 : vector<16xf32>
        %sub3A_2016 = arith.subf %mul3A_2014, %mul3A_2015 : vector<16xf32>
        %add3A_2017 = arith.constant 9.99999996E-13 : f32
        %add3A_2018 = vector.broadcast %add3A_2017 : f32 to vector<16xf32>
        %add3A_2019 = arith.addf %sub3A_2016, %add3A_2018 : vector<16xf32>
        %bitcast3A_2020 = vector.bitcast %add3A_2019 : vector<16xf32> to vector<16xi32>
        %shift_right_logical3A_2021 = arith.constant 1 : i32
        %shift_right_logical3A_2022 = vector.broadcast %shift_right_logical3A_2021 : i32 to vector<16xi32>
        %shift_right_logical3A_2023 = arith.shrui %bitcast3A_2020, %shift_right_logical3A_2022 : vector<16xi32>
        %sub3A_2024 = arith.constant 1597463007 : i32
        %sub3A_2025 = vector.broadcast %sub3A_2024 : i32 to vector<16xi32>
        %sub3A_2026 = arith.subi %sub3A_2025, %shift_right_logical3A_2023 : vector<16xi32>
        %bitcast3A_2027 = vector.bitcast %sub3A_2026 : vector<16xi32> to vector<16xf32>
        %mul3A_2028 = arith.constant 5.000000e-01 : f32
        %mul3A_2029 = vector.broadcast %mul3A_2028 : f32 to vector<16xf32>
        %mul3A_2030 = arith.mulf %mul3A_2029, %add3A_2019 : vector<16xf32>
        %mul3A_2031 = arith.mulf %mul3A_2030, %bitcast3A_2027 : vector<16xf32>
        %mul3A_2032 = arith.mulf %mul3A_2031, %bitcast3A_2027 : vector<16xf32>
        %sub3A_2033 = arith.constant 1.500000e+00 : f32
        %sub3A_2034 = vector.broadcast %sub3A_2033 : f32 to vector<16xf32>
        %sub3A_2035 = arith.subf %sub3A_2034, %mul3A_2032 : vector<16xf32>
        %mul3A_2036 = arith.mulf %bitcast3A_2027, %sub3A_2035 : vector<16xf32>
        %mul3A_2037 = arith.constant 5.000000e-01 : f32
        %mul3A_2038 = vector.broadcast %mul3A_2037 : f32 to vector<16xf32>
        %mul3A_2039 = arith.mulf %mul3A_2038, %add3A_2019 : vector<16xf32>
        %mul3A_2040 = arith.mulf %mul3A_2039, %mul3A_2036 : vector<16xf32>
        %mul3A_2041 = arith.mulf %mul3A_2040, %mul3A_2036 : vector<16xf32>
        %sub3A_2042 = arith.constant 1.500000e+00 : f32
        %sub3A_2043 = vector.broadcast %sub3A_2042 : f32 to vector<16xf32>
        %sub3A_2044 = arith.subf %sub3A_2043, %mul3A_2041 : vector<16xf32>
        %mul3A_2045 = arith.mulf %mul3A_2036, %sub3A_2044 : vector<16xf32>
        %sub3A_2046 = arith.subf %add3A_640, %mul3A_1951 : vector<16xf32>
        %mul3A_2047 = arith.mulf %mul3A_2045, %get3A_18 : vector<16xf32>
        %mul3A_2048 = arith.mulf %sub3A_2046, %mul3A_2047 : vector<16xf32>
        %add3A_2049 = arith.addf %mul3A_2048, %get3A_26 : vector<16xf32>
        %mul3A_2050 = arith.constant 64 : i32
        %mul3A_2051 = arith.muli %add3A_1878, %mul3A_2050 : i32
        %add3A_2052 = arith.constant 0 : i32
        %add3A_2053 = arith.addi %mul3A_2051, %add3A_2052 : i32
        %swap3A_2054 = arith.index_cast %add3A_2053 : i32 to index
        %swap3A_2055 = tpu.vector_load %arg22[%swap3A_2054] {strides = array<i32>} : memref<12800xf32, #tpu.memory_space<vmem>>, vector<16xf32>,
        tpu.vector_store %arg22[%swap3A_2054], %add3A_2049 {strides = array<i32>} : memref<12800xf32, #tpu.memory_space<vmem>>, vector<16xf32>,
        %sub3A_2056 = arith.subf %add3A_657, %mul3A_1951 : vector<16xf32>
        %mul3A_2057 = arith.mulf %mul3A_2045, %get3A_20 : vector<16xf32>
        %mul3A_2058 = arith.mulf %sub3A_2056, %mul3A_2057 : vector<16xf32>
        %add3A_2059 = arith.addf %mul3A_2058, %get3A_28 : vector<16xf32>
        %mul3A_2060 = arith.constant 64 : i32
        %mul3A_2061 = arith.muli %add3A_1878, %mul3A_2060 : i32
        %add3A_2062 = arith.constant 16 : i32
        %add3A_2063 = arith.addi %mul3A_2061, %add3A_2062 : i32
        %swap3A_2064 = arith.index_cast %add3A_2063 : i32 to index
        %swap3A_2065 = tpu.vector_load %arg22[%swap3A_2064] {strides = array<i32>} : memref<12800xf32, #tpu.memory_space<vmem>>, vector<16xf32>,
        tpu.vector_store %arg22[%swap3A_2064], %add3A_2059 {strides = array<i32>} : memref<12800xf32, #tpu.memory_space<vmem>>, vector<16xf32>,
        %sub3A_2066 = arith.subf %add3A_674, %mul3A_1951 : vector<16xf32>
        %mul3A_2067 = arith.mulf %mul3A_2045, %get3A_22 : vector<16xf32>
        %mul3A_2068 = arith.mulf %sub3A_2066, %mul3A_2067 : vector<16xf32>
        %add3A_2069 = arith.addf %mul3A_2068, %get3A_30 : vector<16xf32>
        %mul3A_2070 = arith.constant 64 : i32
        %mul3A_2071 = arith.muli %add3A_1878, %mul3A_2070 : i32
        %add3A_2072 = arith.constant 32 : i32
        %add3A_2073 = arith.addi %mul3A_2071, %add3A_2072 : i32
        %swap3A_2074 = arith.index_cast %add3A_2073 : i32 to index
        %swap3A_2075 = tpu.vector_load %arg22[%swap3A_2074] {strides = array<i32>} : memref<12800xf32, #tpu.memory_space<vmem>>, vector<16xf32>,
        tpu.vector_store %arg22[%swap3A_2074], %add3A_2069 {strides = array<i32>} : memref<12800xf32, #tpu.memory_space<vmem>>, vector<16xf32>,
        %sub3A_2076 = arith.subf %add3A_691, %mul3A_1951 : vector<16xf32>
        %mul3A_2077 = arith.mulf %mul3A_2045, %get3A_24 : vector<16xf32>
        %mul3A_2078 = arith.mulf %sub3A_2076, %mul3A_2077 : vector<16xf32>
        %add3A_2079 = arith.addf %mul3A_2078, %get3A_32 : vector<16xf32>
        %mul3A_2080 = arith.constant 64 : i32
        %mul3A_2081 = arith.muli %add3A_1878, %mul3A_2080 : i32
        %add3A_2082 = arith.constant 48 : i32
        %add3A_2083 = arith.addi %mul3A_2081, %add3A_2082 : i32
        %swap3A_2084 = arith.index_cast %add3A_2083 : i32 to index
        %swap3A_2085 = tpu.vector_load %arg22[%swap3A_2084] {strides = array<i32>} : memref<12800xf32, #tpu.memory_space<vmem>>, vector<16xf32>,
        tpu.vector_store %arg22[%swap3A_2084], %add3A_2079 {strides = array<i32>} : memref<12800xf32, #tpu.memory_space<vmem>>, vector<16xf32>,
        %add3A_2086 = arith.constant 6 : i32
        %add3A_2087 = arith.addi %mul3A_239, %add3A_2086 : i32
        %add3A_2088 = arith.addf %add3A_714, %add3A_731 : vector<16xf32>
        %add3A_2089 = arith.addf %add3A_748, %add3A_765 : vector<16xf32>
        %add3A_2090 = arith.addf %add3A_2088, %add3A_2089 : vector<16xf32>
        %mul3A_2091 = arith.mulf %add3A_714, %add3A_714 : vector<16xf32>
        %mul3A_2092 = arith.mulf %add3A_731, %add3A_731 : vector<16xf32>
        %add3A_2093 = arith.addf %mul3A_2091, %mul3A_2092 : vector<16xf32>
        %mul3A_2094 = arith.mulf %add3A_748, %add3A_748 : vector<16xf32>
        %mul3A_2095 = arith.mulf %add3A_765, %add3A_765 : vector<16xf32>
        %add3A_2096 = arith.addf %mul3A_2094, %mul3A_2095 : vector<16xf32>
        %add3A_2097 = arith.addf %add3A_2093, %add3A_2096 : vector<16xf32>
        %iota3A_2098 = tpu.iota {dimensions = array<i32: 0>} : vector<16xi32>
        %xor3A_2099 = arith.constant 8 : i32
        %xor3A_2100 = vector.broadcast %xor3A_2099 : i32 to vector<16xi32>
        %xor3A_2101 = arith.xori %iota3A_2098, %xor3A_2100 : vector<16xi32>
        %lt3A_2102 = arith.constant 0 : i32
        %lt3A_2103 = vector.broadcast %lt3A_2102 : i32 to vector<16xi32>
        %lt3A_2104 = arith.cmpi slt, %xor3A_2101, %lt3A_2103 : vector<16xi32>
        %add3A_2105 = arith.constant 16 : i32
        %add3A_2106 = vector.broadcast %add3A_2105 : i32 to vector<16xi32>
        %add3A_2107 = arith.addi %xor3A_2101, %add3A_2106 : vector<16xi32>
        %select_n3A_2108 = arith.select %lt3A_2104, %add3A_2107, %xor3A_2101 : vector<16xi1>, vector<16xi32>
        %broadcast_in_dim3A_2109 = vector.shape_cast %select_n3A_2108 : vector<16xi32> to vector<16x1xi32>
        %gather3A_2110 = vector.shape_cast %broadcast_in_dim3A_2109 : vector<16x1xi32> to vector<16xi32>
        %gather3A_2111 = tpu.dynamic_gather %add3A_2090[%gather3A_2110] in [0] : vector<16xf32>, vector<16xi32> -> vector<16xf32>
        %add3A_2112 = arith.addf %add3A_2090, %gather3A_2111 : vector<16xf32>
        %iota3A_2113 = tpu.iota {dimensions = array<i32: 0>} : vector<16xi32>
        %xor3A_2114 = arith.constant 4 : i32
        %xor3A_2115 = vector.broadcast %xor3A_2114 : i32 to vector<16xi32>
        %xor3A_2116 = arith.xori %iota3A_2113, %xor3A_2115 : vector<16xi32>
        %lt3A_2117 = arith.constant 0 : i32
        %lt3A_2118 = vector.broadcast %lt3A_2117 : i32 to vector<16xi32>
        %lt3A_2119 = arith.cmpi slt, %xor3A_2116, %lt3A_2118 : vector<16xi32>
        %add3A_2120 = arith.constant 16 : i32
        %add3A_2121 = vector.broadcast %add3A_2120 : i32 to vector<16xi32>
        %add3A_2122 = arith.addi %xor3A_2116, %add3A_2121 : vector<16xi32>
        %select_n3A_2123 = arith.select %lt3A_2119, %add3A_2122, %xor3A_2116 : vector<16xi1>, vector<16xi32>
        %broadcast_in_dim3A_2124 = vector.shape_cast %select_n3A_2123 : vector<16xi32> to vector<16x1xi32>
        %gather3A_2125 = vector.shape_cast %broadcast_in_dim3A_2124 : vector<16x1xi32> to vector<16xi32>
        %gather3A_2126 = tpu.dynamic_gather %add3A_2112[%gather3A_2125] in [0] : vector<16xf32>, vector<16xi32> -> vector<16xf32>
        %add3A_2127 = arith.addf %add3A_2112, %gather3A_2126 : vector<16xf32>
        %iota3A_2128 = tpu.iota {dimensions = array<i32: 0>} : vector<16xi32>
        %xor3A_2129 = arith.constant 2 : i32
        %xor3A_2130 = vector.broadcast %xor3A_2129 : i32 to vector<16xi32>
        %xor3A_2131 = arith.xori %iota3A_2128, %xor3A_2130 : vector<16xi32>
        %lt3A_2132 = arith.constant 0 : i32
        %lt3A_2133 = vector.broadcast %lt3A_2132 : i32 to vector<16xi32>
        %lt3A_2134 = arith.cmpi slt, %xor3A_2131, %lt3A_2133 : vector<16xi32>
        %add3A_2135 = arith.constant 16 : i32
        %add3A_2136 = vector.broadcast %add3A_2135 : i32 to vector<16xi32>
        %add3A_2137 = arith.addi %xor3A_2131, %add3A_2136 : vector<16xi32>
        %select_n3A_2138 = arith.select %lt3A_2134, %add3A_2137, %xor3A_2131 : vector<16xi1>, vector<16xi32>
        %broadcast_in_dim3A_2139 = vector.shape_cast %select_n3A_2138 : vector<16xi32> to vector<16x1xi32>
        %gather3A_2140 = vector.shape_cast %broadcast_in_dim3A_2139 : vector<16x1xi32> to vector<16xi32>
        %gather3A_2141 = tpu.dynamic_gather %add3A_2127[%gather3A_2140] in [0] : vector<16xf32>, vector<16xi32> -> vector<16xf32>
        %add3A_2142 = arith.addf %add3A_2127, %gather3A_2141 : vector<16xf32>
        %iota3A_2143 = tpu.iota {dimensions = array<i32: 0>} : vector<16xi32>
        %xor3A_2144 = arith.constant 1 : i32
        %xor3A_2145 = vector.broadcast %xor3A_2144 : i32 to vector<16xi32>
        %xor3A_2146 = arith.xori %iota3A_2143, %xor3A_2145 : vector<16xi32>
        %lt3A_2147 = arith.constant 0 : i32
        %lt3A_2148 = vector.broadcast %lt3A_2147 : i32 to vector<16xi32>
        %lt3A_2149 = arith.cmpi slt, %xor3A_2146, %lt3A_2148 : vector<16xi32>
        %add3A_2150 = arith.constant 16 : i32
        %add3A_2151 = vector.broadcast %add3A_2150 : i32 to vector<16xi32>
        %add3A_2152 = arith.addi %xor3A_2146, %add3A_2151 : vector<16xi32>
        %select_n3A_2153 = arith.select %lt3A_2149, %add3A_2152, %xor3A_2146 : vector<16xi1>, vector<16xi32>
        %broadcast_in_dim3A_2154 = vector.shape_cast %select_n3A_2153 : vector<16xi32> to vector<16x1xi32>
        %gather3A_2155 = vector.shape_cast %broadcast_in_dim3A_2154 : vector<16x1xi32> to vector<16xi32>
        %gather3A_2156 = tpu.dynamic_gather %add3A_2142[%gather3A_2155] in [0] : vector<16xf32>, vector<16xi32> -> vector<16xf32>
        %add3A_2157 = arith.addf %add3A_2142, %gather3A_2156 : vector<16xf32>
        %mul3A_2158 = arith.constant 1.562500e-02 : f32
        %mul3A_2159 = vector.broadcast %mul3A_2158 : f32 to vector<16xf32>
        %mul3A_2160 = arith.mulf %add3A_2157, %mul3A_2159 : vector<16xf32>
        %iota3A_2161 = tpu.iota {dimensions = array<i32: 0>} : vector<16xi32>
        %xor3A_2162 = arith.constant 8 : i32
        %xor3A_2163 = vector.broadcast %xor3A_2162 : i32 to vector<16xi32>
        %xor3A_2164 = arith.xori %iota3A_2161, %xor3A_2163 : vector<16xi32>
        %lt3A_2165 = arith.constant 0 : i32
        %lt3A_2166 = vector.broadcast %lt3A_2165 : i32 to vector<16xi32>
        %lt3A_2167 = arith.cmpi slt, %xor3A_2164, %lt3A_2166 : vector<16xi32>
        %add3A_2168 = arith.constant 16 : i32
        %add3A_2169 = vector.broadcast %add3A_2168 : i32 to vector<16xi32>
        %add3A_2170 = arith.addi %xor3A_2164, %add3A_2169 : vector<16xi32>
        %select_n3A_2171 = arith.select %lt3A_2167, %add3A_2170, %xor3A_2164 : vector<16xi1>, vector<16xi32>
        %broadcast_in_dim3A_2172 = vector.shape_cast %select_n3A_2171 : vector<16xi32> to vector<16x1xi32>
        %gather3A_2173 = vector.shape_cast %broadcast_in_dim3A_2172 : vector<16x1xi32> to vector<16xi32>
        %gather3A_2174 = tpu.dynamic_gather %add3A_2097[%gather3A_2173] in [0] : vector<16xf32>, vector<16xi32> -> vector<16xf32>
        %add3A_2175 = arith.addf %add3A_2097, %gather3A_2174 : vector<16xf32>
        %iota3A_2176 = tpu.iota {dimensions = array<i32: 0>} : vector<16xi32>
        %xor3A_2177 = arith.constant 4 : i32
        %xor3A_2178 = vector.broadcast %xor3A_2177 : i32 to vector<16xi32>
        %xor3A_2179 = arith.xori %iota3A_2176, %xor3A_2178 : vector<16xi32>
        %lt3A_2180 = arith.constant 0 : i32
        %lt3A_2181 = vector.broadcast %lt3A_2180 : i32 to vector<16xi32>
        %lt3A_2182 = arith.cmpi slt, %xor3A_2179, %lt3A_2181 : vector<16xi32>
        %add3A_2183 = arith.constant 16 : i32
        %add3A_2184 = vector.broadcast %add3A_2183 : i32 to vector<16xi32>
        %add3A_2185 = arith.addi %xor3A_2179, %add3A_2184 : vector<16xi32>
        %select_n3A_2186 = arith.select %lt3A_2182, %add3A_2185, %xor3A_2179 : vector<16xi1>, vector<16xi32>
        %broadcast_in_dim3A_2187 = vector.shape_cast %select_n3A_2186 : vector<16xi32> to vector<16x1xi32>
        %gather3A_2188 = vector.shape_cast %broadcast_in_dim3A_2187 : vector<16x1xi32> to vector<16xi32>
        %gather3A_2189 = tpu.dynamic_gather %add3A_2175[%gather3A_2188] in [0] : vector<16xf32>, vector<16xi32> -> vector<16xf32>
        %add3A_2190 = arith.addf %add3A_2175, %gather3A_2189 : vector<16xf32>
        %iota3A_2191 = tpu.iota {dimensions = array<i32: 0>} : vector<16xi32>
        %xor3A_2192 = arith.constant 2 : i32
        %xor3A_2193 = vector.broadcast %xor3A_2192 : i32 to vector<16xi32>
        %xor3A_2194 = arith.xori %iota3A_2191, %xor3A_2193 : vector<16xi32>
        %lt3A_2195 = arith.constant 0 : i32
        %lt3A_2196 = vector.broadcast %lt3A_2195 : i32 to vector<16xi32>
        %lt3A_2197 = arith.cmpi slt, %xor3A_2194, %lt3A_2196 : vector<16xi32>
        %add3A_2198 = arith.constant 16 : i32
        %add3A_2199 = vector.broadcast %add3A_2198 : i32 to vector<16xi32>
        %add3A_2200 = arith.addi %xor3A_2194, %add3A_2199 : vector<16xi32>
        %select_n3A_2201 = arith.select %lt3A_2197, %add3A_2200, %xor3A_2194 : vector<16xi1>, vector<16xi32>
        %broadcast_in_dim3A_2202 = vector.shape_cast %select_n3A_2201 : vector<16xi32> to vector<16x1xi32>
        %gather3A_2203 = vector.shape_cast %broadcast_in_dim3A_2202 : vector<16x1xi32> to vector<16xi32>
        %gather3A_2204 = tpu.dynamic_gather %add3A_2190[%gather3A_2203] in [0] : vector<16xf32>, vector<16xi32> -> vector<16xf32>
        %add3A_2205 = arith.addf %add3A_2190, %gather3A_2204 : vector<16xf32>
        %iota3A_2206 = tpu.iota {dimensions = array<i32: 0>} : vector<16xi32>
        %xor3A_2207 = arith.constant 1 : i32
        %xor3A_2208 = vector.broadcast %xor3A_2207 : i32 to vector<16xi32>
        %xor3A_2209 = arith.xori %iota3A_2206, %xor3A_2208 : vector<16xi32>
        %lt3A_2210 = arith.constant 0 : i32
        %lt3A_2211 = vector.broadcast %lt3A_2210 : i32 to vector<16xi32>
        %lt3A_2212 = arith.cmpi slt, %xor3A_2209, %lt3A_2211 : vector<16xi32>
        %add3A_2213 = arith.constant 16 : i32
        %add3A_2214 = vector.broadcast %add3A_2213 : i32 to vector<16xi32>
        %add3A_2215 = arith.addi %xor3A_2209, %add3A_2214 : vector<16xi32>
        %select_n3A_2216 = arith.select %lt3A_2212, %add3A_2215, %xor3A_2209 : vector<16xi1>, vector<16xi32>
        %broadcast_in_dim3A_2217 = vector.shape_cast %select_n3A_2216 : vector<16xi32> to vector<16x1xi32>
        %gather3A_2218 = vector.shape_cast %broadcast_in_dim3A_2217 : vector<16x1xi32> to vector<16xi32>
        %gather3A_2219 = tpu.dynamic_gather %add3A_2205[%gather3A_2218] in [0] : vector<16xf32>, vector<16xi32> -> vector<16xf32>
        %add3A_2220 = arith.addf %add3A_2205, %gather3A_2219 : vector<16xf32>
        %mul3A_2221 = arith.constant 1.562500e-02 : f32
        %mul3A_2222 = vector.broadcast %mul3A_2221 : f32 to vector<16xf32>
        %mul3A_2223 = arith.mulf %add3A_2220, %mul3A_2222 : vector<16xf32>
        %mul3A_2224 = arith.mulf %mul3A_2160, %mul3A_2160 : vector<16xf32>
        %sub3A_2225 = arith.subf %mul3A_2223, %mul3A_2224 : vector<16xf32>
        %add3A_2226 = arith.constant 9.99999996E-13 : f32
        %add3A_2227 = vector.broadcast %add3A_2226 : f32 to vector<16xf32>
        %add3A_2228 = arith.addf %sub3A_2225, %add3A_2227 : vector<16xf32>
        %bitcast3A_2229 = vector.bitcast %add3A_2228 : vector<16xf32> to vector<16xi32>
        %shift_right_logical3A_2230 = arith.constant 1 : i32
        %shift_right_logical3A_2231 = vector.broadcast %shift_right_logical3A_2230 : i32 to vector<16xi32>
        %shift_right_logical3A_2232 = arith.shrui %bitcast3A_2229, %shift_right_logical3A_2231 : vector<16xi32>
        %sub3A_2233 = arith.constant 1597463007 : i32
        %sub3A_2234 = vector.broadcast %sub3A_2233 : i32 to vector<16xi32>
        %sub3A_2235 = arith.subi %sub3A_2234, %shift_right_logical3A_2232 : vector<16xi32>
        %bitcast3A_2236 = vector.bitcast %sub3A_2235 : vector<16xi32> to vector<16xf32>
        %mul3A_2237 = arith.constant 5.000000e-01 : f32
        %mul3A_2238 = vector.broadcast %mul3A_2237 : f32 to vector<16xf32>
        %mul3A_2239 = arith.mulf %mul3A_2238, %add3A_2228 : vector<16xf32>
        %mul3A_2240 = arith.mulf %mul3A_2239, %bitcast3A_2236 : vector<16xf32>
        %mul3A_2241 = arith.mulf %mul3A_2240, %bitcast3A_2236 : vector<16xf32>
        %sub3A_2242 = arith.constant 1.500000e+00 : f32
        %sub3A_2243 = vector.broadcast %sub3A_2242 : f32 to vector<16xf32>
        %sub3A_2244 = arith.subf %sub3A_2243, %mul3A_2241 : vector<16xf32>
        %mul3A_2245 = arith.mulf %bitcast3A_2236, %sub3A_2244 : vector<16xf32>
        %mul3A_2246 = arith.constant 5.000000e-01 : f32
        %mul3A_2247 = vector.broadcast %mul3A_2246 : f32 to vector<16xf32>
        %mul3A_2248 = arith.mulf %mul3A_2247, %add3A_2228 : vector<16xf32>
        %mul3A_2249 = arith.mulf %mul3A_2248, %mul3A_2245 : vector<16xf32>
        %mul3A_2250 = arith.mulf %mul3A_2249, %mul3A_2245 : vector<16xf32>
        %sub3A_2251 = arith.constant 1.500000e+00 : f32
        %sub3A_2252 = vector.broadcast %sub3A_2251 : f32 to vector<16xf32>
        %sub3A_2253 = arith.subf %sub3A_2252, %mul3A_2250 : vector<16xf32>
        %mul3A_2254 = arith.mulf %mul3A_2245, %sub3A_2253 : vector<16xf32>
        %sub3A_2255 = arith.subf %add3A_714, %mul3A_2160 : vector<16xf32>
        %mul3A_2256 = arith.mulf %mul3A_2254, %get3A_18 : vector<16xf32>
        %mul3A_2257 = arith.mulf %sub3A_2255, %mul3A_2256 : vector<16xf32>
        %add3A_2258 = arith.addf %mul3A_2257, %get3A_26 : vector<16xf32>
        %mul3A_2259 = arith.constant 64 : i32
        %mul3A_2260 = arith.muli %add3A_2087, %mul3A_2259 : i32
        %add3A_2261 = arith.constant 0 : i32
        %add3A_2262 = arith.addi %mul3A_2260, %add3A_2261 : i32
        %swap3A_2263 = arith.index_cast %add3A_2262 : i32 to index
        %swap3A_2264 = tpu.vector_load %arg22[%swap3A_2263] {strides = array<i32>} : memref<12800xf32, #tpu.memory_space<vmem>>, vector<16xf32>,
        tpu.vector_store %arg22[%swap3A_2263], %add3A_2258 {strides = array<i32>} : memref<12800xf32, #tpu.memory_space<vmem>>, vector<16xf32>,
        %sub3A_2265 = arith.subf %add3A_731, %mul3A_2160 : vector<16xf32>
        %mul3A_2266 = arith.mulf %mul3A_2254, %get3A_20 : vector<16xf32>
        %mul3A_2267 = arith.mulf %sub3A_2265, %mul3A_2266 : vector<16xf32>
        %add3A_2268 = arith.addf %mul3A_2267, %get3A_28 : vector<16xf32>
        %mul3A_2269 = arith.constant 64 : i32
        %mul3A_2270 = arith.muli %add3A_2087, %mul3A_2269 : i32
        %add3A_2271 = arith.constant 16 : i32
        %add3A_2272 = arith.addi %mul3A_2270, %add3A_2271 : i32
        %swap3A_2273 = arith.index_cast %add3A_2272 : i32 to index
        %swap3A_2274 = tpu.vector_load %arg22[%swap3A_2273] {strides = array<i32>} : memref<12800xf32, #tpu.memory_space<vmem>>, vector<16xf32>,
        tpu.vector_store %arg22[%swap3A_2273], %add3A_2268 {strides = array<i32>} : memref<12800xf32, #tpu.memory_space<vmem>>, vector<16xf32>,
        %sub3A_2275 = arith.subf %add3A_748, %mul3A_2160 : vector<16xf32>
        %mul3A_2276 = arith.mulf %mul3A_2254, %get3A_22 : vector<16xf32>
        %mul3A_2277 = arith.mulf %sub3A_2275, %mul3A_2276 : vector<16xf32>
        %add3A_2278 = arith.addf %mul3A_2277, %get3A_30 : vector<16xf32>
        %mul3A_2279 = arith.constant 64 : i32
        %mul3A_2280 = arith.muli %add3A_2087, %mul3A_2279 : i32
        %add3A_2281 = arith.constant 32 : i32
        %add3A_2282 = arith.addi %mul3A_2280, %add3A_2281 : i32
        %swap3A_2283 = arith.index_cast %add3A_2282 : i32 to index
        %swap3A_2284 = tpu.vector_load %arg22[%swap3A_2283] {strides = array<i32>} : memref<12800xf32, #tpu.memory_space<vmem>>, vector<16xf32>,
        tpu.vector_store %arg22[%swap3A_2283], %add3A_2278 {strides = array<i32>} : memref<12800xf32, #tpu.memory_space<vmem>>, vector<16xf32>,
        %sub3A_2285 = arith.subf %add3A_765, %mul3A_2160 : vector<16xf32>
        %mul3A_2286 = arith.mulf %mul3A_2254, %get3A_24 : vector<16xf32>
        %mul3A_2287 = arith.mulf %sub3A_2285, %mul3A_2286 : vector<16xf32>
        %add3A_2288 = arith.addf %mul3A_2287, %get3A_32 : vector<16xf32>
        %mul3A_2289 = arith.constant 64 : i32
        %mul3A_2290 = arith.muli %add3A_2087, %mul3A_2289 : i32
        %add3A_2291 = arith.constant 48 : i32
        %add3A_2292 = arith.addi %mul3A_2290, %add3A_2291 : i32
        %swap3A_2293 = arith.index_cast %add3A_2292 : i32 to index
        %swap3A_2294 = tpu.vector_load %arg22[%swap3A_2293] {strides = array<i32>} : memref<12800xf32, #tpu.memory_space<vmem>>, vector<16xf32>,
        tpu.vector_store %arg22[%swap3A_2293], %add3A_2288 {strides = array<i32>} : memref<12800xf32, #tpu.memory_space<vmem>>, vector<16xf32>,
        %add3A_2295 = arith.constant 7 : i32
        %add3A_2296 = arith.addi %mul3A_239, %add3A_2295 : i32
        %add3A_2297 = arith.addf %add3A_788, %add3A_805 : vector<16xf32>
        %add3A_2298 = arith.addf %add3A_822, %add3A_839 : vector<16xf32>
        %add3A_2299 = arith.addf %add3A_2297, %add3A_2298 : vector<16xf32>
        %mul3A_2300 = arith.mulf %add3A_788, %add3A_788 : vector<16xf32>
        %mul3A_2301 = arith.mulf %add3A_805, %add3A_805 : vector<16xf32>
        %add3A_2302 = arith.addf %mul3A_2300, %mul3A_2301 : vector<16xf32>
        %mul3A_2303 = arith.mulf %add3A_822, %add3A_822 : vector<16xf32>
        %mul3A_2304 = arith.mulf %add3A_839, %add3A_839 : vector<16xf32>
        %add3A_2305 = arith.addf %mul3A_2303, %mul3A_2304 : vector<16xf32>
        %add3A_2306 = arith.addf %add3A_2302, %add3A_2305 : vector<16xf32>
        %iota3A_2307 = tpu.iota {dimensions = array<i32: 0>} : vector<16xi32>
        %xor3A_2308 = arith.constant 8 : i32
        %xor3A_2309 = vector.broadcast %xor3A_2308 : i32 to vector<16xi32>
        %xor3A_2310 = arith.xori %iota3A_2307, %xor3A_2309 : vector<16xi32>
        %lt3A_2311 = arith.constant 0 : i32
        %lt3A_2312 = vector.broadcast %lt3A_2311 : i32 to vector<16xi32>
        %lt3A_2313 = arith.cmpi slt, %xor3A_2310, %lt3A_2312 : vector<16xi32>
        %add3A_2314 = arith.constant 16 : i32
        %add3A_2315 = vector.broadcast %add3A_2314 : i32 to vector<16xi32>
        %add3A_2316 = arith.addi %xor3A_2310, %add3A_2315 : vector<16xi32>
        %select_n3A_2317 = arith.select %lt3A_2313, %add3A_2316, %xor3A_2310 : vector<16xi1>, vector<16xi32>
        %broadcast_in_dim3A_2318 = vector.shape_cast %select_n3A_2317 : vector<16xi32> to vector<16x1xi32>
        %gather3A_2319 = vector.shape_cast %broadcast_in_dim3A_2318 : vector<16x1xi32> to vector<16xi32>
        %gather3A_2320 = tpu.dynamic_gather %add3A_2299[%gather3A_2319] in [0] : vector<16xf32>, vector<16xi32> -> vector<16xf32>
        %add3A_2321 = arith.addf %add3A_2299, %gather3A_2320 : vector<16xf32>
        %iota3A_2322 = tpu.iota {dimensions = array<i32: 0>} : vector<16xi32>
        %xor3A_2323 = arith.constant 4 : i32
        %xor3A_2324 = vector.broadcast %xor3A_2323 : i32 to vector<16xi32>
        %xor3A_2325 = arith.xori %iota3A_2322, %xor3A_2324 : vector<16xi32>
        %lt3A_2326 = arith.constant 0 : i32
        %lt3A_2327 = vector.broadcast %lt3A_2326 : i32 to vector<16xi32>
        %lt3A_2328 = arith.cmpi slt, %xor3A_2325, %lt3A_2327 : vector<16xi32>
        %add3A_2329 = arith.constant 16 : i32
        %add3A_2330 = vector.broadcast %add3A_2329 : i32 to vector<16xi32>
        %add3A_2331 = arith.addi %xor3A_2325, %add3A_2330 : vector<16xi32>
        %select_n3A_2332 = arith.select %lt3A_2328, %add3A_2331, %xor3A_2325 : vector<16xi1>, vector<16xi32>
        %broadcast_in_dim3A_2333 = vector.shape_cast %select_n3A_2332 : vector<16xi32> to vector<16x1xi32>
        %gather3A_2334 = vector.shape_cast %broadcast_in_dim3A_2333 : vector<16x1xi32> to vector<16xi32>
        %gather3A_2335 = tpu.dynamic_gather %add3A_2321[%gather3A_2334] in [0] : vector<16xf32>, vector<16xi32> -> vector<16xf32>
        %add3A_2336 = arith.addf %add3A_2321, %gather3A_2335 : vector<16xf32>
        %iota3A_2337 = tpu.iota {dimensions = array<i32: 0>} : vector<16xi32>
        %xor3A_2338 = arith.constant 2 : i32
        %xor3A_2339 = vector.broadcast %xor3A_2338 : i32 to vector<16xi32>
        %xor3A_2340 = arith.xori %iota3A_2337, %xor3A_2339 : vector<16xi32>
        %lt3A_2341 = arith.constant 0 : i32
        %lt3A_2342 = vector.broadcast %lt3A_2341 : i32 to vector<16xi32>
        %lt3A_2343 = arith.cmpi slt, %xor3A_2340, %lt3A_2342 : vector<16xi32>
        %add3A_2344 = arith.constant 16 : i32
        %add3A_2345 = vector.broadcast %add3A_2344 : i32 to vector<16xi32>
        %add3A_2346 = arith.addi %xor3A_2340, %add3A_2345 : vector<16xi32>
        %select_n3A_2347 = arith.select %lt3A_2343, %add3A_2346, %xor3A_2340 : vector<16xi1>, vector<16xi32>
        %broadcast_in_dim3A_2348 = vector.shape_cast %select_n3A_2347 : vector<16xi32> to vector<16x1xi32>
        %gather3A_2349 = vector.shape_cast %broadcast_in_dim3A_2348 : vector<16x1xi32> to vector<16xi32>
        %gather3A_2350 = tpu.dynamic_gather %add3A_2336[%gather3A_2349] in [0] : vector<16xf32>, vector<16xi32> -> vector<16xf32>
        %add3A_2351 = arith.addf %add3A_2336, %gather3A_2350 : vector<16xf32>
        %iota3A_2352 = tpu.iota {dimensions = array<i32: 0>} : vector<16xi32>
        %xor3A_2353 = arith.constant 1 : i32
        %xor3A_2354 = vector.broadcast %xor3A_2353 : i32 to vector<16xi32>
        %xor3A_2355 = arith.xori %iota3A_2352, %xor3A_2354 : vector<16xi32>
        %lt3A_2356 = arith.constant 0 : i32
        %lt3A_2357 = vector.broadcast %lt3A_2356 : i32 to vector<16xi32>
        %lt3A_2358 = arith.cmpi slt, %xor3A_2355, %lt3A_2357 : vector<16xi32>
        %add3A_2359 = arith.constant 16 : i32
        %add3A_2360 = vector.broadcast %add3A_2359 : i32 to vector<16xi32>
        %add3A_2361 = arith.addi %xor3A_2355, %add3A_2360 : vector<16xi32>
        %select_n3A_2362 = arith.select %lt3A_2358, %add3A_2361, %xor3A_2355 : vector<16xi1>, vector<16xi32>
        %broadcast_in_dim3A_2363 = vector.shape_cast %select_n3A_2362 : vector<16xi32> to vector<16x1xi32>
        %gather3A_2364 = vector.shape_cast %broadcast_in_dim3A_2363 : vector<16x1xi32> to vector<16xi32>
        %gather3A_2365 = tpu.dynamic_gather %add3A_2351[%gather3A_2364] in [0] : vector<16xf32>, vector<16xi32> -> vector<16xf32>
        %add3A_2366 = arith.addf %add3A_2351, %gather3A_2365 : vector<16xf32>
        %mul3A_2367 = arith.constant 1.562500e-02 : f32
        %mul3A_2368 = vector.broadcast %mul3A_2367 : f32 to vector<16xf32>
        %mul3A_2369 = arith.mulf %add3A_2366, %mul3A_2368 : vector<16xf32>
        %iota3A_2370 = tpu.iota {dimensions = array<i32: 0>} : vector<16xi32>
        %xor3A_2371 = arith.constant 8 : i32
        %xor3A_2372 = vector.broadcast %xor3A_2371 : i32 to vector<16xi32>
        %xor3A_2373 = arith.xori %iota3A_2370, %xor3A_2372 : vector<16xi32>
        %lt3A_2374 = arith.constant 0 : i32
        %lt3A_2375 = vector.broadcast %lt3A_2374 : i32 to vector<16xi32>
        %lt3A_2376 = arith.cmpi slt, %xor3A_2373, %lt3A_2375 : vector<16xi32>
        %add3A_2377 = arith.constant 16 : i32
        %add3A_2378 = vector.broadcast %add3A_2377 : i32 to vector<16xi32>
        %add3A_2379 = arith.addi %xor3A_2373, %add3A_2378 : vector<16xi32>
        %select_n3A_2380 = arith.select %lt3A_2376, %add3A_2379, %xor3A_2373 : vector<16xi1>, vector<16xi32>
        %broadcast_in_dim3A_2381 = vector.shape_cast %select_n3A_2380 : vector<16xi32> to vector<16x1xi32>
        %gather3A_2382 = vector.shape_cast %broadcast_in_dim3A_2381 : vector<16x1xi32> to vector<16xi32>
        %gather3A_2383 = tpu.dynamic_gather %add3A_2306[%gather3A_2382] in [0] : vector<16xf32>, vector<16xi32> -> vector<16xf32>
        %add3A_2384 = arith.addf %add3A_2306, %gather3A_2383 : vector<16xf32>
        %iota3A_2385 = tpu.iota {dimensions = array<i32: 0>} : vector<16xi32>
        %xor3A_2386 = arith.constant 4 : i32
        %xor3A_2387 = vector.broadcast %xor3A_2386 : i32 to vector<16xi32>
        %xor3A_2388 = arith.xori %iota3A_2385, %xor3A_2387 : vector<16xi32>
        %lt3A_2389 = arith.constant 0 : i32
        %lt3A_2390 = vector.broadcast %lt3A_2389 : i32 to vector<16xi32>
        %lt3A_2391 = arith.cmpi slt, %xor3A_2388, %lt3A_2390 : vector<16xi32>
        %add3A_2392 = arith.constant 16 : i32
        %add3A_2393 = vector.broadcast %add3A_2392 : i32 to vector<16xi32>
        %add3A_2394 = arith.addi %xor3A_2388, %add3A_2393 : vector<16xi32>
        %select_n3A_2395 = arith.select %lt3A_2391, %add3A_2394, %xor3A_2388 : vector<16xi1>, vector<16xi32>
        %broadcast_in_dim3A_2396 = vector.shape_cast %select_n3A_2395 : vector<16xi32> to vector<16x1xi32>
        %gather3A_2397 = vector.shape_cast %broadcast_in_dim3A_2396 : vector<16x1xi32> to vector<16xi32>
        %gather3A_2398 = tpu.dynamic_gather %add3A_2384[%gather3A_2397] in [0] : vector<16xf32>, vector<16xi32> -> vector<16xf32>
        %add3A_2399 = arith.addf %add3A_2384, %gather3A_2398 : vector<16xf32>
        %iota3A_2400 = tpu.iota {dimensions = array<i32: 0>} : vector<16xi32>
        %xor3A_2401 = arith.constant 2 : i32
        %xor3A_2402 = vector.broadcast %xor3A_2401 : i32 to vector<16xi32>
        %xor3A_2403 = arith.xori %iota3A_2400, %xor3A_2402 : vector<16xi32>
        %lt3A_2404 = arith.constant 0 : i32
        %lt3A_2405 = vector.broadcast %lt3A_2404 : i32 to vector<16xi32>
        %lt3A_2406 = arith.cmpi slt, %xor3A_2403, %lt3A_2405 : vector<16xi32>
        %add3A_2407 = arith.constant 16 : i32
        %add3A_2408 = vector.broadcast %add3A_2407 : i32 to vector<16xi32>
        %add3A_2409 = arith.addi %xor3A_2403, %add3A_2408 : vector<16xi32>
        %select_n3A_2410 = arith.select %lt3A_2406, %add3A_2409, %xor3A_2403 : vector<16xi1>, vector<16xi32>
        %broadcast_in_dim3A_2411 = vector.shape_cast %select_n3A_2410 : vector<16xi32> to vector<16x1xi32>
        %gather3A_2412 = vector.shape_cast %broadcast_in_dim3A_2411 : vector<16x1xi32> to vector<16xi32>
        %gather3A_2413 = tpu.dynamic_gather %add3A_2399[%gather3A_2412] in [0] : vector<16xf32>, vector<16xi32> -> vector<16xf32>
        %add3A_2414 = arith.addf %add3A_2399, %gather3A_2413 : vector<16xf32>
        %iota3A_2415 = tpu.iota {dimensions = array<i32: 0>} : vector<16xi32>
        %xor3A_2416 = arith.constant 1 : i32
        %xor3A_2417 = vector.broadcast %xor3A_2416 : i32 to vector<16xi32>
        %xor3A_2418 = arith.xori %iota3A_2415, %xor3A_2417 : vector<16xi32>
        %lt3A_2419 = arith.constant 0 : i32
        %lt3A_2420 = vector.broadcast %lt3A_2419 : i32 to vector<16xi32>
        %lt3A_2421 = arith.cmpi slt, %xor3A_2418, %lt3A_2420 : vector<16xi32>
        %add3A_2422 = arith.constant 16 : i32
        %add3A_2423 = vector.broadcast %add3A_2422 : i32 to vector<16xi32>
        %add3A_2424 = arith.addi %xor3A_2418, %add3A_2423 : vector<16xi32>
        %select_n3A_2425 = arith.select %lt3A_2421, %add3A_2424, %xor3A_2418 : vector<16xi1>, vector<16xi32>
        %broadcast_in_dim3A_2426 = vector.shape_cast %select_n3A_2425 : vector<16xi32> to vector<16x1xi32>
        %gather3A_2427 = vector.shape_cast %broadcast_in_dim3A_2426 : vector<16x1xi32> to vector<16xi32>
        %gather3A_2428 = tpu.dynamic_gather %add3A_2414[%gather3A_2427] in [0] : vector<16xf32>, vector<16xi32> -> vector<16xf32>
        %add3A_2429 = arith.addf %add3A_2414, %gather3A_2428 : vector<16xf32>
        %mul3A_2430 = arith.constant 1.562500e-02 : f32
        %mul3A_2431 = vector.broadcast %mul3A_2430 : f32 to vector<16xf32>
        %mul3A_2432 = arith.mulf %add3A_2429, %mul3A_2431 : vector<16xf32>
        %mul3A_2433 = arith.mulf %mul3A_2369, %mul3A_2369 : vector<16xf32>
        %sub3A_2434 = arith.subf %mul3A_2432, %mul3A_2433 : vector<16xf32>
        %add3A_2435 = arith.constant 9.99999996E-13 : f32
        %add3A_2436 = vector.broadcast %add3A_2435 : f32 to vector<16xf32>
        %add3A_2437 = arith.addf %sub3A_2434, %add3A_2436 : vector<16xf32>
        %bitcast3A_2438 = vector.bitcast %add3A_2437 : vector<16xf32> to vector<16xi32>
        %shift_right_logical3A_2439 = arith.constant 1 : i32
        %shift_right_logical3A_2440 = vector.broadcast %shift_right_logical3A_2439 : i32 to vector<16xi32>
        %shift_right_logical3A_2441 = arith.shrui %bitcast3A_2438, %shift_right_logical3A_2440 : vector<16xi32>
        %sub3A_2442 = arith.constant 1597463007 : i32
        %sub3A_2443 = vector.broadcast %sub3A_2442 : i32 to vector<16xi32>
        %sub3A_2444 = arith.subi %sub3A_2443, %shift_right_logical3A_2441 : vector<16xi32>
        %bitcast3A_2445 = vector.bitcast %sub3A_2444 : vector<16xi32> to vector<16xf32>
        %mul3A_2446 = arith.constant 5.000000e-01 : f32
        %mul3A_2447 = vector.broadcast %mul3A_2446 : f32 to vector<16xf32>
        %mul3A_2448 = arith.mulf %mul3A_2447, %add3A_2437 : vector<16xf32>
        %mul3A_2449 = arith.mulf %mul3A_2448, %bitcast3A_2445 : vector<16xf32>
        %mul3A_2450 = arith.mulf %mul3A_2449, %bitcast3A_2445 : vector<16xf32>
        %sub3A_2451 = arith.constant 1.500000e+00 : f32
        %sub3A_2452 = vector.broadcast %sub3A_2451 : f32 to vector<16xf32>
        %sub3A_2453 = arith.subf %sub3A_2452, %mul3A_2450 : vector<16xf32>
        %mul3A_2454 = arith.mulf %bitcast3A_2445, %sub3A_2453 : vector<16xf32>
        %mul3A_2455 = arith.constant 5.000000e-01 : f32
        %mul3A_2456 = vector.broadcast %mul3A_2455 : f32 to vector<16xf32>
        %mul3A_2457 = arith.mulf %mul3A_2456, %add3A_2437 : vector<16xf32>
        %mul3A_2458 = arith.mulf %mul3A_2457, %mul3A_2454 : vector<16xf32>
        %mul3A_2459 = arith.mulf %mul3A_2458, %mul3A_2454 : vector<16xf32>
        %sub3A_2460 = arith.constant 1.500000e+00 : f32
        %sub3A_2461 = vector.broadcast %sub3A_2460 : f32 to vector<16xf32>
        %sub3A_2462 = arith.subf %sub3A_2461, %mul3A_2459 : vector<16xf32>
        %mul3A_2463 = arith.mulf %mul3A_2454, %sub3A_2462 : vector<16xf32>
        %sub3A_2464 = arith.subf %add3A_788, %mul3A_2369 : vector<16xf32>
        %mul3A_2465 = arith.mulf %mul3A_2463, %get3A_18 : vector<16xf32>
        %mul3A_2466 = arith.mulf %sub3A_2464, %mul3A_2465 : vector<16xf32>
        %add3A_2467 = arith.addf %mul3A_2466, %get3A_26 : vector<16xf32>
        %mul3A_2468 = arith.constant 64 : i32
        %mul3A_2469 = arith.muli %add3A_2296, %mul3A_2468 : i32
        %add3A_2470 = arith.constant 0 : i32
        %add3A_2471 = arith.addi %mul3A_2469, %add3A_2470 : i32
        %swap3A_2472 = arith.index_cast %add3A_2471 : i32 to index
        %swap3A_2473 = tpu.vector_load %arg22[%swap3A_2472] {strides = array<i32>} : memref<12800xf32, #tpu.memory_space<vmem>>, vector<16xf32>,
        tpu.vector_store %arg22[%swap3A_2472], %add3A_2467 {strides = array<i32>} : memref<12800xf32, #tpu.memory_space<vmem>>, vector<16xf32>,
        %sub3A_2474 = arith.subf %add3A_805, %mul3A_2369 : vector<16xf32>
        %mul3A_2475 = arith.mulf %mul3A_2463, %get3A_20 : vector<16xf32>
        %mul3A_2476 = arith.mulf %sub3A_2474, %mul3A_2475 : vector<16xf32>
        %add3A_2477 = arith.addf %mul3A_2476, %get3A_28 : vector<16xf32>
        %mul3A_2478 = arith.constant 64 : i32
        %mul3A_2479 = arith.muli %add3A_2296, %mul3A_2478 : i32
        %add3A_2480 = arith.constant 16 : i32
        %add3A_2481 = arith.addi %mul3A_2479, %add3A_2480 : i32
        %swap3A_2482 = arith.index_cast %add3A_2481 : i32 to index
        %swap3A_2483 = tpu.vector_load %arg22[%swap3A_2482] {strides = array<i32>} : memref<12800xf32, #tpu.memory_space<vmem>>, vector<16xf32>,
        tpu.vector_store %arg22[%swap3A_2482], %add3A_2477 {strides = array<i32>} : memref<12800xf32, #tpu.memory_space<vmem>>, vector<16xf32>,
        %sub3A_2484 = arith.subf %add3A_822, %mul3A_2369 : vector<16xf32>
        %mul3A_2485 = arith.mulf %mul3A_2463, %get3A_22 : vector<16xf32>
        %mul3A_2486 = arith.mulf %sub3A_2484, %mul3A_2485 : vector<16xf32>
        %add3A_2487 = arith.addf %mul3A_2486, %get3A_30 : vector<16xf32>
        %mul3A_2488 = arith.constant 64 : i32
        %mul3A_2489 = arith.muli %add3A_2296, %mul3A_2488 : i32
        %add3A_2490 = arith.constant 32 : i32
        %add3A_2491 = arith.addi %mul3A_2489, %add3A_2490 : i32
        %swap3A_2492 = arith.index_cast %add3A_2491 : i32 to index
        %swap3A_2493 = tpu.vector_load %arg22[%swap3A_2492] {strides = array<i32>} : memref<12800xf32, #tpu.memory_space<vmem>>, vector<16xf32>,
        tpu.vector_store %arg22[%swap3A_2492], %add3A_2487 {strides = array<i32>} : memref<12800xf32, #tpu.memory_space<vmem>>, vector<16xf32>,
        %sub3A_2494 = arith.subf %add3A_839, %mul3A_2369 : vector<16xf32>
        %mul3A_2495 = arith.mulf %mul3A_2463, %get3A_24 : vector<16xf32>
        %mul3A_2496 = arith.mulf %sub3A_2494, %mul3A_2495 : vector<16xf32>
        %add3A_2497 = arith.addf %mul3A_2496, %get3A_32 : vector<16xf32>
        %mul3A_2498 = arith.constant 64 : i32
        %mul3A_2499 = arith.muli %add3A_2296, %mul3A_2498 : i32
        %add3A_2500 = arith.constant 48 : i32
        %add3A_2501 = arith.addi %mul3A_2499, %add3A_2500 : i32
        %swap3A_2502 = arith.index_cast %add3A_2501 : i32 to index
        %swap3A_2503 = tpu.vector_load %arg22[%swap3A_2502] {strides = array<i32>} : memref<12800xf32, #tpu.memory_space<vmem>>, vector<16xf32>,
        tpu.vector_store %arg22[%swap3A_2502], %add3A_2497 {strides = array<i32>} : memref<12800xf32, #tpu.memory_space<vmem>>, vector<16xf32>,
        %scan3A_2504 = arith.constant 0 : i32
        scf.yield %scan3A_2504 : i32
      }
      %scan3A_227 = arith.constant 25 : i32
      %mul3A_228 = arith.constant 200 : i32
      %mul3A_229 = arith.muli %add3A_114, %mul3A_228 : i32
      %add3A_230 = arith.addi %mul3A_2, %mul3A_229 : i32
      %mul3A_231 = arith.constant 64 : i32
      %mul3A_232 = arith.muli %add3A_230, %mul3A_231 : i32
      %dma_start3A_233 = tpu.memref_slice %arg12[%mul3A_232] : memref<52428800xf32, #tpu.memory_space<hbm>> -> memref<12800xf32, #tpu.memory_space<hbm>>
      %dma_start3A_234 = tpu.memref_slice %arg12[%mul3A_232] : memref<52428800xf32, #tpu.memory_space<hbm>> -> memref<12800xf32, #tpu.memory_space<hbm>>
      tpu.enqueue_dma source(%arg22 : memref<12800xf32, #tpu.memory_space<vmem>>) target(%dma_start3A_234 : memref<12800xf32, #tpu.memory_space<hbm>>) target_semaphore(%arg36 : memref<!tpu.dma_semaphore, #tpu.memory_space<semaphore_mem>>)
      %scan3A_235 = arith.constant 0 : i32
      scf.yield %scan3A_235 : i32
    }
    %scan3A_96 = arith.constant 64 : i32
    %add3A_97 = arith.constant 25200 : i32
    %add3A_98 = arith.addi %mul3A_2, %add3A_97 : i32
    %mul3A_99 = arith.constant 64 : i32
    %mul3A_100 = arith.muli %add3A_98, %mul3A_99 : i32
    %dma_wait3A_101 = tpu.memref_slice %arg12[%mul3A_100] : memref<52428800xf32, #tpu.memory_space<hbm>> -> memref<12800xf32, #tpu.memory_space<hbm>>
    %dma_wait3A_102 = tpu.memref_slice %arg12[%mul3A_100] : memref<52428800xf32, #tpu.memory_space<hbm>> -> memref<12800xf32, #tpu.memory_space<hbm>>
    tpu.wait_dma2 semaphore(%arg35 : memref<!tpu.dma_semaphore, #tpu.memory_space<semaphore_mem>>) src(%arg21 : memref<12800xf32, #tpu.memory_space<vmem>>) dst(%dma_wait3A_102 : memref<12800xf32, #tpu.memory_space<hbm>>)
    %add3A_103 = arith.constant 25400 : i32
    %add3A_104 = arith.addi %mul3A_2, %add3A_103 : i32
    %mul3A_105 = arith.constant 64 : i32
    %mul3A_106 = arith.muli %add3A_104, %mul3A_105 : i32
    %dma_wait3A_107 = tpu.memref_slice %arg12[%mul3A_106] : memref<52428800xf32, #tpu.memory_space<hbm>> -> memref<12800xf32, #tpu.memory_space<hbm>>
    %dma_wait3A_108 = tpu.memref_slice %arg12[%mul3A_106] : memref<52428800xf32, #tpu.memory_space<hbm>> -> memref<12800xf32, #tpu.memory_space<hbm>>
    tpu.wait_dma2 semaphore(%arg36 : memref<!tpu.dma_semaphore, #tpu.memory_space<semaphore_mem>>) src(%arg22 : memref<12800xf32, #tpu.memory_space<vmem>>) dst(%dma_wait3A_108 : memref<12800xf32, #tpu.memory_space<hbm>>)
    return
  }
}

</mosaic_0001>

<sc_bundles>
// kernel: kernel.3.cloned.1.call-start
scs
__scs_entry_jumppad:
0x0: {  	(pc) =	sbr.rel $0x88, $3  }
0x1: {  	(tag) =	ssettag $0x0;
	lr =	simm.s32 $0x1  }
0x2: {  	[smem:$0x3F97] =	sst lr;
	_ =	strace $0xD0000000  }
0x3: {  	_ = 	snop  }
0x4: {  	_ = 	snop  }
0x5: {  	_ = 	snop  }
0x6: {  	_ = 	snop  }
0x7: {  	_ = 	snop  }
__scs_overlays_trampoline_lowered:
0x8: {  	[smem:$0x3FA6] =	sst s0  }
0x9: {  	[smem:$0x3FA7] =	sst s1  }
0xa: {  	[smem:$0x3FA8] =	sst s2  }
0xb: {  	[smem:$0x3FA9] =	sst s3  }
0xc: {  	[smem:$0x3FAA] =	sst s4  }
0xd: {  	[smem:$0x3FAB] =	sst s5  }
0xe: {  	[smem:$0x3FAC] =	sst s6  }
0xf: {  	[smem:$0x3FAD] =	sst s7  }
0x10: {  	[smem:$0x3FAE] =	sst s8  }
0x11: {  	[smem:$0x3FAF] =	sst s9;
	s0 =	simm.s32 @!p0 $0x0  }
0x12: {  	s1 =	sld [smem:$0x3F95];
	s0 =	simm.s32 @p0 $0x1  }
0x13: {  	[smem:$0x3FB0] =	sst s0;
	s0 =	simm.s32 @!p1 $0x0  }
0x14: {  	s2 =	sld [smem:$0x3F94];
	s0 =	simm.s32 @p1 $0x1  }
0x15: {  	[smem:$0x3FB1] =	sst s0;
	s0 =	simm.s32 @!p2 $0x0  }
0x16: {  	s3 =	sld [smem:$0x3FDB];
	s0 =	simm.s32 @p2 $0x1  }
0x17: {  	s4 =	simm.s32 $0x1BF5;
	[smem:$0x3FB3] =	sst s0  }
0x18: {  	s0 =	sld [smem:$0x3F96];
	_ =	swait.ge [sflag:s4], $0x0  }
0x19: {  	s7 =	sld [smem:$0x3F97]  }
0x1a: {  	s8 =	sadd.s32 $0xFFFFE003, lr  }
0x1b: {  	s9 =	sadd.s32 $0xFFFFFEF7, lr;
	s5 =	simm.s32 $0xFFFFFFFF;
	p2 =	slt.u32 s8, $0xFFFFF086  }
0x1c: {  	p1 =	slt.u32 s9, $0xF7A;
	s5 =	simm.s32 @!p2 $0x0  }
0x1d: {  	s5 =	simm.s32 @p1 $0x1;
	p0 =	seq.s32 s7, s2  }
0x1e: {  	s7 =	smul.u32 @!p0 $0xF7A, s2;
	p2 =	seq.s32 @!p0 s5, $0x0  }
0x1f: {  	s9 =	smul.u32 $0xF7A, s1;
	s8 =	simm.s32 @!p0 $0x1BF5;
	p2 =	por !p2, p0  }
0x20: {  	[sflag:s8] =	ssyncset.s32 @!p0 $0xFFFFF086;
	s6 =	sadd.s32 @!p0 s3, s7;
	s7 =	simm.s32 @!p0 $0x108  }
0x21: {  	s3 =	sadd.s32 s3, s9;
	s6 =	sadd.s32 @!p0 $0x88, s6;
	s7 =	simm.s32 @p2 $0x1082  }
0x22: {  	[simem:s7], [sflag:s8] =	dma.local @!p0 [hbm:s6], $0xF7A  }
0x23: {  	s9 =	sor.u32 $0xD0000000, s2;
	s6 =	simm.s32 $0x108;
	_ =	swait.ge @!p0 [sflag:s8], $0x0  }
0x24: {  	s3 =	sadd.s32 $0x88, s3;
	s6 =	simm.s32 @!p1 $0x1082;
	[sflag:s4] =	ssyncset.s32 $0xFFFFF086  }
0x25: {  	[simem:s6], [sflag:s4] =	dma.local [hbm:s3], $0xF7A  }
0x26: {  	[smem:$0x3F97] =	sst s1;
	(tag) =	ssettag s2;
	_ =	strace s9  }
0x27: {  	s1 =	sld [smem:$0x3FA7]  }
0x28: {  	s2 =	sld [smem:$0x3FA8]  }
0x29: {  	s4 =	sld [smem:$0x3FAA]  }
0x2a: {  	p0 =	seq.s32 s5, $0x0;
	s5 =	sld [smem:$0x3FAB]  }
0x2b: {  	s6 =	sld [smem:$0x3FAC]  }
0x2c: {  	s7 =	sld [smem:$0x3FAD]  }
0x2d: {  	s3 =	simm.s32 $0x108;
	s8 =	sld [smem:$0x3FAE]  }
0x2e: {  	s3 =	simm.s32 @!p0 $0x1082;
	s9 =	sld [smem:$0x3FAF]  }
0x2f: {  	lr =	sadd.s32 s0, s3;
	s0 =	sld [smem:$0x3FA6]  }
0x30: {  	s3 =	sld [smem:$0x3FA9]  }
0x31: {  	[smem:$0x3FB2] =	sst s10  }
0x32: {  	s10 =	sld [smem:$0x3FB0];
	_ =	sdelay $0x3  }
0x33: {  	p0 =	seq.s32 s10, $0x1;
	s10 =	sld [smem:$0x3FB2];
	_ =	sdelay $0x3  }
0x34: {  	[smem:$0x3FB2] =	sst s10  }
0x35: {  	s10 =	sld [smem:$0x3FB1];
	_ =	sdelay $0x3  }
0x36: {  	p1 =	seq.s32 s10, $0x1;
	s10 =	sld [smem:$0x3FB2];
	_ =	sdelay $0x3  }
0x37: {  	[smem:$0x3FB2] =	sst s10  }
0x38: {  	s10 =	sld [smem:$0x3FB3]  }
0x39: {  	_ = 	snop;
	(pc) =	sbr.ind lr, $3  }
0x3a: {  	_ = 	snop  }
0x3b: {  	_ = 	snop  }
0x3c: {  	p2 =	seq.s32 s10, $0x1;
	s10 =	sld [smem:$0x3FB2]  }
0x3d: {  	_ =	shalt  }
0x3e: {  	_ =	shalt  }
0x3f: {  	_ =	shalt  }
0x40: {  	_ =	shalt  }
0x41: {  	_ =	shalt  }
0x42: {  	_ =	shalt  }
0x43: {  	_ =	shalt  }
0x44: {  	_ =	shalt  }
0x45: {  	_ =	shalt  }
0x46: {  	_ =	shalt  }
0x47: {  	_ =	shalt  }
0x48: {  	_ =	shalt  }
0x49: {  	_ =	shalt  }
0x4a: {  	_ =	shalt  }
0x4b: {  	_ =	shalt  }
0x4c: {  	_ =	shalt  }
0x4d: {  	_ =	shalt  }
0x4e: {  	_ =	shalt  }
0x4f: {  	_ =	shalt  }
0x50: {  	_ =	shalt  }
0x51: {  	_ =	shalt  }
0x52: {  	_ =	shalt  }
0x53: {  	_ =	shalt  }
0x54: {  	_ =	shalt  }
0x55: {  	_ =	shalt  }
0x56: {  	_ =	shalt  }
0x57: {  	_ =	shalt  }
0x58: {  	_ =	shalt  }
0x59: {  	_ =	shalt  }
0x5a: {  	_ =	shalt  }
0x5b: {  	_ =	shalt  }
0x5c: {  	_ =	shalt  }
0x5d: {  	_ =	shalt  }
0x5e: {  	_ =	shalt  }
0x5f: {  	_ =	shalt  }
0x60: {  	_ =	shalt  }
0x61: {  	_ =	shalt  }
0x62: {  	_ =	shalt  }
0x63: {  	_ =	shalt  }
0x64: {  	_ =	shalt  }
0x65: {  	_ =	shalt  }
0x66: {  	_ =	shalt  }
0x67: {  	_ =	shalt  }
0x68: {  	_ =	shalt  }
0x69: {  	_ =	shalt  }
0x6a: {  	_ =	shalt  }
0x6b: {  	_ =	shalt  }
0x6c: {  	_ =	shalt  }
0x6d: {  	_ =	shalt  }
0x6e: {  	_ =	shalt  }
0x6f: {  	_ =	shalt  }
0x70: {  	_ =	shalt  }
0x71: {  	_ =	shalt  }
0x72: {  	_ =	shalt  }
0x73: {  	_ =	shalt  }
0x74: {  	_ =	shalt  }
0x75: {  	_ =	shalt  }
0x76: {  	_ =	shalt  }
0x77: {  	_ =	shalt  }
0x78: {  	_ =	shalt  }
0x79: {  	_ =	shalt  }
0x7a: {  	_ =	shalt  }
0x7b: {  	_ =	shalt  }
0x7c: {  	_ =	shalt  }
0x7d: {  	_ =	shalt  }
0x7e: {  	_ =	shalt  }
0x7f: {  	_ =	shalt  }
0x80: {  	_ =	shalt  }
0x81: {  	_ =	shalt  }
0x82: {  	_ =	shalt  }
0x83: {  	_ =	shalt  }
0x84: {  	_ =	shalt  }
0x85: {  	_ =	shalt  }
0x86: {  	_ =	shalt  }
0x87: {  	_ =	shalt  }
.Lfunc_end0:
.L_simem_size_0:
called_computation.1_lowered:
.L_overlay_start_0:
0x88: {  	s2 =	sld [smem:$0x3FD9]  }
0x89: {  	s3 =	sld [smem:$0x3FFE];
	_ =	sdelay $0x1  }
0x8a: {  	s1 =	srdreg.scid  }
0x8b: {  	s0 =	sand.u32 $0x1, s1  }
0x8c: {  	s17 =	sshll.u32 s0, $0xA;
	s2 =	sadd.s32 s3, s2  }
0x8d: {  	s2 =	sadd.s32 s2, s17  }
0x8e: {  	[smem:$0x3FBE] =	sst s2  }
0x8f: {  	_ = 	snop  }
0x90: {  	s2 =	sld [smem:$0x3FC1]  }
0x91: {  	s18 =	sld [smem:$0x3FC0]  }
0x92: {  	s4 =	sld [smem:$0x3FD0];
	(tm) =	ssettm $0x1  }
0x93: {  	s5 =	sld [smem:$0x3FFB];
	_ =	sdelay $0x3  }
0x94: {  	_ =	strace s5  }
0x95: {  	s5 =	sld [smem:$0x3FFC];
	_ =	sdelay $0x3  }
0x96: {  	_ =	strace s5  }
0x97: {  	s5 =	sld [smem:$0x3FFD];
	_ =	sdelay $0x3  }
0x98: {  	_ =	strace s5  }
0x99: {  	_ =	strace $0x8FFFFFFF  }
0x9a: {  	s19 =	sld [smem:$0x3FDB];
	_ =	sdelay $0x1  }
0x9b: {  	s6 =	simm.s32 $_scs_section_size  }
0x9c: {  	s7 =	simm.s32 $_size__tile_overlayer_lowered;
	s8 =	simm.s32 $_tile_overlayer_lowered  }
0x9d: {  	s22 =	simm.s32 $0x1BFF;
	s21 =	sshll.u32 s8, $0x1;
	s5 =	sadd.s32 s6, s19  }
0x9e: {  	s9 =	simm.s32 $0x0;
	s20 =	sshll.u32 s7, $0x1;
	s7 =	sadd.s32 s21, s5  }
0x9f: {  	[timem:s9], [sflag:s22] =	dma.local [hbm:s7], s20  }
0xa0: {  	_ =	swait.ge [sflag:s22], s20  }
0xa1: {  	s6 =	ssub.s32 $0x0, s20;
	[sflag:s22] =	ssyncset.done $0x0  }
0xa2: {  	[sflag:s22] =	ssyncadd.s32 s6;
	_ =	sdelay $0x1  }
0xa3: {  	s23 =	simm.s32 $0x1B8B  }
0xa4: {  	_ =	swait.ge [sflag:s23], $0x1  }
0xa5: {  	[sflag:s23] =	ssyncset.done $0x0  }
0xa6: {  	s25 =	simm.s32 $0x1B8E;
	s24 =	sld [smem:$0x3FFE];
	[sflag:s23] =	ssyncadd.s32 $0xFFFFFFFF  }
0xa7: {  	s26 =	simm.s32 $execute0_lowered;
	[smem:$0x3FD2] =	sst s25  }
0xa8: {  	s7 =	sshll.u32 s26, $0x1;
	_ =	strace $0x80000046;
	[dreg:$0x1] =	wrdreg $0xFFFFFFFF  }
0xa9: {  	s28 =	simm.s32 $_size_execute0_lowered;
	s5 =	sadd.s32 s5, s7;
	[dreg:$0x0] =	wrdreg $0x0  }
0xaa: {  	s7 =	sshll.u32 s28, $0x1;
	[dreg:$0x2] =	wrdreg s5  }
0xab: {  	[dreg:$0x3] =	wrdreg s7  }
0xac: {  	[dreg:$0x4] =	wrdreg $0xC0  }
0xad: {  	_ =	task [dreg:s9], $0x5FFFF  }
0xae: {  	[dreg:$0x1] =	wrdreg $0xFFFFFFFF  }
0xaf: {  	[dreg:$0x0] =	wrdreg $0x60  }
0xb0: {  	[dreg:$0x2] =	wrdreg s24  }
0xb1: {  	[dreg:$0x3] =	wrdreg s2  }
0xb2: {  	[dreg:$0x4] =	wrdreg s18  }
0xb3: {  	[dreg:$0x5] =	wrdreg s4  }
0xb4: {  	[dreg:$0x6] =	wrdreg $0x9  }
0xb5: {  	_ =	task.clear_ibuf [dreg:s9], $0x7FFFF;
	_ =	strace $0x90000046  }
0xb6: {  	s29 =	simm.s32 $0x9;
	_ =	strace $0x80000048  }
0xb7: {  	_ =	swait.ge [sflag:s29], $0x1  }
0xb8: {  	[sflag:s29] =	ssyncadd.s32 $0xFFFFFFFF  }
0xb9: {  	_ =	strace $0x90000048  }
0xba: {  	_ =	sfence  }
0xbb: {  	s30 =	sld [smem:$0x0];
	_ =	sdelay $0x2  }
0xbc: {  	s31 =	sshll.u32 s1, $0xD;
	s1 =	sshrl.u32 s1, $0x2  }
0xbd: {  	s3 =	sand.u32 $0x4000, s31;
	s1 =	sadd.s32 s1, s30  }
0xbe: {  	s0 =	sor.u32 s3, s0;
	s1 =	sshll.u32 s1, $0x11  }
0xbf: {  	s0 =	sor.u32 s1, s0  }
0xc0: {  	s0 =	sadd.s32 $0x8F2B, s0  }
0xc1: {  	[sflag:s0] =	ssyncadd.remote.s32 $0x1  }
0xc2: {  	_ =	sfence.sel $0xFFFF  }
0xc3: {  	[dreg:$0x0] =	wrdreg $0xFFFFFFFF;
	(pc) =	sbr.abs _section_cstart, $3  }
0xc4: {  	[dreg:$0x1] =	wrdreg $0xFFFFFFFF  }
0xc5: {  	_ =	task.clear_ibuf [dreg:s9], $0x2FFFF;
	_ =	strace $0x9FFFFFFF  }
0xc6: {  	(tm) =	ssettm $0x7FFFFFFF  }
0xc7: {  	_ =	shalt  }
tec
execute0_lowered:
.L_overlay_start_1:
0x0: {  	(tag) =	ssettag $0x1  }
0x1: {  	s0 =	rddreg [dreg:$0x0]  }
0x2: {  	s3 =	rddreg [dreg:$0x3];
	s5 =	simm.s32 $0x0;
	s1 =	srdreg.scid  }
0x3: {  	s2 =	stileid.u32;
	v0 =	vimm.s32 $0xFEDCBA98;
	s31 =	simm.s32 $0x7;
	s30 =	simm.s32 $0x12F80  }
0x4: {  	v1 =	vimm.s32 $0x76543210;
	v2 =	vimm.s32 $0xBA98FEDC;
	s13 =	simm.s32 $0x16180;
	s14 =	simm.s32 $0x4;
	s28 =	simm.s32 $0x19380  }
0x5: {  	v3 =	vimm.s32 $0x32107654;
	v4 =	vimm.s32 $0xDCFE98BA;
	s17 =	simm.s32 $0x0;
	[smem:$0x7FF] =	sst s5;
	s1 =	sand.u32 $0x1, s1  }
0x6: {  	v5 =	vimm.s32 $0x54761032;
	s6 =	sadd.s32 $0xC4A00, s0;
	s7 =	sadd.s32 $0x10FA00, s0;
	s8 =	sadd.s32 $0xF6A00, s0  }
0x7: {  	v6 =	vimm.s32 $0xEFCDAB89;
	s9 =	sadd.s32 $0xDDA00, s0;
	s11 =	sadd.s32 $0xF43800, s0;
	s12 =	sadd.s32 $0x1400, s0  }
0x8: {  	v7 =	vimm.s32 $0x67452301;
	s2 =	sshll.u32 s2, $0x1;
	s21 =	sadd.s32 $0x129A00, s0;
	s0 =	sadd.s32 $0x128A00, s0  }
0x9: {  	v0 =	vunpack.c.l.s4.s8 v0;
	v1 =	vunpack.c.l.s4.s8 v1;
	v2 =	vunpack.c.l.s4.s8 v2;
	_ =	strace $0x80000047;
	s2 =	sor.u32 s1, s2;
	s1 =	ssub.s32 $0x2, s1  }
0xa: {  	v3 =	vunpack.c.l.s4.s8 v3;
	v4 =	vunpack.c.l.s4.s8 v4;
	v5 =	vunpack.c.l.s4.s8 v5;
	[dreg:$0x5] =	wrdreg s21;
	s10 =	smul.u32 $0x6400, s2;
	s22 =	sshrl.u32 s1, $0x1  }
0xb: {  	v6 =	vunpack.c.l.s4.s8 v6;
	v7 =	vunpack.c.l.s4.s8 v7;
	[dreg:$0x6] =	wrdreg s0;
	s21 =	simm.s32 $0x1C9B8;
	v0 =	vunpack.c.0.s8.s32 v0;
	s23 =	ssub.s32 s1, s22  }
0xc: {  	v2 =	vunpack.c.0.s8.s32 v2;
	v3 =	vunpack.c.0.s8.s32 v3;
	v4 =	vunpack.c.0.s8.s32 v4;
	s2 =	simm.s32 $0x1C8E0;
	s4 =	sshrl.u32 s10, $0x3;
	s0 =	smax.u32 s23, $0x1  }
0xd: {  	v5 =	vunpack.c.0.s8.s32 v5;
	v6 =	vunpack.c.0.s8.s32 v6;
	v7 =	vunpack.c.0.s8.s32 v7;
	s1 =	simm.s32 $0x2;
	s24 =	sadd.s32 s6, s4;
	[dreg:$0xb] =	wrdreg s0  }
0xe: {  	v1 =	vunpack.c.0.s8.s32 v1;
	s19 =	sor.u32 $0xC8, s10;
	v2 =	vcombine.low v3, v2;
	s25 =	sadd.s32 s7, s4;
	[dreg:$0x7] =	wrdreg s24  }
0xf: {  	s20 =	sor.u32 $0x190, s10;
	v3 =	vcombine.low v5, v4;
	v4 =	vcombine.low v7, v6;
	v0 =	vand.u32 $0xF, v0;
	s26 =	sadd.s32 s8, s4;
	[dreg:$0x8] =	wrdreg s25  }
0x10: {  	s29 =	sadd.s32 s9, s4;
	s0 =	simm.s32 $0xC8;
	v1 =	vcombine.low v0, v1;
	[dreg:$0x9] =	wrdreg s26  }
0x11: {  	s4 =	simm.s32 $0x1;
	[dreg:$0xa] =	wrdreg s29;
	s26 =	simm.s32 $0x3;
	v46 =	vand.u32 $0xF, v2;
	v2 =	vand.u32 $0xF, v3;
	v3 =	vand.u32 $0xF, v4  }
.LBB2_1:
0x12: {  	[dreg:$0xc] =	wrdreg s17  }
0x13: {  	s15 =	rddreg [dreg:$0x5];
	s25 =	simm.s32 $0x8  }
0x14: {  	[tilespmem:s5], [sflag:$0x8] =	stream.linear.gather [hbm4b:s15+s5], $0x1900, $0x38;
	[tilespmem:$0x1CC40] =	vst v63  }
0x15: {  	_ =	swait.ge [sflag:s25], $0x1900  }
0x16: {  	[sflag:s25] =	ssyncset.done $0x0  }
0x17: {  	s16 =	simm.s32 $0x1900;
	s29 =	rddreg [dreg:$0x6];
	[sflag:s25] =	ssyncadd.s32 $0xFFFFE700  }
0x18: {  	[tilespmem:s16], [sflag:$0x8] =	stream.linear.gather [hbm4b:s29+s5], $0x8000, $0x38;
	[tilespmem:$0x1CC40] =	vst v63  }
0x19: {  	_ =	swait.ge [sflag:s25], $0x8000  }
0x1a: {  	[sflag:s25] =	ssyncset.done $0x0  }
0x1b: {  	[sflag:s25] =	ssyncadd.s32 $0xFFFF8000  }
0x1c: {  	s22 =	simm.s32 $0x9900;
	s18 =	rddreg [dreg:$0x1]  }
0x1d: {  	[tilespmem:s22], [sflag:$0x8] =	stream.linear.gather [hbm4b:s18+s5], $0x40, $0x38;
	[tilespmem:$0x1CC40] =	vst v63  }
0x1e: {  	_ =	swait.ge [sflag:s25], $0x40  }
0x1f: {  	[sflag:s25] =	ssyncset.done $0x0  }
0x20: {  	[sflag:s25] =	ssyncadd.s32 $0xFFFFFFC0  }
0x21: {  	s24 =	simm.s32 $0x9940;
	s23 =	rddreg [dreg:$0x2]  }
0x22: {  	[tilespmem:s24], [sflag:$0x8] =	stream.linear.gather [hbm4b:s23+s5], $0x40, $0x38;
	[tilespmem:$0x1CC40] =	vst v63  }
0x23: {  	_ =	swait.ge [sflag:s25], $0x40  }
0x24: {  	[sflag:s25] =	ssyncset.done $0x0  }
0x25: {  	[sflag:s25] =	ssyncadd.s32 $0xFFFFFFC0  }
0x26: {  	v52 =	vld [tilespmem:$0x9900]  }
0x27: {  	v53 =	vld [tilespmem:$0x9910]  }
0x28: {  	v54 =	vld [tilespmem:$0x9920]  }
0x29: {  	v55 =	vld [tilespmem:$0x9930]  }
0x2a: {  	v56 =	vld [tilespmem:$0x9940]  }
0x2b: {  	v57 =	vld [tilespmem:$0x9950]  }
0x2c: {  	s29 =	simm.s32 $0x1C580;
	s25 =	rddreg [dreg:$0x7];
	v58 =	vld [tilespmem:$0x9960]  }
0x2d: {  	v51 =	vld [tilespmem:$0x9970];
	[tilespmem:s29], [sflag:$0x7] =	stream.linear.gather [hbm4b:s25+s5], $0xC8, $0x38  }
0x2e: {  	s17 =	simm.s32 $0x1C658;
	s18 =	rddreg [dreg:$0x8]  }
0x2f: {  	[tilespmem:s17], [sflag:$0x7] =	stream.linear.gather [hbm4b:s18+s5], $0xC8, $0x38;
	[tilespmem:$0x1CC40] =	vst v63  }
0x30: {  	s22 =	rddreg [dreg:$0x9];
	s18 =	simm.s32 $0x1C730  }
0x31: {  	[tilespmem:s18], [sflag:$0x7] =	stream.linear.gather [hbm4b:s22+s5], $0xC8, $0x38;
	[tilespmem:$0x1CC40] =	vst v63  }
0x32: {  	s24 =	simm.s32 $0x1C808;
	s23 =	rddreg [dreg:$0xa]  }
0x33: {  	[tilespmem:s24], [sflag:$0x7] =	stream.linear.gather [hbm4b:s23+s5], $0xC8, $0x38;
	[tilespmem:$0x1CC40] =	vst v63  }
0x34: {  	_ =	swait.ge [sflag:s31], $0xC8  }
0x35: {  	[sflag:s31] =	ssyncset.done $0x0  }
0x36: {  	[sflag:s31] =	ssyncadd.s32 $0xFFFFFF38  }
0x37: {  	_ =	swait.ge [sflag:s31], $0xC8  }
0x38: {  	[sflag:s31] =	ssyncset.done $0x0  }
0x39: {  	[sflag:s31] =	ssyncadd.s32 $0xFFFFFF38  }
0x3a: {  	_ =	swait.ge [sflag:s31], $0xC8  }
0x3b: {  	[sflag:s31] =	ssyncset.done $0x0  }
0x3c: {  	[sflag:s31] =	ssyncadd.s32 $0xFFFFFF38  }
0x3d: {  	_ =	swait.ge [sflag:s31], $0xC8  }
0x3e: {  	[tilespmem:$0x1FF80] =	vst v52  }
0x3f: {  	[tilespmem:$0x1FF90] =	vst v53  }
0x40: {  	[tilespmem:$0x1FFA0] =	vst v54  }
0x41: {  	[tilespmem:$0x1FFB0] =	vst v55  }
0x42: {  	[tilespmem:$0x1FFC0] =	vst v56  }
0x43: {  	[sflag:s31] =	ssyncset.done $0x0;
	[tilespmem:$0x1FFD0] =	vst v57  }
0x44: {  	s25 =	simm.s32 $0x9980;
	[tilespmem:$0x1FFE0] =	vst v58;
	[sflag:s31] =	ssyncadd.s32 $0xFFFFFF38  }
0x45: {  	[tilespmem:s25], [sflag:$0x1] =	stream.indirect.gather [hbm4b:s11+s0], $0x40, s29, s0, $0xb8;
	[tilespmem:$0x1CC40] =	vst v63  }
0x46: {  	s18 =	simm.s32 $0x0;
	[tilespmem:$0x1FFF0] =	vst v51;
	s29 =	simm.s32 $0xCB80  }
0x47: {  	[tilespmem:s29], [sflag:$0x2] =	stream.indirect.gather [hbm4b:s12+s0], $0x40, s17, s0, $0xb8;
	[tilespmem:$0x1CC40] =	vst v63  }
.LBB2_2:
0x48: {  	s15 =	smul.u32 $0x190, s18;
	_ =	sdelay $0x1  }
0x49: {  	s22 =	sadd.s32 s15, s19  }
0x4a: {  	s16 =	sshrl.u32 s22, $0x3  }
0x4b: {  	s17 =	sadd.s32 s6, s16  }
0x4c: {  	[tilespmem:s2], [sflag:$0x7] =	stream.linear.gather [hbm4b:s17+s5], $0xC8, $0x38;
	[tilespmem:$0x1CC40] =	vst v63  }
0x4d: {  	s23 =	sadd.s32 s7, s16  }
0x4e: {  	[tilespmem:s21], [sflag:$0x7] =	stream.linear.gather [hbm4b:s23+s5], $0xC8, $0x38;
	[tilespmem:$0x1CC40] =	vst v63  }
0x4f: {  	s24 =	sadd.s32 s8, s16;
	s23 =	simm.s32 $0x1CA90  }
0x50: {  	[tilespmem:s23], [sflag:$0x7] =	stream.linear.gather [hbm4b:s24+s5], $0xC8, $0x38;
	[tilespmem:$0x1CC40] =	vst v63  }
0x51: {  	s25 =	simm.s32 $0x1CB68;
	s16 =	sadd.s32 s9, s16  }
0x52: {  	[tilespmem:s25], [sflag:$0x7] =	stream.linear.gather [hbm4b:s16+s5], $0xC8, $0x38;
	[tilespmem:$0x1CC40] =	vst v63  }
0x53: {  	_ =	swait.ge [sflag:s31], $0xC8  }
0x54: {  	[sflag:s31] =	ssyncset.done $0x0  }
0x55: {  	[sflag:s31] =	ssyncadd.s32 $0xFFFFFF38  }
0x56: {  	_ =	swait.ge [sflag:s31], $0xC8  }
0x57: {  	[sflag:s31] =	ssyncset.done $0x0  }
0x58: {  	[sflag:s31] =	ssyncadd.s32 $0xFFFFFF38  }
0x59: {  	_ =	swait.ge [sflag:s31], $0xC8  }
0x5a: {  	[sflag:s31] =	ssyncset.done $0x0  }
0x5b: {  	[sflag:s31] =	ssyncadd.s32 $0xFFFFFF38  }
0x5c: {  	_ =	swait.ge [sflag:s31], $0xC8  }
0x5d: {  	[sflag:s31] =	ssyncset.done $0x0  }
0x5e: {  	s29 =	simm.s32 $0xFD80;
	[sflag:s31] =	ssyncadd.s32 $0xFFFFFF38  }
0x5f: {  	[tilespmem:s29], [sflag:$0x3] =	stream.indirect.gather [hbm4b:s11+s0], $0x40, s2, s0, $0xb8;
	[tilespmem:$0x1CC40] =	vst v63  }
0x60: {  	_ = 	snop  }
0x61: {  	[tilespmem:s30], [sflag:$0x4] =	stream.indirect.gather [hbm4b:s12+s0], $0x40, s21, s0, $0xb8;
	[tilespmem:$0x1CC40] =	vst v63  }
0x62: {  	_ =	swait.ge [sflag:s4], $0x3200  }
0x63: {  	[sflag:s4] =	ssyncset.done $0x0  }
0x64: {  	[sflag:s4] =	ssyncadd.s32 $0xFFFFCE00  }
0x65: {  	_ =	swait.ge [sflag:s1], $0x3200  }
0x66: {  	p0 =	seq.s32 s18, $0x0;
	[sflag:s1] =	ssyncset.done $0x0  }
0x67: {  	s16 =	simm.s32 @!p0 $0x5;
	[sflag:s1] =	ssyncadd.s32 $0xFFFFCE00  }
0x68: {  	_ =	swait.ge @!p0 [sflag:s16], $0x3200  }
0x69: {  	s17 =	simm.s32 $0x1C808;
	[sflag:s16] =	ssyncset.done @!p0 $0x0  }
0x6a: {  	s25 =	simm.s32 $0x1C730;
	[sflag:s16] =	ssyncadd.s32 @!p0 $0xFFFFCE00;
	s16 =	simm.s32 $0x0  }
.LBB2_3:
0x6b: {  	v12 =	vld [tilespmem:s25+$0x0];
	_ =	sdelay $0x1  }
0x6c: {  	v13 =	vld [tilespmem:s17+$0x0]  }
0x6d: {  	s23 =	sshra.s32 s16, $0x2  }
0x6e: {  	v17 =	vld [tilespmem:s23+$0x9990]  }
0x6f: {  	v19 =	vld [tilespmem:s23+$0xCB90];
	v18 =	vshll.u32 v12, $0x6  }
0x70: {  	v22 =	vld [tilespmem:s23+$0x99A0];
	(v2sf) =	vpush v18, $0x0  }
0x71: {  	v23 =	vld [tilespmem:s23+$0xCBA0];
	v15 =	vshll.u32 v13, $0x6  }
0x72: {  	v26 =	vld [tilespmem:s23+$0x99B0];
	(v2sf) =	vpush v15, $0x0  }
0x73: {  	v27 =	vld [tilespmem:s23+$0xCBB0]  }
0x74: {  	v30 =	vld [tilespmem:s23+$0x99C0]  }
0x75: {  	v31 =	vld [tilespmem:s23+$0xCBC0]  }
0x76: {  	v34 =	vld [tilespmem:s23+$0x99D0]  }
0x77: {  	v36 =	vld [tilespmem:s23+$0xCBD0]  }
0x78: {  	v43 =	vld [tilespmem:s23+$0x99E0]  }
0x79: {  	v44 =	vld [tilespmem:s23+$0xCBE0]  }
0x7a: {  	v47 =	vld [tilespmem:s23+$0x99F0]  }
0x7b: {  	v48 =	vld [tilespmem:s23+$0xCBF0]  }
0x7c: {  	v51 =	vld [tilespmem:s23+$0x9A00]  }
0x7d: {  	v52 =	vld [tilespmem:s23+$0xCC00]  }
0x7e: {  	v55 =	vld [tilespmem:s23+$0x9A10]  }
0x7f: {  	v56 =	vld [tilespmem:s23+$0xCC10];
	s24 =	spop (v2sf);
	(v2sf) =	vpush v18, $0x1  }
0x80: {  	v59 =	vld [tilespmem:s23+$0x9A20]  }
0x81: {  	v60 =	vld [tilespmem:s23+$0xCC20];
	s29 =	spop (v2sf);
	(v2sf) =	vpush v15, $0x1  }
0x82: {  	v63 =	vld [tilespmem:s23+$0x9A30]  }
0x83: {  	v4 =	vld [tilespmem:s23+$0xCC30]  }
0x84: {  	v7 =	vld [tilespmem:s23+$0x9A40]  }
0x85: {  	v8 =	vld [tilespmem:s23+$0xCC40]  }
0x86: {  	v40 =	vld [tilespmem:s23+$0x9A60]  }
0x87: {  	v41 =	vld [tilespmem:s23+$0xCC60]  }
0x88: {  	v12 =	vld [tilespmem:s23+$0x9980]  }
0x89: {  	v14 =	vld [tilespmem:s24+$0x0]  }
0x8a: {  	v20 =	vld [tilespmem:s24+$0x10]  }
0x8b: {  	v24 =	vld [tilespmem:s24+$0x20]  }
0x8c: {  	v28 =	vld [tilespmem:s24+$0x30]  }
0x8d: {  	v16 =	vld [tilespmem:s29+$0x1900]  }
0x8e: {  	v21 =	vld [tilespmem:s29+$0x1910];
	s24 =	spop (v2sf);
	(v2sf) =	vpush v18, $0x2  }
0x8f: {  	v0 =	vld [tilespmem:s29+$0x1920]  }
0x90: {  	v29 =	vld [tilespmem:s29+$0x1930];
	s29 =	spop (v2sf);
	(v2sf) =	vpush v15, $0x2  }
0x91: {  	v13 =	vld [tilespmem:s23+$0xCB80]  }
0x92: {  	v11 =	vld [tilespmem:s23+$0x9A50]  }
0x93: {  	v25 =	vld [tilespmem:s23+$0xCC50]  }
0x94: {  	v38 =	vld [tilespmem:s23+$0xCC70]  }
0x95: {  	v7 =	vadd.f32 v8, v7;
	v8 =	vld [tilespmem:s23+$0xCCB0]  }
0x96: {  	v41 =	vadd.f32 v41, v40;
	v40 =	vld [tilespmem:s23+$0x9B00];
	v12 =	vadd.f32 v13, v12  }
0x97: {  	v13 =	vadd.f32 v19, v17;
	v17 =	vadd.f32 v23, v22;
	v23 =	vld [tilespmem:s23+$0xCC80]  }
0x98: {  	v32 =	vld [tilespmem:s24+$0x0]  }
0x99: {  	v37 =	vld [tilespmem:s24+$0x10]  }
0x9a: {  	v45 =	vld [tilespmem:s24+$0x20]  }
0x9b: {  	v49 =	vld [tilespmem:s24+$0x30]  }
0x9c: {  	v33 =	vld [tilespmem:s29+$0x1900]  }
0x9d: {  	v27 =	vadd.f32 v27, v26;
	[tilespmem:$0x1FF50] =	vst v0;
	v0 =	vld [tilespmem:s29+$0x1910];
	s24 =	spop (v2sf);
	(v2sf) =	vpush v18, $0x3  }
0x9e: {  	v12 =	vadd.f32 v14, v12;
	v13 =	vadd.f32 v20, v13;
	v39 =	vld [tilespmem:s29+$0x1920]  }
0x9f: {  	v31 =	vadd.f32 v31, v30;
	v50 =	vld [tilespmem:s29+$0x1930];
	s29 =	spop (v2sf);
	(v2sf) =	vpush v15, $0x3  }
0xa0: {  	v16 =	vadd.f32 v16, v12;
	v12 =	vadd.f32 v21, v13;
	v21 =	vld [tilespmem:s23+$0x9A80]  }
0xa1: {  	v14 =	vadd.f32 v24, v17;
	v17 =	vadd.f32 v32, v31;
	v32 =	vld [tilespmem:$0x1FF50]  }
0xa2: {  	v19 =	vld [tilespmem:s23+$0x9A70];
	v13 =	vadd.f32 v28, v27  }
0xa3: {  	v27 =	vld [tilespmem:s23+$0x9A90]  }
0xa4: {  	v13 =	vadd.f32 v29, v13;
	v29 =	vld [tilespmem:s23+$0xCC90]  }
0xa5: {  	v60 =	vadd.f32 v60, v59;
	v59 =	vadd.f32 v23, v21;
	v21 =	vld [tilespmem:s23+$0xCCD0];
	[tilespmem:$0x1FF60] =	vst v0  }
0xa6: {  	v14 =	vadd.f32 v32, v14;
	v32 =	vadd.f32 v52, v51;
	v51 =	vld [tilespmem:$0x1FF60]  }
0xa7: {  	v53 =	vld [tilespmem:s24+$0x0]  }
0xa8: {  	v57 =	vld [tilespmem:s24+$0x10]  }
0xa9: {  	v61 =	vld [tilespmem:s24+$0x20]  }
0xaa: {  	v5 =	vld [tilespmem:s24+$0x30]  }
0xab: {  	v34 =	vadd.f32 v36, v34;
	v36 =	vadd.f32 v44, v43;
	v54 =	vld [tilespmem:s29+$0x1900]  }
0xac: {  	v48 =	vadd.f32 v48, v47;
	v62 =	vld [tilespmem:s29+$0x1920];
	s24 =	spop (v2sf);
	(v2sf) =	vpush v18, $0x4  }
0xad: {  	v4 =	vadd.f32 v4, v63;
	v30 =	vadd.f32 v45, v36;
	v6 =	vld [tilespmem:s29+$0x1930]  }
0xae: {  	v28 =	vadd.f32 v37, v34;
	v58 =	vld [tilespmem:s29+$0x1910];
	s29 =	spop (v2sf);
	(v2sf) =	vpush v15, $0x4  }
0xaf: {  	v31 =	vadd.f32 v49, v48;
	v48 =	vld [tilespmem:s23+$0x9AA0];
	v45 =	vadd.f32 v39, v30  }
0xb0: {  	v49 =	vld [tilespmem:s23+$0xCCA0];
	v30 =	vadd.f32 v61, v60;
	v4 =	vadd.f32 v5, v4  }
0xb1: {  	v37 =	vadd.f32 v51, v28;
	v51 =	vld [tilespmem:s23+$0x9AB0];
	v34 =	vadd.f32 v53, v32  }
0xb2: {  	v32 =	vadd.f32 v62, v30;
	v30 =	vadd.f32 v6, v4;
	v4 =	vld [tilespmem:s23+$0x9AC0]  }
0xb3: {  	v9 =	vld [tilespmem:s24+$0x0]  }
0xb4: {  	v0 =	vld [tilespmem:s24+$0x10]  }
0xb5: {  	v35 =	vld [tilespmem:s29+$0x1910]  }
0xb6: {  	v10 =	vld [tilespmem:s29+$0x1900]  }
0xb7: {  	v42 =	vld [tilespmem:s24+$0x20]  }
0xb8: {  	v47 =	vadd.f32 v56, v55;
	v19 =	vadd.f32 v38, v19;
	v20 =	vld [tilespmem:s24+$0x30]  }
0xb9: {  	v23 =	vadd.f32 v12, v16;
	v22 =	vld [tilespmem:s29+$0x1930];
	v7 =	vadd.f32 v9, v7  }
0xba: {  	v17 =	vadd.f32 v33, v17;
	v28 =	vadd.f32 v57, v47;
	[tilespmem:$0x1FF70] =	vst v35;
	v35 =	vld [tilespmem:s29+$0x1920]  }
0xbb: {  	v47 =	vadd.f32 v10, v7;
	v7 =	vld [tilespmem:s23+$0xCCC0];
	s24 =	spop (v2sf);
	(v2sf) =	vpush v18, $0x5  }
0xbc: {  	v36 =	vadd.f32 v50, v31;
	v31 =	vadd.f32 v25, v11;
	v24 =	vld [tilespmem:s24+$0x0]  }
0xbd: {  	v62 =	vadd.f32 v13, v14;
	v60 =	vld [tilespmem:$0x1FF70];
	s29 =	spop (v2sf);
	(v2sf) =	vpush v15, $0x5  }
0xbe: {  	v33 =	vadd.f32 v54, v34;
	v34 =	vadd.f32 v58, v28;
	v26 =	vld [tilespmem:s29+$0x1900]  }
0xbf: {  	v23 =	vadd.f32 v62, v23;
	v19 =	vadd.f32 v20, v19;
	v43 =	vld [tilespmem:s24+$0x10]  }
0xc0: {  	v62 =	vadd.f32 v49, v48;
	v0 =	vadd.f32 v0, v31;
	v10 =	vld [tilespmem:s23+$0x9AD0]  }
0xc1: {  	v63 =	vmul.f32 v16, v16;
	v22 =	vadd.f32 v22, v19;
	v44 =	vld [tilespmem:s29+$0x1910];
	v61 =	vadd.f32 v24, v59  }
0xc2: {  	v19 =	vadd.f32 v29, v27;
	v27 =	vld [tilespmem:s23+$0x9AE0];
	v31 =	vadd.f32 v60, v0;
	v60 =	vmul.f32 v14, v14  }
0xc3: {  	v39 =	vld [tilespmem:s24+$0x20];
	v59 =	vmul.f32 v12, v12;
	v24 =	vadd.f32 v26, v61;
	v61 =	vmul.f32 v13, v13  }
0xc4: {  	v42 =	vadd.f32 v42, v41;
	v29 =	vld [tilespmem:s23+$0xCCE0];
	v19 =	vadd.f32 v43, v19  }
0xc5: {  	v50 =	vld [tilespmem:s29+$0x1920];
	v38 =	vadd.f32 v59, v63;
	v6 =	vadd.f32 v61, v60  }
0xc6: {  	v28 =	vadd.f32 v35, v42;
	v35 =	vld [tilespmem:s23+$0x9AF0];
	v19 =	vadd.f32 v44, v19;
	v44 =	vperm.xlane v23, v1  }
0xc7: {  	v5 =	vld [tilespmem:s24+$0x30];
	v6 =	vadd.f32 v6, v38  }
0xc8: {  	v9 =	vld [tilespmem:s29+$0x1930];
	v39 =	vadd.f32 v39, v62;
	v48 =	vadd.f32 v44, v23  }
0xc9: {  	v63 =	vld [tilespmem:s23+$0xCCF0];
	v49 =	vperm.xlane v6, v1  }
0xca: {  	v23 =	vadd.f32 v50, v39;
	v39 =	vld [tilespmem:s23+$0xCD00];
	v59 =	vperm.xlane v48, v46;
	s24 =	spop (v2sf);
	(v2sf) =	vpush v18, $0x6  }
0xcb: {  	v11 =	vld [tilespmem:s24+$0x0];
	v38 =	vadd.f32 v49, v6  }
0xcc: {  	v61 =	vadd.f32 v59, v48;
	v48 =	vld [tilespmem:s23+$0xCD20];
	s29 =	spop (v2sf)  }
0xcd: {  	(v2sf) =	vpush v15, $0x6;
	v25 =	vld [tilespmem:s29+$0x1900];
	v62 =	vperm.xlane v38, v46  }
0xce: {  	v4 =	vadd.f32 v7, v4;
	v0 =	vld [tilespmem:s24+$0x10]  }
0xcf: {  	v26 =	vld [tilespmem:s24+$0x20];
	v38 =	vadd.f32 v62, v38  }
0xd0: {  	v8 =	vadd.f32 v8, v51;
	v43 =	vld [tilespmem:s24+$0x30];
	v4 =	vadd.f32 v11, v4  }
0xd1: {  	v60 =	vadd.f32 v29, v27;
	v44 =	vperm.xlane v61, v2;
	v20 =	vld [tilespmem:s29+$0x1910];
	v50 =	vperm.xlane v38, v2  }
0xd2: {  	v42 =	vld [tilespmem:s29+$0x1920];
	v6 =	vadd.f32 v25, v4;
	v4 =	vadd.f32 v21, v10  }
0xd3: {  	v49 =	vadd.f32 v44, v61;
	v25 =	vld [tilespmem:s23+$0x9B10];
	v27 =	vadd.f32 v50, v38  }
0xd4: {  	v0 =	vadd.f32 v0, v4;
	v4 =	vadd.f32 v63, v35;
	v63 =	vld [tilespmem:s23+$0xCD10]  }
0xd5: {  	v5 =	vadd.f32 v5, v8;
	v7 =	vld [tilespmem:s29+$0x1930];
	v62 =	vperm.xlane v49, v3  }
0xd6: {  	v21 =	vadd.f32 v26, v60;
	v60 =	vadd.f32 v39, v40;
	v35 =	vld [tilespmem:s23+$0x9B50];
	v39 =	vperm.xlane v27, v3  }
0xd7: {  	v11 =	vadd.f32 v20, v0;
	v0 =	vadd.f32 v43, v4;
	v4 =	vld [tilespmem:s23+$0x9B20]  }
0xd8: {  	v38 =	vadd.f32 v62, v49;
	v49 =	vadd.f32 v39, v27;
	v39 =	vld [tilespmem:s23+$0xCD50]  }
0xd9: {  	s24 =	spop (v2sf);
	v25 =	vadd.f32 v63, v25;
	v63 =	vld [tilespmem:s23+$0x9B30]  }
0xda: {  	v5 =	vadd.f32 v9, v5;
	v9 =	vld [tilespmem:s24+$0x0]  }
0xdb: {  	v8 =	vadd.f32 v42, v21;
	v43 =	vmul.f32 $1.562500000e-02, v38;
	v26 =	vld [tilespmem:s24+$0x10]  }
0xdc: {  	v38 =	vadd.f32 v31, v47;
	v0 =	vadd.f32 v7, v0;
	s29 =	spop (v2sf);
	v61 =	vld [tilespmem:s24+$0x20]  }
0xdd: {  	v16 =	vsub.f32 v16, v43;
	(v2sf) =	vpush v18, $0x7;
	v10 =	vld [tilespmem:s29+$0x1900]  }
0xde: {  	v12 =	vsub.f32 v12, v43;
	v4 =	vadd.f32 v48, v4;
	v48 =	vld [tilespmem:s23+$0xCD30]  }
0xdf: {  	v14 =	vsub.f32 v14, v43;
	(v2sf) =	vpush v15, $0x7;
	v59 =	vld [tilespmem:s29+$0x1910]  }
0xe0: {  	v44 =	vmul.f32 v45, v45;
	v13 =	vsub.f32 v13, v43;
	v35 =	vadd.f32 v39, v35  }
0xe1: {  	v62 =	vmul.f32 v37, v37;
	v27 =	vld [tilespmem:s23+$0x9B40];
	v9 =	vadd.f32 v9, v60;
	v25 =	vadd.f32 v26, v25  }
0xe2: {  	v50 =	vmul.f32 v43, v43;
	v7 =	vld [tilespmem:s24+$0x30];
	v4 =	vadd.f32 v61, v4;
	v60 =	vadd.f32 v36, v45  }
0xe3: {  	v61 =	vmul.f32 v17, v17;
	v20 =	vadd.f32 v48, v63;
	v63 =	vld [tilespmem:s23+$0xCD40];
	v18 =	vadd.f32 v10, v9  }
0xe4: {  	v9 =	vld [tilespmem:s29+$0x1920];
	v15 =	vadd.f32 v59, v25;
	v10 =	vmul.f32 $1.562500000e-02, v49;
	v59 =	vadd.f32 v37, v17  }
0xe5: {  	v48 =	vmul.f32 v36, v36;
	v25 =	vld [tilespmem:s29+$0x1930];
	v49 =	vadd.f32 v62, v61;
	v61 =	vadd.f32 v34, v33  }
0xe6: {  	v62 =	vadd.f32 v30, v32;
	v10 =	vsub.f32 v10, v50  }
0xe7: {  	v26 =	vadd.f32 v60, v59;
	v50 =	vadd.f32 v48, v44  }
0xe8: {  	v7 =	vadd.f32 v7, v20;
	v10 =	vadd.f32 $9.999999960e-13, v10  }
0xe9: {  	v59 =	vperm.xlane v26, v1;
	v21 =	vadd.f32 v9, v4;
	v4 =	vadd.f32 v50, v49  }
0xea: {  	v48 =	vmul.f32 v34, v34;
	v20 =	vadd.f32 v25, v7;
	v7 =	vadd.f32 v63, v27  }
0xeb: {  	v27 =	vmul.f32 $5.000000000e-01, v10;
	v9 =	vadd.f32 v59, v26;
	v10 =	vshrl.u32 v10, $0x1  }
0xec: {  	v63 =	vmul.f32 v33, v33;
	s29 =	spop (v2sf);
	v60 =	vperm.xlane v4, v1;
	v10 =	vsub.s32 $0x5F3759DF, v10  }
0xed: {  	v26 =	vadd.f32 v62, v61;
	v29 =	vld [tilespmem:s29+$0x0];
	v59 =	vperm.xlane v9, v46;
	v62 =	vmul.f32 v10, v27  }
0xee: {  	v49 =	vmul.f32 v32, v32;
	v50 =	vmul.f32 v30, v30;
	s24 =	spop (v2sf);
	v4 =	vadd.f32 v60, v4  }
0xef: {  	v42 =	vld [tilespmem:s24+$0x1900];
	v9 =	vadd.f32 v59, v9;
	v59 =	vperm.xlane v26, v1;
	v40 =	vmul.f32 v10, v62  }
0xf0: {  	v61 =	vadd.f32 v50, v49;
	v60 =	vadd.f32 v48, v63  }
0xf1: {  	v63 =	vperm.xlane v4, v46;
	v26 =	vadd.f32 v59, v26;
	v40 =	vsub.f32 $1.500000000e+00, v40  }
0xf2: {  	v7 =	vadd.f32 v29, v7;
	v29 =	vadd.f32 v61, v60;
	v60 =	vld [tilespmem:s29+$0x10];
	v61 =	vperm.xlane v9, v2  }
0xf3: {  	v4 =	vadd.f32 v63, v4;
	v63 =	vld [tilespmem:s23+$0xCD60];
	v49 =	vperm.xlane v26, v46;
	v10 =	vmul.f32 v10, v40  }
0xf4: {  	v25 =	vadd.f32 v42, v7;
	v7 =	vld [tilespmem:s23+$0x9B60];
	v62 =	vperm.xlane v29, v1;
	v9 =	vadd.f32 v61, v9  }
0xf5: {  	v39 =	vadd.f32 v22, v28;
	v48 =	vperm.xlane v4, v2;
	v26 =	vadd.f32 v49, v26  }
0xf6: {  	v61 =	vld [tilespmem:s24+$0x1910];
	v27 =	vmul.f32 v10, v27;
	v29 =	vadd.f32 v62, v29;
	v59 =	vperm.xlane v9, v3  }
0xf7: {  	v50 =	vld [tilespmem:s29+$0x20];
	v4 =	vadd.f32 v48, v4;
	v35 =	vadd.f32 v60, v35;
	v48 =	vperm.xlane v26, v2  }
0xf8: {  	v27 =	vmul.f32 v27, v10;
	v60 =	vperm.xlane v29, v46;
	v9 =	vadd.f32 v59, v9  }
0xf9: {  	v62 =	vperm.xlane v4, v3;
	v7 =	vadd.f32 v63, v7;
	v63 =	vld [tilespmem:s24+$0x1920];
	v49 =	vadd.f32 v48, v26  }
0xfa: {  	v59 =	vsub.f32 $1.500000000e+00, v27;
	v29 =	vadd.f32 v60, v29  }
0xfb: {  	v27 =	vadd.f32 v61, v35;
	v9 =	vmul.f32 $1.562500000e-02, v9;
	v4 =	vadd.f32 v62, v4  }
0xfc: {  	v7 =	vadd.f32 v50, v7;
	v61 =	vperm.xlane v49, v3;
	v50 =	vperm.xlane v29, v2  }
0xfd: {  	v4 =	vmul.f32 $1.562500000e-02, v4;
	v60 =	vmul.f32 v9, v9;
	v17 =	vsub.f32 v17, v9  }
0xfe: {  	v29 =	vadd.f32 v50, v29;
	v26 =	vadd.f32 v63, v7;
	v7 =	vmul.f32 v59, v10  }
0xff: {  	v4 =	vsub.f32 v4, v60;
	v63 =	vmul.f32 v47, v47;
	v59 =	vmul.f32 v31, v31  }
0x100: {  	v10 =	vadd.f32 v61, v49;
	v60 =	vmul.f32 v28, v28;
	v61 =	vmul.f32 v22, v22  }
0x101: {  	v52 =	vld [tilespmem:$0x1FF80];
	v36 =	vsub.f32 v36, v9;
	v62 =	vperm.xlane v29, v3;
	v4 =	vadd.f32 $9.999999960e-13, v4  }
0x102: {  	v35 =	vld [tilespmem:s23+$0xCD70];
	v44 =	vmul.f32 $1.562500000e-02, v10;
	v63 =	vadd.f32 v59, v63;
	v50 =	vadd.f32 v61, v60  }
0x103: {  	v49 =	vld [tilespmem:s23+$0x9B70];
	v62 =	vadd.f32 v62, v29;
	v29 =	vadd.f32 v39, v38;
	v38 =	vmul.f32 $5.000000000e-01, v4  }
0x104: {  	v4 =	vshrl.u32 v4, $0x1;
	v59 =	vmul.f32 v44, v44;
	v39 =	vadd.f32 v50, v63  }
0x105: {  	v53 =	vld [tilespmem:$0x1FF90];
	v33 =	vsub.f32 v33, v44;
	v4 =	vsub.s32 $0x5F3759DF, v4;
	v10 =	vmul.f32 $1.562500000e-02, v62  }
0x106: {  	v34 =	vsub.f32 v34, v44;
	v60 =	vperm.xlane v29, v1;
	v61 =	vmul.f32 v4, v38  }
0x107: {  	v62 =	vmul.f32 v7, v52;
	v63 =	vperm.xlane v39, v1;
	v10 =	vsub.f32 v10, v59  }
0x108: {  	v54 =	vld [tilespmem:$0x1FFA0];
	v35 =	vadd.f32 v35, v49;
	v29 =	vadd.f32 v60, v29;
	v42 =	vmul.f32 v4, v61  }
0x109: {  	v16 =	vmul.f32 v62, v16;
	v39 =	vadd.f32 v63, v39;
	v10 =	vadd.f32 $9.999999960e-13, v10  }
0x10a: {  	v61 =	vmul.f32 v7, v53;
	v48 =	vperm.xlane v29, v46;
	v49 =	vsub.f32 $1.500000000e+00, v42  }
0x10b: {  	v55 =	vld [tilespmem:$0x1FFB0];
	v59 =	vperm.xlane v39, v46;
	v50 =	vshrl.u32 v10, $0x1;
	v10 =	vmul.f32 $5.000000000e-01, v10  }
0x10c: {  	v29 =	vadd.f32 v48, v29;
	v4 =	vmul.f32 v4, v49;
	v42 =	vsub.s32 $0x5F3759DF, v50  }
0x10d: {  	v63 =	vmul.f32 v7, v54;
	v39 =	vadd.f32 v59, v39;
	v60 =	vmul.f32 v42, v10  }
0x10e: {  	v41 =	vld [tilespmem:s29+$0x30];
	v32 =	vsub.f32 v32, v44;
	v62 =	vperm.xlane v29, v2;
	v38 =	vmul.f32 v4, v38  }
0x10f: {  	v30 =	vsub.f32 v30, v44;
	v59 =	vperm.xlane v39, v2;
	v40 =	vmul.f32 v42, v60  }
0x110: {  	v7 =	vmul.f32 v7, v55;
	v29 =	vadd.f32 v62, v29;
	v60 =	vmul.f32 v38, v4  }
0x111: {  	v48 =	vmul.f32 v61, v12;
	v49 =	vadd.f32 v59, v39;
	v61 =	vsub.f32 $1.500000000e+00, v40  }
0x112: {  	v14 =	vmul.f32 v63, v14;
	v62 =	vperm.xlane v29, v3;
	v12 =	vsub.f32 $1.500000000e+00, v60  }
0x113: {  	v35 =	vadd.f32 v41, v35;
	v63 =	vld [tilespmem:s24+$0x1930];
	v59 =	vperm.xlane v49, v3;
	v38 =	vmul.f32 v42, v61  }
0x114: {  	v56 =	vld [tilespmem:$0x1FFC0];
	v41 =	vmul.f32 v8, v8;
	v29 =	vadd.f32 v62, v29;
	v12 =	vmul.f32 v12, v4  }
0x115: {  	v13 =	vmul.f32 v7, v13;
	v60 =	vadd.f32 v59, v49;
	v4 =	vmul.f32 v38, v10  }
0x116: {  	v50 =	vsub.f32 v45, v9;
	v39 =	vmul.f32 $1.562500000e-02, v29;
	v61 =	vmul.f32 v12, v52  }
0x117: {  	v49 =	vsub.f32 v37, v9;
	v7 =	vmul.f32 $1.562500000e-02, v60;
	v59 =	vmul.f32 v12, v53  }
0x118: {  	v57 =	vld [tilespmem:$0x1FFD0];
	v10 =	vadd.f32 v63, v35;
	v60 =	vmul.f32 v12, v54;
	v35 =	vmul.f32 v24, v24  }
0x119: {  	v58 =	vld [tilespmem:$0x1FFE0];
	v37 =	vadd.f32 v16, v56;
	v62 =	vmul.f32 v4, v38;
	v63 =	vmul.f32 v39, v39  }
0x11a: {  	v4 =	vmul.f32 v61, v17;
	v9 =	vmul.f32 v60, v50;
	v60 =	vadd.f32 v19, v24  }
0x11b: {  	v61 =	vmul.f32 v12, v55;
	v31 =	vsub.f32 v31, v39;
	v28 =	vsub.f32 v28, v39  }
0x11c: {  	v12 =	vmul.f32 v59, v49;
	v22 =	vsub.f32 v22, v39;
	v40 =	vsub.f32 $1.500000000e+00, v62  }
0x11d: {  	v59 =	vmul.f32 v5, v5;
	v7 =	vsub.f32 v7, v63;
	v4 =	vadd.f32 v4, v56  }
0x11e: {  	v63 =	vmul.f32 v23, v23;
	v12 =	vadd.f32 v12, v57;
	v9 =	vadd.f32 v9, v58  }
0x11f: {  	v17 =	vmul.f32 v40, v38;
	v62 =	vadd.f32 $9.999999960e-13, v7;
	v7 =	vmul.f32 v61, v36  }
0x120: {  	v40 =	vmul.f32 v19, v19;
	v61 =	vadd.f32 v5, v23;
	v63 =	vadd.f32 v59, v63  }
0x121: {  	v51 =	vld [tilespmem:$0x1FFF0];
	v16 =	vmul.f32 v17, v52;
	v29 =	vmul.f32 $5.000000000e-01, v62;
	v38 =	vshrl.u32 v62, $0x1  }
0x122: {  	v35 =	vadd.f32 v40, v35;
	v49 =	vmul.f32 v17, v53;
	v38 =	vsub.s32 $0x5F3759DF, v38  }
0x123: {  	v50 =	vadd.f32 v61, v60;
	v62 =	vmul.f32 v38, v29;
	v16 =	vmul.f32 v16, v33  }
0x124: {  	v35 =	vadd.f32 v63, v35;
	v33 =	vadd.f32 v14, v58;
	v14 =	vmul.f32 v49, v34  }
0x125: {  	v36 =	vadd.f32 v48, v57;
	v60 =	vperm.xlane v50, v1;
	v59 =	vmul.f32 v38, v62  }
0x126: {  	v7 =	vadd.f32 v7, v51;
	v63 =	vmul.f32 v11, v11;
	v61 =	vperm.xlane v35, v1  }
0x127: {  	v34 =	vadd.f32 v60, v50;
	v62 =	vmul.f32 v6, v6;
	v40 =	vsub.f32 $1.500000000e+00, v59  }
0x128: {  	v35 =	vadd.f32 v61, v35;
	v59 =	vmul.f32 v0, v0;
	v61 =	vadd.f32 v11, v6  }
0x129: {  	v60 =	vperm.xlane v34, v46;
	v42 =	vadd.f32 v63, v62;
	v63 =	vadd.f32 v0, v8  }
0x12a: {  	v62 =	vmul.f32 v17, v54;
	v17 =	vmul.f32 v17, v55;
	v41 =	vadd.f32 v59, v41  }
0x12b: {  	v34 =	vadd.f32 v60, v34;
	v48 =	vperm.xlane v35, v46;
	v49 =	vadd.f32 v63, v61  }
0x12c: {  	v38 =	vmul.f32 v38, v40;
	v43 =	vmul.f32 v62, v32;
	v41 =	vadd.f32 v41, v42  }
0x12d: {  	v50 =	vperm.xlane v34, v2;
	v35 =	vadd.f32 v48, v35;
	v59 =	vperm.xlane v49, v1  }
0x12e: {  	v32 =	vadd.f32 v13, v51;
	v29 =	vmul.f32 v38, v29;
	v60 =	vperm.xlane v41, v1  }
0x12f: {  	v34 =	vadd.f32 v50, v34;
	v61 =	vperm.xlane v35, v2;
	v13 =	vadd.f32 v59, v49  }
0x130: {  	v17 =	vmul.f32 v17, v30;
	v29 =	vmul.f32 v29, v38;
	v40 =	vadd.f32 v60, v41  }
0x131: {  	v62 =	vperm.xlane v34, v3;
	v35 =	vadd.f32 v61, v35;
	v63 =	vperm.xlane v13, v46  }
0x132: {  	v29 =	vsub.f32 $1.500000000e+00, v29;
	v61 =	vsub.f32 v47, v39;
	v48 =	vperm.xlane v40, v46  }
0x133: {  	v49 =	vadd.f32 v62, v34;
	v50 =	vperm.xlane v35, v3;
	v13 =	vadd.f32 v63, v13  }
0x134: {  	v41 =	vmul.f32 v18, v18;
	v38 =	vmul.f32 v29, v38;
	v40 =	vadd.f32 v48, v40  }
0x135: {  	v30 =	vmul.f32 $1.562500000e-02, v49;
	v60 =	vadd.f32 v50, v35;
	v62 =	vperm.xlane v13, v2  }
0x136: {  	v59 =	vmul.f32 v38, v52;
	v50 =	vadd.f32 v15, v18;
	v63 =	vperm.xlane v40, v2  }
0x137: {  	v29 =	vmul.f32 $1.562500000e-02, v60;
	v49 =	vmul.f32 v30, v30;
	v13 =	vadd.f32 v62, v13  }
0x138: {  	v34 =	vmul.f32 v59, v61;
	v59 =	vadd.f32 v20, v21;
	v61 =	vmul.f32 v15, v15  }
0x139: {  	v35 =	vadd.f32 v63, v40;
	v29 =	vsub.f32 v29, v49;
	v60 =	vperm.xlane v13, v3  }
0x13a: {  	v62 =	vmul.f32 v21, v21;
	v40 =	vadd.f32 v59, v50;
	v63 =	vmul.f32 v20, v20  }
0x13b: {  	v44 =	vperm.xlane v35, v3;
	v45 =	vadd.f32 $9.999999960e-13, v29;
	v13 =	vadd.f32 v60, v13  }
0x13c: {  	v41 =	vadd.f32 v61, v41;
	v59 =	vperm.xlane v40, v1;
	v61 =	vadd.f32 v63, v62  }
0x13d: {  	v60 =	vshrl.u32 v45, $0x1;
	v35 =	vadd.f32 v44, v35;
	v29 =	vmul.f32 $1.562500000e-02, v13  }
0x13e: {  	v40 =	vadd.f32 v59, v40;
	v44 =	vmul.f32 $5.000000000e-01, v45;
	v13 =	vadd.f32 v61, v41  }
0x13f: {  	v42 =	vsub.s32 $0x5F3759DF, v60;
	v35 =	vmul.f32 $1.562500000e-02, v35;
	v62 =	vmul.f32 v29, v29  }
0x140: {  	v16 =	vadd.f32 v16, v56;
	v63 =	vperm.xlane v40, v46;
	v59 =	vmul.f32 v42, v44  }
0x141: {  	v47 =	vmul.f32 v38, v54;
	v60 =	vperm.xlane v13, v1;
	v35 =	vsub.f32 v35, v62  }
0x142: {  	v40 =	vadd.f32 v63, v40;
	v61 =	vmul.f32 v42, v59;
	v62 =	vadd.f32 v27, v25  }
0x143: {  	v28 =	vmul.f32 v47, v28;
	v63 =	vadd.f32 v10, v26;
	v13 =	vadd.f32 v60, v13  }
0x144: {  	v59 =	vmul.f32 v25, v25;
	v60 =	vmul.f32 v27, v27;
	v45 =	vsub.f32 $1.500000000e+00, v61  }
0x145: {  	v47 =	vadd.f32 v63, v62;
	v61 =	vmul.f32 v26, v26;
	v62 =	vmul.f32 v10, v10  }
0x146: {  	v14 =	vadd.f32 v14, v57;
	v41 =	vadd.f32 v60, v59;
	v59 =	vperm.xlane v13, v46  }
0x147: {  	v43 =	vadd.f32 v43, v58;
	v42 =	vmul.f32 v42, v45;
	v63 =	vadd.f32 v62, v61  }
0x148: {  	v17 =	vadd.f32 v17, v51;
	v60 =	vperm.xlane v40, v2;
	v13 =	vadd.f32 v59, v13  }
0x149: {  	v61 =	vperm.xlane v47, v1;
	v44 =	vmul.f32 v42, v44;
	v41 =	vadd.f32 v63, v41  }
0x14a: {  	v48 =	vmul.f32 v38, v53;
	v40 =	vadd.f32 v60, v40;
	v62 =	vperm.xlane v13, v2  }
0x14b: {  	v45 =	vadd.f32 v61, v47;
	v44 =	vmul.f32 v44, v42;
	v63 =	vperm.xlane v41, v1  }
0x14c: {  	v24 =	vsub.f32 v24, v30;
	v59 =	vperm.xlane v40, v3;
	v13 =	vadd.f32 v62, v13  }
0x14d: {  	v60 =	vperm.xlane v45, v46;
	v44 =	vsub.f32 $1.500000000e+00, v44;
	v41 =	vadd.f32 v63, v41  }
0x14e: {  	v35 =	vadd.f32 $9.999999960e-13, v35;
	v40 =	vadd.f32 v59, v40;
	v62 =	vperm.xlane v13, v3  }
0x14f: {  	v42 =	vmul.f32 v44, v42;
	v44 =	vadd.f32 v60, v45;
	v63 =	vperm.xlane v41, v46  }
0x150: {  	v19 =	vsub.f32 v19, v30;
	v40 =	vmul.f32 $1.562500000e-02, v40;
	v13 =	vadd.f32 v62, v13  }
0x151: {  	v61 =	vshrl.u32 v35, $0x1;
	v41 =	vadd.f32 v63, v41;
	v60 =	vperm.xlane v44, v2  }
0x152: {  	v47 =	vsub.s32 $0x5F3759DF, v61;
	v61 =	vmul.f32 v40, v40;
	v13 =	vmul.f32 $1.562500000e-02, v13  }
0x153: {  	v35 =	vmul.f32 $5.000000000e-01, v35;
	v44 =	vadd.f32 v60, v44;
	v62 =	vperm.xlane v41, v2  }
0x154: {  	v38 =	vmul.f32 v38, v55;
	v23 =	vsub.f32 v23, v30;
	v13 =	vsub.f32 v13, v61  }
0x155: {  	v59 =	vmul.f32 v47, v35;
	v41 =	vadd.f32 v62, v41;
	v49 =	vperm.xlane v44, v3  }
0x156: {  	v31 =	vmul.f32 v48, v31;
	v5 =	vsub.f32 v5, v30;
	v13 =	vadd.f32 $9.999999960e-13, v13  }
0x157: {  	v48 =	vmul.f32 v47, v59;
	v59 =	vadd.f32 v49, v44;
	v60 =	vperm.xlane v41, v3  }
0x158: {  	v63 =	vmul.f32 v42, v52;
	v61 =	vshrl.u32 v13, $0x1;
	v13 =	vmul.f32 $5.000000000e-01, v13  }
0x159: {  	v45 =	vsub.s32 $0x5F3759DF, v61;
	v39 =	vmul.f32 $1.562500000e-02, v59;
	v41 =	vadd.f32 v60, v41  }
0x15a: {  	v34 =	vadd.f32 v34, v56;
	v24 =	vmul.f32 v63, v24;
	v62 =	vmul.f32 v45, v13  }
0x15b: {  	v31 =	vadd.f32 v31, v57;
	v41 =	vmul.f32 $1.562500000e-02, v41;
	v63 =	vmul.f32 v39, v39  }
0x15c: {  	v22 =	vmul.f32 v38, v22;
	v28 =	vadd.f32 v28, v58;
	v50 =	vsub.f32 $1.500000000e+00, v48  }
0x15d: {  	[tilespmem:s23+$0x16180] =	vst v37;
	v6 =	vsub.f32 v6, v29;
	v44 =	vmul.f32 v45, v62;
	v60 =	vsub.f32 v41, v63  }
0x15e: {  	[tilespmem:s23+$0x161C0] =	vst v4;
	v11 =	vsub.f32 v11, v29;
	v8 =	vsub.f32 v8, v29;
	v38 =	vmul.f32 v47, v50  }
0x15f: {  	[tilespmem:s23+$0x161D0] =	vst v12;
	v50 =	vmul.f32 v42, v55;
	v62 =	vsub.f32 $1.500000000e+00, v44;
	v63 =	vadd.f32 $9.999999960e-13, v60  }
0x160: {  	[tilespmem:s23+$0x161E0] =	vst v9;
	v0 =	vsub.f32 v0, v29;
	v35 =	vmul.f32 v38, v35;
	v59 =	vmul.f32 v42, v53  }
0x161: {  	[tilespmem:s23+$0x16190] =	vst v36;
	v4 =	vmul.f32 v45, v62;
	v44 =	vshrl.u32 v63, $0x1;
	v45 =	vmul.f32 $5.000000000e-01, v63  }
0x162: {  	[tilespmem:s23+$0x161F0] =	vst v7;
	v35 =	vmul.f32 v35, v38;
	v61 =	vmul.f32 v42, v54;
	v49 =	vsub.s32 $0x5F3759DF, v44  }
0x163: {  	[tilespmem:s23+$0x161A0] =	vst v33;
	v47 =	vadd.f32 v22, v51;
	v19 =	vmul.f32 v59, v19;
	v59 =	vmul.f32 v49, v45  }
0x164: {  	[tilespmem:s23+$0x16200] =	vst v16;
	v5 =	vmul.f32 v50, v5;
	v35 =	vsub.f32 $1.500000000e+00, v35;
	v23 =	vmul.f32 v61, v23  }
0x165: {  	[tilespmem:s23+$0x16210] =	vst v14;
	v37 =	vsub.f32 v18, v40;
	v13 =	vmul.f32 v4, v13;
	v62 =	vmul.f32 v49, v59  }
0x166: {  	[tilespmem:s23+$0x16270] =	vst v47;
	v47 =	vsub.f32 v20, v40;
	v48 =	vadd.f32 v24, v56;
	v41 =	vmul.f32 v35, v38  }
0x167: {  	[tilespmem:s23+$0x161B0] =	vst v32;
	v63 =	vadd.f32 v23, v58;
	v23 =	vmul.f32 v13, v4;
	v9 =	vsub.f32 $1.500000000e+00, v62  }
0x168: {  	[tilespmem:s23+$0x16220] =	vst v43;
	v5 =	vadd.f32 v5, v51;
	v60 =	vmul.f32 v41, v52;
	v30 =	vmul.f32 v41, v53  }
0x169: {  	[tilespmem:s23+$0x16230] =	vst v17;
	v33 =	vmul.f32 v41, v54;
	v7 =	vsub.f32 $1.500000000e+00, v23;
	v9 =	vmul.f32 v49, v9  }
0x16a: {  	[tilespmem:s23+$0x16240] =	vst v34;
	v42 =	vsub.f32 v15, v40;
	v34 =	vmul.f32 v41, v55;
	v6 =	vmul.f32 v60, v6  }
0x16b: {  	[tilespmem:s23+$0x16250] =	vst v31;
	v50 =	vsub.f32 v25, v39;
	v4 =	vmul.f32 v7, v4;
	v36 =	vmul.f32 v9, v45  }
0x16c: {  	[tilespmem:s23+$0x16260] =	vst v28;
	v61 =	vadd.f32 v19, v57;
	v11 =	vmul.f32 v30, v11;
	v8 =	vmul.f32 v33, v8  }
0x16d: {  	[tilespmem:s23+$0x16280] =	vst v48;
	v60 =	vsub.f32 v26, v39;
	v38 =	vmul.f32 v4, v52;
	v41 =	vmul.f32 v36, v9  }
0x16e: {  	[tilespmem:s23+$0x162B0] =	vst v5;
	v0 =	vmul.f32 v34, v0;
	v44 =	vsub.f32 v21, v40;
	v6 =	vadd.f32 v6, v56  }
0x16f: {  	[tilespmem:s23+$0x16290] =	vst v61;
	v43 =	vmul.f32 v4, v53;
	v12 =	vmul.f32 v38, v37;
	v7 =	vsub.f32 $1.500000000e+00, v41  }
0x170: {  	v11 =	vadd.f32 v11, v57;
	[tilespmem:s23+$0x162A0] =	vst v63;
	v45 =	vmul.f32 v4, v54;
	v4 =	vmul.f32 v4, v55  }
0x171: {  	v8 =	vadd.f32 v8, v58;
	[tilespmem:s23+$0x162C0] =	vst v6;
	v5 =	vmul.f32 v43, v42;
	v7 =	vmul.f32 v7, v9  }
0x172: {  	v0 =	vadd.f32 v0, v51;
	[tilespmem:s23+$0x162D0] =	vst v11;
	v48 =	vmul.f32 v45, v44;
	v4 =	vmul.f32 v4, v47  }
0x173: {  	[tilespmem:s23+$0x162E0] =	vst v8;
	v49 =	vadd.f32 v12, v56;
	v5 =	vadd.f32 v5, v57;
	v52 =	vmul.f32 v7, v52  }
0x174: {  	[tilespmem:s23+$0x162F0] =	vst v0;
	v0 =	vadd.f32 v4, v51;
	v4 =	vsub.f32 v27, v39;
	v59 =	vmul.f32 v7, v53  }
0x175: {  	v6 =	vadd.f32 v48, v58;
	[tilespmem:s23+$0x16300] =	vst v49;
	v61 =	vmul.f32 v7, v54;
	v8 =	vmul.f32 v52, v50  }
0x176: {  	[tilespmem:s23+$0x16310] =	vst v5;
	v5 =	vsub.f32 v10, v39;
	v7 =	vmul.f32 v7, v55;
	v4 =	vmul.f32 v59, v4  }
0x177: {  	p1 =	sne.s32 s16, $0xC000;
	[tilespmem:s23+$0x16320] =	vst v6;
	v63 =	vmul.f32 v61, v60;
	v62 =	vadd.f32 v8, v56  }
.Ltmp0:
0x178: {  	[tilespmem:s23+$0x16330] =	vst v0;
	v0 =	vadd.f32 v4, v57;
	v4 =	vmul.f32 v7, v5;
	(pc) =	sbr.rel @p1 .LBB2_3-.Ltmp0, $4  }
0x179: {  	v5 =	vadd.f32 v63, v58;
	[tilespmem:s23+$0x16340] =	vst v62  }
0x17a: {  	[tilespmem:s23+$0x16350] =	vst v0;
	v0 =	vadd.f32 v4, v51  }
0x17b: {  	[tilespmem:s23+$0x16360] =	vst v5  }
0x17c: {  	s25 =	sadd.s32 $0x8, s25;
	s17 =	sadd.s32 $0x8, s17;
	s16 =	sadd.s32 $0x800, s16;
	[tilespmem:s23+$0x16370] =	vst v0  }
0x17d: {  	s16 =	sadd.s32 s10, s15;
	p1 =	seq.s32 s18, $0x3F  }
0x17e: {  	s16 =	sshll.u32 s16, $0x3;
	s15 =	sadd.s32 @!p1 s15, s20  }
0x17f: {  	s16 =	sadd.s32 s3, s16;
	s15 =	sshrl.u32 @!p1 s15, $0x3  }
0x180: {  	[hbm4b:s16+s5] =	stream.linear.scatter [tilespmem:s13], [sflag:$0x5], $0x3200, $0x38;
	[tilespmem:$0x1CC40] =	vst v63  }
0x181: {  	s17 =	simm.s32 @!p1 $0x0;
	s23 =	simm.s32 @!p1 $0x1C580;
	s16 =	sadd.s32 @!p1 s6, s15  }
0x182: {  	[tilespmem:s23], [sflag:$0x7] =	stream.linear.gather @!p1 [hbm4b:s16+s17], $0xC8, $0x38;
	[tilespmem:$0x1CC40] =	vst v63  }
0x183: {  	s24 =	simm.s32 @!p1 $0x1C658;
	s16 =	sadd.s32 @!p1 s7, s15  }
0x184: {  	[tilespmem:s24], [sflag:$0x7] =	stream.linear.gather @!p1 [hbm4b:s16+s17], $0xC8, $0x38;
	[tilespmem:$0x1CC40] =	vst v63  }
0x185: {  	s25 =	simm.s32 @!p1 $0x1C730;
	s16 =	sadd.s32 @!p1 s8, s15  }
0x186: {  	[tilespmem:s25], [sflag:$0x7] =	stream.linear.gather @!p1 [hbm4b:s16+s17], $0xC8, $0x38;
	[tilespmem:$0x1CC40] =	vst v63  }
0x187: {  	s15 =	sadd.s32 @!p1 s9, s15;
	s16 =	simm.s32 @!p1 $0x1C808  }
0x188: {  	[tilespmem:s16], [sflag:$0x7] =	stream.linear.gather @!p1 [hbm4b:s15+s17], $0xC8, $0x38;
	[tilespmem:$0x1CC40] =	vst v63  }
0x189: {  	s15 =	simm.s32 @!p1 $0x7  }
0x18a: {  	_ =	swait.ge @!p1 [sflag:s15], $0xC8  }
0x18b: {  	[sflag:s15] =	ssyncset.done @!p1 $0x0  }
0x18c: {  	[sflag:s15] =	ssyncadd.s32 @!p1 $0xFFFFFF38  }
0x18d: {  	_ =	swait.ge @!p1 [sflag:s15], $0xC8  }
0x18e: {  	[sflag:s15] =	ssyncset.done @!p1 $0x0  }
0x18f: {  	[sflag:s15] =	ssyncadd.s32 @!p1 $0xFFFFFF38  }
0x190: {  	_ =	swait.ge @!p1 [sflag:s15], $0xC8  }
0x191: {  	[sflag:s15] =	ssyncset.done @!p1 $0x0  }
0x192: {  	[sflag:s15] =	ssyncadd.s32 @!p1 $0xFFFFFF38  }
0x193: {  	_ =	swait.ge @!p1 [sflag:s15], $0xC8  }
0x194: {  	[sflag:s15] =	ssyncset.done @!p1 $0x0  }
0x195: {  	s16 =	simm.s32 @!p1 $0x9980;
	[sflag:s15] =	ssyncadd.s32 @!p1 $0xFFFFFF38;
	s15 =	simm.s32 @!p1 $0xC8  }
0x196: {  	[tilespmem:s16], [sflag:$0x1] =	stream.indirect.gather @!p1 [hbm4b:s11+s15], $0x40, s23, s15, $0xb8;
	[tilespmem:$0x1CC40] =	vst v63  }
0x197: {  	s16 =	simm.s32 @!p1 $0xCB80  }
0x198: {  	[tilespmem:s16], [sflag:$0x2] =	stream.indirect.gather @!p1 [hbm4b:s12+s15], $0x40, s24, s15, $0xb8;
	[tilespmem:$0x1CC40] =	vst v63  }
0x199: {  	_ =	swait.ge [sflag:s26], $0x3200  }
0x19a: {  	[sflag:s26] =	ssyncset.done $0x0  }
0x19b: {  	[sflag:s26] =	ssyncadd.s32 $0xFFFFCE00  }
0x19c: {  	_ =	swait.ge [sflag:s14], $0x3200  }
0x19d: {  	[sflag:s14] =	ssyncset.done $0x0  }
0x19e: {  	s15 =	simm.s32 @!p0 $0x6;
	[sflag:s14] =	ssyncadd.s32 $0xFFFFCE00  }
0x19f: {  	_ =	swait.ge @!p0 [sflag:s15], $0x3200  }
0x1a0: {  	s17 =	simm.s32 $0x1CB68;
	[sflag:s15] =	ssyncset.done @!p0 $0x0  }
0x1a1: {  	v62 =	vmovc v1;
	v61 =	vmov v3;
	v3 =	vmov v2;
	v2 =	vmov v46;
	s16 =	simm.s32 $0x1CA90;
	[sflag:s15] =	ssyncadd.s32 @!p0 $0xFFFFCE00;
	s15 =	simm.s32 $0x0  }
.LBB2_5:
0x1a2: {  	v0 =	vld [tilespmem:s16+$0x0];
	_ =	sdelay $0x2  }
0x1a3: {  	v4 =	vld [tilespmem:s17+$0x0];
	_ =	sdelay $0x1  }
0x1a4: {  	s23 =	sshra.s32 s15, $0x2;
	v18 =	vshll.u32 v0, $0x6  }
0x1a5: {  	v7 =	vld [tilespmem:s23+$0xFD90];
	(v2sf) =	vpush v18, $0x0  }
0x1a6: {  	v8 =	vld [tilespmem:s23+$0x12F90]  }
0x1a7: {  	v11 =	vld [tilespmem:s23+$0xFDA0];
	v15 =	vshll.u32 v4, $0x6  }
0x1a8: {  	v12 =	vld [tilespmem:s23+$0x12FA0];
	(v2sf) =	vpush v15, $0x0  }
0x1a9: {  	v16 =	vld [tilespmem:s23+$0xFDB0]  }
0x1aa: {  	v17 =	vld [tilespmem:s23+$0x12FB0]  }
0x1ab: {  	v21 =	vld [tilespmem:s23+$0xFDC0]  }
0x1ac: {  	v22 =	vld [tilespmem:s23+$0x12FC0]  }
0x1ad: {  	v25 =	vld [tilespmem:s23+$0xFDD0]  }
0x1ae: {  	v26 =	vld [tilespmem:s23+$0x12FD0]  }
0x1af: {  	v29 =	vld [tilespmem:s23+$0xFDE0]  }
0x1b0: {  	v30 =	vld [tilespmem:s23+$0x12FE0]  }
0x1b1: {  	v33 =	vld [tilespmem:s23+$0xFDF0]  }
0x1b2: {  	v34 =	vld [tilespmem:s23+$0x12FF0]  }
0x1b3: {  	v37 =	vld [tilespmem:s23+$0xFE00]  }
0x1b4: {  	v38 =	vld [tilespmem:s23+$0x13000];
	s24 =	spop (v2sf);
	(v2sf) =	vpush v18, $0x1  }
0x1b5: {  	v42 =	vld [tilespmem:s23+$0xFE10]  }
0x1b6: {  	v43 =	vld [tilespmem:s23+$0x13010]  }
0x1b7: {  	v47 =	vld [tilespmem:s23+$0xFE20];
	s25 =	spop (v2sf);
	(v2sf) =	vpush v15, $0x1  }
0x1b8: {  	v48 =	vld [tilespmem:s23+$0x13020]  }
0x1b9: {  	v51 =	vld [tilespmem:s23+$0xFE30]  }
0x1ba: {  	v52 =	vld [tilespmem:s23+$0x13030]  }
0x1bb: {  	v55 =	vld [tilespmem:s23+$0xFE40]  }
0x1bc: {  	v56 =	vld [tilespmem:s23+$0x13040]  }
0x1bd: {  	v59 =	vld [tilespmem:s23+$0xFE50]  }
0x1be: {  	v0 =	vld [tilespmem:s23+$0xFD80]  }
0x1bf: {  	v4 =	vld [tilespmem:s23+$0x12F80]  }
0x1c0: {  	v6 =	vld [tilespmem:s25+$0x1900]  }
0x1c1: {  	v10 =	vld [tilespmem:s25+$0x1910]  }
0x1c2: {  	v14 =	vld [tilespmem:s25+$0x1920]  }
0x1c3: {  	v20 =	vld [tilespmem:s25+$0x1930];
	s25 =	spop (v2sf);
	(v2sf) =	vpush v18, $0x2  }
0x1c4: {  	v5 =	vld [tilespmem:s24+$0x0]  }
0x1c5: {  	v9 =	vld [tilespmem:s24+$0x10]  }
0x1c6: {  	v60 =	vld [tilespmem:s23+$0x13050];
	s29 =	spop (v2sf);
	(v2sf) =	vpush v15, $0x2  }
0x1c7: {  	v63 =	vld [tilespmem:s23+$0xFE60];
	v0 =	vadd.f32 v4, v0  }
0x1c8: {  	v7 =	vadd.f32 v8, v7;
	v13 =	vld [tilespmem:s24+$0x20]  }
0x1c9: {  	v39 =	vld [tilespmem:s23+$0x13060];
	v0 =	vadd.f32 v5, v0  }
0x1ca: {  	v8 =	vld [tilespmem:s23+$0xFE70];
	v7 =	vadd.f32 v9, v7  }
0x1cb: {  	v11 =	vadd.f32 v12, v11;
	v19 =	vld [tilespmem:s24+$0x30];
	v5 =	vadd.f32 v6, v0  }
0x1cc: {  	v0 =	vadd.f32 v10, v7;
	v7 =	vadd.f32 v17, v16;
	v16 =	vld [tilespmem:s23+$0xFE80]  }
0x1cd: {  	v6 =	vadd.f32 v13, v11;
	v13 =	vld [tilespmem:s23+$0x13080]  }
0x1ce: {  	v23 =	vld [tilespmem:s25+$0x0]  }
0x1cf: {  	v27 =	vld [tilespmem:s25+$0x10]  }
0x1d0: {  	v1 =	vld [tilespmem:s29+$0x1910]  }
0x1d1: {  	v31 =	vld [tilespmem:s25+$0x20]  }
0x1d2: {  	v35 =	vld [tilespmem:s25+$0x30];
	s25 =	spop (v2sf);
	(v2sf) =	vpush v18, $0x3  }
0x1d3: {  	v24 =	vld [tilespmem:s29+$0x1900]  }
0x1d4: {  	v22 =	vadd.f32 v22, v21;
	v26 =	vadd.f32 v26, v25;
	v28 =	vld [tilespmem:s29+$0x1920]  }
0x1d5: {  	v7 =	vadd.f32 v19, v7;
	v36 =	vld [tilespmem:s29+$0x1930];
	[tilespmem:$0x1FF30] =	vst v1;
	s29 =	spop (v2sf);
	(v2sf) =	vpush v15, $0x3  }
0x1d6: {  	v33 =	vadd.f32 v34, v33;
	v34 =	vadd.f32 v38, v37;
	v38 =	vld [tilespmem:$0x1FF30]  }
0x1d7: {  	v11 =	vadd.f32 v14, v6;
	v14 =	vld [tilespmem:s23+$0xFE90];
	v10 =	vadd.f32 v20, v7  }
0x1d8: {  	v19 =	vadd.f32 v23, v22;
	v7 =	vadd.f32 v27, v26;
	v26 =	vld [tilespmem:s23+$0xFEA0]  }
0x1d9: {  	v27 =	vld [tilespmem:s23+$0x130A0]  }
0x1da: {  	v6 =	vadd.f32 v24, v19;
	v19 =	vld [tilespmem:s23+$0x13090]  }
0x1db: {  	v37 =	vadd.f32 v38, v7;
	v38 =	vld [tilespmem:s23+$0xFEB0]  }
0x1dc: {  	v40 =	vld [tilespmem:s25+$0x0]  }
0x1dd: {  	v44 =	vld [tilespmem:s25+$0x10]  }
0x1de: {  	v49 =	vld [tilespmem:s25+$0x20]  }
0x1df: {  	v30 =	vadd.f32 v30, v29;
	v53 =	vld [tilespmem:s25+$0x30]  }
0x1e0: {  	v43 =	vadd.f32 v43, v42;
	v22 =	vadd.f32 v35, v33;
	v41 =	vld [tilespmem:s29+$0x1900]  }
0x1e1: {  	v48 =	vadd.f32 v48, v47;
	v45 =	vld [tilespmem:s29+$0x1910];
	s25 =	spop (v2sf);
	(v2sf) =	vpush v18, $0x4  }
0x1e2: {  	v20 =	vadd.f32 v31, v30;
	v36 =	vadd.f32 v36, v22;
	v50 =	vld [tilespmem:s29+$0x1920]  }
0x1e3: {  	v54 =	vld [tilespmem:s29+$0x1930];
	v24 =	vadd.f32 v40, v34;
	v34 =	vadd.f32 v52, v51  }
0x1e4: {  	v22 =	vadd.f32 v44, v43;
	v40 =	vld [tilespmem:s23+$0x130B0];
	s29 =	spop (v2sf);
	(v2sf) =	vpush v15, $0x4  }
0x1e5: {  	v7 =	vadd.f32 v28, v20;
	v43 =	vld [tilespmem:s23+$0xFEC0];
	v33 =	vadd.f32 v41, v24  }
0x1e6: {  	v28 =	vadd.f32 v53, v34;
	v34 =	vadd.f32 v45, v22;
	v45 =	vld [tilespmem:s23+$0xFED0]  }
0x1e7: {  	v24 =	vadd.f32 v49, v48;
	v49 =	vadd.f32 v13, v16;
	v16 =	vld [tilespmem:s23+$0x130D0]  }
0x1e8: {  	v57 =	vld [tilespmem:s25+$0x0]  }
0x1e9: {  	v1 =	vld [tilespmem:s29+$0x1910]  }
0x1ea: {  	v32 =	vld [tilespmem:s25+$0x10]  }
0x1eb: {  	v46 =	vld [tilespmem:s25+$0x20]  }
0x1ec: {  	v9 =	vld [tilespmem:s25+$0x30]  }
0x1ed: {  	v58 =	vld [tilespmem:s29+$0x1900]  }
0x1ee: {  	v4 =	vld [tilespmem:s29+$0x1920];
	[tilespmem:$0x1FF40] =	vst v1  }
0x1ef: {  	v31 =	vadd.f32 v60, v59;
	v51 =	vadd.f32 v50, v24;
	v50 =	vld [tilespmem:$0x1FF40]  }
0x1f0: {  	v44 =	vadd.f32 v56, v55;
	v12 =	vld [tilespmem:s29+$0x1930];
	s25 =	spop (v2sf);
	(v2sf) =	vpush v18, $0x5  }
0x1f1: {  	v48 =	vadd.f32 v39, v63;
	v1 =	vld [tilespmem:s23+$0x13070]  }
0x1f2: {  	v47 =	vadd.f32 v57, v44;
	v44 =	vld [tilespmem:s23+$0x130C0];
	v22 =	vadd.f32 v32, v31  }
0x1f3: {  	v24 =	vadd.f32 v46, v48;
	v46 =	vld [tilespmem:s23+$0x130E0];
	s29 =	spop (v2sf);
	(v2sf) =	vpush v15, $0x5  }
0x1f4: {  	v31 =	vadd.f32 v50, v22;
	v50 =	vld [tilespmem:s23+$0xFEF0]  }
0x1f5: {  	v59 =	vmul.f32 v5, v5;
	v60 =	vmul.f32 v0, v0;
	v17 =	vld [tilespmem:s25+$0x0]  }
0x1f6: {  	v1 =	vadd.f32 v1, v8;
	v23 =	vld [tilespmem:s25+$0x10]  }
0x1f7: {  	v59 =	vadd.f32 v60, v59;
	v20 =	vld [tilespmem:s25+$0x20]  }
0x1f8: {  	v60 =	vadd.f32 v27, v26;
	v1 =	vadd.f32 v9, v1;
	v21 =	vld [tilespmem:s29+$0x1900]  }
0x1f9: {  	v13 =	vadd.f32 v0, v5;
	v30 =	vadd.f32 v54, v28;
	v25 =	vld [tilespmem:s29+$0x1910]  }
0x1fa: {  	v41 =	vld [tilespmem:s25+$0x30];
	v22 =	vadd.f32 v12, v1;
	v12 =	vadd.f32 v19, v14  }
0x1fb: {  	v63 =	vmul.f32 v11, v11;
	v14 =	vadd.f32 v10, v11;
	v35 =	vld [tilespmem:s29+$0x1920];
	v1 =	vadd.f32 v17, v49  }
0x1fc: {  	v32 =	vmul.f32 v10, v10;
	v28 =	vadd.f32 v4, v24;
	v17 =	vld [tilespmem:s23+$0xFEE0];
	v12 =	vadd.f32 v23, v12  }
0x1fd: {  	v42 =	vld [tilespmem:s29+$0x1930];
	v13 =	vadd.f32 v14, v13;
	v24 =	vadd.f32 v21, v1  }
0x1fe: {  	v21 =	vadd.f32 v32, v63;
	v19 =	vadd.f32 v25, v12;
	v25 =	vld [tilespmem:s23+$0x130F0]  }
0x1ff: {  	v63 =	vadd.f32 v40, v38;
	v32 =	vperm.xlane v13, v62;
	v40 =	vld [tilespmem:s23+$0xFF00];
	s25 =	spop (v2sf);
	(v2sf) =	vpush v18, $0x6  }
0x200: {  	v12 =	vadd.f32 v20, v60;
	v20 =	vld [tilespmem:s23+$0x13100];
	v14 =	vadd.f32 v21, v59  }
0x201: {  	v21 =	vadd.f32 v32, v13;
	v32 =	vadd.f32 v46, v17;
	v46 =	vld [tilespmem:s23+$0x13110]  }
0x202: {  	s29 =	spop (v2sf);
	v39 =	vld [tilespmem:s25+$0x0];
	(v2sf) =	vpush v15, $0x6  }
0x203: {  	v59 =	vperm.xlane v21, v2;
	v4 =	vld [tilespmem:s25+$0x10]  }
0x204: {  	v29 =	vadd.f32 v58, v47;
	v1 =	vld [tilespmem:s25+$0x20]  }
0x205: {  	v44 =	vadd.f32 v44, v43;
	v47 =	vperm.xlane v14, v62;
	v21 =	vadd.f32 v59, v21;
	v26 =	vld [tilespmem:s25+$0x30]  }
0x206: {  	v38 =	vadd.f32 v41, v63;
	v23 =	vadd.f32 v35, v12;
	v8 =	vld [tilespmem:s29+$0x1900]  }
0x207: {  	v63 =	vadd.f32 v16, v45;
	v60 =	vadd.f32 v47, v14;
	v47 =	vperm.xlane v21, v3;
	v9 =	vld [tilespmem:s29+$0x1910]  }
0x208: {  	v13 =	vadd.f32 v42, v38;
	v45 =	vadd.f32 v25, v50;
	v49 =	vld [tilespmem:s29+$0x1920]  }
0x209: {  	v42 =	vld [tilespmem:s23+$0xFF10];
	v50 =	vadd.f32 v47, v21;
	v48 =	vadd.f32 v39, v44;
	v44 =	vperm.xlane v60, v2  }
0x20a: {  	v27 =	vld [tilespmem:s29+$0x1930];
	v4 =	vadd.f32 v4, v63;
	v1 =	vadd.f32 v1, v32  }
0x20b: {  	v47 =	vld [tilespmem:s23+$0x13130];
	v43 =	vperm.xlane v50, v61;
	v14 =	vadd.f32 v8, v48;
	v39 =	vadd.f32 v44, v60  }
0x20c: {  	v17 =	vadd.f32 v9, v4;
	v4 =	vadd.f32 v26, v45;
	v48 =	vld [tilespmem:s23+$0xFF20]  }
0x20d: {  	v16 =	vadd.f32 v49, v1;
	v1 =	vld [tilespmem:s23+$0x13120];
	v9 =	vadd.f32 v43, v50  }
0x20e: {  	v25 =	vadd.f32 v46, v42;
	v60 =	vadd.f32 v20, v40;
	v45 =	vld [tilespmem:s23+$0xFF30];
	v59 =	vperm.xlane v39, v3;
	s25 =	spop (v2sf)  }
0x20f: {  	v50 =	vadd.f32 v37, v6;
	v12 =	vadd.f32 v27, v4;
	v43 =	vmul.f32 $1.562500000e-02, v9;
	v35 =	vld [tilespmem:s25+$0x0]  }
0x210: {  	v21 =	vadd.f32 v59, v39;
	v59 =	vadd.f32 v36, v7;
	v32 =	vld [tilespmem:s25+$0x10]  }
0x211: {  	v5 =	vsub.f32 v5, v43;
	(v2sf) =	vpush v18, $0x7;
	s29 =	spop (v2sf);
	v63 =	vld [tilespmem:s25+$0x20]  }
0x212: {  	v0 =	vsub.f32 v0, v43;
	v11 =	vsub.f32 v11, v43;
	v46 =	vperm.xlane v21, v61;
	v4 =	vld [tilespmem:s29+$0x1910]  }
0x213: {  	v1 =	vadd.f32 v1, v48;
	(v2sf) =	vpush v15, $0x7  }
0x214: {  	v49 =	vmul.f32 v43, v43;
	v8 =	vadd.f32 v47, v45;
	v48 =	vadd.f32 v46, v21  }
0x215: {  	v26 =	vld [tilespmem:s23+$0xFF40];
	v45 =	vmul.f32 v7, v7;
	v46 =	vmul.f32 v36, v36;
	v25 =	vadd.f32 v32, v25  }
0x216: {  	v9 =	vmul.f32 $1.562500000e-02, v48;
	v44 =	vadd.f32 v35, v60;
	v35 =	vld [tilespmem:s29+$0x1920];
	v1 =	vadd.f32 v63, v1  }
0x217: {  	v60 =	vmul.f32 v6, v6;
	v63 =	vmul.f32 v37, v37;
	v15 =	vadd.f32 v4, v25;
	v4 =	vld [tilespmem:s25+$0x30]  }
0x218: {  	v20 =	vld [tilespmem:s29+$0x1930];
	v48 =	vadd.f32 v46, v45;
	v9 =	vsub.f32 v9, v49  }
0x219: {  	v32 =	vld [tilespmem:s23+$0x13140];
	v25 =	vadd.f32 v59, v50;
	v47 =	vadd.f32 v63, v60  }
0x21a: {  	v49 =	vadd.f32 $9.999999960e-13, v9;
	v59 =	vadd.f32 v34, v33  }
0x21b: {  	v50 =	vperm.xlane v25, v62;
	v21 =	vadd.f32 v35, v1;
	v1 =	vadd.f32 v48, v47  }
0x21c: {  	v60 =	vadd.f32 v30, v51;
	v63 =	vmul.f32 v33, v33;
	v4 =	vadd.f32 v4, v8  }
0x21d: {  	v41 =	vld [tilespmem:s29+$0x1900];
	v48 =	vmul.f32 v51, v51;
	v9 =	vadd.f32 v50, v25;
	v25 =	vperm.xlane v1, v62  }
0x21e: {  	v38 =	vld [tilespmem:s23+$0xFF50];
	v20 =	vadd.f32 v20, v4;
	v4 =	vadd.f32 v32, v26;
	v26 =	vmul.f32 $5.000000000e-01, v49  }
0x21f: {  	v40 =	vld [tilespmem:s23+$0x13150];
	v8 =	vshrl.u32 v49, $0x1;
	v32 =	vmul.f32 v34, v34;
	v49 =	vmul.f32 v30, v30  }
0x220: {  	v27 =	vadd.f32 v60, v59;
	v50 =	vperm.xlane v9, v2;
	s24 =	spop (v2sf);
	v1 =	vadd.f32 v25, v1  }
0x221: {  	v8 =	vsub.s32 $0x5F3759DF, v8;
	v35 =	vld [tilespmem:s24+$0x0];
	v59 =	vadd.f32 v32, v63;
	v60 =	vadd.f32 v49, v48  }
0x222: {  	v18 =	vadd.f32 v41, v44;
	s29 =	spop (v2sf);
	v63 =	vmul.f32 v8, v26;
	v48 =	vperm.xlane v1, v2  }
0x223: {  	v9 =	vadd.f32 v50, v9;
	v50 =	vperm.xlane v27, v62;
	v44 =	vld [tilespmem:s29+$0x1900];
	v49 =	vadd.f32 v60, v59  }
0x224: {  	v38 =	vadd.f32 v40, v38;
	v41 =	vmul.f32 v8, v63;
	v1 =	vadd.f32 v48, v1  }
0x225: {  	v45 =	vld [tilespmem:s24+$0x10];
	v27 =	vadd.f32 v50, v27;
	v59 =	vperm.xlane v9, v3;
	v60 =	vperm.xlane v49, v62  }
0x226: {  	v4 =	vadd.f32 v35, v4;
	v41 =	vsub.f32 $1.500000000e+00, v41;
	v63 =	vperm.xlane v1, v3  }
0x227: {  	v42 =	vld [tilespmem:s23+$0x13160];
	v48 =	vperm.xlane v27, v2;
	v9 =	vadd.f32 v59, v9;
	v35 =	vadd.f32 v60, v49  }
0x228: {  	v25 =	vadd.f32 v44, v4;
	v4 =	vld [tilespmem:s23+$0xFF60];
	v8 =	vmul.f32 v8, v41;
	v1 =	vadd.f32 v63, v1  }
0x229: {  	v32 =	vadd.f32 v31, v29;
	v50 =	vperm.xlane v9, v61;
	v59 =	vperm.xlane v35, v2  }
0x22a: {  	v38 =	vadd.f32 v45, v38;
	v49 =	vld [tilespmem:s24+$0x20];
	v26 =	vmul.f32 v8, v26;
	v60 =	vperm.xlane v1, v61  }
0x22b: {  	v27 =	vadd.f32 v48, v27;
	v44 =	vld [tilespmem:s29+$0x1910];
	v9 =	vadd.f32 v50, v9  }
0x22c: {  	v35 =	vadd.f32 v59, v35;
	v26 =	vmul.f32 v26, v8;
	v1 =	vadd.f32 v60, v1  }
0x22d: {  	v63 =	vld [tilespmem:s29+$0x1920];
	v48 =	vperm.xlane v27, v3;
	v9 =	vmul.f32 $1.562500000e-02, v9;
	v4 =	vadd.f32 v42, v4  }
0x22e: {  	v40 =	vperm.xlane v35, v3;
	v50 =	vsub.f32 $1.500000000e+00, v26;
	v1 =	vmul.f32 $1.562500000e-02, v1  }
0x22f: {  	v59 =	vmul.f32 v9, v9;
	v4 =	vadd.f32 v49, v4;
	v49 =	vadd.f32 v48, v27  }
0x230: {  	v53 =	vld [tilespmem:$0x1FF90];
	v27 =	vadd.f32 v44, v38;
	v48 =	vadd.f32 v22, v28  }
0x231: {  	v35 =	vadd.f32 v40, v35;
	v1 =	vsub.f32 v1, v59;
	v59 =	vmul.f32 v28, v28  }
0x232: {  	v60 =	vperm.xlane v49, v61;
	v26 =	vadd.f32 v63, v4;
	v4 =	vmul.f32 v50, v8  }
0x233: {  	v50 =	vmul.f32 v31, v31;
	v63 =	vperm.xlane v35, v61;
	v1 =	vadd.f32 $9.999999960e-13, v1  }
0x234: {  	v47 =	vld [tilespmem:s23+$0xFF70];
	v8 =	vadd.f32 v60, v49;
	v49 =	vmul.f32 v29, v29;
	v60 =	vmul.f32 v22, v22  }
0x235: {  	v38 =	vld [tilespmem:s23+$0x13170];
	v46 =	vmul.f32 v4, v53;
	v63 =	vadd.f32 v63, v35;
	v35 =	vadd.f32 v48, v32  }
0x236: {  	v39 =	vmul.f32 $5.000000000e-01, v1;
	v1 =	vshrl.u32 v1, $0x1;
	v44 =	vmul.f32 $1.562500000e-02, v8  }
0x237: {  	v48 =	vadd.f32 v50, v49;
	v49 =	vadd.f32 v60, v59;
	v1 =	vsub.s32 $0x5F3759DF, v1  }
0x238: {  	v52 =	vld [tilespmem:$0x1FF80];
	v10 =	vsub.f32 v10, v43;
	v59 =	vperm.xlane v35, v62;
	v60 =	vmul.f32 v1, v39  }
0x239: {  	v8 =	vmul.f32 $1.562500000e-02, v63;
	v50 =	vmul.f32 v44, v44;
	v40 =	vadd.f32 v49, v48  }
0x23a: {  	v38 =	vadd.f32 v38, v47;
	v35 =	vadd.f32 v59, v35;
	v45 =	vmul.f32 v1, v60  }
0x23b: {  	v47 =	vsub.f32 v7, v9;
	v8 =	vsub.f32 v8, v50;
	v48 =	vperm.xlane v40, v62  }
0x23c: {  	v46 =	vmul.f32 v46, v0;
	v49 =	vperm.xlane v35, v2;
	v50 =	vsub.f32 $1.500000000e+00, v45  }
0x23d: {  	v63 =	vmul.f32 v4, v52;
	v8 =	vadd.f32 $9.999999960e-13, v8;
	v40 =	vadd.f32 v48, v40  }
0x23e: {  	v55 =	vld [tilespmem:$0x1FFB0];
	v33 =	vsub.f32 v33, v44;
	v35 =	vadd.f32 v49, v35;
	v1 =	vmul.f32 v1, v50  }
0x23f: {  	v54 =	vld [tilespmem:$0x1FFA0];
	v59 =	vshrl.u32 v8, $0x1;
	v8 =	vmul.f32 $5.000000000e-01, v8;
	v60 =	vperm.xlane v40, v2  }
0x240: {  	v5 =	vmul.f32 v63, v5;
	v45 =	vsub.s32 $0x5F3759DF, v59;
	v39 =	vmul.f32 v1, v39  }
0x241: {  	v32 =	vperm.xlane v35, v3;
	v59 =	vld [tilespmem:s24+$0x30];
	v63 =	vmul.f32 v45, v8;
	v40 =	vadd.f32 v60, v40  }
0x242: {  	v34 =	vsub.f32 v34, v44;
	v30 =	vsub.f32 v30, v44;
	v0 =	vmul.f32 v39, v1  }
0x243: {  	v49 =	vld [tilespmem:s29+$0x1930];
	v35 =	vadd.f32 v32, v35;
	v41 =	vmul.f32 v45, v63;
	v63 =	vperm.xlane v40, v3  }
0x244: {  	v60 =	vmul.f32 v4, v54;
	v4 =	vmul.f32 v4, v55;
	v0 =	vsub.f32 $1.500000000e+00, v0  }
0x245: {  	v56 =	vld [tilespmem:$0x1FFC0];
	v48 =	vperm.xlane v35, v61;
	v32 =	vsub.f32 $1.500000000e+00, v41;
	v40 =	vadd.f32 v63, v40  }
0x246: {  	v57 =	vld [tilespmem:$0x1FFD0];
	v11 =	vmul.f32 v60, v11;
	v38 =	vadd.f32 v59, v38;
	v59 =	vsub.f32 v6, v9  }
0x247: {  	v41 =	vmul.f32 v16, v16;
	v35 =	vadd.f32 v48, v35;
	v1 =	vmul.f32 v0, v1  }
0x248: {  	v43 =	vmul.f32 v45, v32;
	v50 =	vperm.xlane v40, v61;
	v6 =	vadd.f32 v49, v38  }
0x249: {  	v45 =	vsub.f32 v37, v9;
	v9 =	vsub.f32 v36, v9;
	v39 =	vmul.f32 $1.562500000e-02, v35  }
0x24a: {  	v37 =	vadd.f32 v5, v56;
	v60 =	vmul.f32 v1, v52;
	v48 =	vmul.f32 v1, v53  }
0x24b: {  	v36 =	vadd.f32 v46, v57;
	v35 =	vmul.f32 v24, v24;
	v0 =	vmul.f32 v43, v8  }
0x24c: {  	v8 =	vmul.f32 v4, v10;
	v4 =	vadd.f32 v50, v40;
	v50 =	vmul.f32 v1, v54  }
0x24d: {  	v32 =	vsub.f32 v51, v44;
	v1 =	vmul.f32 v1, v55;
	v42 =	vmul.f32 v39, v39  }
0x24e: {  	v7 =	vmul.f32 v48, v45;
	v29 =	vsub.f32 v29, v39;
	v31 =	vsub.f32 v31, v39  }
0x24f: {  	v28 =	vsub.f32 v28, v39;
	v63 =	vmul.f32 v0, v43;
	v4 =	vmul.f32 $1.562500000e-02, v4  }
0x250: {  	v22 =	vsub.f32 v22, v39;
	v0 =	vmul.f32 v60, v59;
	v5 =	vmul.f32 v50, v47  }
0x251: {  	v60 =	vmul.f32 v19, v19;
	v50 =	vadd.f32 v13, v23;
	v49 =	vsub.f32 $1.500000000e+00, v63  }
0x252: {  	v48 =	vmul.f32 v13, v13;
	v7 =	vadd.f32 v7, v57;
	v4 =	vsub.f32 v4, v42  }
0x253: {  	v63 =	vmul.f32 v23, v23;
	v35 =	vadd.f32 v60, v35;
	v10 =	vmul.f32 v49, v43  }
0x254: {  	v58 =	vld [tilespmem:$0x1FFE0];
	v0 =	vadd.f32 v0, v56;
	v59 =	vadd.f32 $9.999999960e-13, v4;
	v4 =	vmul.f32 v1, v9  }
0x255: {  	v49 =	vadd.f32 v19, v24;
	v60 =	vadd.f32 v48, v63;
	v1 =	vmul.f32 v10, v52  }
0x256: {  	v9 =	vmul.f32 $5.000000000e-01, v59;
	v40 =	vshrl.u32 v59, $0x1;
	v63 =	vmul.f32 v10, v53  }
0x257: {  	v45 =	vadd.f32 v50, v49;
	v50 =	vmul.f32 v14, v14;
	v40 =	vsub.s32 $0x5F3759DF, v40  }
0x258: {  	v35 =	vadd.f32 v60, v35;
	v59 =	vmul.f32 v40, v9;
	v1 =	vmul.f32 v1, v33  }
0x259: {  	v33 =	vadd.f32 v11, v58;
	v11 =	vmul.f32 v63, v34;
	v47 =	vperm.xlane v45, v62  }
0x25a: {  	v5 =	vadd.f32 v5, v58;
	v49 =	vperm.xlane v35, v62;
	v63 =	vmul.f32 v10, v54  }
0x25b: {  	v46 =	vmul.f32 v40, v59;
	v34 =	vadd.f32 v47, v45;
	v59 =	vmul.f32 v17, v17  }
0x25c: {  	v51 =	vld [tilespmem:$0x1FFF0];
	v35 =	vadd.f32 v49, v35;
	v45 =	vmul.f32 v12, v12;
	v47 =	vadd.f32 v17, v14  }
0x25d: {  	v38 =	vsub.f32 $1.500000000e+00, v46;
	v60 =	vperm.xlane v34, v2;
	v42 =	vadd.f32 v59, v50  }
0x25e: {  	v10 =	vmul.f32 v10, v55;
	v59 =	vadd.f32 v12, v16;
	v41 =	vadd.f32 v45, v41  }
0x25f: {  	v43 =	vmul.f32 v63, v32;
	v38 =	vmul.f32 v40, v38;
	v34 =	vadd.f32 v60, v34  }
0x260: {  	v60 =	vperm.xlane v35, v2;
	v63 =	vadd.f32 v59, v47;
	v41 =	vadd.f32 v41, v42  }
0x261: {  	v4 =	vadd.f32 v4, v51;
	v9 =	vmul.f32 v38, v9;
	v47 =	vperm.xlane v34, v3  }
0x262: {  	v35 =	vadd.f32 v60, v35;
	v48 =	vperm.xlane v63, v62;
	v49 =	vperm.xlane v41, v62  }
0x263: {  	v32 =	vadd.f32 v8, v51;
	v9 =	vmul.f32 v9, v38;
	v34 =	vadd.f32 v47, v34  }
0x264: {  	v50 =	vperm.xlane v35, v3;
	v8 =	vadd.f32 v48, v63;
	v40 =	vadd.f32 v49, v41  }
0x265: {  	v10 =	vmul.f32 v10, v30;
	v9 =	vsub.f32 $1.500000000e+00, v9;
	v59 =	vperm.xlane v34, v61  }
0x266: {  	v35 =	vadd.f32 v50, v35;
	v60 =	vperm.xlane v8, v2;
	v63 =	vperm.xlane v40, v2  }
0x267: {  	v1 =	vadd.f32 v1, v56;
	v9 =	vmul.f32 v9, v38;
	v34 =	vadd.f32 v59, v34  }
0x268: {  	v47 =	vperm.xlane v35, v61;
	v8 =	vadd.f32 v60, v8;
	v40 =	vadd.f32 v63, v40  }
0x269: {  	v11 =	vadd.f32 v11, v57;
	v48 =	vmul.f32 v9, v52;
	v30 =	vmul.f32 $1.562500000e-02, v34  }
0x26a: {  	v49 =	vadd.f32 v47, v35;
	v50 =	vperm.xlane v8, v3;
	v59 =	vperm.xlane v40, v3  }
0x26b: {  	v46 =	vadd.f32 v27, v25;
	v60 =	vmul.f32 v9, v53;
	v45 =	vmul.f32 v9, v54  }
0x26c: {  	v34 =	vmul.f32 $1.562500000e-02, v49;
	v63 =	vmul.f32 v30, v30;
	v8 =	vadd.f32 v50, v8  }
0x26d: {  	v35 =	vadd.f32 v59, v40;
	v38 =	vmul.f32 v48, v29;
	v48 =	vadd.f32 v15, v18  }
0x26e: {  	v49 =	vadd.f32 v20, v21;
	v31 =	vmul.f32 v60, v31;
	v59 =	vmul.f32 v18, v18  }
0x26f: {  	v60 =	vmul.f32 v15, v15;
	v34 =	vsub.f32 v34, v63;
	v50 =	vperm.xlane v8, v61  }
0x270: {  	v40 =	vadd.f32 v49, v48;
	v63 =	vmul.f32 v21, v21;
	v48 =	vmul.f32 v20, v20  }
0x271: {  	v42 =	vperm.xlane v35, v61;
	v59 =	vadd.f32 v60, v59;
	v34 =	vadd.f32 $9.999999960e-13, v34  }
0x272: {  	v8 =	vadd.f32 v50, v8;
	v49 =	vperm.xlane v40, v62;
	v60 =	vadd.f32 v48, v63  }
0x273: {  	v35 =	vadd.f32 v42, v35;
	v50 =	vshrl.u32 v34, $0x1;
	v34 =	vmul.f32 $5.000000000e-01, v34  }
0x274: {  	v29 =	vmul.f32 $1.562500000e-02, v8;
	v8 =	vadd.f32 v60, v59;
	v41 =	vsub.s32 $0x5F3759DF, v50  }
0x275: {  	v40 =	vadd.f32 v49, v40;
	v35 =	vmul.f32 $1.562500000e-02, v35;
	v49 =	vmul.f32 v41, v34  }
0x276: {  	v43 =	vadd.f32 v43, v58;
	v63 =	vmul.f32 v29, v29;
	v50 =	vperm.xlane v8, v62  }
0x277: {  	v59 =	vadd.f32 v6, v26;
	v60 =	vmul.f32 v25, v25;
	v44 =	vmul.f32 v41, v49  }
0x278: {  	v35 =	vsub.f32 v35, v63;
	v8 =	vadd.f32 v50, v8;
	v63 =	vmul.f32 v27, v27  }
0x279: {  	v49 =	vmul.f32 v26, v26;
	v50 =	vmul.f32 v6, v6;
	v44 =	vsub.f32 $1.500000000e+00, v44  }
0x27a: {  	v28 =	vmul.f32 v45, v28;
	v48 =	vperm.xlane v40, v2;
	v45 =	vadd.f32 v59, v46  }
0x27b: {  	v42 =	vadd.f32 v63, v60;
	v59 =	vadd.f32 v50, v49;
	v41 =	vmul.f32 v41, v44  }
0x27c: {  	v10 =	vadd.f32 v10, v51;
	v40 =	vadd.f32 v48, v40;
	v60 =	vperm.xlane v8, v2  }
0x27d: {  	v48 =	vperm.xlane v45, v62;
	v42 =	vadd.f32 v59, v42;
	v34 =	vmul.f32 v41, v34  }
0x27e: {  	v24 =	vsub.f32 v24, v30;
	v63 =	vperm.xlane v40, v3;
	v8 =	vadd.f32 v60, v8  }
0x27f: {  	v44 =	vadd.f32 v48, v45;
	v50 =	vperm.xlane v42, v62;
	v34 =	vmul.f32 v34, v41  }
0x280: {  	v19 =	vsub.f32 v19, v30;
	v40 =	vadd.f32 v63, v40;
	v49 =	vperm.xlane v8, v3  }
0x281: {  	v60 =	vperm.xlane v44, v2;
	v42 =	vadd.f32 v50, v42;
	v34 =	vsub.f32 $1.500000000e+00, v34  }
0x282: {  	v35 =	vadd.f32 $9.999999960e-13, v35;
	v59 =	vperm.xlane v40, v61;
	v8 =	vadd.f32 v49, v8  }
0x283: {  	v49 =	vperm.xlane v42, v2;
	v34 =	vmul.f32 v34, v41;
	v41 =	vadd.f32 v60, v44  }
0x284: {  	v23 =	vsub.f32 v23, v30;
	v40 =	vadd.f32 v59, v40;
	v48 =	vperm.xlane v8, v61  }
0x285: {  	v63 =	vshrl.u32 v35, $0x1;
	v42 =	vadd.f32 v49, v42;
	v59 =	vperm.xlane v41, v3  }
0x286: {  	v35 =	vmul.f32 $5.000000000e-01, v35;
	v40 =	vmul.f32 $1.562500000e-02, v40;
	v8 =	vadd.f32 v48, v8  }
0x287: {  	v45 =	vsub.s32 $0x5F3759DF, v63;
	v63 =	vperm.xlane v42, v3;
	v41 =	vadd.f32 v59, v41  }
0x288: {  	[tilespmem:s23+$0x193E0] =	vst v5;
	v5 =	vsub.f32 v13, v30;
	v60 =	vmul.f32 v40, v40;
	v8 =	vmul.f32 $1.562500000e-02, v8  }
0x289: {  	v50 =	vmul.f32 v45, v35;
	v42 =	vadd.f32 v63, v42;
	v49 =	vperm.xlane v41, v61  }
0x28a: {  	[tilespmem:s23+$0x19390] =	vst v36;
	v9 =	vmul.f32 v9, v55;
	v36 =	vadd.f32 v38, v56;
	v8 =	vsub.f32 v8, v60  }
0x28b: {  	v46 =	vmul.f32 v45, v50;
	v60 =	vperm.xlane v42, v61;
	v59 =	vadd.f32 v49, v41  }
0x28c: {  	v9 =	vmul.f32 v9, v22;
	v31 =	vadd.f32 v31, v57;
	v8 =	vadd.f32 $9.999999960e-13, v8  }
0x28d: {  	v50 =	vsub.f32 $1.500000000e+00, v46;
	v41 =	vadd.f32 v60, v42;
	v39 =	vmul.f32 $1.562500000e-02, v59  }
0x28e: {  	v48 =	vmul.f32 v34, v52;
	v63 =	vshrl.u32 v8, $0x1;
	v8 =	vmul.f32 $5.000000000e-01, v8  }
0x28f: {  	v28 =	vadd.f32 v28, v58;
	v41 =	vmul.f32 $1.562500000e-02, v41;
	v49 =	vmul.f32 v39, v39  }
0x290: {  	[tilespmem:s23+$0x193F0] =	vst v4;
	v4 =	vsub.f32 v14, v29;
	v22 =	vmul.f32 v45, v50;
	v44 =	vsub.s32 $0x5F3759DF, v63  }
0x291: {  	v24 =	vmul.f32 v48, v24;
	v48 =	vmul.f32 v44, v8;
	v59 =	vsub.f32 v41, v49  }
0x292: {  	[tilespmem:s23+$0x19450] =	vst v31;
	v31 =	vsub.f32 v12, v29;
	v50 =	vmul.f32 v34, v53;
	v35 =	vmul.f32 v22, v35  }
0x293: {  	[tilespmem:s23+$0x19380] =	vst v37;
	v47 =	vmul.f32 v34, v55;
	v42 =	vmul.f32 v44, v48;
	v37 =	vadd.f32 $9.999999960e-13, v59  }
0x294: {  	[tilespmem:s23+$0x19440] =	vst v36;
	v36 =	vsub.f32 v18, v40;
	v19 =	vmul.f32 v50, v19;
	v35 =	vmul.f32 v35, v22  }
0x295: {  	v63 =	vsub.f32 $1.500000000e+00, v42;
	v41 =	vshrl.u32 v37, $0x1;
	v42 =	vmul.f32 $5.000000000e-01, v37  }
0x296: {  	v5 =	vmul.f32 v47, v5;
	v35 =	vsub.f32 $1.500000000e+00, v35;
	v46 =	vsub.s32 $0x5F3759DF, v41  }
0x297: {  	[tilespmem:s23+$0x193C0] =	vst v0;
	v45 =	vadd.f32 v24, v56;
	v0 =	vmul.f32 v44, v63;
	v48 =	vmul.f32 v46, v42  }
0x298: {  	[tilespmem:s23+$0x19400] =	vst v1;
	v1 =	vadd.f32 v19, v57;
	v60 =	vmul.f32 v34, v54;
	v22 =	vmul.f32 v35, v22  }
0x299: {  	[tilespmem:s23+$0x193D0] =	vst v7;
	v5 =	vadd.f32 v5, v51;
	v8 =	vmul.f32 v0, v8;
	v50 =	vmul.f32 v46, v48  }
0x29a: {  	[tilespmem:s23+$0x193A0] =	vst v33;
	v23 =	vmul.f32 v60, v23;
	v60 =	vsub.f32 v17, v29;
	v30 =	vmul.f32 v22, v54  }
0x29b: {  	[tilespmem:s23+$0x193B0] =	vst v32;
	v32 =	vmul.f32 v22, v55;
	v8 =	vmul.f32 v8, v0;
	v13 =	vsub.f32 $1.500000000e+00, v50  }
0x29c: {  	[tilespmem:s23+$0x19410] =	vst v11;
	v49 =	vmul.f32 v22, v52;
	v44 =	vadd.f32 v9, v51;
	v63 =	vmul.f32 v22, v53  }
0x29d: {  	[tilespmem:s23+$0x19420] =	vst v43;
	v59 =	vadd.f32 v23, v58;
	v8 =	vsub.f32 $1.500000000e+00, v8;
	v13 =	vmul.f32 v46, v13  }
0x29e: {  	[tilespmem:s23+$0x19430] =	vst v10;
	v4 =	vmul.f32 v49, v4;
	v23 =	vsub.f32 v16, v29;
	v14 =	vmul.f32 v63, v60  }
0x29f: {  	[tilespmem:s23+$0x19460] =	vst v28;
	v49 =	vsub.f32 v25, v39;
	v0 =	vmul.f32 v8, v0;
	v34 =	vmul.f32 v13, v42  }
0x2a0: {  	[tilespmem:s23+$0x19480] =	vst v45;
	v4 =	vadd.f32 v4, v56;
	v10 =	vmul.f32 v30, v23;
	v8 =	vmul.f32 v32, v31  }
0x2a1: {  	[tilespmem:s23+$0x19470] =	vst v44;
	v44 =	vsub.f32 v21, v40;
	v37 =	vmul.f32 v0, v52;
	v41 =	vmul.f32 v34, v13  }
0x2a2: {  	[tilespmem:s23+$0x19490] =	vst v1;
	v38 =	vadd.f32 v10, v58;
	v43 =	vmul.f32 v0, v53;
	v45 =	vmul.f32 v0, v54  }
0x2a3: {  	[tilespmem:s23+$0x194B0] =	vst v5;
	v46 =	vsub.f32 v20, v40;
	v0 =	vmul.f32 v0, v55;
	v10 =	vsub.f32 $1.500000000e+00, v41  }
0x2a4: {  	[tilespmem:s23+$0x194C0] =	vst v4;
	v4 =	vadd.f32 v8, v51;
	v1 =	vmul.f32 v37, v36;
	v42 =	vsub.f32 v15, v40  }
0x2a5: {  	[tilespmem:s23+$0x194A0] =	vst v59;
	v35 =	vadd.f32 v14, v57;
	v47 =	vmul.f32 v45, v44;
	v10 =	vmul.f32 v10, v13  }
0x2a6: {  	v0 =	vmul.f32 v0, v46;
	[tilespmem:s23+$0x194F0] =	vst v4;
	v4 =	vsub.f32 v27, v39;
	v5 =	vmul.f32 v43, v42  }
0x2a7: {  	[tilespmem:s23+$0x194D0] =	vst v35;
	v1 =	vadd.f32 v1, v56;
	v48 =	vadd.f32 v47, v58;
	v50 =	vmul.f32 v10, v52  }
0x2a8: {  	[tilespmem:s23+$0x194E0] =	vst v38;
	v0 =	vadd.f32 v0, v51;
	v5 =	vadd.f32 v5, v57;
	v52 =	vmul.f32 v10, v53  }
0x2a9: {  	[tilespmem:s23+$0x19500] =	vst v1;
	v53 =	vsub.f32 v26, v39;
	v59 =	vmul.f32 v10, v54;
	v1 =	vmul.f32 v50, v49  }
0x2aa: {  	[tilespmem:s23+$0x19510] =	vst v5;
	v5 =	vsub.f32 v6, v39;
	v60 =	vmul.f32 v10, v55;
	v4 =	vmul.f32 v52, v4  }
0x2ab: {  	p0 =	sne.s32 s15, $0xC000;
	[tilespmem:s23+$0x19520] =	vst v48;
	v63 =	vmul.f32 v59, v53;
	v1 =	vadd.f32 v1, v56  }
.Ltmp1:
0x2ac: {  	[tilespmem:s23+$0x19530] =	vst v0;
	v0 =	vadd.f32 v4, v57;
	v4 =	vmul.f32 v60, v5;
	(pc) =	sbr.rel @p0 .LBB2_5-.Ltmp1, $4  }
0x2ad: {  	[tilespmem:s23+$0x19540] =	vst v1;
	v1 =	vadd.f32 v63, v58  }
0x2ae: {  	[tilespmem:s23+$0x19550] =	vst v0;
	v0 =	vadd.f32 v4, v51  }
0x2af: {  	[tilespmem:s23+$0x19560] =	vst v1  }
0x2b0: {  	s16 =	sadd.s32 $0x8, s16;
	s17 =	sadd.s32 $0x8, s17;
	s15 =	sadd.s32 $0x800, s15;
	[tilespmem:s23+$0x19570] =	vst v0  }
0x2b1: {  	s18 =	sadd.s32 $0x1, s18  }
0x2b2: {  	p0 =	sne.s32 s18, $0x40  }
.Ltmp2:
0x2b3: {  	_ = 	snop;
	(pc) =	sbr.rel @p0 .LBB2_2-.Ltmp2, $4  }
0x2b4: {  	s15 =	sshll.u32 s22, $0x3  }
0x2b5: {  	s15 =	sand.u32 $0x1FFFFFC0, s15  }
0x2b6: {  	s15 =	sadd.s32 s3, s15  }
0x2b7: {  	v1 =	vmovc v62;
	v46 =	vmov v2;
	v2 =	vmov v3;
	v3 =	vmov v61;
	[hbm4b:s15+s5] =	stream.linear.scatter [tilespmem:s28], [sflag:$0x6], $0x3200, $0x38;
	[tilespmem:$0x1CC40] =	vst v63  }
0x2b8: {  	s15 =	simm.s32 $0x5  }
0x2b9: {  	_ =	swait.ge [sflag:s15], $0x3200  }
0x2ba: {  	[sflag:s15] =	ssyncset.done $0x0  }
0x2bb: {  	s16 =	simm.s32 $0x6;
	[sflag:s15] =	ssyncadd.s32 $0xFFFFCE00  }
0x2bc: {  	_ =	swait.ge [sflag:s16], $0x3200  }
0x2bd: {  	s17 =	rddreg [dreg:$0xc]  }
0x2be: {  	s29 =	rddreg [dreg:$0xb];
	s17 =	sadd.s32 $0x1, s17  }
0x2bf: {  	p0 =	sne.s32 s17, s29  }
.Ltmp3:
0x2c0: {  	_ = 	snop;
	(pc) =	sbr.rel @p0 .LBB2_1-.Ltmp3, $3  }
0x2c1: {  	_ =	sdelay $0x1  }
0x2c2: {  	[sflag:s16] =	ssyncset.done $0x0  }
0x2c3: {  	[sflag:s16] =	ssyncadd.s32 $0xFFFFCE00  }
0x2c4: {  	_ =	sfence.sel $0x180000  }
0x2c5: {  	[bflag:$0x0] =	sbarrier.arrive $0xFFFF  }
0x2c6: {  	_ =	strace $0x90000047  }
0x2c7: {  	s0 =	stileid.u32;
	[bflag:$0x2] =	sbarrier.arrive $0xFFFF  }
0x2c8: {  	p0 =	sne.s32 s0, $0x0;
	s0 =	rddreg [dreg:$0x4]  }
0x2c9: {  	s0 =	sadd.s32 @!p0 $0x100000, s0  }
0x2ca: {  	[sflag:s0] =	ssyncadd.tile.s32 @!p0 $0x1;
	_ =	shalt  }
.Lfunc_end2:
_tile_overlayer_lowered:
.L_overlay_start_2:
0x2cb: {  	(tag) =	ssettag $0x2  }
0x2cc: {  	s0 =	rddreg [dreg:$0x0];
	s2 =	stileid.u32  }
0x2cd: {  	s1 =	rddreg [dreg:$0x1];
	p0 =	sne.s32 s2, $0x0  }
0x2ce: {  	s3 =	rddreg [dreg:$0x2];
	[bflag:$0x3] =	sbarrier.arrive $0xFFFF;
	s2 =	simm.s32 @!p0 $0x1C08  }
0x2cf: {  	[timem:s3], [sflag:s2] =	dma.local @!p0 [hbm:s0], s1  }
0x2d0: {  	s0 =	simm.s32 @!p0 $0x8  }
0x2d1: {  	_ =	swait.ge @!p0 [sflag:s0], s1  }
0x2d2: {  	s1 =	ssub.s32 @!p0 $0x0, s1;
	[sflag:s0] =	ssyncset.done @!p0 $0x0  }
0x2d3: {  	[sflag:s0] =	ssyncadd.s32 @!p0 s1  }
0x2d4: {  	[bflag:$0x3] =	sbarrier.arrive $0xFFFF  }
0x2d5: {  	_ =	shalt  }

// kernel: sparse-core-data-format-call.cloned.1.call-start
scs
called_computation_lowered:
.L_overlay_start_0:
0x0: {  	s2 =	sld [smem:$0x3FD9]  }
0x1: {  	s3 =	sld [smem:$0x3FFE];
	_ =	sdelay $0x1  }
0x2: {  	s1 =	srdreg.scid  }
0x3: {  	s0 =	sand.u32 $0x1, s1  }
0x4: {  	s18 =	sshll.u32 s0, $0xA;
	s2 =	sadd.s32 s3, s2  }
0x5: {  	s2 =	sadd.s32 s2, s18  }
0x6: {  	[smem:$0x3FBE] =	sst s2  }
0x7: {  	_ = 	snop  }
0x8: {  	s2 =	sld [smem:$0x3FD0];
	(tm) =	ssettm $0x1  }
0x9: {  	s19 =	sld [smem:$0x3FFB];
	_ =	sdelay $0x3  }
0xa: {  	_ =	strace s19  }
0xb: {  	s3 =	sld [smem:$0x3FFC];
	_ =	sdelay $0x3  }
0xc: {  	_ =	strace s3  }
0xd: {  	s3 =	sld [smem:$0x3FFD];
	_ =	sdelay $0x3  }
0xe: {  	_ =	strace s3  }
0xf: {  	_ =	strace $0x8FFFFFFF  }
0x10: {  	s20 =	sld [smem:$0x3FDB];
	_ =	sdelay $0x1  }
0x11: {  	s4 =	simm.s32 $_scs_section_size  }
0x12: {  	s5 =	simm.s32 $_size__tile_overlayer_lowered;
	s6 =	simm.s32 $_tile_overlayer_lowered  }
0x13: {  	s23 =	simm.s32 $0x1BFF;
	s22 =	sshll.u32 s6, $0x1;
	s3 =	sadd.s32 s4, s20  }
0x14: {  	s7 =	simm.s32 $0x0;
	s21 =	sshll.u32 s5, $0x1;
	s5 =	sadd.s32 s22, s3  }
0x15: {  	[timem:s7], [sflag:s23] =	dma.local [hbm:s5], s21  }
0x16: {  	_ =	swait.ge [sflag:s23], s21  }
0x17: {  	s4 =	ssub.s32 $0x0, s21;
	[sflag:s23] =	ssyncset.done $0x0  }
0x18: {  	[sflag:s23] =	ssyncadd.s32 s4;
	_ =	sdelay $0x1  }
0x19: {  	s24 =	simm.s32 $0x1B8B  }
0x1a: {  	_ =	swait.ge [sflag:s24], $0x1  }
0x1b: {  	[sflag:s24] =	ssyncset.done $0x0  }
0x1c: {  	s26 =	simm.s32 $0x1B8E;
	s25 =	sld [smem:$0x3FFE];
	[sflag:s24] =	ssyncadd.s32 $0xFFFFFFFF  }
0x1d: {  	s27 =	simm.s32 $execute0_lowered;
	[smem:$0x3FD2] =	sst s26  }
0x1e: {  	s5 =	sshll.u32 s27, $0x1;
	_ =	strace $0x80000049;
	[dreg:$0x1] =	wrdreg $0xFFFFFFFF  }
0x1f: {  	s28 =	simm.s32 $_size_execute0_lowered;
	s3 =	sadd.s32 s3, s5;
	[dreg:$0x0] =	wrdreg $0x0  }
0x20: {  	s5 =	sshll.u32 s28, $0x1;
	[dreg:$0x2] =	wrdreg s3  }
0x21: {  	[dreg:$0x3] =	wrdreg s5  }
0x22: {  	[dreg:$0x4] =	wrdreg $0xC0  }
0x23: {  	_ =	task [dreg:s7], $0x5FFFF  }
0x24: {  	[dreg:$0x1] =	wrdreg $0xFFFFFFFF  }
0x25: {  	[dreg:$0x0] =	wrdreg $0x60  }
0x26: {  	[dreg:$0x2] =	wrdreg s25  }
0x27: {  	[dreg:$0x3] =	wrdreg s2  }
0x28: {  	[dreg:$0x4] =	wrdreg $0x9  }
0x29: {  	_ =	task.clear_ibuf [dreg:s7], $0x5FFFF;
	_ =	strace $0x90000049  }
0x2a: {  	s29 =	simm.s32 $0x9;
	_ =	strace $0x8000004B  }
0x2b: {  	_ =	swait.ge [sflag:s29], $0x1  }
0x2c: {  	[sflag:s29] =	ssyncadd.s32 $0xFFFFFFFF  }
0x2d: {  	_ =	strace $0x9000004B  }
0x2e: {  	_ =	sfence  }
0x2f: {  	s30 =	sld [smem:$0x0];
	_ =	sdelay $0x2  }
0x30: {  	s31 =	sshll.u32 s1, $0xD;
	s1 =	sshrl.u32 s1, $0x2  }
0x31: {  	s3 =	sand.u32 $0x4000, s31;
	s1 =	sadd.s32 s1, s30  }
0x32: {  	s0 =	sor.u32 s3, s0;
	s1 =	sshll.u32 s1, $0x11  }
0x33: {  	s0 =	sor.u32 s1, s0  }
0x34: {  	s0 =	sadd.s32 $0x8F2B, s0  }
0x35: {  	[sflag:s0] =	ssyncadd.remote.s32 $0x1  }
0x36: {  	_ =	sfence.sel $0xFFFF  }
0x37: {  	[dreg:$0x0] =	wrdreg $0xFFFFFFFF;
	(pc) =	sbr.abs _section_cstart, $3  }
0x38: {  	[dreg:$0x1] =	wrdreg $0xFFFFFFFF  }
0x39: {  	_ =	task.clear_ibuf [dreg:s7], $0x2FFFF;
	_ =	strace $0x9FFFFFFF  }
0x3a: {  	(tm) =	ssettm $0x7FFFFFFF  }
0x3b: {  	_ =	shalt  }
tec
execute0_lowered:
.L_overlay_start_1:
0x0: {  	(tag) =	ssettag $0x1  }
0x1: {  	s0 =	srdreg.scid  }
0x2: {  	s1 =	sshll.u32 s0, $0x4  }
0x3: {  	s0 =	stileid.u32;
	s1 =	sand.u32 $0x10, s1  }
0x4: {  	s1 =	sor.u32 s0, s1  }
0x5: {  	s6 =	rddreg [dreg:$0x0];
	s4 =	simm.s32 $0x1;
	s2 =	sshll.u32 s1, $0x7  }
0x6: {  	s7 =	simm.s32 $0x2;
	s12 =	simm.s32 $0x0;
	s1 =	ssub.s32 $0x1000, s2  }
0x7: {  	s8 =	simm.s32 $0x8000;
	s13 =	simm.s32 $0x0;
	s3 =	sand.u32 $0xF80, s1  }
0x8: {  	s9 =	simm.s32 $0x0;
	s5 =	sshrl.u32 s1, $0xC;
	p0 =	sne.s32 s3, $0x0  }
.Ltmp0:
0x9: {  	s1 =	rddreg [dreg:$0x2];
	s4 =	simm.s32 @!p0 $0x0;
	(pc) =	sbr.rel .LBB1_1-.Ltmp0, $4  }
0xa: {  	s11 =	simm.s32 $0x0;
	s3 =	rddreg [dreg:$0x1];
	s5 =	sadd.s32 s4, s5  }
0xb: {  	_ =	strace $0x8000004A;
	s4 =	simm.s32 $0x1;
	s5 =	smul.u32 $0xC8, s5  }
0xc: {  	s6 =	sadd.s32 $0x1400, s6;
	s10 =	smov.u32 s2;
	[sflag:s4] =	ssyncpa.u1 $0x0  }
0xd: {  	p0 =	por $0x0, $0x0;
	[sflag:s7] =	ssyncpa.u1 $0x0;
	s7 =	sor.u32 $0x1, s5  }
.LBB1_4:
0xe: {  	s16 =	sshll.u32 s13, $0x3;
	s17 =	sand.u32 $0x78, s13  }
0xf: {  	s30 =	sand.u32 $0x7E00, s13;
	s12 =	sshll.u32 s12, $0xF;
	s16 =	sand.u32 $0xC00, s16  }
0x10: {  	[tilespmem:s15+$0x810 ss:$0x81] =	vst.msk $0xffff, v2;
	s31 =	sand.u32 $0x7, s13;
	s16 =	sor.u32 s17, s16;
	s17 =	sadd.s32 s3, s30  }
0x11: {  	[tilespmem:s15+$0x1020 ss:$0x81] =	vst.msk $0xffff, v0;
	s13 =	sshll.u32 s31, $0x12;
	s12 =	sadd.s32 s12, s17;
	s16 =	sshrl.u32 s16, $0x3  }
0x12: {  	[tilespmem:s15+$0x0 ss:$0x81] =	vst.msk $0xffff, v1;
	s13 =	sor.u32 $0x400, s13;
	s12 =	sadd.s32 s16, s12  }
0x13: {  	[hbm4b:s12+s13] =	stream.strided.scatter [tilespmem:s14], [sflag:$0x2], $0x2000, s8, s13, $0x20;
	[tilespmem:$0x8080] =	vst v63  }
.LBB1_5:
0x14: {  	s14 =	sadd.s32 $0x1, s9  }
0x15: {  	s12 =	sadd.s32 $0x1000, s10;
	s16 =	smov.u32 s10;
	p2 =	sgt.s32 s14, $0xC7  }
0x16: {  	s16 =	smov.u32 @p2 s12  }
0x17: {  	s14 =	simm.s32 @p2 $0x0;
	p2 =	sgt.s32 s16, $0xFFF  }
0x18: {  	s16 =	smov.u32 @p2 s2;
	p2 =	sne.s32 s11, s7  }
.Ltmp1:
0x19: {  	p1 =	slt.u32 s11, $0x2;
	(pc) =	sbr.rel @!p2 .LBB1_6-.Ltmp1, $4  }
0x1a: {  	s15 =	simm.s32 @!p1 $0x2  }
0x1b: {  	s13 =	smov.u32 s10;
	p0 =	por !p0, !p0;
	_ =	swait.ge @!p1 [sflag:s15], $0x2000  }
0x1c: {  	s12 =	smov.u32 s9;
	[sflag:s15] =	ssyncset.done @!p1 $0x0;
	s9 =	smov.u32 s14  }
0x1d: {  	s11 =	sadd.s32 $0x1, s11;
	[sflag:s15] =	ssyncadd.s32 @!p1 $0xFFFFE000;
	s10 =	smov.u32 s16  }
.LBB1_1:
0x1e: {  	p1 =	sge.u32 s11, s5  }
0x1f: {  	s14 =	sand.u32 @!p1 $0x1FFFFFF, s9  }
0x20: {  	s15 =	smulhi.u32 @!p1 $0x147AE15, s14;
	_ =	sdelay $0x1  }
0x21: {  	s15 =	smul.u32 @!p1 $0xC8, s15  }
0x22: {  	s16 =	sxor.u32 @!p1 $0xFFFFFFFF, s11;
	s17 =	smul.u32 @!p1 $0xC80, s10  }
0x23: {  	s31 =	sadd.s32 $0xFFFFFFFF, s11;
	s16 =	sshll.u32 @!p1 s16, $0xD;
	s14 =	ssub.s32 @!p1 s14, s15  }
0x24: {  	s15 =	sand.u32 @!p1 $0x2000, s16;
	s16 =	sadd.s32 @!p1 s6, s17;
	s14 =	sshll.u32 @!p1 s14, $0x4  }
0x25: {  	s17 =	simm.s32 @!p1 $0x6400;
	s14 =	sadd.s32 @!p1 s14, s16;
	s16 =	simm.s32 @!p1 $0x40  }
0x26: {  	[tilespmem:s15], [sflag:$0x1] =	stream.strided.gather @!p1 [hbm4b:s14+s16], $0x2000, s17, s16, $0x38;
	[tilespmem:$0x8080] =	vst v63  }
0x27: {  	p1 =	sge.u32 s31, s5  }
.Ltmp2:
0x28: {  	_ = 	snop;
	(pc) =	sbr.rel @p1 .LBB1_5-.Ltmp2, $1  }
0x29: {  	_ =	sdelay $0x3  }
0x2a: {  	s14 =	simm.s32 $0x1  }
0x2b: {  	_ =	swait.ge [sflag:s4], $0x2000;
	s14 =	simm.s32 @!p0 $0x0  }
0x2c: {  	[sflag:s4] =	ssyncset.done $0x0;
	s15 =	sshll.u32 s14, $0xD  }
0x2d: {  	[sflag:s4] =	ssyncadd.s32 $0xFFFFE000;
	s18 =	sor.u32 $0x20, s15  }
0x2e: {  	s14 =	smul.u32 $0x8100, s14;
	v3 =	vld [tilespmem:s18+$0x10]  }
0x2f: {  	s30 =	sand.u32 $0x1, s11;
	v2 =	vld [tilespmem:s18+$0xFFFFFFF0]  }
0x30: {  	s15 =	smul.u32 $0x8100, s30;
	s14 =	sshrl.u32 s14, $0x2;
	v0 =	vld [tilespmem:s18+$0x0]  }
0x31: {  	v1 =	vld [tilespmem:s18+$0xFFFFFFE0];
	s16 =	sor.u32 $0x4000, s14  }
0x32: {  	s31 =	sshrl.u32 s15, $0x2;
	s15 =	sadd.s32 $0x0, s16  }
0x33: {  	s17 =	simm.s32 $0x4;
	s18 =	sadd.s32 $0x40, s18;
	s14 =	sor.u32 $0x4000, s31;
	[tilespmem:s15+$0x1830 ss:$0x81] =	vst.msk $0xffff, v3  }
.LBB1_3:
0x34: {  	v3 =	vld [tilespmem:s18+$0x10];
	p1 =	sne.s32 s17, $0x1FC;
	[tilespmem:s15+$0x810 ss:$0x81] =	vst.msk $0xffff, v2;
	s19 =	smov.u32 s17;
	s17 =	sadd.s32 $0x4, s17  }
.Ltmp3:
0x35: {  	v2 =	vld [tilespmem:s18+$0xFFFFFFF0];
	[tilespmem:s15+$0x1020 ss:$0x81] =	vst.msk $0xffff, v0;
	(pc) =	sbr.rel @p1 .LBB1_3-.Ltmp3, $4  }
0x36: {  	v0 =	vld [tilespmem:s18+$0x0];
	[tilespmem:s15+$0x0 ss:$0x81] =	vst.msk $0xffff, v1  }
0x37: {  	s15 =	sshra.s32 s19, $0x2;
	v1 =	vld [tilespmem:s18+$0xFFFFFFE0]  }
0x38: {  	s15 =	sadd.s32 s15, s16  }
0x39: {  	s18 =	sadd.s32 $0x40, s18;
	[tilespmem:s15+$0x1830 ss:$0x81] =	vst.msk $0xffff, v3  }
.Ltmp4:
0x3a: {  	_ = 	snop;
	(pc) =	sbr.rel .LBB1_4-.Ltmp4, $1  }
0x3b: {  	_ =	sdelay $0x3  }
.LBB1_6:
0x3c: {  	_ =	sfence.sel $0x180000  }
0x3d: {  	s2 =	simm.s32 $0x1;
	[bflag:$0x0] =	sbarrier.arrive $0xFFFF  }
0x3e: {  	s31 =	simm.s32 $0x2;
	[sflag:s2] =	ssyncpa.u1 $0x1  }
0x3f: {  	[sflag:s31] =	ssyncpa.u1 $0x1  }
0x40: {  	p0 =	sne.s32 s0, $0x0;
	_ =	strace $0x9000004A  }
0x41: {  	s0 =	sadd.s32 @!p0 $0x100000, s1;
	[bflag:$0x2] =	sbarrier.arrive $0xFFFF  }
0x42: {  	[sflag:s0] =	ssyncadd.tile.s32 @!p0 $0x1;
	_ =	shalt  }
.Lfunc_end1:
_tile_overlayer_lowered:
.L_overlay_start_2:
0x43: {  	(tag) =	ssettag $0x2  }
0x44: {  	s0 =	rddreg [dreg:$0x0];
	s2 =	stileid.u32  }
0x45: {  	s1 =	rddreg [dreg:$0x1];
	p0 =	sne.s32 s2, $0x0  }
0x46: {  	s3 =	rddreg [dreg:$0x2];
	[bflag:$0x3] =	sbarrier.arrive $0xFFFF;
	s2 =	simm.s32 @!p0 $0x1C01  }
0x47: {  	[timem:s3], [sflag:s2] =	dma.local @!p0 [hbm:s0], s1  }
0x48: {  	s0 =	simm.s32 @!p0 $0x1  }
0x49: {  	_ =	swait.ge @!p0 [sflag:s0], s1  }
0x4a: {  	s1 =	ssub.s32 @!p0 $0x0, s1;
	[sflag:s0] =	ssyncset.done @!p0 $0x0  }
0x4b: {  	[sflag:s0] =	ssyncadd.s32 @!p0 s1  }
0x4c: {  	[bflag:$0x3] =	sbarrier.arrive $0xFFFF  }
0x4d: {  	_ =	shalt  }

</sc_bundles>
